<compile_context>
chip_gen: v7x
topology: tpu7x:2x2x1
jax: 0.10.2.dev20260603
libtpu: 0.0.44.dev20260713+nightly
codegen_flags: <defaults>
</compile_context>

<pallas_src>
import functools

import jax
import jax.numpy as jnp
from jax import lax
from jax.experimental import pallas as pl
from jax.experimental.pallas import tpu as pltpu
from jax.experimental.pallas import tpu_sc as plsc

B, N, C = 4, 786432, 16
NC, NS = 2, 16
NW = NC * NS
ROWS_PER_W = B * N // NW
W_PER_B = NW // B
CHUNK = 2048
GSZ = 128
NGATH = CHUNK // GSZ
N_CHUNKS = ROWS_PER_W // CHUNK


@functools.partial(
    pl.kernel,
    out_type=jax.ShapeDtypeStruct((B, N, C), jnp.float32),
    mesh=plsc.VectorSubcoreMesh(core_axis_name="c", subcore_axis_name="s"),
    compiler_params=pltpu.CompilerParams(use_tc_tiling_on_sc=False),
    scratch_types=[
        pltpu.VMEM((2, CHUNK), jnp.int32),
        pltpu.VMEM((2, NGATH, GSZ), jnp.int32),
        pltpu.VMEM((2, CHUNK, C), jnp.float32),
        pltpu.VMEM((16,), jnp.int32),
        pltpu.SemaphoreType.DMA,
        pltpu.SemaphoreType.DMA,
        pltpu.SemaphoreType.DMA,
    ],
)
def _order_map_sc(x_hbm, idx_hbm, out_hbm, idxraw, gidx, rows, padacc,
                  gsem, osem0, osem1):
    wid = lax.axis_index("s") * NC + lax.axis_index("c")
    b = wid // W_PER_B
    ibase = (wid % W_PER_B) * ROWS_PER_W
    xb = x_hbm.at[b]
    ob = out_hbm.at[b]
    osems = (osem0, osem1)

    def do_chunk(c, k):
        idx_k = idxraw.at[k]
        gidx_k = gidx.at[k]
        rows_k = rows.at[k]
        pos = ibase + c * CHUNK
        out_cp = pltpu.make_async_copy(
            rows_k, ob.at[pl.ds(pos, CHUNK)], osems[k])

        @pl.when(c >= 2)
        def _drain():
            pltpu.make_async_copy(
                rows_k, ob.at[pl.ds(pos - 2 * CHUNK, CHUNK)], osems[k]).wait()

        pltpu.sync_copy(idx_hbm.at[pl.ds(pos, CHUNK)], idx_k)

        padacc[...] = jnp.zeros((16,), jnp.int32)

        def tbody(j, _):
            for t in range(GSZ // 16):
                v = idx_k[pl.ds(j * GSZ + t * 16, 16)]
                padacc[...] = padacc[...] + jnp.where(v == N, 1, 0)
                gidx_k[j, pl.ds(t * 16, 16)] = jnp.minimum(v, N - 1)
            return 0
        lax.fori_loop(0, NGATH, tbody, 0)
        pv = padacc[...]
        npad = sum(pv[i] for i in range(16))

        copies = [
            pltpu.make_async_copy(
                xb.at[gidx_k.at[j]], rows_k.at[pl.ds(j * GSZ, GSZ)], gsem)
            for j in range(NGATH)
        ]
        for cp in copies:
            cp.start()
        for cp in copies:
            cp.wait()

        @pl.when(npad > 0)
        def _fix():
            def fbody(g, _):
                v = idx_k[pl.ds(g * 16, 16)]
                for r in range(16):
                    scale = jnp.where(v[r] == N, 0.0, 1.0)
                    ridx = g * 16 + r
                    rows_k[ridx, :] = rows_k[ridx, :] * scale
                return 0
            lax.fori_loop(0, CHUNK // 16, fbody, 0)

        out_cp.start()

    def pair_body(co, carry):
        do_chunk(2 * co, 0)
        do_chunk(2 * co + 1, 1)
        return carry

    lax.fori_loop(0, N_CHUNKS // 2, pair_body, 0)

    for k in range(2):
        pos = ibase + (N_CHUNKS - 2 + k) * CHUNK
        pltpu.make_async_copy(
            rows.at[k], ob.at[pl.ds(pos, CHUNK)], osems[k]).wait()


def kernel(x, indices):
    return _order_map_sc(x, indices)

# --- scband reference (transcript-rebuilt; emitter-appended) ---
"""Pipeline reference for scband-order-map-30537217474614 (READ-ONLY COPY).

The authoritative reference and input builder live on the scoring server;
editing this copy changes nothing except your own understanding.
"""

import jax, jax.numpy as jnp
import numpy as np

B, N, C = 4, 786432, 16  # HEALPix nside=256 -> 12*256**2 pixels

def setup_inputs(seed: int = 0) -> dict:
    key = jax.random.key(seed)
    kx, ki = jax.random.split(key)
    x = jax.random.normal(kx, (B, N, C), dtype=jnp.float32)
    # indices in [0, N]; value N points at the appended zero-pad row
    indices = jax.random.randint(ki, (N,), 0, N + 1, dtype=jnp.int32)
    return {"x": x, "indices": indices}

def reference(x, indices):
    # tf.to_float
    xf = x.astype(jnp.float32)
    # zero-pad row appended along pixel axis (axis=1)
    zero = jnp.zeros((xf.shape[0], 1, xf.shape[2]), dtype=jnp.float32)
    x1 = jnp.concatenate([xf, zero], axis=1)
    # tf.gather(x1, indices, axis=1)
    reordered = jnp.take(x1, indices, axis=1)
    return reordered

if __name__ == "__main__":
    import jax
    _d = setup_inputs()
    print(jax.jit(kernel)(*tuple(_d.values())))

</pallas_src>

<mosaic_0001>
#map = affine_map<(d0, d1) -> (0, 0, 0)>
#map1 = affine_map<(d0, d1) -> (0)>
module attributes {stable_mosaic.version = 14 : i64} {
  func.func @_order_map_sc(%arg0: i32, %arg1: i32, %arg2: memref<4x786432x16xf32, #tpu.memory_space<hbm>>, %arg3: memref<786432xi32, #tpu.memory_space<hbm>>, %arg4: memref<4x786432x16xf32, #tpu.memory_space<hbm>>, %arg5: memref<2x2048xi32, #tpu.memory_space<vmem>>, %arg6: memref<2x16x128xi32, #tpu.memory_space<vmem>>, %arg7: memref<2x2048x16xf32, #tpu.memory_space<vmem>>, %arg8: memref<16xi32, #tpu.memory_space<vmem>>, %arg9: memref<!tpu.dma_semaphore, #tpu.memory_space<semaphore_mem>>, %arg10: memref<!tpu.dma_semaphore, #tpu.memory_space<semaphore_mem>>, %arg11: memref<!tpu.dma_semaphore, #tpu.memory_space<semaphore_mem>>) attributes {dimension_semantics = [#tpu.dimension_semantics<core_parallel>, #tpu.dimension_semantics<subcore_parallel>], iteration_bounds = array<i64: 2, 16>, scalar_prefetch = 0 : i64, scratch_operands = 7 : i64, tpu.core_type = #tpu.core_type<sc_vector_subcore>, window_params = [{transform_indices = #map}, {transform_indices = #map1}, {transform_indices = #map}]} {
    %mul3A = arith.constant 2 : i32
    %mul3A_0 = arith.muli %arg1, %mul3A : i32
    %add3A = arith.addi %mul3A_0, %arg0 : i32
    %jit3A = arith.constant 8 : i32
    %div3A = arith.divsi %add3A, %jit3A : i32
    %sign3A = arith.constant 0 : i32
    %sign3A_1 = arith.cmpi sgt, %add3A, %sign3A : i32
    %sign3A_2 = arith.extui %sign3A_1 : i1 to i32
    %sign3A_3 = arith.constant 0 : i32
    %sign3A_4 = arith.cmpi slt, %add3A, %sign3A_3 : i32
    %sign3A_5 = arith.extui %sign3A_4 : i1 to i32
    %sign3A_6 = arith.subi %sign3A_2, %sign3A_5 : i32
    %sign3A_7 = arith.constant 0 : i32
    %sign3A_8 = arith.cmpi sgt, %jit3A, %sign3A_7 : i32
    %sign3A_9 = arith.extui %sign3A_8 : i1 to i32
    %sign3A_10 = arith.constant 0 : i32
    %sign3A_11 = arith.cmpi slt, %jit3A, %sign3A_10 : i32
    %sign3A_12 = arith.extui %sign3A_11 : i1 to i32
    %sign3A_13 = arith.subi %sign3A_9, %sign3A_12 : i32
    %ne3A = arith.cmpi ne, %sign3A_6, %sign3A_13 : i32
    %rem3A = arith.remsi %add3A, %jit3A : i32
    %ne3A_14 = arith.constant 0 : i32
    %ne3A_15 = arith.cmpi ne, %rem3A, %ne3A_14 : i32
    %and3A = arith.andi %ne3A, %ne3A_15 : i1
    %sub3A = arith.constant 1 : i32
    %sub3A_16 = arith.subi %div3A, %sub3A : i32
    %select_n3A = arith.select %and3A, %sub3A_16, %div3A : i32
    %jit3A_17 = arith.constant 8 : i32
    %eq3A = arith.constant 0 : i32
    %eq3A_18 = arith.cmpi eq, %jit3A_17, %eq3A : i32
    %jit3A_19 = arith.constant 1 : i32
    %select_n3A_20 = arith.select %eq3A_18, %jit3A_19, %jit3A_17 : i32
    %rem3A_21 = arith.remsi %add3A, %select_n3A_20 : i32
    %ne3A_22 = arith.constant 0 : i32
    %ne3A_23 = arith.cmpi ne, %rem3A_21, %ne3A_22 : i32
    %lt3A = arith.constant 0 : i32
    %lt3A_24 = arith.cmpi slt, %rem3A_21, %lt3A : i32
    %lt3A_25 = arith.constant 0 : i32
    %lt3A_26 = arith.cmpi slt, %select_n3A_20, %lt3A_25 : i32
    %ne3A_27 = arith.xori %lt3A_24, %lt3A_26 : i1
    %and3A_28 = arith.andi %ne3A_27, %ne3A_23 : i1
    %add3A_29 = arith.addi %rem3A_21, %select_n3A_20 : i32
    %select_n3A_30 = arith.select %and3A_28, %add3A_29, %rem3A_21 : i32
    %mul3A_31 = arith.constant 98304 : i32
    %mul3A_32 = arith.muli %select_n3A_30, %mul3A_31 : i32
    %scan3A = arith.constant 0 : i32
    %scan3A_33 = arith.constant 0 : i32
    %scan3A_34 = arith.constant 24 : i32
    %scan3A_35 = arith.addi %scan3A_33, %scan3A_34 : i32
    %scan3A_36 = arith.constant 1 : i32
    scf.for %scan3A_83 = %scan3A_33 to %scan3A_35 step %scan3A_36  : i32 {
      %mul3A_84 = arith.constant 2 : i32
      %mul3A_85 = arith.muli %mul3A_84, %scan3A_83 : i32
      %mul3A_86 = arith.constant 2048 : i32
      %mul3A_87 = arith.muli %mul3A_85, %mul3A_86 : i32
      %add3A_88 = arith.addi %mul3A_32, %mul3A_87 : i32
      %ge3A = arith.constant 2 : i32
      %ge3A_89 = arith.cmpi sge, %mul3A_85, %ge3A : i32
      %convert_element_type3A = arith.extui %ge3A_89 : i1 to i32
      %cond3A = arith.constant 0 : i32
      %cond3A_90 = arith.constant 0 : i32
      %cond3A_91 = arith.cmpi ne, %convert_element_type3A, %cond3A_90 : i32
      scf.if %cond3A_91 {
        %sub3A_1825 = arith.constant 4096 : i32
        %sub3A_1826 = arith.subi %add3A_88, %sub3A_1825 : i32
        %dma_wait3A_1827 = arith.constant 0 : i32
        %dma_wait3A_1828 = arith.constant 0 : i32
        %dma_wait3A_1829 = tpu.memref_slice %arg7[%cond3A, %dma_wait3A_1827, %dma_wait3A_1828] : memref<2x2048x16xf32, #tpu.memory_space<vmem>> -> memref<1x2048x16xf32, #tpu.memory_space<vmem>>
        %dma_wait3A_1830 = tpu.memref_squeeze %dma_wait3A_1829 : memref<1x2048x16xf32, #tpu.memory_space<vmem>> -> memref<2048x16xf32, #tpu.memory_space<vmem>>
        %dma_wait3A_1831 = arith.constant 0 : i32
        %dma_wait3A_1832 = arith.constant 0 : i32
        %dma_wait3A_1833 = tpu.memref_slice %arg4[%select_n3A, %dma_wait3A_1831, %dma_wait3A_1832] : memref<4x786432x16xf32, #tpu.memory_space<hbm>> -> memref<1x786432x16xf32, #tpu.memory_space<hbm>>
        %dma_wait3A_1834 = tpu.memref_squeeze %dma_wait3A_1833 : memref<1x786432x16xf32, #tpu.memory_space<hbm>> -> memref<786432x16xf32, #tpu.memory_space<hbm>>
        %dma_wait3A_1835 = arith.constant 0 : i32
        %dma_wait3A_1836 = tpu.memref_slice %dma_wait3A_1834[%sub3A_1826, %dma_wait3A_1835] : memref<786432x16xf32, #tpu.memory_space<hbm>> -> memref<2048x16xf32, #tpu.memory_space<hbm>>
        %dma_wait3A_1837 = arith.constant 0 : i32
        %dma_wait3A_1838 = arith.constant 0 : i32
        %dma_wait3A_1839 = tpu.memref_slice %arg4[%select_n3A, %dma_wait3A_1837, %dma_wait3A_1838] : memref<4x786432x16xf32, #tpu.memory_space<hbm>> -> memref<1x786432x16xf32, #tpu.memory_space<hbm>>
        %dma_wait3A_1840 = tpu.memref_squeeze %dma_wait3A_1839 : memref<1x786432x16xf32, #tpu.memory_space<hbm>> -> memref<786432x16xf32, #tpu.memory_space<hbm>>
        %dma_wait3A_1841 = arith.constant 0 : i32
        %dma_wait3A_1842 = tpu.memref_slice %dma_wait3A_1840[%sub3A_1826, %dma_wait3A_1841] : memref<786432x16xf32, #tpu.memory_space<hbm>> -> memref<2048x16xf32, #tpu.memory_space<hbm>>
        %dma_wait3A_1843 = arith.constant 0 : i32
        %dma_wait3A_1844 = arith.constant 0 : i32
        %dma_wait3A_1845 = tpu.memref_slice %arg7[%cond3A, %dma_wait3A_1843, %dma_wait3A_1844] : memref<2x2048x16xf32, #tpu.memory_space<vmem>> -> memref<1x2048x16xf32, #tpu.memory_space<vmem>>
        %dma_wait3A_1846 = tpu.memref_squeeze %dma_wait3A_1845 : memref<1x2048x16xf32, #tpu.memory_space<vmem>> -> memref<2048x16xf32, #tpu.memory_space<vmem>>
        tpu.wait_dma2 semaphore(%arg10 : memref<!tpu.dma_semaphore, #tpu.memory_space<semaphore_mem>>) src(%dma_wait3A_1846 : memref<2048x16xf32, #tpu.memory_space<vmem>>) dst(%dma_wait3A_1842 : memref<2048x16xf32, #tpu.memory_space<hbm>>)
      } else {
      }
      %run_scoped3A = arith.constant 0 : i32
      "tpu.region"() ({
        %run_scoped3A_1825 = tpu.sem_alloc : memref<!tpu.dma_semaphore, #tpu.memory_space<semaphore_mem>>
        %dma_start3A_1826 = arith.constant 0 : i32
        %dma_start3A_1827 = tpu.memref_slice %arg5[%run_scoped3A, %dma_start3A_1826] : memref<2x2048xi32, #tpu.memory_space<vmem>> -> memref<1x2048xi32, #tpu.memory_space<vmem>>
        %dma_start3A_1828 = tpu.memref_squeeze %dma_start3A_1827 : memref<1x2048xi32, #tpu.memory_space<vmem>> -> memref<2048xi32, #tpu.memory_space<vmem>>
        %dma_start3A_1829 = tpu.memref_slice %arg3[%add3A_88] : memref<786432xi32, #tpu.memory_space<hbm>> -> memref<2048xi32, #tpu.memory_space<hbm>>
        %dma_start3A_1830 = arith.constant 0 : i32
        %dma_start3A_1831 = tpu.memref_slice %arg5[%run_scoped3A, %dma_start3A_1830] : memref<2x2048xi32, #tpu.memory_space<vmem>> -> memref<1x2048xi32, #tpu.memory_space<vmem>>
        %dma_start3A_1832 = tpu.memref_squeeze %dma_start3A_1831 : memref<1x2048xi32, #tpu.memory_space<vmem>> -> memref<2048xi32, #tpu.memory_space<vmem>>
        %dma_start3A_1833 = tpu.memref_slice %arg3[%add3A_88] : memref<786432xi32, #tpu.memory_space<hbm>> -> memref<2048xi32, #tpu.memory_space<hbm>>
        tpu.enqueue_dma source(%dma_start3A_1833 : memref<2048xi32, #tpu.memory_space<hbm>>) target(%dma_start3A_1832 : memref<2048xi32, #tpu.memory_space<vmem>>) target_semaphore(%run_scoped3A_1825 : memref<!tpu.dma_semaphore, #tpu.memory_space<semaphore_mem>>)
        %dma_wait3A_1834 = arith.constant 0 : i32
        %dma_wait3A_1835 = tpu.memref_slice %arg5[%run_scoped3A, %dma_wait3A_1834] : memref<2x2048xi32, #tpu.memory_space<vmem>> -> memref<1x2048xi32, #tpu.memory_space<vmem>>
        %dma_wait3A_1836 = tpu.memref_squeeze %dma_wait3A_1835 : memref<1x2048xi32, #tpu.memory_space<vmem>> -> memref<2048xi32, #tpu.memory_space<vmem>>
        %dma_wait3A_1837 = tpu.memref_slice %arg3[%add3A_88] : memref<786432xi32, #tpu.memory_space<hbm>> -> memref<2048xi32, #tpu.memory_space<hbm>>
        %dma_wait3A_1838 = arith.constant 0 : i32
        %dma_wait3A_1839 = tpu.memref_slice %arg5[%run_scoped3A, %dma_wait3A_1838] : memref<2x2048xi32, #tpu.memory_space<vmem>> -> memref<1x2048xi32, #tpu.memory_space<vmem>>
        %dma_wait3A_1840 = tpu.memref_squeeze %dma_wait3A_1839 : memref<1x2048xi32, #tpu.memory_space<vmem>> -> memref<2048xi32, #tpu.memory_space<vmem>>
        %dma_wait3A_1841 = tpu.memref_slice %arg3[%add3A_88] : memref<786432xi32, #tpu.memory_space<hbm>> -> memref<2048xi32, #tpu.memory_space<hbm>>
        tpu.wait_dma2 semaphore(%run_scoped3A_1825 : memref<!tpu.dma_semaphore, #tpu.memory_space<semaphore_mem>>) src(%dma_wait3A_1841 : memref<2048xi32, #tpu.memory_space<hbm>>) dst(%dma_wait3A_1840 : memref<2048xi32, #tpu.memory_space<vmem>>)
        tpu.yield
      }) : () -> ()
      %broadcast_in_dim3A = arith.constant 0 : i32
      %broadcast_in_dim3A_92 = vector.broadcast %broadcast_in_dim3A : i32 to vector<16xi32>
      %swap3A = arith.constant 0 : index
      %swap3A_93 = tpu.vector_load %arg8[%swap3A] {strides = array<i32>} : memref<16xi32, #tpu.memory_space<vmem>>, vector<16xi32>,
      %swap3A_94 = vector.shape_cast %swap3A_93 : vector<16xi32> to vector<16xi32>
      %swap3A_95 = vector.shape_cast %broadcast_in_dim3A_92 : vector<16xi32> to vector<16xi32>
      tpu.vector_store %arg8[%swap3A], %swap3A_95 {strides = array<i32>} : memref<16xi32, #tpu.memory_space<vmem>>, vector<16xi32>,
      %scan3A_96 = arith.constant 0 : i32
      %scan3A_97 = arith.constant 0 : i32
      %scan3A_98 = arith.constant 0 : i32
      %scan3A_99 = arith.constant 0 : i32
      %scan3A_100 = arith.constant 16 : i32
      %scan3A_101 = arith.addi %scan3A_99, %scan3A_100 : i32
      %scan3A_102 = arith.constant 1 : i32
      %scan3A_103 = scf.for %scan3A_1825 = %scan3A_99 to %scan3A_101 step %scan3A_102 iter_args(%scan3A_1826 = %scan3A_98) -> (i32)  : i32 {
        %mul3A_1827 = arith.constant 128 : i32
        %mul3A_1828 = arith.muli %scan3A_1825, %mul3A_1827 : i32
        %add3A_1829 = arith.constant 0 : i32
        %add3A_1830 = arith.addi %mul3A_1828, %add3A_1829 : i32
        %get3A_1831 = arith.constant 0 : i32
        %get3A_1832 = tpu.memref_slice %arg5[%scan3A_96, %get3A_1831] : memref<2x2048xi32, #tpu.memory_space<vmem>> -> memref<1x2048xi32, #tpu.memory_space<vmem>>
        %get3A_1833 = tpu.memref_squeeze %get3A_1832 : memref<1x2048xi32, #tpu.memory_space<vmem>> -> memref<2048xi32, #tpu.memory_space<vmem>>
        %get3A_1834 = arith.index_cast %add3A_1830 : i32 to index
        %get3A_1835 = tpu.vector_load %get3A_1833[%get3A_1834] {strides = array<i32>} : memref<2048xi32, #tpu.memory_space<vmem>>, vector<16xi32>,
        %get3A_1836 = vector.shape_cast %get3A_1835 : vector<16xi32> to vector<16xi32>
        %get3A_1837 = arith.constant 0 : index
        %get3A_1838 = tpu.vector_load %arg8[%get3A_1837] {strides = array<i32>} : memref<16xi32, #tpu.memory_space<vmem>>, vector<16xi32>,
        %get3A_1839 = vector.shape_cast %get3A_1838 : vector<16xi32> to vector<16xi32>
        %eq3A_1840 = arith.constant 786432 : i32
        %eq3A_1841 = vector.broadcast %eq3A_1840 : i32 to vector<16xi32>
        %eq3A_1842 = arith.cmpi eq, %get3A_1836, %eq3A_1841 : vector<16xi32>
        %jit3A_1843 = arith.constant 1 : i32
        %jit3A_1844 = arith.constant 0 : i32
        %broadcast_in_dim3A_1845 = vector.broadcast %jit3A_1843 : i32 to vector<16xi32>
        %broadcast_in_dim3A_1846 = vector.broadcast %jit3A_1844 : i32 to vector<16xi32>
        %select_n3A_1847 = arith.select %eq3A_1842, %broadcast_in_dim3A_1845, %broadcast_in_dim3A_1846 : vector<16xi1>, vector<16xi32>
        %add3A_1848 = arith.addi %get3A_1839, %select_n3A_1847 : vector<16xi32>
        %swap3A_1849 = arith.constant 0 : index
        %swap3A_1850 = tpu.vector_load %arg8[%swap3A_1849] {strides = array<i32>} : memref<16xi32, #tpu.memory_space<vmem>>, vector<16xi32>,
        %swap3A_1851 = vector.shape_cast %swap3A_1850 : vector<16xi32> to vector<16xi32>
        %swap3A_1852 = vector.shape_cast %add3A_1848 : vector<16xi32> to vector<16xi32>
        tpu.vector_store %arg8[%swap3A_1849], %swap3A_1852 {strides = array<i32>} : memref<16xi32, #tpu.memory_space<vmem>>, vector<16xi32>,
        %min3A = arith.constant 786431 : i32
        %min3A_1853 = vector.broadcast %min3A : i32 to vector<16xi32>
        %min3A_1854 = arith.minsi %get3A_1836, %min3A_1853 : vector<16xi32>
        %swap3A_1855 = arith.constant 0 : i32
        %swap3A_1856 = arith.constant 0 : i32
        %swap3A_1857 = tpu.memref_slice %arg6[%scan3A_97, %swap3A_1855, %swap3A_1856] : memref<2x16x128xi32, #tpu.memory_space<vmem>> -> memref<1x16x128xi32, #tpu.memory_space<vmem>>
        %swap3A_1858 = tpu.memref_squeeze %swap3A_1857 : memref<1x16x128xi32, #tpu.memory_space<vmem>> -> memref<16x128xi32, #tpu.memory_space<vmem>>
        %swap3A_1859 = arith.index_cast %scan3A_1825 : i32 to index
        %swap3A_1860 = arith.constant 0 : index
        %swap3A_1861 = tpu.vector_load %swap3A_1858[%swap3A_1859, %swap3A_1860] {strides = array<i32>} : memref<16x128xi32, #tpu.memory_space<vmem>>, vector<1x16xi32>,
        %swap3A_1862 = vector.shape_cast %swap3A_1861 : vector<1x16xi32> to vector<16xi32>
        %swap3A_1863 = vector.shape_cast %min3A_1854 : vector<16xi32> to vector<1x16xi32>
        tpu.vector_store %swap3A_1858[%swap3A_1859, %swap3A_1860], %swap3A_1863 {strides = array<i32>} : memref<16x128xi32, #tpu.memory_space<vmem>>, vector<1x16xi32>,
        %mul3A_1864 = arith.constant 128 : i32
        %mul3A_1865 = arith.muli %scan3A_1825, %mul3A_1864 : i32
        %add3A_1866 = arith.constant 16 : i32
        %add3A_1867 = arith.addi %mul3A_1865, %add3A_1866 : i32
        %get3A_1868 = arith.constant 0 : i32
        %get3A_1869 = tpu.memref_slice %arg5[%scan3A_96, %get3A_1868] : memref<2x2048xi32, #tpu.memory_space<vmem>> -> memref<1x2048xi32, #tpu.memory_space<vmem>>
        %get3A_1870 = tpu.memref_squeeze %get3A_1869 : memref<1x2048xi32, #tpu.memory_space<vmem>> -> memref<2048xi32, #tpu.memory_space<vmem>>
        %get3A_1871 = arith.index_cast %add3A_1867 : i32 to index
        %get3A_1872 = tpu.vector_load %get3A_1870[%get3A_1871] {strides = array<i32>} : memref<2048xi32, #tpu.memory_space<vmem>>, vector<16xi32>,
        %get3A_1873 = vector.shape_cast %get3A_1872 : vector<16xi32> to vector<16xi32>
        %get3A_1874 = arith.constant 0 : index
        %get3A_1875 = tpu.vector_load %arg8[%get3A_1874] {strides = array<i32>} : memref<16xi32, #tpu.memory_space<vmem>>, vector<16xi32>,
        %get3A_1876 = vector.shape_cast %get3A_1875 : vector<16xi32> to vector<16xi32>
        %eq3A_1877 = arith.constant 786432 : i32
        %eq3A_1878 = vector.broadcast %eq3A_1877 : i32 to vector<16xi32>
        %eq3A_1879 = arith.cmpi eq, %get3A_1873, %eq3A_1878 : vector<16xi32>
        %jit3A_1880 = arith.constant 1 : i32
        %jit3A_1881 = arith.constant 0 : i32
        %broadcast_in_dim3A_1882 = vector.broadcast %jit3A_1880 : i32 to vector<16xi32>
        %broadcast_in_dim3A_1883 = vector.broadcast %jit3A_1881 : i32 to vector<16xi32>
        %select_n3A_1884 = arith.select %eq3A_1879, %broadcast_in_dim3A_1882, %broadcast_in_dim3A_1883 : vector<16xi1>, vector<16xi32>
        %add3A_1885 = arith.addi %get3A_1876, %select_n3A_1884 : vector<16xi32>
        %swap3A_1886 = arith.constant 0 : index
        %swap3A_1887 = tpu.vector_load %arg8[%swap3A_1886] {strides = array<i32>} : memref<16xi32, #tpu.memory_space<vmem>>, vector<16xi32>,
        %swap3A_1888 = vector.shape_cast %swap3A_1887 : vector<16xi32> to vector<16xi32>
        %swap3A_1889 = vector.shape_cast %add3A_1885 : vector<16xi32> to vector<16xi32>
        tpu.vector_store %arg8[%swap3A_1886], %swap3A_1889 {strides = array<i32>} : memref<16xi32, #tpu.memory_space<vmem>>, vector<16xi32>,
        %min3A_1890 = arith.constant 786431 : i32
        %min3A_1891 = vector.broadcast %min3A_1890 : i32 to vector<16xi32>
        %min3A_1892 = arith.minsi %get3A_1873, %min3A_1891 : vector<16xi32>
        %swap3A_1893 = arith.constant 0 : i32
        %swap3A_1894 = arith.constant 0 : i32
        %swap3A_1895 = tpu.memref_slice %arg6[%scan3A_97, %swap3A_1893, %swap3A_1894] : memref<2x16x128xi32, #tpu.memory_space<vmem>> -> memref<1x16x128xi32, #tpu.memory_space<vmem>>
        %swap3A_1896 = tpu.memref_squeeze %swap3A_1895 : memref<1x16x128xi32, #tpu.memory_space<vmem>> -> memref<16x128xi32, #tpu.memory_space<vmem>>
        %swap3A_1897 = arith.index_cast %scan3A_1825 : i32 to index
        %swap3A_1898 = arith.constant 16 : index
        %swap3A_1899 = tpu.vector_load %swap3A_1896[%swap3A_1897, %swap3A_1898] {strides = array<i32>} : memref<16x128xi32, #tpu.memory_space<vmem>>, vector<1x16xi32>,
        %swap3A_1900 = vector.shape_cast %swap3A_1899 : vector<1x16xi32> to vector<16xi32>
        %swap3A_1901 = vector.shape_cast %min3A_1892 : vector<16xi32> to vector<1x16xi32>
        tpu.vector_store %swap3A_1896[%swap3A_1897, %swap3A_1898], %swap3A_1901 {strides = array<i32>} : memref<16x128xi32, #tpu.memory_space<vmem>>, vector<1x16xi32>,
        %mul3A_1902 = arith.constant 128 : i32
        %mul3A_1903 = arith.muli %scan3A_1825, %mul3A_1902 : i32
        %add3A_1904 = arith.constant 32 : i32
        %add3A_1905 = arith.addi %mul3A_1903, %add3A_1904 : i32
        %get3A_1906 = arith.constant 0 : i32
        %get3A_1907 = tpu.memref_slice %arg5[%scan3A_96, %get3A_1906] : memref<2x2048xi32, #tpu.memory_space<vmem>> -> memref<1x2048xi32, #tpu.memory_space<vmem>>
        %get3A_1908 = tpu.memref_squeeze %get3A_1907 : memref<1x2048xi32, #tpu.memory_space<vmem>> -> memref<2048xi32, #tpu.memory_space<vmem>>
        %get3A_1909 = arith.index_cast %add3A_1905 : i32 to index
        %get3A_1910 = tpu.vector_load %get3A_1908[%get3A_1909] {strides = array<i32>} : memref<2048xi32, #tpu.memory_space<vmem>>, vector<16xi32>,
        %get3A_1911 = vector.shape_cast %get3A_1910 : vector<16xi32> to vector<16xi32>
        %get3A_1912 = arith.constant 0 : index
        %get3A_1913 = tpu.vector_load %arg8[%get3A_1912] {strides = array<i32>} : memref<16xi32, #tpu.memory_space<vmem>>, vector<16xi32>,
        %get3A_1914 = vector.shape_cast %get3A_1913 : vector<16xi32> to vector<16xi32>
        %eq3A_1915 = arith.constant 786432 : i32
        %eq3A_1916 = vector.broadcast %eq3A_1915 : i32 to vector<16xi32>
        %eq3A_1917 = arith.cmpi eq, %get3A_1911, %eq3A_1916 : vector<16xi32>
        %jit3A_1918 = arith.constant 1 : i32
        %jit3A_1919 = arith.constant 0 : i32
        %broadcast_in_dim3A_1920 = vector.broadcast %jit3A_1918 : i32 to vector<16xi32>
        %broadcast_in_dim3A_1921 = vector.broadcast %jit3A_1919 : i32 to vector<16xi32>
        %select_n3A_1922 = arith.select %eq3A_1917, %broadcast_in_dim3A_1920, %broadcast_in_dim3A_1921 : vector<16xi1>, vector<16xi32>
        %add3A_1923 = arith.addi %get3A_1914, %select_n3A_1922 : vector<16xi32>
        %swap3A_1924 = arith.constant 0 : index
        %swap3A_1925 = tpu.vector_load %arg8[%swap3A_1924] {strides = array<i32>} : memref<16xi32, #tpu.memory_space<vmem>>, vector<16xi32>,
        %swap3A_1926 = vector.shape_cast %swap3A_1925 : vector<16xi32> to vector<16xi32>
        %swap3A_1927 = vector.shape_cast %add3A_1923 : vector<16xi32> to vector<16xi32>
        tpu.vector_store %arg8[%swap3A_1924], %swap3A_1927 {strides = array<i32>} : memref<16xi32, #tpu.memory_space<vmem>>, vector<16xi32>,
        %min3A_1928 = arith.constant 786431 : i32
        %min3A_1929 = vector.broadcast %min3A_1928 : i32 to vector<16xi32>
        %min3A_1930 = arith.minsi %get3A_1911, %min3A_1929 : vector<16xi32>
        %swap3A_1931 = arith.constant 0 : i32
        %swap3A_1932 = arith.constant 0 : i32
        %swap3A_1933 = tpu.memref_slice %arg6[%scan3A_97, %swap3A_1931, %swap3A_1932] : memref<2x16x128xi32, #tpu.memory_space<vmem>> -> memref<1x16x128xi32, #tpu.memory_space<vmem>>
        %swap3A_1934 = tpu.memref_squeeze %swap3A_1933 : memref<1x16x128xi32, #tpu.memory_space<vmem>> -> memref<16x128xi32, #tpu.memory_space<vmem>>
        %swap3A_1935 = arith.index_cast %scan3A_1825 : i32 to index
        %swap3A_1936 = arith.constant 32 : index
        %swap3A_1937 = tpu.vector_load %swap3A_1934[%swap3A_1935, %swap3A_1936] {strides = array<i32>} : memref<16x128xi32, #tpu.memory_space<vmem>>, vector<1x16xi32>,
        %swap3A_1938 = vector.shape_cast %swap3A_1937 : vector<1x16xi32> to vector<16xi32>
        %swap3A_1939 = vector.shape_cast %min3A_1930 : vector<16xi32> to vector<1x16xi32>
        tpu.vector_store %swap3A_1934[%swap3A_1935, %swap3A_1936], %swap3A_1939 {strides = array<i32>} : memref<16x128xi32, #tpu.memory_space<vmem>>, vector<1x16xi32>,
        %mul3A_1940 = arith.constant 128 : i32
        %mul3A_1941 = arith.muli %scan3A_1825, %mul3A_1940 : i32
        %add3A_1942 = arith.constant 48 : i32
        %add3A_1943 = arith.addi %mul3A_1941, %add3A_1942 : i32
        %get3A_1944 = arith.constant 0 : i32
        %get3A_1945 = tpu.memref_slice %arg5[%scan3A_96, %get3A_1944] : memref<2x2048xi32, #tpu.memory_space<vmem>> -> memref<1x2048xi32, #tpu.memory_space<vmem>>
        %get3A_1946 = tpu.memref_squeeze %get3A_1945 : memref<1x2048xi32, #tpu.memory_space<vmem>> -> memref<2048xi32, #tpu.memory_space<vmem>>
        %get3A_1947 = arith.index_cast %add3A_1943 : i32 to index
        %get3A_1948 = tpu.vector_load %get3A_1946[%get3A_1947] {strides = array<i32>} : memref<2048xi32, #tpu.memory_space<vmem>>, vector<16xi32>,
        %get3A_1949 = vector.shape_cast %get3A_1948 : vector<16xi32> to vector<16xi32>
        %get3A_1950 = arith.constant 0 : index
        %get3A_1951 = tpu.vector_load %arg8[%get3A_1950] {strides = array<i32>} : memref<16xi32, #tpu.memory_space<vmem>>, vector<16xi32>,
        %get3A_1952 = vector.shape_cast %get3A_1951 : vector<16xi32> to vector<16xi32>
        %eq3A_1953 = arith.constant 786432 : i32
        %eq3A_1954 = vector.broadcast %eq3A_1953 : i32 to vector<16xi32>
        %eq3A_1955 = arith.cmpi eq, %get3A_1949, %eq3A_1954 : vector<16xi32>
        %jit3A_1956 = arith.constant 1 : i32
        %jit3A_1957 = arith.constant 0 : i32
        %broadcast_in_dim3A_1958 = vector.broadcast %jit3A_1956 : i32 to vector<16xi32>
        %broadcast_in_dim3A_1959 = vector.broadcast %jit3A_1957 : i32 to vector<16xi32>
        %select_n3A_1960 = arith.select %eq3A_1955, %broadcast_in_dim3A_1958, %broadcast_in_dim3A_1959 : vector<16xi1>, vector<16xi32>
        %add3A_1961 = arith.addi %get3A_1952, %select_n3A_1960 : vector<16xi32>
        %swap3A_1962 = arith.constant 0 : index
        %swap3A_1963 = tpu.vector_load %arg8[%swap3A_1962] {strides = array<i32>} : memref<16xi32, #tpu.memory_space<vmem>>, vector<16xi32>,
        %swap3A_1964 = vector.shape_cast %swap3A_1963 : vector<16xi32> to vector<16xi32>
        %swap3A_1965 = vector.shape_cast %add3A_1961 : vector<16xi32> to vector<16xi32>
        tpu.vector_store %arg8[%swap3A_1962], %swap3A_1965 {strides = array<i32>} : memref<16xi32, #tpu.memory_space<vmem>>, vector<16xi32>,
        %min3A_1966 = arith.constant 786431 : i32
        %min3A_1967 = vector.broadcast %min3A_1966 : i32 to vector<16xi32>
        %min3A_1968 = arith.minsi %get3A_1949, %min3A_1967 : vector<16xi32>
        %swap3A_1969 = arith.constant 0 : i32
        %swap3A_1970 = arith.constant 0 : i32
        %swap3A_1971 = tpu.memref_slice %arg6[%scan3A_97, %swap3A_1969, %swap3A_1970] : memref<2x16x128xi32, #tpu.memory_space<vmem>> -> memref<1x16x128xi32, #tpu.memory_space<vmem>>
        %swap3A_1972 = tpu.memref_squeeze %swap3A_1971 : memref<1x16x128xi32, #tpu.memory_space<vmem>> -> memref<16x128xi32, #tpu.memory_space<vmem>>
        %swap3A_1973 = arith.index_cast %scan3A_1825 : i32 to index
        %swap3A_1974 = arith.constant 48 : index
        %swap3A_1975 = tpu.vector_load %swap3A_1972[%swap3A_1973, %swap3A_1974] {strides = array<i32>} : memref<16x128xi32, #tpu.memory_space<vmem>>, vector<1x16xi32>,
        %swap3A_1976 = vector.shape_cast %swap3A_1975 : vector<1x16xi32> to vector<16xi32>
        %swap3A_1977 = vector.shape_cast %min3A_1968 : vector<16xi32> to vector<1x16xi32>
        tpu.vector_store %swap3A_1972[%swap3A_1973, %swap3A_1974], %swap3A_1977 {strides = array<i32>} : memref<16x128xi32, #tpu.memory_space<vmem>>, vector<1x16xi32>,
        %mul3A_1978 = arith.constant 128 : i32
        %mul3A_1979 = arith.muli %scan3A_1825, %mul3A_1978 : i32
        %add3A_1980 = arith.constant 64 : i32
        %add3A_1981 = arith.addi %mul3A_1979, %add3A_1980 : i32
        %get3A_1982 = arith.constant 0 : i32
        %get3A_1983 = tpu.memref_slice %arg5[%scan3A_96, %get3A_1982] : memref<2x2048xi32, #tpu.memory_space<vmem>> -> memref<1x2048xi32, #tpu.memory_space<vmem>>
        %get3A_1984 = tpu.memref_squeeze %get3A_1983 : memref<1x2048xi32, #tpu.memory_space<vmem>> -> memref<2048xi32, #tpu.memory_space<vmem>>
        %get3A_1985 = arith.index_cast %add3A_1981 : i32 to index
        %get3A_1986 = tpu.vector_load %get3A_1984[%get3A_1985] {strides = array<i32>} : memref<2048xi32, #tpu.memory_space<vmem>>, vector<16xi32>,
        %get3A_1987 = vector.shape_cast %get3A_1986 : vector<16xi32> to vector<16xi32>
        %get3A_1988 = arith.constant 0 : index
        %get3A_1989 = tpu.vector_load %arg8[%get3A_1988] {strides = array<i32>} : memref<16xi32, #tpu.memory_space<vmem>>, vector<16xi32>,
        %get3A_1990 = vector.shape_cast %get3A_1989 : vector<16xi32> to vector<16xi32>
        %eq3A_1991 = arith.constant 786432 : i32
        %eq3A_1992 = vector.broadcast %eq3A_1991 : i32 to vector<16xi32>
        %eq3A_1993 = arith.cmpi eq, %get3A_1987, %eq3A_1992 : vector<16xi32>
        %jit3A_1994 = arith.constant 1 : i32
        %jit3A_1995 = arith.constant 0 : i32
        %broadcast_in_dim3A_1996 = vector.broadcast %jit3A_1994 : i32 to vector<16xi32>
        %broadcast_in_dim3A_1997 = vector.broadcast %jit3A_1995 : i32 to vector<16xi32>
        %select_n3A_1998 = arith.select %eq3A_1993, %broadcast_in_dim3A_1996, %broadcast_in_dim3A_1997 : vector<16xi1>, vector<16xi32>
        %add3A_1999 = arith.addi %get3A_1990, %select_n3A_1998 : vector<16xi32>
        %swap3A_2000 = arith.constant 0 : index
        %swap3A_2001 = tpu.vector_load %arg8[%swap3A_2000] {strides = array<i32>} : memref<16xi32, #tpu.memory_space<vmem>>, vector<16xi32>,
        %swap3A_2002 = vector.shape_cast %swap3A_2001 : vector<16xi32> to vector<16xi32>
        %swap3A_2003 = vector.shape_cast %add3A_1999 : vector<16xi32> to vector<16xi32>
        tpu.vector_store %arg8[%swap3A_2000], %swap3A_2003 {strides = array<i32>} : memref<16xi32, #tpu.memory_space<vmem>>, vector<16xi32>,
        %min3A_2004 = arith.constant 786431 : i32
        %min3A_2005 = vector.broadcast %min3A_2004 : i32 to vector<16xi32>
        %min3A_2006 = arith.minsi %get3A_1987, %min3A_2005 : vector<16xi32>
        %swap3A_2007 = arith.constant 0 : i32
        %swap3A_2008 = arith.constant 0 : i32
        %swap3A_2009 = tpu.memref_slice %arg6[%scan3A_97, %swap3A_2007, %swap3A_2008] : memref<2x16x128xi32, #tpu.memory_space<vmem>> -> memref<1x16x128xi32, #tpu.memory_space<vmem>>
        %swap3A_2010 = tpu.memref_squeeze %swap3A_2009 : memref<1x16x128xi32, #tpu.memory_space<vmem>> -> memref<16x128xi32, #tpu.memory_space<vmem>>
        %swap3A_2011 = arith.index_cast %scan3A_1825 : i32 to index
        %swap3A_2012 = arith.constant 64 : index
        %swap3A_2013 = tpu.vector_load %swap3A_2010[%swap3A_2011, %swap3A_2012] {strides = array<i32>} : memref<16x128xi32, #tpu.memory_space<vmem>>, vector<1x16xi32>,
        %swap3A_2014 = vector.shape_cast %swap3A_2013 : vector<1x16xi32> to vector<16xi32>
        %swap3A_2015 = vector.shape_cast %min3A_2006 : vector<16xi32> to vector<1x16xi32>
        tpu.vector_store %swap3A_2010[%swap3A_2011, %swap3A_2012], %swap3A_2015 {strides = array<i32>} : memref<16x128xi32, #tpu.memory_space<vmem>>, vector<1x16xi32>,
        %mul3A_2016 = arith.constant 128 : i32
        %mul3A_2017 = arith.muli %scan3A_1825, %mul3A_2016 : i32
        %add3A_2018 = arith.constant 80 : i32
        %add3A_2019 = arith.addi %mul3A_2017, %add3A_2018 : i32
        %get3A_2020 = arith.constant 0 : i32
        %get3A_2021 = tpu.memref_slice %arg5[%scan3A_96, %get3A_2020] : memref<2x2048xi32, #tpu.memory_space<vmem>> -> memref<1x2048xi32, #tpu.memory_space<vmem>>
        %get3A_2022 = tpu.memref_squeeze %get3A_2021 : memref<1x2048xi32, #tpu.memory_space<vmem>> -> memref<2048xi32, #tpu.memory_space<vmem>>
        %get3A_2023 = arith.index_cast %add3A_2019 : i32 to index
        %get3A_2024 = tpu.vector_load %get3A_2022[%get3A_2023] {strides = array<i32>} : memref<2048xi32, #tpu.memory_space<vmem>>, vector<16xi32>,
        %get3A_2025 = vector.shape_cast %get3A_2024 : vector<16xi32> to vector<16xi32>
        %get3A_2026 = arith.constant 0 : index
        %get3A_2027 = tpu.vector_load %arg8[%get3A_2026] {strides = array<i32>} : memref<16xi32, #tpu.memory_space<vmem>>, vector<16xi32>,
        %get3A_2028 = vector.shape_cast %get3A_2027 : vector<16xi32> to vector<16xi32>
        %eq3A_2029 = arith.constant 786432 : i32
        %eq3A_2030 = vector.broadcast %eq3A_2029 : i32 to vector<16xi32>
        %eq3A_2031 = arith.cmpi eq, %get3A_2025, %eq3A_2030 : vector<16xi32>
        %jit3A_2032 = arith.constant 1 : i32
        %jit3A_2033 = arith.constant 0 : i32
        %broadcast_in_dim3A_2034 = vector.broadcast %jit3A_2032 : i32 to vector<16xi32>
        %broadcast_in_dim3A_2035 = vector.broadcast %jit3A_2033 : i32 to vector<16xi32>
        %select_n3A_2036 = arith.select %eq3A_2031, %broadcast_in_dim3A_2034, %broadcast_in_dim3A_2035 : vector<16xi1>, vector<16xi32>
        %add3A_2037 = arith.addi %get3A_2028, %select_n3A_2036 : vector<16xi32>
        %swap3A_2038 = arith.constant 0 : index
        %swap3A_2039 = tpu.vector_load %arg8[%swap3A_2038] {strides = array<i32>} : memref<16xi32, #tpu.memory_space<vmem>>, vector<16xi32>,
        %swap3A_2040 = vector.shape_cast %swap3A_2039 : vector<16xi32> to vector<16xi32>
        %swap3A_2041 = vector.shape_cast %add3A_2037 : vector<16xi32> to vector<16xi32>
        tpu.vector_store %arg8[%swap3A_2038], %swap3A_2041 {strides = array<i32>} : memref<16xi32, #tpu.memory_space<vmem>>, vector<16xi32>,
        %min3A_2042 = arith.constant 786431 : i32
        %min3A_2043 = vector.broadcast %min3A_2042 : i32 to vector<16xi32>
        %min3A_2044 = arith.minsi %get3A_2025, %min3A_2043 : vector<16xi32>
        %swap3A_2045 = arith.constant 0 : i32
        %swap3A_2046 = arith.constant 0 : i32
        %swap3A_2047 = tpu.memref_slice %arg6[%scan3A_97, %swap3A_2045, %swap3A_2046] : memref<2x16x128xi32, #tpu.memory_space<vmem>> -> memref<1x16x128xi32, #tpu.memory_space<vmem>>
        %swap3A_2048 = tpu.memref_squeeze %swap3A_2047 : memref<1x16x128xi32, #tpu.memory_space<vmem>> -> memref<16x128xi32, #tpu.memory_space<vmem>>
        %swap3A_2049 = arith.index_cast %scan3A_1825 : i32 to index
        %swap3A_2050 = arith.constant 80 : index
        %swap3A_2051 = tpu.vector_load %swap3A_2048[%swap3A_2049, %swap3A_2050] {strides = array<i32>} : memref<16x128xi32, #tpu.memory_space<vmem>>, vector<1x16xi32>,
        %swap3A_2052 = vector.shape_cast %swap3A_2051 : vector<1x16xi32> to vector<16xi32>
        %swap3A_2053 = vector.shape_cast %min3A_2044 : vector<16xi32> to vector<1x16xi32>
        tpu.vector_store %swap3A_2048[%swap3A_2049, %swap3A_2050], %swap3A_2053 {strides = array<i32>} : memref<16x128xi32, #tpu.memory_space<vmem>>, vector<1x16xi32>,
        %mul3A_2054 = arith.constant 128 : i32
        %mul3A_2055 = arith.muli %scan3A_1825, %mul3A_2054 : i32
        %add3A_2056 = arith.constant 96 : i32
        %add3A_2057 = arith.addi %mul3A_2055, %add3A_2056 : i32
        %get3A_2058 = arith.constant 0 : i32
        %get3A_2059 = tpu.memref_slice %arg5[%scan3A_96, %get3A_2058] : memref<2x2048xi32, #tpu.memory_space<vmem>> -> memref<1x2048xi32, #tpu.memory_space<vmem>>
        %get3A_2060 = tpu.memref_squeeze %get3A_2059 : memref<1x2048xi32, #tpu.memory_space<vmem>> -> memref<2048xi32, #tpu.memory_space<vmem>>
        %get3A_2061 = arith.index_cast %add3A_2057 : i32 to index
        %get3A_2062 = tpu.vector_load %get3A_2060[%get3A_2061] {strides = array<i32>} : memref<2048xi32, #tpu.memory_space<vmem>>, vector<16xi32>,
        %get3A_2063 = vector.shape_cast %get3A_2062 : vector<16xi32> to vector<16xi32>
        %get3A_2064 = arith.constant 0 : index
        %get3A_2065 = tpu.vector_load %arg8[%get3A_2064] {strides = array<i32>} : memref<16xi32, #tpu.memory_space<vmem>>, vector<16xi32>,
        %get3A_2066 = vector.shape_cast %get3A_2065 : vector<16xi32> to vector<16xi32>
        %eq3A_2067 = arith.constant 786432 : i32
        %eq3A_2068 = vector.broadcast %eq3A_2067 : i32 to vector<16xi32>
        %eq3A_2069 = arith.cmpi eq, %get3A_2063, %eq3A_2068 : vector<16xi32>
        %jit3A_2070 = arith.constant 1 : i32
        %jit3A_2071 = arith.constant 0 : i32
        %broadcast_in_dim3A_2072 = vector.broadcast %jit3A_2070 : i32 to vector<16xi32>
        %broadcast_in_dim3A_2073 = vector.broadcast %jit3A_2071 : i32 to vector<16xi32>
        %select_n3A_2074 = arith.select %eq3A_2069, %broadcast_in_dim3A_2072, %broadcast_in_dim3A_2073 : vector<16xi1>, vector<16xi32>
        %add3A_2075 = arith.addi %get3A_2066, %select_n3A_2074 : vector<16xi32>
        %swap3A_2076 = arith.constant 0 : index
        %swap3A_2077 = tpu.vector_load %arg8[%swap3A_2076] {strides = array<i32>} : memref<16xi32, #tpu.memory_space<vmem>>, vector<16xi32>,
        %swap3A_2078 = vector.shape_cast %swap3A_2077 : vector<16xi32> to vector<16xi32>
        %swap3A_2079 = vector.shape_cast %add3A_2075 : vector<16xi32> to vector<16xi32>
        tpu.vector_store %arg8[%swap3A_2076], %swap3A_2079 {strides = array<i32>} : memref<16xi32, #tpu.memory_space<vmem>>, vector<16xi32>,
        %min3A_2080 = arith.constant 786431 : i32
        %min3A_2081 = vector.broadcast %min3A_2080 : i32 to vector<16xi32>
        %min3A_2082 = arith.minsi %get3A_2063, %min3A_2081 : vector<16xi32>
        %swap3A_2083 = arith.constant 0 : i32
        %swap3A_2084 = arith.constant 0 : i32
        %swap3A_2085 = tpu.memref_slice %arg6[%scan3A_97, %swap3A_2083, %swap3A_2084] : memref<2x16x128xi32, #tpu.memory_space<vmem>> -> memref<1x16x128xi32, #tpu.memory_space<vmem>>
        %swap3A_2086 = tpu.memref_squeeze %swap3A_2085 : memref<1x16x128xi32, #tpu.memory_space<vmem>> -> memref<16x128xi32, #tpu.memory_space<vmem>>
        %swap3A_2087 = arith.index_cast %scan3A_1825 : i32 to index
        %swap3A_2088 = arith.constant 96 : index
        %swap3A_2089 = tpu.vector_load %swap3A_2086[%swap3A_2087, %swap3A_2088] {strides = array<i32>} : memref<16x128xi32, #tpu.memory_space<vmem>>, vector<1x16xi32>,
        %swap3A_2090 = vector.shape_cast %swap3A_2089 : vector<1x16xi32> to vector<16xi32>
        %swap3A_2091 = vector.shape_cast %min3A_2082 : vector<16xi32> to vector<1x16xi32>
        tpu.vector_store %swap3A_2086[%swap3A_2087, %swap3A_2088], %swap3A_2091 {strides = array<i32>} : memref<16x128xi32, #tpu.memory_space<vmem>>, vector<1x16xi32>,
        %mul3A_2092 = arith.constant 128 : i32
        %mul3A_2093 = arith.muli %scan3A_1825, %mul3A_2092 : i32
        %add3A_2094 = arith.constant 112 : i32
        %add3A_2095 = arith.addi %mul3A_2093, %add3A_2094 : i32
        %get3A_2096 = arith.constant 0 : i32
        %get3A_2097 = tpu.memref_slice %arg5[%scan3A_96, %get3A_2096] : memref<2x2048xi32, #tpu.memory_space<vmem>> -> memref<1x2048xi32, #tpu.memory_space<vmem>>
        %get3A_2098 = tpu.memref_squeeze %get3A_2097 : memref<1x2048xi32, #tpu.memory_space<vmem>> -> memref<2048xi32, #tpu.memory_space<vmem>>
        %get3A_2099 = arith.index_cast %add3A_2095 : i32 to index
        %get3A_2100 = tpu.vector_load %get3A_2098[%get3A_2099] {strides = array<i32>} : memref<2048xi32, #tpu.memory_space<vmem>>, vector<16xi32>,
        %get3A_2101 = vector.shape_cast %get3A_2100 : vector<16xi32> to vector<16xi32>
        %get3A_2102 = arith.constant 0 : index
        %get3A_2103 = tpu.vector_load %arg8[%get3A_2102] {strides = array<i32>} : memref<16xi32, #tpu.memory_space<vmem>>, vector<16xi32>,
        %get3A_2104 = vector.shape_cast %get3A_2103 : vector<16xi32> to vector<16xi32>
        %eq3A_2105 = arith.constant 786432 : i32
        %eq3A_2106 = vector.broadcast %eq3A_2105 : i32 to vector<16xi32>
        %eq3A_2107 = arith.cmpi eq, %get3A_2101, %eq3A_2106 : vector<16xi32>
        %jit3A_2108 = arith.constant 1 : i32
        %jit3A_2109 = arith.constant 0 : i32
        %broadcast_in_dim3A_2110 = vector.broadcast %jit3A_2108 : i32 to vector<16xi32>
        %broadcast_in_dim3A_2111 = vector.broadcast %jit3A_2109 : i32 to vector<16xi32>
        %select_n3A_2112 = arith.select %eq3A_2107, %broadcast_in_dim3A_2110, %broadcast_in_dim3A_2111 : vector<16xi1>, vector<16xi32>
        %add3A_2113 = arith.addi %get3A_2104, %select_n3A_2112 : vector<16xi32>
        %swap3A_2114 = arith.constant 0 : index
        %swap3A_2115 = tpu.vector_load %arg8[%swap3A_2114] {strides = array<i32>} : memref<16xi32, #tpu.memory_space<vmem>>, vector<16xi32>,
        %swap3A_2116 = vector.shape_cast %swap3A_2115 : vector<16xi32> to vector<16xi32>
        %swap3A_2117 = vector.shape_cast %add3A_2113 : vector<16xi32> to vector<16xi32>
        tpu.vector_store %arg8[%swap3A_2114], %swap3A_2117 {strides = array<i32>} : memref<16xi32, #tpu.memory_space<vmem>>, vector<16xi32>,
        %min3A_2118 = arith.constant 786431 : i32
        %min3A_2119 = vector.broadcast %min3A_2118 : i32 to vector<16xi32>
        %min3A_2120 = arith.minsi %get3A_2101, %min3A_2119 : vector<16xi32>
        %swap3A_2121 = arith.constant 0 : i32
        %swap3A_2122 = arith.constant 0 : i32
        %swap3A_2123 = tpu.memref_slice %arg6[%scan3A_97, %swap3A_2121, %swap3A_2122] : memref<2x16x128xi32, #tpu.memory_space<vmem>> -> memref<1x16x128xi32, #tpu.memory_space<vmem>>
        %swap3A_2124 = tpu.memref_squeeze %swap3A_2123 : memref<1x16x128xi32, #tpu.memory_space<vmem>> -> memref<16x128xi32, #tpu.memory_space<vmem>>
        %swap3A_2125 = arith.index_cast %scan3A_1825 : i32 to index
        %swap3A_2126 = arith.constant 112 : index
        %swap3A_2127 = tpu.vector_load %swap3A_2124[%swap3A_2125, %swap3A_2126] {strides = array<i32>} : memref<16x128xi32, #tpu.memory_space<vmem>>, vector<1x16xi32>,
        %swap3A_2128 = vector.shape_cast %swap3A_2127 : vector<1x16xi32> to vector<16xi32>
        %swap3A_2129 = vector.shape_cast %min3A_2120 : vector<16xi32> to vector<1x16xi32>
        tpu.vector_store %swap3A_2124[%swap3A_2125, %swap3A_2126], %swap3A_2129 {strides = array<i32>} : memref<16x128xi32, #tpu.memory_space<vmem>>, vector<1x16xi32>,
        %scan3A_2130 = arith.constant 0 : i32
        scf.yield %scan3A_2130 : i32
      }
      %scan3A_104 = arith.constant 16 : i32
      %get3A = arith.constant 0 : index
      %get3A_105 = tpu.vector_load %arg8[%get3A] {strides = array<i32>} : memref<16xi32, #tpu.memory_space<vmem>>, vector<16xi32>,
      %get3A_106 = vector.shape_cast %get3A_105 : vector<16xi32> to vector<16xi32>
      %slice3A = vector.extract_strided_slice %get3A_106 {offsets = [0], sizes = [1], strides = [1]} : vector<16xi32> to vector<1xi32>
      %squeeze3A = vector.extract %slice3A[0] : i32 from vector<1xi32>
      %add3A_107 = arith.constant 0 : i32
      %add3A_108 = arith.addi %add3A_107, %squeeze3A : i32
      %slice3A_109 = vector.extract_strided_slice %get3A_106 {offsets = [1], sizes = [1], strides = [1]} : vector<16xi32> to vector<1xi32>
      %squeeze3A_110 = vector.extract %slice3A_109[0] : i32 from vector<1xi32>
      %add3A_111 = arith.addi %add3A_108, %squeeze3A_110 : i32
      %slice3A_112 = vector.extract_strided_slice %get3A_106 {offsets = [2], sizes = [1], strides = [1]} : vector<16xi32> to vector<1xi32>
      %squeeze3A_113 = vector.extract %slice3A_112[0] : i32 from vector<1xi32>
      %add3A_114 = arith.addi %add3A_111, %squeeze3A_113 : i32
      %slice3A_115 = vector.extract_strided_slice %get3A_106 {offsets = [3], sizes = [1], strides = [1]} : vector<16xi32> to vector<1xi32>
      %squeeze3A_116 = vector.extract %slice3A_115[0] : i32 from vector<1xi32>
      %add3A_117 = arith.addi %add3A_114, %squeeze3A_116 : i32
      %slice3A_118 = vector.extract_strided_slice %get3A_106 {offsets = [4], sizes = [1], strides = [1]} : vector<16xi32> to vector<1xi32>
      %squeeze3A_119 = vector.extract %slice3A_118[0] : i32 from vector<1xi32>
      %add3A_120 = arith.addi %add3A_117, %squeeze3A_119 : i32
      %slice3A_121 = vector.extract_strided_slice %get3A_106 {offsets = [5], sizes = [1], strides = [1]} : vector<16xi32> to vector<1xi32>
      %squeeze3A_122 = vector.extract %slice3A_121[0] : i32 from vector<1xi32>
      %add3A_123 = arith.addi %add3A_120, %squeeze3A_122 : i32
      %slice3A_124 = vector.extract_strided_slice %get3A_106 {offsets = [6], sizes = [1], strides = [1]} : vector<16xi32> to vector<1xi32>
      %squeeze3A_125 = vector.extract %slice3A_124[0] : i32 from vector<1xi32>
      %add3A_126 = arith.addi %add3A_123, %squeeze3A_125 : i32
      %slice3A_127 = vector.extract_strided_slice %get3A_106 {offsets = [7], sizes = [1], strides = [1]} : vector<16xi32> to vector<1xi32>
      %squeeze3A_128 = vector.extract %slice3A_127[0] : i32 from vector<1xi32>
      %add3A_129 = arith.addi %add3A_126, %squeeze3A_128 : i32
      %slice3A_130 = vector.extract_strided_slice %get3A_106 {offsets = [8], sizes = [1], strides = [1]} : vector<16xi32> to vector<1xi32>
      %squeeze3A_131 = vector.extract %slice3A_130[0] : i32 from vector<1xi32>
      %add3A_132 = arith.addi %add3A_129, %squeeze3A_131 : i32
      %slice3A_133 = vector.extract_strided_slice %get3A_106 {offsets = [9], sizes = [1], strides = [1]} : vector<16xi32> to vector<1xi32>
      %squeeze3A_134 = vector.extract %slice3A_133[0] : i32 from vector<1xi32>
      %add3A_135 = arith.addi %add3A_132, %squeeze3A_134 : i32
      %slice3A_136 = vector.extract_strided_slice %get3A_106 {offsets = [10], sizes = [1], strides = [1]} : vector<16xi32> to vector<1xi32>
      %squeeze3A_137 = vector.extract %slice3A_136[0] : i32 from vector<1xi32>
      %add3A_138 = arith.addi %add3A_135, %squeeze3A_137 : i32
      %slice3A_139 = vector.extract_strided_slice %get3A_106 {offsets = [11], sizes = [1], strides = [1]} : vector<16xi32> to vector<1xi32>
      %squeeze3A_140 = vector.extract %slice3A_139[0] : i32 from vector<1xi32>
      %add3A_141 = arith.addi %add3A_138, %squeeze3A_140 : i32
      %slice3A_142 = vector.extract_strided_slice %get3A_106 {offsets = [12], sizes = [1], strides = [1]} : vector<16xi32> to vector<1xi32>
      %squeeze3A_143 = vector.extract %slice3A_142[0] : i32 from vector<1xi32>
      %add3A_144 = arith.addi %add3A_141, %squeeze3A_143 : i32
      %slice3A_145 = vector.extract_strided_slice %get3A_106 {offsets = [13], sizes = [1], strides = [1]} : vector<16xi32> to vector<1xi32>
      %squeeze3A_146 = vector.extract %slice3A_145[0] : i32 from vector<1xi32>
      %add3A_147 = arith.addi %add3A_144, %squeeze3A_146 : i32
      %slice3A_148 = vector.extract_strided_slice %get3A_106 {offsets = [14], sizes = [1], strides = [1]} : vector<16xi32> to vector<1xi32>
      %squeeze3A_149 = vector.extract %slice3A_148[0] : i32 from vector<1xi32>
      %add3A_150 = arith.addi %add3A_147, %squeeze3A_149 : i32
      %slice3A_151 = vector.extract_strided_slice %get3A_106 {offsets = [15], sizes = [1], strides = [1]} : vector<16xi32> to vector<1xi32>
      %squeeze3A_152 = vector.extract %slice3A_151[0] : i32 from vector<1xi32>
      %add3A_153 = arith.addi %add3A_150, %squeeze3A_152 : i32
      %dma_start3A = arith.constant 0 : i32
      %dma_start3A_154 = arith.constant 0 : i32
      %dma_start3A_155 = arith.constant 0 : i32
      %dma_start3A_156 = arith.constant 0 : i32
      %dma_start3A_157 = arith.constant 0 : i32
      %dma_start3A_158 = tpu.memref_slice %arg7[%dma_start3A_155, %dma_start3A_156, %dma_start3A_157] : memref<2x2048x16xf32, #tpu.memory_space<vmem>> -> memref<1x2048x16xf32, #tpu.memory_space<vmem>>
      %dma_start3A_159 = tpu.memref_squeeze %dma_start3A_158 : memref<1x2048x16xf32, #tpu.memory_space<vmem>> -> memref<2048x16xf32, #tpu.memory_space<vmem>>
      %dma_start3A_160 = arith.constant 0 : i32
      %dma_start3A_161 = arith.constant 0 : i32
      %dma_start3A_162 = tpu.memref_slice %dma_start3A_159[%dma_start3A_160, %dma_start3A_161] : memref<2048x16xf32, #tpu.memory_space<vmem>> -> memref<128x16xf32, #tpu.memory_space<vmem>>
      %dma_start3A_163 = arith.constant 0 : i32
      %dma_start3A_164 = arith.constant 0 : i32
      %dma_start3A_165 = tpu.memref_slice %arg6[%dma_start3A, %dma_start3A_163, %dma_start3A_164] : memref<2x16x128xi32, #tpu.memory_space<vmem>> -> memref<1x16x128xi32, #tpu.memory_space<vmem>>
      %dma_start3A_166 = tpu.memref_squeeze %dma_start3A_165 : memref<1x16x128xi32, #tpu.memory_space<vmem>> -> memref<16x128xi32, #tpu.memory_space<vmem>>
      %dma_start3A_167 = arith.constant 0 : i32
      %dma_start3A_168 = tpu.memref_slice %dma_start3A_166[%dma_start3A_154, %dma_start3A_167] : memref<16x128xi32, #tpu.memory_space<vmem>> -> memref<1x128xi32, #tpu.memory_space<vmem>>
      %dma_start3A_169 = tpu.memref_squeeze %dma_start3A_168 : memref<1x128xi32, #tpu.memory_space<vmem>> -> memref<128xi32, #tpu.memory_space<vmem>>
      %dma_start3A_170 = arith.constant 0 : i32
      %dma_start3A_171 = arith.constant 0 : i32
      %dma_start3A_172 = tpu.memref_slice %arg2[%select_n3A, %dma_start3A_170, %dma_start3A_171] : memref<4x786432x16xf32, #tpu.memory_space<hbm>> -> memref<1x786432x16xf32, #tpu.memory_space<hbm>>
      %dma_start3A_173 = tpu.memref_squeeze %dma_start3A_172 : memref<1x786432x16xf32, #tpu.memory_space<hbm>> -> memref<786432x16xf32, #tpu.memory_space<hbm>>
      %dma_start3A_174 = arith.constant 0 : i32
      %dma_start3A_175 = arith.constant 0 : i32
      %dma_start3A_176 = tpu.memref_slice %dma_start3A_173[%dma_start3A_174, %dma_start3A_175] : memref<786432x16xf32, #tpu.memory_space<hbm>> -> memref<786432x16xf32, #tpu.memory_space<hbm>>
      tpu.enqueue_indirect_dma source(%dma_start3A_176 : memref<786432x16xf32, #tpu.memory_space<hbm>>) target(%dma_start3A_162 : memref<128x16xf32, #tpu.memory_space<vmem>>) offsets(%dma_start3A_169 : memref<128xi32, #tpu.memory_space<vmem>>) semaphore(%arg9 : memref<!tpu.dma_semaphore, #tpu.memory_space<semaphore_mem>>)
      %dma_start3A_177 = arith.constant 0 : i32
      %dma_start3A_178 = arith.constant 1 : i32
      %dma_start3A_179 = arith.constant 0 : i32
      %dma_start3A_180 = arith.constant 0 : i32
      %dma_start3A_181 = arith.constant 0 : i32
      %dma_start3A_182 = tpu.memref_slice %arg7[%dma_start3A_179, %dma_start3A_180, %dma_start3A_181] : memref<2x2048x16xf32, #tpu.memory_space<vmem>> -> memref<1x2048x16xf32, #tpu.memory_space<vmem>>
      %dma_start3A_183 = tpu.memref_squeeze %dma_start3A_182 : memref<1x2048x16xf32, #tpu.memory_space<vmem>> -> memref<2048x16xf32, #tpu.memory_space<vmem>>
      %dma_start3A_184 = arith.constant 128 : i32
      %dma_start3A_185 = arith.constant 0 : i32
      %dma_start3A_186 = tpu.memref_slice %dma_start3A_183[%dma_start3A_184, %dma_start3A_185] : memref<2048x16xf32, #tpu.memory_space<vmem>> -> memref<128x16xf32, #tpu.memory_space<vmem>>
      %dma_start3A_187 = arith.constant 0 : i32
      %dma_start3A_188 = arith.constant 0 : i32
      %dma_start3A_189 = tpu.memref_slice %arg6[%dma_start3A_177, %dma_start3A_187, %dma_start3A_188] : memref<2x16x128xi32, #tpu.memory_space<vmem>> -> memref<1x16x128xi32, #tpu.memory_space<vmem>>
      %dma_start3A_190 = tpu.memref_squeeze %dma_start3A_189 : memref<1x16x128xi32, #tpu.memory_space<vmem>> -> memref<16x128xi32, #tpu.memory_space<vmem>>
      %dma_start3A_191 = arith.constant 0 : i32
      %dma_start3A_192 = tpu.memref_slice %dma_start3A_190[%dma_start3A_178, %dma_start3A_191] : memref<16x128xi32, #tpu.memory_space<vmem>> -> memref<1x128xi32, #tpu.memory_space<vmem>>
      %dma_start3A_193 = tpu.memref_squeeze %dma_start3A_192 : memref<1x128xi32, #tpu.memory_space<vmem>> -> memref<128xi32, #tpu.memory_space<vmem>>
      %dma_start3A_194 = arith.constant 0 : i32
      %dma_start3A_195 = arith.constant 0 : i32
      %dma_start3A_196 = tpu.memref_slice %arg2[%select_n3A, %dma_start3A_194, %dma_start3A_195] : memref<4x786432x16xf32, #tpu.memory_space<hbm>> -> memref<1x786432x16xf32, #tpu.memory_space<hbm>>
      %dma_start3A_197 = tpu.memref_squeeze %dma_start3A_196 : memref<1x786432x16xf32, #tpu.memory_space<hbm>> -> memref<786432x16xf32, #tpu.memory_space<hbm>>
      %dma_start3A_198 = arith.constant 0 : i32
      %dma_start3A_199 = arith.constant 0 : i32
      %dma_start3A_200 = tpu.memref_slice %dma_start3A_197[%dma_start3A_198, %dma_start3A_199] : memref<786432x16xf32, #tpu.memory_space<hbm>> -> memref<786432x16xf32, #tpu.memory_space<hbm>>
      tpu.enqueue_indirect_dma source(%dma_start3A_200 : memref<786432x16xf32, #tpu.memory_space<hbm>>) target(%dma_start3A_186 : memref<128x16xf32, #tpu.memory_space<vmem>>) offsets(%dma_start3A_193 : memref<128xi32, #tpu.memory_space<vmem>>) semaphore(%arg9 : memref<!tpu.dma_semaphore, #tpu.memory_space<semaphore_mem>>)
      %dma_start3A_201 = arith.constant 0 : i32
      %dma_start3A_202 = arith.constant 2 : i32
      %dma_start3A_203 = arith.constant 0 : i32
      %dma_start3A_204 = arith.constant 0 : i32
      %dma_start3A_205 = arith.constant 0 : i32
      %dma_start3A_206 = tpu.memref_slice %arg7[%dma_start3A_203, %dma_start3A_204, %dma_start3A_205] : memref<2x2048x16xf32, #tpu.memory_space<vmem>> -> memref<1x2048x16xf32, #tpu.memory_space<vmem>>
      %dma_start3A_207 = tpu.memref_squeeze %dma_start3A_206 : memref<1x2048x16xf32, #tpu.memory_space<vmem>> -> memref<2048x16xf32, #tpu.memory_space<vmem>>
      %dma_start3A_208 = arith.constant 256 : i32
      %dma_start3A_209 = arith.constant 0 : i32
      %dma_start3A_210 = tpu.memref_slice %dma_start3A_207[%dma_start3A_208, %dma_start3A_209] : memref<2048x16xf32, #tpu.memory_space<vmem>> -> memref<128x16xf32, #tpu.memory_space<vmem>>
      %dma_start3A_211 = arith.constant 0 : i32
      %dma_start3A_212 = arith.constant 0 : i32
      %dma_start3A_213 = tpu.memref_slice %arg6[%dma_start3A_201, %dma_start3A_211, %dma_start3A_212] : memref<2x16x128xi32, #tpu.memory_space<vmem>> -> memref<1x16x128xi32, #tpu.memory_space<vmem>>
      %dma_start3A_214 = tpu.memref_squeeze %dma_start3A_213 : memref<1x16x128xi32, #tpu.memory_space<vmem>> -> memref<16x128xi32, #tpu.memory_space<vmem>>
      %dma_start3A_215 = arith.constant 0 : i32
      %dma_start3A_216 = tpu.memref_slice %dma_start3A_214[%dma_start3A_202, %dma_start3A_215] : memref<16x128xi32, #tpu.memory_space<vmem>> -> memref<1x128xi32, #tpu.memory_space<vmem>>
      %dma_start3A_217 = tpu.memref_squeeze %dma_start3A_216 : memref<1x128xi32, #tpu.memory_space<vmem>> -> memref<128xi32, #tpu.memory_space<vmem>>
      %dma_start3A_218 = arith.constant 0 : i32
      %dma_start3A_219 = arith.constant 0 : i32
      %dma_start3A_220 = tpu.memref_slice %arg2[%select_n3A, %dma_start3A_218, %dma_start3A_219] : memref<4x786432x16xf32, #tpu.memory_space<hbm>> -> memref<1x786432x16xf32, #tpu.memory_space<hbm>>
      %dma_start3A_221 = tpu.memref_squeeze %dma_start3A_220 : memref<1x786432x16xf32, #tpu.memory_space<hbm>> -> memref<786432x16xf32, #tpu.memory_space<hbm>>
      %dma_start3A_222 = arith.constant 0 : i32
      %dma_start3A_223 = arith.constant 0 : i32
      %dma_start3A_224 = tpu.memref_slice %dma_start3A_221[%dma_start3A_222, %dma_start3A_223] : memref<786432x16xf32, #tpu.memory_space<hbm>> -> memref<786432x16xf32, #tpu.memory_space<hbm>>
      tpu.enqueue_indirect_dma source(%dma_start3A_224 : memref<786432x16xf32, #tpu.memory_space<hbm>>) target(%dma_start3A_210 : memref<128x16xf32, #tpu.memory_space<vmem>>) offsets(%dma_start3A_217 : memref<128xi32, #tpu.memory_space<vmem>>) semaphore(%arg9 : memref<!tpu.dma_semaphore, #tpu.memory_space<semaphore_mem>>)
      %dma_start3A_225 = arith.constant 0 : i32
      %dma_start3A_226 = arith.constant 3 : i32
      %dma_start3A_227 = arith.constant 0 : i32
      %dma_start3A_228 = arith.constant 0 : i32
      %dma_start3A_229 = arith.constant 0 : i32
      %dma_start3A_230 = tpu.memref_slice %arg7[%dma_start3A_227, %dma_start3A_228, %dma_start3A_229] : memref<2x2048x16xf32, #tpu.memory_space<vmem>> -> memref<1x2048x16xf32, #tpu.memory_space<vmem>>
      %dma_start3A_231 = tpu.memref_squeeze %dma_start3A_230 : memref<1x2048x16xf32, #tpu.memory_space<vmem>> -> memref<2048x16xf32, #tpu.memory_space<vmem>>
      %dma_start3A_232 = arith.constant 384 : i32
      %dma_start3A_233 = arith.constant 0 : i32
      %dma_start3A_234 = tpu.memref_slice %dma_start3A_231[%dma_start3A_232, %dma_start3A_233] : memref<2048x16xf32, #tpu.memory_space<vmem>> -> memref<128x16xf32, #tpu.memory_space<vmem>>
      %dma_start3A_235 = arith.constant 0 : i32
      %dma_start3A_236 = arith.constant 0 : i32
      %dma_start3A_237 = tpu.memref_slice %arg6[%dma_start3A_225, %dma_start3A_235, %dma_start3A_236] : memref<2x16x128xi32, #tpu.memory_space<vmem>> -> memref<1x16x128xi32, #tpu.memory_space<vmem>>
      %dma_start3A_238 = tpu.memref_squeeze %dma_start3A_237 : memref<1x16x128xi32, #tpu.memory_space<vmem>> -> memref<16x128xi32, #tpu.memory_space<vmem>>
      %dma_start3A_239 = arith.constant 0 : i32
      %dma_start3A_240 = tpu.memref_slice %dma_start3A_238[%dma_start3A_226, %dma_start3A_239] : memref<16x128xi32, #tpu.memory_space<vmem>> -> memref<1x128xi32, #tpu.memory_space<vmem>>
      %dma_start3A_241 = tpu.memref_squeeze %dma_start3A_240 : memref<1x128xi32, #tpu.memory_space<vmem>> -> memref<128xi32, #tpu.memory_space<vmem>>
      %dma_start3A_242 = arith.constant 0 : i32
      %dma_start3A_243 = arith.constant 0 : i32
      %dma_start3A_244 = tpu.memref_slice %arg2[%select_n3A, %dma_start3A_242, %dma_start3A_243] : memref<4x786432x16xf32, #tpu.memory_space<hbm>> -> memref<1x786432x16xf32, #tpu.memory_space<hbm>>
      %dma_start3A_245 = tpu.memref_squeeze %dma_start3A_244 : memref<1x786432x16xf32, #tpu.memory_space<hbm>> -> memref<786432x16xf32, #tpu.memory_space<hbm>>
      %dma_start3A_246 = arith.constant 0 : i32
      %dma_start3A_247 = arith.constant 0 : i32
      %dma_start3A_248 = tpu.memref_slice %dma_start3A_245[%dma_start3A_246, %dma_start3A_247] : memref<786432x16xf32, #tpu.memory_space<hbm>> -> memref<786432x16xf32, #tpu.memory_space<hbm>>
      tpu.enqueue_indirect_dma source(%dma_start3A_248 : memref<786432x16xf32, #tpu.memory_space<hbm>>) target(%dma_start3A_234 : memref<128x16xf32, #tpu.memory_space<vmem>>) offsets(%dma_start3A_241 : memref<128xi32, #tpu.memory_space<vmem>>) semaphore(%arg9 : memref<!tpu.dma_semaphore, #tpu.memory_space<semaphore_mem>>)
      %dma_start3A_249 = arith.constant 0 : i32
      %dma_start3A_250 = arith.constant 4 : i32
      %dma_start3A_251 = arith.constant 0 : i32
      %dma_start3A_252 = arith.constant 0 : i32
      %dma_start3A_253 = arith.constant 0 : i32
      %dma_start3A_254 = tpu.memref_slice %arg7[%dma_start3A_251, %dma_start3A_252, %dma_start3A_253] : memref<2x2048x16xf32, #tpu.memory_space<vmem>> -> memref<1x2048x16xf32, #tpu.memory_space<vmem>>
      %dma_start3A_255 = tpu.memref_squeeze %dma_start3A_254 : memref<1x2048x16xf32, #tpu.memory_space<vmem>> -> memref<2048x16xf32, #tpu.memory_space<vmem>>
      %dma_start3A_256 = arith.constant 512 : i32
      %dma_start3A_257 = arith.constant 0 : i32
      %dma_start3A_258 = tpu.memref_slice %dma_start3A_255[%dma_start3A_256, %dma_start3A_257] : memref<2048x16xf32, #tpu.memory_space<vmem>> -> memref<128x16xf32, #tpu.memory_space<vmem>>
      %dma_start3A_259 = arith.constant 0 : i32
      %dma_start3A_260 = arith.constant 0 : i32
      %dma_start3A_261 = tpu.memref_slice %arg6[%dma_start3A_249, %dma_start3A_259, %dma_start3A_260] : memref<2x16x128xi32, #tpu.memory_space<vmem>> -> memref<1x16x128xi32, #tpu.memory_space<vmem>>
      %dma_start3A_262 = tpu.memref_squeeze %dma_start3A_261 : memref<1x16x128xi32, #tpu.memory_space<vmem>> -> memref<16x128xi32, #tpu.memory_space<vmem>>
      %dma_start3A_263 = arith.constant 0 : i32
      %dma_start3A_264 = tpu.memref_slice %dma_start3A_262[%dma_start3A_250, %dma_start3A_263] : memref<16x128xi32, #tpu.memory_space<vmem>> -> memref<1x128xi32, #tpu.memory_space<vmem>>
      %dma_start3A_265 = tpu.memref_squeeze %dma_start3A_264 : memref<1x128xi32, #tpu.memory_space<vmem>> -> memref<128xi32, #tpu.memory_space<vmem>>
      %dma_start3A_266 = arith.constant 0 : i32
      %dma_start3A_267 = arith.constant 0 : i32
      %dma_start3A_268 = tpu.memref_slice %arg2[%select_n3A, %dma_start3A_266, %dma_start3A_267] : memref<4x786432x16xf32, #tpu.memory_space<hbm>> -> memref<1x786432x16xf32, #tpu.memory_space<hbm>>
      %dma_start3A_269 = tpu.memref_squeeze %dma_start3A_268 : memref<1x786432x16xf32, #tpu.memory_space<hbm>> -> memref<786432x16xf32, #tpu.memory_space<hbm>>
      %dma_start3A_270 = arith.constant 0 : i32
      %dma_start3A_271 = arith.constant 0 : i32
      %dma_start3A_272 = tpu.memref_slice %dma_start3A_269[%dma_start3A_270, %dma_start3A_271] : memref<786432x16xf32, #tpu.memory_space<hbm>> -> memref<786432x16xf32, #tpu.memory_space<hbm>>
      tpu.enqueue_indirect_dma source(%dma_start3A_272 : memref<786432x16xf32, #tpu.memory_space<hbm>>) target(%dma_start3A_258 : memref<128x16xf32, #tpu.memory_space<vmem>>) offsets(%dma_start3A_265 : memref<128xi32, #tpu.memory_space<vmem>>) semaphore(%arg9 : memref<!tpu.dma_semaphore, #tpu.memory_space<semaphore_mem>>)
      %dma_start3A_273 = arith.constant 0 : i32
      %dma_start3A_274 = arith.constant 5 : i32
      %dma_start3A_275 = arith.constant 0 : i32
      %dma_start3A_276 = arith.constant 0 : i32
      %dma_start3A_277 = arith.constant 0 : i32
      %dma_start3A_278 = tpu.memref_slice %arg7[%dma_start3A_275, %dma_start3A_276, %dma_start3A_277] : memref<2x2048x16xf32, #tpu.memory_space<vmem>> -> memref<1x2048x16xf32, #tpu.memory_space<vmem>>
      %dma_start3A_279 = tpu.memref_squeeze %dma_start3A_278 : memref<1x2048x16xf32, #tpu.memory_space<vmem>> -> memref<2048x16xf32, #tpu.memory_space<vmem>>
      %dma_start3A_280 = arith.constant 640 : i32
      %dma_start3A_281 = arith.constant 0 : i32
      %dma_start3A_282 = tpu.memref_slice %dma_start3A_279[%dma_start3A_280, %dma_start3A_281] : memref<2048x16xf32, #tpu.memory_space<vmem>> -> memref<128x16xf32, #tpu.memory_space<vmem>>
      %dma_start3A_283 = arith.constant 0 : i32
      %dma_start3A_284 = arith.constant 0 : i32
      %dma_start3A_285 = tpu.memref_slice %arg6[%dma_start3A_273, %dma_start3A_283, %dma_start3A_284] : memref<2x16x128xi32, #tpu.memory_space<vmem>> -> memref<1x16x128xi32, #tpu.memory_space<vmem>>
      %dma_start3A_286 = tpu.memref_squeeze %dma_start3A_285 : memref<1x16x128xi32, #tpu.memory_space<vmem>> -> memref<16x128xi32, #tpu.memory_space<vmem>>
      %dma_start3A_287 = arith.constant 0 : i32
      %dma_start3A_288 = tpu.memref_slice %dma_start3A_286[%dma_start3A_274, %dma_start3A_287] : memref<16x128xi32, #tpu.memory_space<vmem>> -> memref<1x128xi32, #tpu.memory_space<vmem>>
      %dma_start3A_289 = tpu.memref_squeeze %dma_start3A_288 : memref<1x128xi32, #tpu.memory_space<vmem>> -> memref<128xi32, #tpu.memory_space<vmem>>
      %dma_start3A_290 = arith.constant 0 : i32
      %dma_start3A_291 = arith.constant 0 : i32
      %dma_start3A_292 = tpu.memref_slice %arg2[%select_n3A, %dma_start3A_290, %dma_start3A_291] : memref<4x786432x16xf32, #tpu.memory_space<hbm>> -> memref<1x786432x16xf32, #tpu.memory_space<hbm>>
      %dma_start3A_293 = tpu.memref_squeeze %dma_start3A_292 : memref<1x786432x16xf32, #tpu.memory_space<hbm>> -> memref<786432x16xf32, #tpu.memory_space<hbm>>
      %dma_start3A_294 = arith.constant 0 : i32
      %dma_start3A_295 = arith.constant 0 : i32
      %dma_start3A_296 = tpu.memref_slice %dma_start3A_293[%dma_start3A_294, %dma_start3A_295] : memref<786432x16xf32, #tpu.memory_space<hbm>> -> memref<786432x16xf32, #tpu.memory_space<hbm>>
      tpu.enqueue_indirect_dma source(%dma_start3A_296 : memref<786432x16xf32, #tpu.memory_space<hbm>>) target(%dma_start3A_282 : memref<128x16xf32, #tpu.memory_space<vmem>>) offsets(%dma_start3A_289 : memref<128xi32, #tpu.memory_space<vmem>>) semaphore(%arg9 : memref<!tpu.dma_semaphore, #tpu.memory_space<semaphore_mem>>)
      %dma_start3A_297 = arith.constant 0 : i32
      %dma_start3A_298 = arith.constant 6 : i32
      %dma_start3A_299 = arith.constant 0 : i32
      %dma_start3A_300 = arith.constant 0 : i32
      %dma_start3A_301 = arith.constant 0 : i32
      %dma_start3A_302 = tpu.memref_slice %arg7[%dma_start3A_299, %dma_start3A_300, %dma_start3A_301] : memref<2x2048x16xf32, #tpu.memory_space<vmem>> -> memref<1x2048x16xf32, #tpu.memory_space<vmem>>
      %dma_start3A_303 = tpu.memref_squeeze %dma_start3A_302 : memref<1x2048x16xf32, #tpu.memory_space<vmem>> -> memref<2048x16xf32, #tpu.memory_space<vmem>>
      %dma_start3A_304 = arith.constant 768 : i32
      %dma_start3A_305 = arith.constant 0 : i32
      %dma_start3A_306 = tpu.memref_slice %dma_start3A_303[%dma_start3A_304, %dma_start3A_305] : memref<2048x16xf32, #tpu.memory_space<vmem>> -> memref<128x16xf32, #tpu.memory_space<vmem>>
      %dma_start3A_307 = arith.constant 0 : i32
      %dma_start3A_308 = arith.constant 0 : i32
      %dma_start3A_309 = tpu.memref_slice %arg6[%dma_start3A_297, %dma_start3A_307, %dma_start3A_308] : memref<2x16x128xi32, #tpu.memory_space<vmem>> -> memref<1x16x128xi32, #tpu.memory_space<vmem>>
      %dma_start3A_310 = tpu.memref_squeeze %dma_start3A_309 : memref<1x16x128xi32, #tpu.memory_space<vmem>> -> memref<16x128xi32, #tpu.memory_space<vmem>>
      %dma_start3A_311 = arith.constant 0 : i32
      %dma_start3A_312 = tpu.memref_slice %dma_start3A_310[%dma_start3A_298, %dma_start3A_311] : memref<16x128xi32, #tpu.memory_space<vmem>> -> memref<1x128xi32, #tpu.memory_space<vmem>>
      %dma_start3A_313 = tpu.memref_squeeze %dma_start3A_312 : memref<1x128xi32, #tpu.memory_space<vmem>> -> memref<128xi32, #tpu.memory_space<vmem>>
      %dma_start3A_314 = arith.constant 0 : i32
      %dma_start3A_315 = arith.constant 0 : i32
      %dma_start3A_316 = tpu.memref_slice %arg2[%select_n3A, %dma_start3A_314, %dma_start3A_315] : memref<4x786432x16xf32, #tpu.memory_space<hbm>> -> memref<1x786432x16xf32, #tpu.memory_space<hbm>>
      %dma_start3A_317 = tpu.memref_squeeze %dma_start3A_316 : memref<1x786432x16xf32, #tpu.memory_space<hbm>> -> memref<786432x16xf32, #tpu.memory_space<hbm>>
      %dma_start3A_318 = arith.constant 0 : i32
      %dma_start3A_319 = arith.constant 0 : i32
      %dma_start3A_320 = tpu.memref_slice %dma_start3A_317[%dma_start3A_318, %dma_start3A_319] : memref<786432x16xf32, #tpu.memory_space<hbm>> -> memref<786432x16xf32, #tpu.memory_space<hbm>>
      tpu.enqueue_indirect_dma source(%dma_start3A_320 : memref<786432x16xf32, #tpu.memory_space<hbm>>) target(%dma_start3A_306 : memref<128x16xf32, #tpu.memory_space<vmem>>) offsets(%dma_start3A_313 : memref<128xi32, #tpu.memory_space<vmem>>) semaphore(%arg9 : memref<!tpu.dma_semaphore, #tpu.memory_space<semaphore_mem>>)
      %dma_start3A_321 = arith.constant 0 : i32
      %dma_start3A_322 = arith.constant 7 : i32
      %dma_start3A_323 = arith.constant 0 : i32
      %dma_start3A_324 = arith.constant 0 : i32
      %dma_start3A_325 = arith.constant 0 : i32
      %dma_start3A_326 = tpu.memref_slice %arg7[%dma_start3A_323, %dma_start3A_324, %dma_start3A_325] : memref<2x2048x16xf32, #tpu.memory_space<vmem>> -> memref<1x2048x16xf32, #tpu.memory_space<vmem>>
      %dma_start3A_327 = tpu.memref_squeeze %dma_start3A_326 : memref<1x2048x16xf32, #tpu.memory_space<vmem>> -> memref<2048x16xf32, #tpu.memory_space<vmem>>
      %dma_start3A_328 = arith.constant 896 : i32
      %dma_start3A_329 = arith.constant 0 : i32
      %dma_start3A_330 = tpu.memref_slice %dma_start3A_327[%dma_start3A_328, %dma_start3A_329] : memref<2048x16xf32, #tpu.memory_space<vmem>> -> memref<128x16xf32, #tpu.memory_space<vmem>>
      %dma_start3A_331 = arith.constant 0 : i32
      %dma_start3A_332 = arith.constant 0 : i32
      %dma_start3A_333 = tpu.memref_slice %arg6[%dma_start3A_321, %dma_start3A_331, %dma_start3A_332] : memref<2x16x128xi32, #tpu.memory_space<vmem>> -> memref<1x16x128xi32, #tpu.memory_space<vmem>>
      %dma_start3A_334 = tpu.memref_squeeze %dma_start3A_333 : memref<1x16x128xi32, #tpu.memory_space<vmem>> -> memref<16x128xi32, #tpu.memory_space<vmem>>
      %dma_start3A_335 = arith.constant 0 : i32
      %dma_start3A_336 = tpu.memref_slice %dma_start3A_334[%dma_start3A_322, %dma_start3A_335] : memref<16x128xi32, #tpu.memory_space<vmem>> -> memref<1x128xi32, #tpu.memory_space<vmem>>
      %dma_start3A_337 = tpu.memref_squeeze %dma_start3A_336 : memref<1x128xi32, #tpu.memory_space<vmem>> -> memref<128xi32, #tpu.memory_space<vmem>>
      %dma_start3A_338 = arith.constant 0 : i32
      %dma_start3A_339 = arith.constant 0 : i32
      %dma_start3A_340 = tpu.memref_slice %arg2[%select_n3A, %dma_start3A_338, %dma_start3A_339] : memref<4x786432x16xf32, #tpu.memory_space<hbm>> -> memref<1x786432x16xf32, #tpu.memory_space<hbm>>
      %dma_start3A_341 = tpu.memref_squeeze %dma_start3A_340 : memref<1x786432x16xf32, #tpu.memory_space<hbm>> -> memref<786432x16xf32, #tpu.memory_space<hbm>>
      %dma_start3A_342 = arith.constant 0 : i32
      %dma_start3A_343 = arith.constant 0 : i32
      %dma_start3A_344 = tpu.memref_slice %dma_start3A_341[%dma_start3A_342, %dma_start3A_343] : memref<786432x16xf32, #tpu.memory_space<hbm>> -> memref<786432x16xf32, #tpu.memory_space<hbm>>
      tpu.enqueue_indirect_dma source(%dma_start3A_344 : memref<786432x16xf32, #tpu.memory_space<hbm>>) target(%dma_start3A_330 : memref<128x16xf32, #tpu.memory_space<vmem>>) offsets(%dma_start3A_337 : memref<128xi32, #tpu.memory_space<vmem>>) semaphore(%arg9 : memref<!tpu.dma_semaphore, #tpu.memory_space<semaphore_mem>>)
      %dma_start3A_345 = arith.constant 0 : i32
      %dma_start3A_346 = arith.constant 8 : i32
      %dma_start3A_347 = arith.constant 0 : i32
      %dma_start3A_348 = arith.constant 0 : i32
      %dma_start3A_349 = arith.constant 0 : i32
      %dma_start3A_350 = tpu.memref_slice %arg7[%dma_start3A_347, %dma_start3A_348, %dma_start3A_349] : memref<2x2048x16xf32, #tpu.memory_space<vmem>> -> memref<1x2048x16xf32, #tpu.memory_space<vmem>>
      %dma_start3A_351 = tpu.memref_squeeze %dma_start3A_350 : memref<1x2048x16xf32, #tpu.memory_space<vmem>> -> memref<2048x16xf32, #tpu.memory_space<vmem>>
      %dma_start3A_352 = arith.constant 1024 : i32
      %dma_start3A_353 = arith.constant 0 : i32
      %dma_start3A_354 = tpu.memref_slice %dma_start3A_351[%dma_start3A_352, %dma_start3A_353] : memref<2048x16xf32, #tpu.memory_space<vmem>> -> memref<128x16xf32, #tpu.memory_space<vmem>>
      %dma_start3A_355 = arith.constant 0 : i32
      %dma_start3A_356 = arith.constant 0 : i32
      %dma_start3A_357 = tpu.memref_slice %arg6[%dma_start3A_345, %dma_start3A_355, %dma_start3A_356] : memref<2x16x128xi32, #tpu.memory_space<vmem>> -> memref<1x16x128xi32, #tpu.memory_space<vmem>>
      %dma_start3A_358 = tpu.memref_squeeze %dma_start3A_357 : memref<1x16x128xi32, #tpu.memory_space<vmem>> -> memref<16x128xi32, #tpu.memory_space<vmem>>
      %dma_start3A_359 = arith.constant 0 : i32
      %dma_start3A_360 = tpu.memref_slice %dma_start3A_358[%dma_start3A_346, %dma_start3A_359] : memref<16x128xi32, #tpu.memory_space<vmem>> -> memref<1x128xi32, #tpu.memory_space<vmem>>
      %dma_start3A_361 = tpu.memref_squeeze %dma_start3A_360 : memref<1x128xi32, #tpu.memory_space<vmem>> -> memref<128xi32, #tpu.memory_space<vmem>>
      %dma_start3A_362 = arith.constant 0 : i32
      %dma_start3A_363 = arith.constant 0 : i32
      %dma_start3A_364 = tpu.memref_slice %arg2[%select_n3A, %dma_start3A_362, %dma_start3A_363] : memref<4x786432x16xf32, #tpu.memory_space<hbm>> -> memref<1x786432x16xf32, #tpu.memory_space<hbm>>
      %dma_start3A_365 = tpu.memref_squeeze %dma_start3A_364 : memref<1x786432x16xf32, #tpu.memory_space<hbm>> -> memref<786432x16xf32, #tpu.memory_space<hbm>>
      %dma_start3A_366 = arith.constant 0 : i32
      %dma_start3A_367 = arith.constant 0 : i32
      %dma_start3A_368 = tpu.memref_slice %dma_start3A_365[%dma_start3A_366, %dma_start3A_367] : memref<786432x16xf32, #tpu.memory_space<hbm>> -> memref<786432x16xf32, #tpu.memory_space<hbm>>
      tpu.enqueue_indirect_dma source(%dma_start3A_368 : memref<786432x16xf32, #tpu.memory_space<hbm>>) target(%dma_start3A_354 : memref<128x16xf32, #tpu.memory_space<vmem>>) offsets(%dma_start3A_361 : memref<128xi32, #tpu.memory_space<vmem>>) semaphore(%arg9 : memref<!tpu.dma_semaphore, #tpu.memory_space<semaphore_mem>>)
      %dma_start3A_369 = arith.constant 0 : i32
      %dma_start3A_370 = arith.constant 9 : i32
      %dma_start3A_371 = arith.constant 0 : i32
      %dma_start3A_372 = arith.constant 0 : i32
      %dma_start3A_373 = arith.constant 0 : i32
      %dma_start3A_374 = tpu.memref_slice %arg7[%dma_start3A_371, %dma_start3A_372, %dma_start3A_373] : memref<2x2048x16xf32, #tpu.memory_space<vmem>> -> memref<1x2048x16xf32, #tpu.memory_space<vmem>>
      %dma_start3A_375 = tpu.memref_squeeze %dma_start3A_374 : memref<1x2048x16xf32, #tpu.memory_space<vmem>> -> memref<2048x16xf32, #tpu.memory_space<vmem>>
      %dma_start3A_376 = arith.constant 1152 : i32
      %dma_start3A_377 = arith.constant 0 : i32
      %dma_start3A_378 = tpu.memref_slice %dma_start3A_375[%dma_start3A_376, %dma_start3A_377] : memref<2048x16xf32, #tpu.memory_space<vmem>> -> memref<128x16xf32, #tpu.memory_space<vmem>>
      %dma_start3A_379 = arith.constant 0 : i32
      %dma_start3A_380 = arith.constant 0 : i32
      %dma_start3A_381 = tpu.memref_slice %arg6[%dma_start3A_369, %dma_start3A_379, %dma_start3A_380] : memref<2x16x128xi32, #tpu.memory_space<vmem>> -> memref<1x16x128xi32, #tpu.memory_space<vmem>>
      %dma_start3A_382 = tpu.memref_squeeze %dma_start3A_381 : memref<1x16x128xi32, #tpu.memory_space<vmem>> -> memref<16x128xi32, #tpu.memory_space<vmem>>
      %dma_start3A_383 = arith.constant 0 : i32
      %dma_start3A_384 = tpu.memref_slice %dma_start3A_382[%dma_start3A_370, %dma_start3A_383] : memref<16x128xi32, #tpu.memory_space<vmem>> -> memref<1x128xi32, #tpu.memory_space<vmem>>
      %dma_start3A_385 = tpu.memref_squeeze %dma_start3A_384 : memref<1x128xi32, #tpu.memory_space<vmem>> -> memref<128xi32, #tpu.memory_space<vmem>>
      %dma_start3A_386 = arith.constant 0 : i32
      %dma_start3A_387 = arith.constant 0 : i32
      %dma_start3A_388 = tpu.memref_slice %arg2[%select_n3A, %dma_start3A_386, %dma_start3A_387] : memref<4x786432x16xf32, #tpu.memory_space<hbm>> -> memref<1x786432x16xf32, #tpu.memory_space<hbm>>
      %dma_start3A_389 = tpu.memref_squeeze %dma_start3A_388 : memref<1x786432x16xf32, #tpu.memory_space<hbm>> -> memref<786432x16xf32, #tpu.memory_space<hbm>>
      %dma_start3A_390 = arith.constant 0 : i32
      %dma_start3A_391 = arith.constant 0 : i32
      %dma_start3A_392 = tpu.memref_slice %dma_start3A_389[%dma_start3A_390, %dma_start3A_391] : memref<786432x16xf32, #tpu.memory_space<hbm>> -> memref<786432x16xf32, #tpu.memory_space<hbm>>
      tpu.enqueue_indirect_dma source(%dma_start3A_392 : memref<786432x16xf32, #tpu.memory_space<hbm>>) target(%dma_start3A_378 : memref<128x16xf32, #tpu.memory_space<vmem>>) offsets(%dma_start3A_385 : memref<128xi32, #tpu.memory_space<vmem>>) semaphore(%arg9 : memref<!tpu.dma_semaphore, #tpu.memory_space<semaphore_mem>>)
      %dma_start3A_393 = arith.constant 0 : i32
      %dma_start3A_394 = arith.constant 10 : i32
      %dma_start3A_395 = arith.constant 0 : i32
      %dma_start3A_396 = arith.constant 0 : i32
      %dma_start3A_397 = arith.constant 0 : i32
      %dma_start3A_398 = tpu.memref_slice %arg7[%dma_start3A_395, %dma_start3A_396, %dma_start3A_397] : memref<2x2048x16xf32, #tpu.memory_space<vmem>> -> memref<1x2048x16xf32, #tpu.memory_space<vmem>>
      %dma_start3A_399 = tpu.memref_squeeze %dma_start3A_398 : memref<1x2048x16xf32, #tpu.memory_space<vmem>> -> memref<2048x16xf32, #tpu.memory_space<vmem>>
      %dma_start3A_400 = arith.constant 1280 : i32
      %dma_start3A_401 = arith.constant 0 : i32
      %dma_start3A_402 = tpu.memref_slice %dma_start3A_399[%dma_start3A_400, %dma_start3A_401] : memref<2048x16xf32, #tpu.memory_space<vmem>> -> memref<128x16xf32, #tpu.memory_space<vmem>>
      %dma_start3A_403 = arith.constant 0 : i32
      %dma_start3A_404 = arith.constant 0 : i32
      %dma_start3A_405 = tpu.memref_slice %arg6[%dma_start3A_393, %dma_start3A_403, %dma_start3A_404] : memref<2x16x128xi32, #tpu.memory_space<vmem>> -> memref<1x16x128xi32, #tpu.memory_space<vmem>>
      %dma_start3A_406 = tpu.memref_squeeze %dma_start3A_405 : memref<1x16x128xi32, #tpu.memory_space<vmem>> -> memref<16x128xi32, #tpu.memory_space<vmem>>
      %dma_start3A_407 = arith.constant 0 : i32
      %dma_start3A_408 = tpu.memref_slice %dma_start3A_406[%dma_start3A_394, %dma_start3A_407] : memref<16x128xi32, #tpu.memory_space<vmem>> -> memref<1x128xi32, #tpu.memory_space<vmem>>
      %dma_start3A_409 = tpu.memref_squeeze %dma_start3A_408 : memref<1x128xi32, #tpu.memory_space<vmem>> -> memref<128xi32, #tpu.memory_space<vmem>>
      %dma_start3A_410 = arith.constant 0 : i32
      %dma_start3A_411 = arith.constant 0 : i32
      %dma_start3A_412 = tpu.memref_slice %arg2[%select_n3A, %dma_start3A_410, %dma_start3A_411] : memref<4x786432x16xf32, #tpu.memory_space<hbm>> -> memref<1x786432x16xf32, #tpu.memory_space<hbm>>
      %dma_start3A_413 = tpu.memref_squeeze %dma_start3A_412 : memref<1x786432x16xf32, #tpu.memory_space<hbm>> -> memref<786432x16xf32, #tpu.memory_space<hbm>>
      %dma_start3A_414 = arith.constant 0 : i32
      %dma_start3A_415 = arith.constant 0 : i32
      %dma_start3A_416 = tpu.memref_slice %dma_start3A_413[%dma_start3A_414, %dma_start3A_415] : memref<786432x16xf32, #tpu.memory_space<hbm>> -> memref<786432x16xf32, #tpu.memory_space<hbm>>
      tpu.enqueue_indirect_dma source(%dma_start3A_416 : memref<786432x16xf32, #tpu.memory_space<hbm>>) target(%dma_start3A_402 : memref<128x16xf32, #tpu.memory_space<vmem>>) offsets(%dma_start3A_409 : memref<128xi32, #tpu.memory_space<vmem>>) semaphore(%arg9 : memref<!tpu.dma_semaphore, #tpu.memory_space<semaphore_mem>>)
      %dma_start3A_417 = arith.constant 0 : i32
      %dma_start3A_418 = arith.constant 11 : i32
      %dma_start3A_419 = arith.constant 0 : i32
      %dma_start3A_420 = arith.constant 0 : i32
      %dma_start3A_421 = arith.constant 0 : i32
      %dma_start3A_422 = tpu.memref_slice %arg7[%dma_start3A_419, %dma_start3A_420, %dma_start3A_421] : memref<2x2048x16xf32, #tpu.memory_space<vmem>> -> memref<1x2048x16xf32, #tpu.memory_space<vmem>>
      %dma_start3A_423 = tpu.memref_squeeze %dma_start3A_422 : memref<1x2048x16xf32, #tpu.memory_space<vmem>> -> memref<2048x16xf32, #tpu.memory_space<vmem>>
      %dma_start3A_424 = arith.constant 1408 : i32
      %dma_start3A_425 = arith.constant 0 : i32
      %dma_start3A_426 = tpu.memref_slice %dma_start3A_423[%dma_start3A_424, %dma_start3A_425] : memref<2048x16xf32, #tpu.memory_space<vmem>> -> memref<128x16xf32, #tpu.memory_space<vmem>>
      %dma_start3A_427 = arith.constant 0 : i32
      %dma_start3A_428 = arith.constant 0 : i32
      %dma_start3A_429 = tpu.memref_slice %arg6[%dma_start3A_417, %dma_start3A_427, %dma_start3A_428] : memref<2x16x128xi32, #tpu.memory_space<vmem>> -> memref<1x16x128xi32, #tpu.memory_space<vmem>>
      %dma_start3A_430 = tpu.memref_squeeze %dma_start3A_429 : memref<1x16x128xi32, #tpu.memory_space<vmem>> -> memref<16x128xi32, #tpu.memory_space<vmem>>
      %dma_start3A_431 = arith.constant 0 : i32
      %dma_start3A_432 = tpu.memref_slice %dma_start3A_430[%dma_start3A_418, %dma_start3A_431] : memref<16x128xi32, #tpu.memory_space<vmem>> -> memref<1x128xi32, #tpu.memory_space<vmem>>
      %dma_start3A_433 = tpu.memref_squeeze %dma_start3A_432 : memref<1x128xi32, #tpu.memory_space<vmem>> -> memref<128xi32, #tpu.memory_space<vmem>>
      %dma_start3A_434 = arith.constant 0 : i32
      %dma_start3A_435 = arith.constant 0 : i32
      %dma_start3A_436 = tpu.memref_slice %arg2[%select_n3A, %dma_start3A_434, %dma_start3A_435] : memref<4x786432x16xf32, #tpu.memory_space<hbm>> -> memref<1x786432x16xf32, #tpu.memory_space<hbm>>
      %dma_start3A_437 = tpu.memref_squeeze %dma_start3A_436 : memref<1x786432x16xf32, #tpu.memory_space<hbm>> -> memref<786432x16xf32, #tpu.memory_space<hbm>>
      %dma_start3A_438 = arith.constant 0 : i32
      %dma_start3A_439 = arith.constant 0 : i32
      %dma_start3A_440 = tpu.memref_slice %dma_start3A_437[%dma_start3A_438, %dma_start3A_439] : memref<786432x16xf32, #tpu.memory_space<hbm>> -> memref<786432x16xf32, #tpu.memory_space<hbm>>
      tpu.enqueue_indirect_dma source(%dma_start3A_440 : memref<786432x16xf32, #tpu.memory_space<hbm>>) target(%dma_start3A_426 : memref<128x16xf32, #tpu.memory_space<vmem>>) offsets(%dma_start3A_433 : memref<128xi32, #tpu.memory_space<vmem>>) semaphore(%arg9 : memref<!tpu.dma_semaphore, #tpu.memory_space<semaphore_mem>>)
      %dma_start3A_441 = arith.constant 0 : i32
      %dma_start3A_442 = arith.constant 12 : i32
      %dma_start3A_443 = arith.constant 0 : i32
      %dma_start3A_444 = arith.constant 0 : i32
      %dma_start3A_445 = arith.constant 0 : i32
      %dma_start3A_446 = tpu.memref_slice %arg7[%dma_start3A_443, %dma_start3A_444, %dma_start3A_445] : memref<2x2048x16xf32, #tpu.memory_space<vmem>> -> memref<1x2048x16xf32, #tpu.memory_space<vmem>>
      %dma_start3A_447 = tpu.memref_squeeze %dma_start3A_446 : memref<1x2048x16xf32, #tpu.memory_space<vmem>> -> memref<2048x16xf32, #tpu.memory_space<vmem>>
      %dma_start3A_448 = arith.constant 1536 : i32
      %dma_start3A_449 = arith.constant 0 : i32
      %dma_start3A_450 = tpu.memref_slice %dma_start3A_447[%dma_start3A_448, %dma_start3A_449] : memref<2048x16xf32, #tpu.memory_space<vmem>> -> memref<128x16xf32, #tpu.memory_space<vmem>>
      %dma_start3A_451 = arith.constant 0 : i32
      %dma_start3A_452 = arith.constant 0 : i32
      %dma_start3A_453 = tpu.memref_slice %arg6[%dma_start3A_441, %dma_start3A_451, %dma_start3A_452] : memref<2x16x128xi32, #tpu.memory_space<vmem>> -> memref<1x16x128xi32, #tpu.memory_space<vmem>>
      %dma_start3A_454 = tpu.memref_squeeze %dma_start3A_453 : memref<1x16x128xi32, #tpu.memory_space<vmem>> -> memref<16x128xi32, #tpu.memory_space<vmem>>
      %dma_start3A_455 = arith.constant 0 : i32
      %dma_start3A_456 = tpu.memref_slice %dma_start3A_454[%dma_start3A_442, %dma_start3A_455] : memref<16x128xi32, #tpu.memory_space<vmem>> -> memref<1x128xi32, #tpu.memory_space<vmem>>
      %dma_start3A_457 = tpu.memref_squeeze %dma_start3A_456 : memref<1x128xi32, #tpu.memory_space<vmem>> -> memref<128xi32, #tpu.memory_space<vmem>>
      %dma_start3A_458 = arith.constant 0 : i32
      %dma_start3A_459 = arith.constant 0 : i32
      %dma_start3A_460 = tpu.memref_slice %arg2[%select_n3A, %dma_start3A_458, %dma_start3A_459] : memref<4x786432x16xf32, #tpu.memory_space<hbm>> -> memref<1x786432x16xf32, #tpu.memory_space<hbm>>
      %dma_start3A_461 = tpu.memref_squeeze %dma_start3A_460 : memref<1x786432x16xf32, #tpu.memory_space<hbm>> -> memref<786432x16xf32, #tpu.memory_space<hbm>>
      %dma_start3A_462 = arith.constant 0 : i32
      %dma_start3A_463 = arith.constant 0 : i32
      %dma_start3A_464 = tpu.memref_slice %dma_start3A_461[%dma_start3A_462, %dma_start3A_463] : memref<786432x16xf32, #tpu.memory_space<hbm>> -> memref<786432x16xf32, #tpu.memory_space<hbm>>
      tpu.enqueue_indirect_dma source(%dma_start3A_464 : memref<786432x16xf32, #tpu.memory_space<hbm>>) target(%dma_start3A_450 : memref<128x16xf32, #tpu.memory_space<vmem>>) offsets(%dma_start3A_457 : memref<128xi32, #tpu.memory_space<vmem>>) semaphore(%arg9 : memref<!tpu.dma_semaphore, #tpu.memory_space<semaphore_mem>>)
      %dma_start3A_465 = arith.constant 0 : i32
      %dma_start3A_466 = arith.constant 13 : i32
      %dma_start3A_467 = arith.constant 0 : i32
      %dma_start3A_468 = arith.constant 0 : i32
      %dma_start3A_469 = arith.constant 0 : i32
      %dma_start3A_470 = tpu.memref_slice %arg7[%dma_start3A_467, %dma_start3A_468, %dma_start3A_469] : memref<2x2048x16xf32, #tpu.memory_space<vmem>> -> memref<1x2048x16xf32, #tpu.memory_space<vmem>>
      %dma_start3A_471 = tpu.memref_squeeze %dma_start3A_470 : memref<1x2048x16xf32, #tpu.memory_space<vmem>> -> memref<2048x16xf32, #tpu.memory_space<vmem>>
      %dma_start3A_472 = arith.constant 1664 : i32
      %dma_start3A_473 = arith.constant 0 : i32
      %dma_start3A_474 = tpu.memref_slice %dma_start3A_471[%dma_start3A_472, %dma_start3A_473] : memref<2048x16xf32, #tpu.memory_space<vmem>> -> memref<128x16xf32, #tpu.memory_space<vmem>>
      %dma_start3A_475 = arith.constant 0 : i32
      %dma_start3A_476 = arith.constant 0 : i32
      %dma_start3A_477 = tpu.memref_slice %arg6[%dma_start3A_465, %dma_start3A_475, %dma_start3A_476] : memref<2x16x128xi32, #tpu.memory_space<vmem>> -> memref<1x16x128xi32, #tpu.memory_space<vmem>>
      %dma_start3A_478 = tpu.memref_squeeze %dma_start3A_477 : memref<1x16x128xi32, #tpu.memory_space<vmem>> -> memref<16x128xi32, #tpu.memory_space<vmem>>
      %dma_start3A_479 = arith.constant 0 : i32
      %dma_start3A_480 = tpu.memref_slice %dma_start3A_478[%dma_start3A_466, %dma_start3A_479] : memref<16x128xi32, #tpu.memory_space<vmem>> -> memref<1x128xi32, #tpu.memory_space<vmem>>
      %dma_start3A_481 = tpu.memref_squeeze %dma_start3A_480 : memref<1x128xi32, #tpu.memory_space<vmem>> -> memref<128xi32, #tpu.memory_space<vmem>>
      %dma_start3A_482 = arith.constant 0 : i32
      %dma_start3A_483 = arith.constant 0 : i32
      %dma_start3A_484 = tpu.memref_slice %arg2[%select_n3A, %dma_start3A_482, %dma_start3A_483] : memref<4x786432x16xf32, #tpu.memory_space<hbm>> -> memref<1x786432x16xf32, #tpu.memory_space<hbm>>
      %dma_start3A_485 = tpu.memref_squeeze %dma_start3A_484 : memref<1x786432x16xf32, #tpu.memory_space<hbm>> -> memref<786432x16xf32, #tpu.memory_space<hbm>>
      %dma_start3A_486 = arith.constant 0 : i32
      %dma_start3A_487 = arith.constant 0 : i32
      %dma_start3A_488 = tpu.memref_slice %dma_start3A_485[%dma_start3A_486, %dma_start3A_487] : memref<786432x16xf32, #tpu.memory_space<hbm>> -> memref<786432x16xf32, #tpu.memory_space<hbm>>
      tpu.enqueue_indirect_dma source(%dma_start3A_488 : memref<786432x16xf32, #tpu.memory_space<hbm>>) target(%dma_start3A_474 : memref<128x16xf32, #tpu.memory_space<vmem>>) offsets(%dma_start3A_481 : memref<128xi32, #tpu.memory_space<vmem>>) semaphore(%arg9 : memref<!tpu.dma_semaphore, #tpu.memory_space<semaphore_mem>>)
      %dma_start3A_489 = arith.constant 0 : i32
      %dma_start3A_490 = arith.constant 14 : i32
      %dma_start3A_491 = arith.constant 0 : i32
      %dma_start3A_492 = arith.constant 0 : i32
      %dma_start3A_493 = arith.constant 0 : i32
      %dma_start3A_494 = tpu.memref_slice %arg7[%dma_start3A_491, %dma_start3A_492, %dma_start3A_493] : memref<2x2048x16xf32, #tpu.memory_space<vmem>> -> memref<1x2048x16xf32, #tpu.memory_space<vmem>>
      %dma_start3A_495 = tpu.memref_squeeze %dma_start3A_494 : memref<1x2048x16xf32, #tpu.memory_space<vmem>> -> memref<2048x16xf32, #tpu.memory_space<vmem>>
      %dma_start3A_496 = arith.constant 1792 : i32
      %dma_start3A_497 = arith.constant 0 : i32
      %dma_start3A_498 = tpu.memref_slice %dma_start3A_495[%dma_start3A_496, %dma_start3A_497] : memref<2048x16xf32, #tpu.memory_space<vmem>> -> memref<128x16xf32, #tpu.memory_space<vmem>>
      %dma_start3A_499 = arith.constant 0 : i32
      %dma_start3A_500 = arith.constant 0 : i32
      %dma_start3A_501 = tpu.memref_slice %arg6[%dma_start3A_489, %dma_start3A_499, %dma_start3A_500] : memref<2x16x128xi32, #tpu.memory_space<vmem>> -> memref<1x16x128xi32, #tpu.memory_space<vmem>>
      %dma_start3A_502 = tpu.memref_squeeze %dma_start3A_501 : memref<1x16x128xi32, #tpu.memory_space<vmem>> -> memref<16x128xi32, #tpu.memory_space<vmem>>
      %dma_start3A_503 = arith.constant 0 : i32
      %dma_start3A_504 = tpu.memref_slice %dma_start3A_502[%dma_start3A_490, %dma_start3A_503] : memref<16x128xi32, #tpu.memory_space<vmem>> -> memref<1x128xi32, #tpu.memory_space<vmem>>
      %dma_start3A_505 = tpu.memref_squeeze %dma_start3A_504 : memref<1x128xi32, #tpu.memory_space<vmem>> -> memref<128xi32, #tpu.memory_space<vmem>>
      %dma_start3A_506 = arith.constant 0 : i32
      %dma_start3A_507 = arith.constant 0 : i32
      %dma_start3A_508 = tpu.memref_slice %arg2[%select_n3A, %dma_start3A_506, %dma_start3A_507] : memref<4x786432x16xf32, #tpu.memory_space<hbm>> -> memref<1x786432x16xf32, #tpu.memory_space<hbm>>
      %dma_start3A_509 = tpu.memref_squeeze %dma_start3A_508 : memref<1x786432x16xf32, #tpu.memory_space<hbm>> -> memref<786432x16xf32, #tpu.memory_space<hbm>>
      %dma_start3A_510 = arith.constant 0 : i32
      %dma_start3A_511 = arith.constant 0 : i32
      %dma_start3A_512 = tpu.memref_slice %dma_start3A_509[%dma_start3A_510, %dma_start3A_511] : memref<786432x16xf32, #tpu.memory_space<hbm>> -> memref<786432x16xf32, #tpu.memory_space<hbm>>
      tpu.enqueue_indirect_dma source(%dma_start3A_512 : memref<786432x16xf32, #tpu.memory_space<hbm>>) target(%dma_start3A_498 : memref<128x16xf32, #tpu.memory_space<vmem>>) offsets(%dma_start3A_505 : memref<128xi32, #tpu.memory_space<vmem>>) semaphore(%arg9 : memref<!tpu.dma_semaphore, #tpu.memory_space<semaphore_mem>>)
      %dma_start3A_513 = arith.constant 0 : i32
      %dma_start3A_514 = arith.constant 15 : i32
      %dma_start3A_515 = arith.constant 0 : i32
      %dma_start3A_516 = arith.constant 0 : i32
      %dma_start3A_517 = arith.constant 0 : i32
      %dma_start3A_518 = tpu.memref_slice %arg7[%dma_start3A_515, %dma_start3A_516, %dma_start3A_517] : memref<2x2048x16xf32, #tpu.memory_space<vmem>> -> memref<1x2048x16xf32, #tpu.memory_space<vmem>>
      %dma_start3A_519 = tpu.memref_squeeze %dma_start3A_518 : memref<1x2048x16xf32, #tpu.memory_space<vmem>> -> memref<2048x16xf32, #tpu.memory_space<vmem>>
      %dma_start3A_520 = arith.constant 1920 : i32
      %dma_start3A_521 = arith.constant 0 : i32
      %dma_start3A_522 = tpu.memref_slice %dma_start3A_519[%dma_start3A_520, %dma_start3A_521] : memref<2048x16xf32, #tpu.memory_space<vmem>> -> memref<128x16xf32, #tpu.memory_space<vmem>>
      %dma_start3A_523 = arith.constant 0 : i32
      %dma_start3A_524 = arith.constant 0 : i32
      %dma_start3A_525 = tpu.memref_slice %arg6[%dma_start3A_513, %dma_start3A_523, %dma_start3A_524] : memref<2x16x128xi32, #tpu.memory_space<vmem>> -> memref<1x16x128xi32, #tpu.memory_space<vmem>>
      %dma_start3A_526 = tpu.memref_squeeze %dma_start3A_525 : memref<1x16x128xi32, #tpu.memory_space<vmem>> -> memref<16x128xi32, #tpu.memory_space<vmem>>
      %dma_start3A_527 = arith.constant 0 : i32
      %dma_start3A_528 = tpu.memref_slice %dma_start3A_526[%dma_start3A_514, %dma_start3A_527] : memref<16x128xi32, #tpu.memory_space<vmem>> -> memref<1x128xi32, #tpu.memory_space<vmem>>
      %dma_start3A_529 = tpu.memref_squeeze %dma_start3A_528 : memref<1x128xi32, #tpu.memory_space<vmem>> -> memref<128xi32, #tpu.memory_space<vmem>>
      %dma_start3A_530 = arith.constant 0 : i32
      %dma_start3A_531 = arith.constant 0 : i32
      %dma_start3A_532 = tpu.memref_slice %arg2[%select_n3A, %dma_start3A_530, %dma_start3A_531] : memref<4x786432x16xf32, #tpu.memory_space<hbm>> -> memref<1x786432x16xf32, #tpu.memory_space<hbm>>
      %dma_start3A_533 = tpu.memref_squeeze %dma_start3A_532 : memref<1x786432x16xf32, #tpu.memory_space<hbm>> -> memref<786432x16xf32, #tpu.memory_space<hbm>>
      %dma_start3A_534 = arith.constant 0 : i32
      %dma_start3A_535 = arith.constant 0 : i32
      %dma_start3A_536 = tpu.memref_slice %dma_start3A_533[%dma_start3A_534, %dma_start3A_535] : memref<786432x16xf32, #tpu.memory_space<hbm>> -> memref<786432x16xf32, #tpu.memory_space<hbm>>
      tpu.enqueue_indirect_dma source(%dma_start3A_536 : memref<786432x16xf32, #tpu.memory_space<hbm>>) target(%dma_start3A_522 : memref<128x16xf32, #tpu.memory_space<vmem>>) offsets(%dma_start3A_529 : memref<128xi32, #tpu.memory_space<vmem>>) semaphore(%arg9 : memref<!tpu.dma_semaphore, #tpu.memory_space<semaphore_mem>>)
      %dma_wait3A_537 = arith.constant 0 : i32
      %dma_wait3A_538 = arith.constant 0 : i32
      %dma_wait3A_539 = arith.constant 0 : i32
      %dma_wait3A_540 = arith.constant 0 : i32
      %dma_wait3A_541 = arith.constant 0 : i32
      %dma_wait3A_542 = tpu.memref_slice %arg7[%dma_wait3A_539, %dma_wait3A_540, %dma_wait3A_541] : memref<2x2048x16xf32, #tpu.memory_space<vmem>> -> memref<1x2048x16xf32, #tpu.memory_space<vmem>>
      %dma_wait3A_543 = tpu.memref_squeeze %dma_wait3A_542 : memref<1x2048x16xf32, #tpu.memory_space<vmem>> -> memref<2048x16xf32, #tpu.memory_space<vmem>>
      %dma_wait3A_544 = arith.constant 0 : i32
      %dma_wait3A_545 = arith.constant 0 : i32
      %dma_wait3A_546 = tpu.memref_slice %dma_wait3A_543[%dma_wait3A_544, %dma_wait3A_545] : memref<2048x16xf32, #tpu.memory_space<vmem>> -> memref<128x16xf32, #tpu.memory_space<vmem>>
      %dma_wait3A_547 = arith.constant 0 : i32
      %dma_wait3A_548 = arith.constant 0 : i32
      %dma_wait3A_549 = tpu.memref_slice %arg6[%dma_wait3A_537, %dma_wait3A_547, %dma_wait3A_548] : memref<2x16x128xi32, #tpu.memory_space<vmem>> -> memref<1x16x128xi32, #tpu.memory_space<vmem>>
      %dma_wait3A_550 = tpu.memref_squeeze %dma_wait3A_549 : memref<1x16x128xi32, #tpu.memory_space<vmem>> -> memref<16x128xi32, #tpu.memory_space<vmem>>
      %dma_wait3A_551 = arith.constant 0 : i32
      %dma_wait3A_552 = tpu.memref_slice %dma_wait3A_550[%dma_wait3A_538, %dma_wait3A_551] : memref<16x128xi32, #tpu.memory_space<vmem>> -> memref<1x128xi32, #tpu.memory_space<vmem>>
      %dma_wait3A_553 = tpu.memref_squeeze %dma_wait3A_552 : memref<1x128xi32, #tpu.memory_space<vmem>> -> memref<128xi32, #tpu.memory_space<vmem>>
      %dma_wait3A_554 = arith.constant 0 : i32
      %dma_wait3A_555 = arith.constant 0 : i32
      %dma_wait3A_556 = tpu.memref_slice %arg2[%select_n3A, %dma_wait3A_554, %dma_wait3A_555] : memref<4x786432x16xf32, #tpu.memory_space<hbm>> -> memref<1x786432x16xf32, #tpu.memory_space<hbm>>
      %dma_wait3A_557 = tpu.memref_squeeze %dma_wait3A_556 : memref<1x786432x16xf32, #tpu.memory_space<hbm>> -> memref<786432x16xf32, #tpu.memory_space<hbm>>
      %dma_wait3A_558 = arith.constant 0 : i32
      %dma_wait3A_559 = arith.constant 0 : i32
      %dma_wait3A_560 = tpu.memref_slice %dma_wait3A_557[%dma_wait3A_558, %dma_wait3A_559] : memref<786432x16xf32, #tpu.memory_space<hbm>> -> memref<786432x16xf32, #tpu.memory_space<hbm>>
      tpu.wait_indirect_dma semaphore(%arg9 : memref<!tpu.dma_semaphore, #tpu.memory_space<semaphore_mem>>) src(%dma_wait3A_560 : memref<786432x16xf32, #tpu.memory_space<hbm>>) dst(%dma_wait3A_546 : memref<128x16xf32, #tpu.memory_space<vmem>>)
      %dma_wait3A_561 = arith.constant 0 : i32
      %dma_wait3A_562 = arith.constant 1 : i32
      %dma_wait3A_563 = arith.constant 0 : i32
      %dma_wait3A_564 = arith.constant 0 : i32
      %dma_wait3A_565 = arith.constant 0 : i32
      %dma_wait3A_566 = tpu.memref_slice %arg7[%dma_wait3A_563, %dma_wait3A_564, %dma_wait3A_565] : memref<2x2048x16xf32, #tpu.memory_space<vmem>> -> memref<1x2048x16xf32, #tpu.memory_space<vmem>>
      %dma_wait3A_567 = tpu.memref_squeeze %dma_wait3A_566 : memref<1x2048x16xf32, #tpu.memory_space<vmem>> -> memref<2048x16xf32, #tpu.memory_space<vmem>>
      %dma_wait3A_568 = arith.constant 128 : i32
      %dma_wait3A_569 = arith.constant 0 : i32
      %dma_wait3A_570 = tpu.memref_slice %dma_wait3A_567[%dma_wait3A_568, %dma_wait3A_569] : memref<2048x16xf32, #tpu.memory_space<vmem>> -> memref<128x16xf32, #tpu.memory_space<vmem>>
      %dma_wait3A_571 = arith.constant 0 : i32
      %dma_wait3A_572 = arith.constant 0 : i32
      %dma_wait3A_573 = tpu.memref_slice %arg6[%dma_wait3A_561, %dma_wait3A_571, %dma_wait3A_572] : memref<2x16x128xi32, #tpu.memory_space<vmem>> -> memref<1x16x128xi32, #tpu.memory_space<vmem>>
      %dma_wait3A_574 = tpu.memref_squeeze %dma_wait3A_573 : memref<1x16x128xi32, #tpu.memory_space<vmem>> -> memref<16x128xi32, #tpu.memory_space<vmem>>
      %dma_wait3A_575 = arith.constant 0 : i32
      %dma_wait3A_576 = tpu.memref_slice %dma_wait3A_574[%dma_wait3A_562, %dma_wait3A_575] : memref<16x128xi32, #tpu.memory_space<vmem>> -> memref<1x128xi32, #tpu.memory_space<vmem>>
      %dma_wait3A_577 = tpu.memref_squeeze %dma_wait3A_576 : memref<1x128xi32, #tpu.memory_space<vmem>> -> memref<128xi32, #tpu.memory_space<vmem>>
      %dma_wait3A_578 = arith.constant 0 : i32
      %dma_wait3A_579 = arith.constant 0 : i32
      %dma_wait3A_580 = tpu.memref_slice %arg2[%select_n3A, %dma_wait3A_578, %dma_wait3A_579] : memref<4x786432x16xf32, #tpu.memory_space<hbm>> -> memref<1x786432x16xf32, #tpu.memory_space<hbm>>
      %dma_wait3A_581 = tpu.memref_squeeze %dma_wait3A_580 : memref<1x786432x16xf32, #tpu.memory_space<hbm>> -> memref<786432x16xf32, #tpu.memory_space<hbm>>
      %dma_wait3A_582 = arith.constant 0 : i32
      %dma_wait3A_583 = arith.constant 0 : i32
      %dma_wait3A_584 = tpu.memref_slice %dma_wait3A_581[%dma_wait3A_582, %dma_wait3A_583] : memref<786432x16xf32, #tpu.memory_space<hbm>> -> memref<786432x16xf32, #tpu.memory_space<hbm>>
      tpu.wait_indirect_dma semaphore(%arg9 : memref<!tpu.dma_semaphore, #tpu.memory_space<semaphore_mem>>) src(%dma_wait3A_584 : memref<786432x16xf32, #tpu.memory_space<hbm>>) dst(%dma_wait3A_570 : memref<128x16xf32, #tpu.memory_space<vmem>>)
      %dma_wait3A_585 = arith.constant 0 : i32
      %dma_wait3A_586 = arith.constant 2 : i32
      %dma_wait3A_587 = arith.constant 0 : i32
      %dma_wait3A_588 = arith.constant 0 : i32
      %dma_wait3A_589 = arith.constant 0 : i32
      %dma_wait3A_590 = tpu.memref_slice %arg7[%dma_wait3A_587, %dma_wait3A_588, %dma_wait3A_589] : memref<2x2048x16xf32, #tpu.memory_space<vmem>> -> memref<1x2048x16xf32, #tpu.memory_space<vmem>>
      %dma_wait3A_591 = tpu.memref_squeeze %dma_wait3A_590 : memref<1x2048x16xf32, #tpu.memory_space<vmem>> -> memref<2048x16xf32, #tpu.memory_space<vmem>>
      %dma_wait3A_592 = arith.constant 256 : i32
      %dma_wait3A_593 = arith.constant 0 : i32
      %dma_wait3A_594 = tpu.memref_slice %dma_wait3A_591[%dma_wait3A_592, %dma_wait3A_593] : memref<2048x16xf32, #tpu.memory_space<vmem>> -> memref<128x16xf32, #tpu.memory_space<vmem>>
      %dma_wait3A_595 = arith.constant 0 : i32
      %dma_wait3A_596 = arith.constant 0 : i32
      %dma_wait3A_597 = tpu.memref_slice %arg6[%dma_wait3A_585, %dma_wait3A_595, %dma_wait3A_596] : memref<2x16x128xi32, #tpu.memory_space<vmem>> -> memref<1x16x128xi32, #tpu.memory_space<vmem>>
      %dma_wait3A_598 = tpu.memref_squeeze %dma_wait3A_597 : memref<1x16x128xi32, #tpu.memory_space<vmem>> -> memref<16x128xi32, #tpu.memory_space<vmem>>
      %dma_wait3A_599 = arith.constant 0 : i32
      %dma_wait3A_600 = tpu.memref_slice %dma_wait3A_598[%dma_wait3A_586, %dma_wait3A_599] : memref<16x128xi32, #tpu.memory_space<vmem>> -> memref<1x128xi32, #tpu.memory_space<vmem>>
      %dma_wait3A_601 = tpu.memref_squeeze %dma_wait3A_600 : memref<1x128xi32, #tpu.memory_space<vmem>> -> memref<128xi32, #tpu.memory_space<vmem>>
      %dma_wait3A_602 = arith.constant 0 : i32
      %dma_wait3A_603 = arith.constant 0 : i32
      %dma_wait3A_604 = tpu.memref_slice %arg2[%select_n3A, %dma_wait3A_602, %dma_wait3A_603] : memref<4x786432x16xf32, #tpu.memory_space<hbm>> -> memref<1x786432x16xf32, #tpu.memory_space<hbm>>
      %dma_wait3A_605 = tpu.memref_squeeze %dma_wait3A_604 : memref<1x786432x16xf32, #tpu.memory_space<hbm>> -> memref<786432x16xf32, #tpu.memory_space<hbm>>
      %dma_wait3A_606 = arith.constant 0 : i32
      %dma_wait3A_607 = arith.constant 0 : i32
      %dma_wait3A_608 = tpu.memref_slice %dma_wait3A_605[%dma_wait3A_606, %dma_wait3A_607] : memref<786432x16xf32, #tpu.memory_space<hbm>> -> memref<786432x16xf32, #tpu.memory_space<hbm>>
      tpu.wait_indirect_dma semaphore(%arg9 : memref<!tpu.dma_semaphore, #tpu.memory_space<semaphore_mem>>) src(%dma_wait3A_608 : memref<786432x16xf32, #tpu.memory_space<hbm>>) dst(%dma_wait3A_594 : memref<128x16xf32, #tpu.memory_space<vmem>>)
      %dma_wait3A_609 = arith.constant 0 : i32
      %dma_wait3A_610 = arith.constant 3 : i32
      %dma_wait3A_611 = arith.constant 0 : i32
      %dma_wait3A_612 = arith.constant 0 : i32
      %dma_wait3A_613 = arith.constant 0 : i32
      %dma_wait3A_614 = tpu.memref_slice %arg7[%dma_wait3A_611, %dma_wait3A_612, %dma_wait3A_613] : memref<2x2048x16xf32, #tpu.memory_space<vmem>> -> memref<1x2048x16xf32, #tpu.memory_space<vmem>>
      %dma_wait3A_615 = tpu.memref_squeeze %dma_wait3A_614 : memref<1x2048x16xf32, #tpu.memory_space<vmem>> -> memref<2048x16xf32, #tpu.memory_space<vmem>>
      %dma_wait3A_616 = arith.constant 384 : i32
      %dma_wait3A_617 = arith.constant 0 : i32
      %dma_wait3A_618 = tpu.memref_slice %dma_wait3A_615[%dma_wait3A_616, %dma_wait3A_617] : memref<2048x16xf32, #tpu.memory_space<vmem>> -> memref<128x16xf32, #tpu.memory_space<vmem>>
      %dma_wait3A_619 = arith.constant 0 : i32
      %dma_wait3A_620 = arith.constant 0 : i32
      %dma_wait3A_621 = tpu.memref_slice %arg6[%dma_wait3A_609, %dma_wait3A_619, %dma_wait3A_620] : memref<2x16x128xi32, #tpu.memory_space<vmem>> -> memref<1x16x128xi32, #tpu.memory_space<vmem>>
      %dma_wait3A_622 = tpu.memref_squeeze %dma_wait3A_621 : memref<1x16x128xi32, #tpu.memory_space<vmem>> -> memref<16x128xi32, #tpu.memory_space<vmem>>
      %dma_wait3A_623 = arith.constant 0 : i32
      %dma_wait3A_624 = tpu.memref_slice %dma_wait3A_622[%dma_wait3A_610, %dma_wait3A_623] : memref<16x128xi32, #tpu.memory_space<vmem>> -> memref<1x128xi32, #tpu.memory_space<vmem>>
      %dma_wait3A_625 = tpu.memref_squeeze %dma_wait3A_624 : memref<1x128xi32, #tpu.memory_space<vmem>> -> memref<128xi32, #tpu.memory_space<vmem>>
      %dma_wait3A_626 = arith.constant 0 : i32
      %dma_wait3A_627 = arith.constant 0 : i32
      %dma_wait3A_628 = tpu.memref_slice %arg2[%select_n3A, %dma_wait3A_626, %dma_wait3A_627] : memref<4x786432x16xf32, #tpu.memory_space<hbm>> -> memref<1x786432x16xf32, #tpu.memory_space<hbm>>
      %dma_wait3A_629 = tpu.memref_squeeze %dma_wait3A_628 : memref<1x786432x16xf32, #tpu.memory_space<hbm>> -> memref<786432x16xf32, #tpu.memory_space<hbm>>
      %dma_wait3A_630 = arith.constant 0 : i32
      %dma_wait3A_631 = arith.constant 0 : i32
      %dma_wait3A_632 = tpu.memref_slice %dma_wait3A_629[%dma_wait3A_630, %dma_wait3A_631] : memref<786432x16xf32, #tpu.memory_space<hbm>> -> memref<786432x16xf32, #tpu.memory_space<hbm>>
      tpu.wait_indirect_dma semaphore(%arg9 : memref<!tpu.dma_semaphore, #tpu.memory_space<semaphore_mem>>) src(%dma_wait3A_632 : memref<786432x16xf32, #tpu.memory_space<hbm>>) dst(%dma_wait3A_618 : memref<128x16xf32, #tpu.memory_space<vmem>>)
      %dma_wait3A_633 = arith.constant 0 : i32
      %dma_wait3A_634 = arith.constant 4 : i32
      %dma_wait3A_635 = arith.constant 0 : i32
      %dma_wait3A_636 = arith.constant 0 : i32
      %dma_wait3A_637 = arith.constant 0 : i32
      %dma_wait3A_638 = tpu.memref_slice %arg7[%dma_wait3A_635, %dma_wait3A_636, %dma_wait3A_637] : memref<2x2048x16xf32, #tpu.memory_space<vmem>> -> memref<1x2048x16xf32, #tpu.memory_space<vmem>>
      %dma_wait3A_639 = tpu.memref_squeeze %dma_wait3A_638 : memref<1x2048x16xf32, #tpu.memory_space<vmem>> -> memref<2048x16xf32, #tpu.memory_space<vmem>>
      %dma_wait3A_640 = arith.constant 512 : i32
      %dma_wait3A_641 = arith.constant 0 : i32
      %dma_wait3A_642 = tpu.memref_slice %dma_wait3A_639[%dma_wait3A_640, %dma_wait3A_641] : memref<2048x16xf32, #tpu.memory_space<vmem>> -> memref<128x16xf32, #tpu.memory_space<vmem>>
      %dma_wait3A_643 = arith.constant 0 : i32
      %dma_wait3A_644 = arith.constant 0 : i32
      %dma_wait3A_645 = tpu.memref_slice %arg6[%dma_wait3A_633, %dma_wait3A_643, %dma_wait3A_644] : memref<2x16x128xi32, #tpu.memory_space<vmem>> -> memref<1x16x128xi32, #tpu.memory_space<vmem>>
      %dma_wait3A_646 = tpu.memref_squeeze %dma_wait3A_645 : memref<1x16x128xi32, #tpu.memory_space<vmem>> -> memref<16x128xi32, #tpu.memory_space<vmem>>
      %dma_wait3A_647 = arith.constant 0 : i32
      %dma_wait3A_648 = tpu.memref_slice %dma_wait3A_646[%dma_wait3A_634, %dma_wait3A_647] : memref<16x128xi32, #tpu.memory_space<vmem>> -> memref<1x128xi32, #tpu.memory_space<vmem>>
      %dma_wait3A_649 = tpu.memref_squeeze %dma_wait3A_648 : memref<1x128xi32, #tpu.memory_space<vmem>> -> memref<128xi32, #tpu.memory_space<vmem>>
      %dma_wait3A_650 = arith.constant 0 : i32
      %dma_wait3A_651 = arith.constant 0 : i32
      %dma_wait3A_652 = tpu.memref_slice %arg2[%select_n3A, %dma_wait3A_650, %dma_wait3A_651] : memref<4x786432x16xf32, #tpu.memory_space<hbm>> -> memref<1x786432x16xf32, #tpu.memory_space<hbm>>
      %dma_wait3A_653 = tpu.memref_squeeze %dma_wait3A_652 : memref<1x786432x16xf32, #tpu.memory_space<hbm>> -> memref<786432x16xf32, #tpu.memory_space<hbm>>
      %dma_wait3A_654 = arith.constant 0 : i32
      %dma_wait3A_655 = arith.constant 0 : i32
      %dma_wait3A_656 = tpu.memref_slice %dma_wait3A_653[%dma_wait3A_654, %dma_wait3A_655] : memref<786432x16xf32, #tpu.memory_space<hbm>> -> memref<786432x16xf32, #tpu.memory_space<hbm>>
      tpu.wait_indirect_dma semaphore(%arg9 : memref<!tpu.dma_semaphore, #tpu.memory_space<semaphore_mem>>) src(%dma_wait3A_656 : memref<786432x16xf32, #tpu.memory_space<hbm>>) dst(%dma_wait3A_642 : memref<128x16xf32, #tpu.memory_space<vmem>>)
      %dma_wait3A_657 = arith.constant 0 : i32
      %dma_wait3A_658 = arith.constant 5 : i32
      %dma_wait3A_659 = arith.constant 0 : i32
      %dma_wait3A_660 = arith.constant 0 : i32
      %dma_wait3A_661 = arith.constant 0 : i32
      %dma_wait3A_662 = tpu.memref_slice %arg7[%dma_wait3A_659, %dma_wait3A_660, %dma_wait3A_661] : memref<2x2048x16xf32, #tpu.memory_space<vmem>> -> memref<1x2048x16xf32, #tpu.memory_space<vmem>>
      %dma_wait3A_663 = tpu.memref_squeeze %dma_wait3A_662 : memref<1x2048x16xf32, #tpu.memory_space<vmem>> -> memref<2048x16xf32, #tpu.memory_space<vmem>>
      %dma_wait3A_664 = arith.constant 640 : i32
      %dma_wait3A_665 = arith.constant 0 : i32
      %dma_wait3A_666 = tpu.memref_slice %dma_wait3A_663[%dma_wait3A_664, %dma_wait3A_665] : memref<2048x16xf32, #tpu.memory_space<vmem>> -> memref<128x16xf32, #tpu.memory_space<vmem>>
      %dma_wait3A_667 = arith.constant 0 : i32
      %dma_wait3A_668 = arith.constant 0 : i32
      %dma_wait3A_669 = tpu.memref_slice %arg6[%dma_wait3A_657, %dma_wait3A_667, %dma_wait3A_668] : memref<2x16x128xi32, #tpu.memory_space<vmem>> -> memref<1x16x128xi32, #tpu.memory_space<vmem>>
      %dma_wait3A_670 = tpu.memref_squeeze %dma_wait3A_669 : memref<1x16x128xi32, #tpu.memory_space<vmem>> -> memref<16x128xi32, #tpu.memory_space<vmem>>
      %dma_wait3A_671 = arith.constant 0 : i32
      %dma_wait3A_672 = tpu.memref_slice %dma_wait3A_670[%dma_wait3A_658, %dma_wait3A_671] : memref<16x128xi32, #tpu.memory_space<vmem>> -> memref<1x128xi32, #tpu.memory_space<vmem>>
      %dma_wait3A_673 = tpu.memref_squeeze %dma_wait3A_672 : memref<1x128xi32, #tpu.memory_space<vmem>> -> memref<128xi32, #tpu.memory_space<vmem>>
      %dma_wait3A_674 = arith.constant 0 : i32
      %dma_wait3A_675 = arith.constant 0 : i32
      %dma_wait3A_676 = tpu.memref_slice %arg2[%select_n3A, %dma_wait3A_674, %dma_wait3A_675] : memref<4x786432x16xf32, #tpu.memory_space<hbm>> -> memref<1x786432x16xf32, #tpu.memory_space<hbm>>
      %dma_wait3A_677 = tpu.memref_squeeze %dma_wait3A_676 : memref<1x786432x16xf32, #tpu.memory_space<hbm>> -> memref<786432x16xf32, #tpu.memory_space<hbm>>
      %dma_wait3A_678 = arith.constant 0 : i32
      %dma_wait3A_679 = arith.constant 0 : i32
      %dma_wait3A_680 = tpu.memref_slice %dma_wait3A_677[%dma_wait3A_678, %dma_wait3A_679] : memref<786432x16xf32, #tpu.memory_space<hbm>> -> memref<786432x16xf32, #tpu.memory_space<hbm>>
      tpu.wait_indirect_dma semaphore(%arg9 : memref<!tpu.dma_semaphore, #tpu.memory_space<semaphore_mem>>) src(%dma_wait3A_680 : memref<786432x16xf32, #tpu.memory_space<hbm>>) dst(%dma_wait3A_666 : memref<128x16xf32, #tpu.memory_space<vmem>>)
      %dma_wait3A_681 = arith.constant 0 : i32
      %dma_wait3A_682 = arith.constant 6 : i32
      %dma_wait3A_683 = arith.constant 0 : i32
      %dma_wait3A_684 = arith.constant 0 : i32
      %dma_wait3A_685 = arith.constant 0 : i32
      %dma_wait3A_686 = tpu.memref_slice %arg7[%dma_wait3A_683, %dma_wait3A_684, %dma_wait3A_685] : memref<2x2048x16xf32, #tpu.memory_space<vmem>> -> memref<1x2048x16xf32, #tpu.memory_space<vmem>>
      %dma_wait3A_687 = tpu.memref_squeeze %dma_wait3A_686 : memref<1x2048x16xf32, #tpu.memory_space<vmem>> -> memref<2048x16xf32, #tpu.memory_space<vmem>>
      %dma_wait3A_688 = arith.constant 768 : i32
      %dma_wait3A_689 = arith.constant 0 : i32
      %dma_wait3A_690 = tpu.memref_slice %dma_wait3A_687[%dma_wait3A_688, %dma_wait3A_689] : memref<2048x16xf32, #tpu.memory_space<vmem>> -> memref<128x16xf32, #tpu.memory_space<vmem>>
      %dma_wait3A_691 = arith.constant 0 : i32
      %dma_wait3A_692 = arith.constant 0 : i32
      %dma_wait3A_693 = tpu.memref_slice %arg6[%dma_wait3A_681, %dma_wait3A_691, %dma_wait3A_692] : memref<2x16x128xi32, #tpu.memory_space<vmem>> -> memref<1x16x128xi32, #tpu.memory_space<vmem>>
      %dma_wait3A_694 = tpu.memref_squeeze %dma_wait3A_693 : memref<1x16x128xi32, #tpu.memory_space<vmem>> -> memref<16x128xi32, #tpu.memory_space<vmem>>
      %dma_wait3A_695 = arith.constant 0 : i32
      %dma_wait3A_696 = tpu.memref_slice %dma_wait3A_694[%dma_wait3A_682, %dma_wait3A_695] : memref<16x128xi32, #tpu.memory_space<vmem>> -> memref<1x128xi32, #tpu.memory_space<vmem>>
      %dma_wait3A_697 = tpu.memref_squeeze %dma_wait3A_696 : memref<1x128xi32, #tpu.memory_space<vmem>> -> memref<128xi32, #tpu.memory_space<vmem>>
      %dma_wait3A_698 = arith.constant 0 : i32
      %dma_wait3A_699 = arith.constant 0 : i32
      %dma_wait3A_700 = tpu.memref_slice %arg2[%select_n3A, %dma_wait3A_698, %dma_wait3A_699] : memref<4x786432x16xf32, #tpu.memory_space<hbm>> -> memref<1x786432x16xf32, #tpu.memory_space<hbm>>
      %dma_wait3A_701 = tpu.memref_squeeze %dma_wait3A_700 : memref<1x786432x16xf32, #tpu.memory_space<hbm>> -> memref<786432x16xf32, #tpu.memory_space<hbm>>
      %dma_wait3A_702 = arith.constant 0 : i32
      %dma_wait3A_703 = arith.constant 0 : i32
      %dma_wait3A_704 = tpu.memref_slice %dma_wait3A_701[%dma_wait3A_702, %dma_wait3A_703] : memref<786432x16xf32, #tpu.memory_space<hbm>> -> memref<786432x16xf32, #tpu.memory_space<hbm>>
      tpu.wait_indirect_dma semaphore(%arg9 : memref<!tpu.dma_semaphore, #tpu.memory_space<semaphore_mem>>) src(%dma_wait3A_704 : memref<786432x16xf32, #tpu.memory_space<hbm>>) dst(%dma_wait3A_690 : memref<128x16xf32, #tpu.memory_space<vmem>>)
      %dma_wait3A_705 = arith.constant 0 : i32
      %dma_wait3A_706 = arith.constant 7 : i32
      %dma_wait3A_707 = arith.constant 0 : i32
      %dma_wait3A_708 = arith.constant 0 : i32
      %dma_wait3A_709 = arith.constant 0 : i32
      %dma_wait3A_710 = tpu.memref_slice %arg7[%dma_wait3A_707, %dma_wait3A_708, %dma_wait3A_709] : memref<2x2048x16xf32, #tpu.memory_space<vmem>> -> memref<1x2048x16xf32, #tpu.memory_space<vmem>>
      %dma_wait3A_711 = tpu.memref_squeeze %dma_wait3A_710 : memref<1x2048x16xf32, #tpu.memory_space<vmem>> -> memref<2048x16xf32, #tpu.memory_space<vmem>>
      %dma_wait3A_712 = arith.constant 896 : i32
      %dma_wait3A_713 = arith.constant 0 : i32
      %dma_wait3A_714 = tpu.memref_slice %dma_wait3A_711[%dma_wait3A_712, %dma_wait3A_713] : memref<2048x16xf32, #tpu.memory_space<vmem>> -> memref<128x16xf32, #tpu.memory_space<vmem>>
      %dma_wait3A_715 = arith.constant 0 : i32
      %dma_wait3A_716 = arith.constant 0 : i32
      %dma_wait3A_717 = tpu.memref_slice %arg6[%dma_wait3A_705, %dma_wait3A_715, %dma_wait3A_716] : memref<2x16x128xi32, #tpu.memory_space<vmem>> -> memref<1x16x128xi32, #tpu.memory_space<vmem>>
      %dma_wait3A_718 = tpu.memref_squeeze %dma_wait3A_717 : memref<1x16x128xi32, #tpu.memory_space<vmem>> -> memref<16x128xi32, #tpu.memory_space<vmem>>
      %dma_wait3A_719 = arith.constant 0 : i32
      %dma_wait3A_720 = tpu.memref_slice %dma_wait3A_718[%dma_wait3A_706, %dma_wait3A_719] : memref<16x128xi32, #tpu.memory_space<vmem>> -> memref<1x128xi32, #tpu.memory_space<vmem>>
      %dma_wait3A_721 = tpu.memref_squeeze %dma_wait3A_720 : memref<1x128xi32, #tpu.memory_space<vmem>> -> memref<128xi32, #tpu.memory_space<vmem>>
      %dma_wait3A_722 = arith.constant 0 : i32
      %dma_wait3A_723 = arith.constant 0 : i32
      %dma_wait3A_724 = tpu.memref_slice %arg2[%select_n3A, %dma_wait3A_722, %dma_wait3A_723] : memref<4x786432x16xf32, #tpu.memory_space<hbm>> -> memref<1x786432x16xf32, #tpu.memory_space<hbm>>
      %dma_wait3A_725 = tpu.memref_squeeze %dma_wait3A_724 : memref<1x786432x16xf32, #tpu.memory_space<hbm>> -> memref<786432x16xf32, #tpu.memory_space<hbm>>
      %dma_wait3A_726 = arith.constant 0 : i32
      %dma_wait3A_727 = arith.constant 0 : i32
      %dma_wait3A_728 = tpu.memref_slice %dma_wait3A_725[%dma_wait3A_726, %dma_wait3A_727] : memref<786432x16xf32, #tpu.memory_space<hbm>> -> memref<786432x16xf32, #tpu.memory_space<hbm>>
      tpu.wait_indirect_dma semaphore(%arg9 : memref<!tpu.dma_semaphore, #tpu.memory_space<semaphore_mem>>) src(%dma_wait3A_728 : memref<786432x16xf32, #tpu.memory_space<hbm>>) dst(%dma_wait3A_714 : memref<128x16xf32, #tpu.memory_space<vmem>>)
      %dma_wait3A_729 = arith.constant 0 : i32
      %dma_wait3A_730 = arith.constant 8 : i32
      %dma_wait3A_731 = arith.constant 0 : i32
      %dma_wait3A_732 = arith.constant 0 : i32
      %dma_wait3A_733 = arith.constant 0 : i32
      %dma_wait3A_734 = tpu.memref_slice %arg7[%dma_wait3A_731, %dma_wait3A_732, %dma_wait3A_733] : memref<2x2048x16xf32, #tpu.memory_space<vmem>> -> memref<1x2048x16xf32, #tpu.memory_space<vmem>>
      %dma_wait3A_735 = tpu.memref_squeeze %dma_wait3A_734 : memref<1x2048x16xf32, #tpu.memory_space<vmem>> -> memref<2048x16xf32, #tpu.memory_space<vmem>>
      %dma_wait3A_736 = arith.constant 1024 : i32
      %dma_wait3A_737 = arith.constant 0 : i32
      %dma_wait3A_738 = tpu.memref_slice %dma_wait3A_735[%dma_wait3A_736, %dma_wait3A_737] : memref<2048x16xf32, #tpu.memory_space<vmem>> -> memref<128x16xf32, #tpu.memory_space<vmem>>
      %dma_wait3A_739 = arith.constant 0 : i32
      %dma_wait3A_740 = arith.constant 0 : i32
      %dma_wait3A_741 = tpu.memref_slice %arg6[%dma_wait3A_729, %dma_wait3A_739, %dma_wait3A_740] : memref<2x16x128xi32, #tpu.memory_space<vmem>> -> memref<1x16x128xi32, #tpu.memory_space<vmem>>
      %dma_wait3A_742 = tpu.memref_squeeze %dma_wait3A_741 : memref<1x16x128xi32, #tpu.memory_space<vmem>> -> memref<16x128xi32, #tpu.memory_space<vmem>>
      %dma_wait3A_743 = arith.constant 0 : i32
      %dma_wait3A_744 = tpu.memref_slice %dma_wait3A_742[%dma_wait3A_730, %dma_wait3A_743] : memref<16x128xi32, #tpu.memory_space<vmem>> -> memref<1x128xi32, #tpu.memory_space<vmem>>
      %dma_wait3A_745 = tpu.memref_squeeze %dma_wait3A_744 : memref<1x128xi32, #tpu.memory_space<vmem>> -> memref<128xi32, #tpu.memory_space<vmem>>
      %dma_wait3A_746 = arith.constant 0 : i32
      %dma_wait3A_747 = arith.constant 0 : i32
      %dma_wait3A_748 = tpu.memref_slice %arg2[%select_n3A, %dma_wait3A_746, %dma_wait3A_747] : memref<4x786432x16xf32, #tpu.memory_space<hbm>> -> memref<1x786432x16xf32, #tpu.memory_space<hbm>>
      %dma_wait3A_749 = tpu.memref_squeeze %dma_wait3A_748 : memref<1x786432x16xf32, #tpu.memory_space<hbm>> -> memref<786432x16xf32, #tpu.memory_space<hbm>>
      %dma_wait3A_750 = arith.constant 0 : i32
      %dma_wait3A_751 = arith.constant 0 : i32
      %dma_wait3A_752 = tpu.memref_slice %dma_wait3A_749[%dma_wait3A_750, %dma_wait3A_751] : memref<786432x16xf32, #tpu.memory_space<hbm>> -> memref<786432x16xf32, #tpu.memory_space<hbm>>
      tpu.wait_indirect_dma semaphore(%arg9 : memref<!tpu.dma_semaphore, #tpu.memory_space<semaphore_mem>>) src(%dma_wait3A_752 : memref<786432x16xf32, #tpu.memory_space<hbm>>) dst(%dma_wait3A_738 : memref<128x16xf32, #tpu.memory_space<vmem>>)
      %dma_wait3A_753 = arith.constant 0 : i32
      %dma_wait3A_754 = arith.constant 9 : i32
      %dma_wait3A_755 = arith.constant 0 : i32
      %dma_wait3A_756 = arith.constant 0 : i32
      %dma_wait3A_757 = arith.constant 0 : i32
      %dma_wait3A_758 = tpu.memref_slice %arg7[%dma_wait3A_755, %dma_wait3A_756, %dma_wait3A_757] : memref<2x2048x16xf32, #tpu.memory_space<vmem>> -> memref<1x2048x16xf32, #tpu.memory_space<vmem>>
      %dma_wait3A_759 = tpu.memref_squeeze %dma_wait3A_758 : memref<1x2048x16xf32, #tpu.memory_space<vmem>> -> memref<2048x16xf32, #tpu.memory_space<vmem>>
      %dma_wait3A_760 = arith.constant 1152 : i32
      %dma_wait3A_761 = arith.constant 0 : i32
      %dma_wait3A_762 = tpu.memref_slice %dma_wait3A_759[%dma_wait3A_760, %dma_wait3A_761] : memref<2048x16xf32, #tpu.memory_space<vmem>> -> memref<128x16xf32, #tpu.memory_space<vmem>>
      %dma_wait3A_763 = arith.constant 0 : i32
      %dma_wait3A_764 = arith.constant 0 : i32
      %dma_wait3A_765 = tpu.memref_slice %arg6[%dma_wait3A_753, %dma_wait3A_763, %dma_wait3A_764] : memref<2x16x128xi32, #tpu.memory_space<vmem>> -> memref<1x16x128xi32, #tpu.memory_space<vmem>>
      %dma_wait3A_766 = tpu.memref_squeeze %dma_wait3A_765 : memref<1x16x128xi32, #tpu.memory_space<vmem>> -> memref<16x128xi32, #tpu.memory_space<vmem>>
      %dma_wait3A_767 = arith.constant 0 : i32
      %dma_wait3A_768 = tpu.memref_slice %dma_wait3A_766[%dma_wait3A_754, %dma_wait3A_767] : memref<16x128xi32, #tpu.memory_space<vmem>> -> memref<1x128xi32, #tpu.memory_space<vmem>>
      %dma_wait3A_769 = tpu.memref_squeeze %dma_wait3A_768 : memref<1x128xi32, #tpu.memory_space<vmem>> -> memref<128xi32, #tpu.memory_space<vmem>>
      %dma_wait3A_770 = arith.constant 0 : i32
      %dma_wait3A_771 = arith.constant 0 : i32
      %dma_wait3A_772 = tpu.memref_slice %arg2[%select_n3A, %dma_wait3A_770, %dma_wait3A_771] : memref<4x786432x16xf32, #tpu.memory_space<hbm>> -> memref<1x786432x16xf32, #tpu.memory_space<hbm>>
      %dma_wait3A_773 = tpu.memref_squeeze %dma_wait3A_772 : memref<1x786432x16xf32, #tpu.memory_space<hbm>> -> memref<786432x16xf32, #tpu.memory_space<hbm>>
      %dma_wait3A_774 = arith.constant 0 : i32
      %dma_wait3A_775 = arith.constant 0 : i32
      %dma_wait3A_776 = tpu.memref_slice %dma_wait3A_773[%dma_wait3A_774, %dma_wait3A_775] : memref<786432x16xf32, #tpu.memory_space<hbm>> -> memref<786432x16xf32, #tpu.memory_space<hbm>>
      tpu.wait_indirect_dma semaphore(%arg9 : memref<!tpu.dma_semaphore, #tpu.memory_space<semaphore_mem>>) src(%dma_wait3A_776 : memref<786432x16xf32, #tpu.memory_space<hbm>>) dst(%dma_wait3A_762 : memref<128x16xf32, #tpu.memory_space<vmem>>)
      %dma_wait3A_777 = arith.constant 0 : i32
      %dma_wait3A_778 = arith.constant 10 : i32
      %dma_wait3A_779 = arith.constant 0 : i32
      %dma_wait3A_780 = arith.constant 0 : i32
      %dma_wait3A_781 = arith.constant 0 : i32
      %dma_wait3A_782 = tpu.memref_slice %arg7[%dma_wait3A_779, %dma_wait3A_780, %dma_wait3A_781] : memref<2x2048x16xf32, #tpu.memory_space<vmem>> -> memref<1x2048x16xf32, #tpu.memory_space<vmem>>
      %dma_wait3A_783 = tpu.memref_squeeze %dma_wait3A_782 : memref<1x2048x16xf32, #tpu.memory_space<vmem>> -> memref<2048x16xf32, #tpu.memory_space<vmem>>
      %dma_wait3A_784 = arith.constant 1280 : i32
      %dma_wait3A_785 = arith.constant 0 : i32
      %dma_wait3A_786 = tpu.memref_slice %dma_wait3A_783[%dma_wait3A_784, %dma_wait3A_785] : memref<2048x16xf32, #tpu.memory_space<vmem>> -> memref<128x16xf32, #tpu.memory_space<vmem>>
      %dma_wait3A_787 = arith.constant 0 : i32
      %dma_wait3A_788 = arith.constant 0 : i32
      %dma_wait3A_789 = tpu.memref_slice %arg6[%dma_wait3A_777, %dma_wait3A_787, %dma_wait3A_788] : memref<2x16x128xi32, #tpu.memory_space<vmem>> -> memref<1x16x128xi32, #tpu.memory_space<vmem>>
      %dma_wait3A_790 = tpu.memref_squeeze %dma_wait3A_789 : memref<1x16x128xi32, #tpu.memory_space<vmem>> -> memref<16x128xi32, #tpu.memory_space<vmem>>
      %dma_wait3A_791 = arith.constant 0 : i32
      %dma_wait3A_792 = tpu.memref_slice %dma_wait3A_790[%dma_wait3A_778, %dma_wait3A_791] : memref<16x128xi32, #tpu.memory_space<vmem>> -> memref<1x128xi32, #tpu.memory_space<vmem>>
      %dma_wait3A_793 = tpu.memref_squeeze %dma_wait3A_792 : memref<1x128xi32, #tpu.memory_space<vmem>> -> memref<128xi32, #tpu.memory_space<vmem>>
      %dma_wait3A_794 = arith.constant 0 : i32
      %dma_wait3A_795 = arith.constant 0 : i32
      %dma_wait3A_796 = tpu.memref_slice %arg2[%select_n3A, %dma_wait3A_794, %dma_wait3A_795] : memref<4x786432x16xf32, #tpu.memory_space<hbm>> -> memref<1x786432x16xf32, #tpu.memory_space<hbm>>
      %dma_wait3A_797 = tpu.memref_squeeze %dma_wait3A_796 : memref<1x786432x16xf32, #tpu.memory_space<hbm>> -> memref<786432x16xf32, #tpu.memory_space<hbm>>
      %dma_wait3A_798 = arith.constant 0 : i32
      %dma_wait3A_799 = arith.constant 0 : i32
      %dma_wait3A_800 = tpu.memref_slice %dma_wait3A_797[%dma_wait3A_798, %dma_wait3A_799] : memref<786432x16xf32, #tpu.memory_space<hbm>> -> memref<786432x16xf32, #tpu.memory_space<hbm>>
      tpu.wait_indirect_dma semaphore(%arg9 : memref<!tpu.dma_semaphore, #tpu.memory_space<semaphore_mem>>) src(%dma_wait3A_800 : memref<786432x16xf32, #tpu.memory_space<hbm>>) dst(%dma_wait3A_786 : memref<128x16xf32, #tpu.memory_space<vmem>>)
      %dma_wait3A_801 = arith.constant 0 : i32
      %dma_wait3A_802 = arith.constant 11 : i32
      %dma_wait3A_803 = arith.constant 0 : i32
      %dma_wait3A_804 = arith.constant 0 : i32
      %dma_wait3A_805 = arith.constant 0 : i32
      %dma_wait3A_806 = tpu.memref_slice %arg7[%dma_wait3A_803, %dma_wait3A_804, %dma_wait3A_805] : memref<2x2048x16xf32, #tpu.memory_space<vmem>> -> memref<1x2048x16xf32, #tpu.memory_space<vmem>>
      %dma_wait3A_807 = tpu.memref_squeeze %dma_wait3A_806 : memref<1x2048x16xf32, #tpu.memory_space<vmem>> -> memref<2048x16xf32, #tpu.memory_space<vmem>>
      %dma_wait3A_808 = arith.constant 1408 : i32
      %dma_wait3A_809 = arith.constant 0 : i32
      %dma_wait3A_810 = tpu.memref_slice %dma_wait3A_807[%dma_wait3A_808, %dma_wait3A_809] : memref<2048x16xf32, #tpu.memory_space<vmem>> -> memref<128x16xf32, #tpu.memory_space<vmem>>
      %dma_wait3A_811 = arith.constant 0 : i32
      %dma_wait3A_812 = arith.constant 0 : i32
      %dma_wait3A_813 = tpu.memref_slice %arg6[%dma_wait3A_801, %dma_wait3A_811, %dma_wait3A_812] : memref<2x16x128xi32, #tpu.memory_space<vmem>> -> memref<1x16x128xi32, #tpu.memory_space<vmem>>
      %dma_wait3A_814 = tpu.memref_squeeze %dma_wait3A_813 : memref<1x16x128xi32, #tpu.memory_space<vmem>> -> memref<16x128xi32, #tpu.memory_space<vmem>>
      %dma_wait3A_815 = arith.constant 0 : i32
      %dma_wait3A_816 = tpu.memref_slice %dma_wait3A_814[%dma_wait3A_802, %dma_wait3A_815] : memref<16x128xi32, #tpu.memory_space<vmem>> -> memref<1x128xi32, #tpu.memory_space<vmem>>
      %dma_wait3A_817 = tpu.memref_squeeze %dma_wait3A_816 : memref<1x128xi32, #tpu.memory_space<vmem>> -> memref<128xi32, #tpu.memory_space<vmem>>
      %dma_wait3A_818 = arith.constant 0 : i32
      %dma_wait3A_819 = arith.constant 0 : i32
      %dma_wait3A_820 = tpu.memref_slice %arg2[%select_n3A, %dma_wait3A_818, %dma_wait3A_819] : memref<4x786432x16xf32, #tpu.memory_space<hbm>> -> memref<1x786432x16xf32, #tpu.memory_space<hbm>>
      %dma_wait3A_821 = tpu.memref_squeeze %dma_wait3A_820 : memref<1x786432x16xf32, #tpu.memory_space<hbm>> -> memref<786432x16xf32, #tpu.memory_space<hbm>>
      %dma_wait3A_822 = arith.constant 0 : i32
      %dma_wait3A_823 = arith.constant 0 : i32
      %dma_wait3A_824 = tpu.memref_slice %dma_wait3A_821[%dma_wait3A_822, %dma_wait3A_823] : memref<786432x16xf32, #tpu.memory_space<hbm>> -> memref<786432x16xf32, #tpu.memory_space<hbm>>
      tpu.wait_indirect_dma semaphore(%arg9 : memref<!tpu.dma_semaphore, #tpu.memory_space<semaphore_mem>>) src(%dma_wait3A_824 : memref<786432x16xf32, #tpu.memory_space<hbm>>) dst(%dma_wait3A_810 : memref<128x16xf32, #tpu.memory_space<vmem>>)
      %dma_wait3A_825 = arith.constant 0 : i32
      %dma_wait3A_826 = arith.constant 12 : i32
      %dma_wait3A_827 = arith.constant 0 : i32
      %dma_wait3A_828 = arith.constant 0 : i32
      %dma_wait3A_829 = arith.constant 0 : i32
      %dma_wait3A_830 = tpu.memref_slice %arg7[%dma_wait3A_827, %dma_wait3A_828, %dma_wait3A_829] : memref<2x2048x16xf32, #tpu.memory_space<vmem>> -> memref<1x2048x16xf32, #tpu.memory_space<vmem>>
      %dma_wait3A_831 = tpu.memref_squeeze %dma_wait3A_830 : memref<1x2048x16xf32, #tpu.memory_space<vmem>> -> memref<2048x16xf32, #tpu.memory_space<vmem>>
      %dma_wait3A_832 = arith.constant 1536 : i32
      %dma_wait3A_833 = arith.constant 0 : i32
      %dma_wait3A_834 = tpu.memref_slice %dma_wait3A_831[%dma_wait3A_832, %dma_wait3A_833] : memref<2048x16xf32, #tpu.memory_space<vmem>> -> memref<128x16xf32, #tpu.memory_space<vmem>>
      %dma_wait3A_835 = arith.constant 0 : i32
      %dma_wait3A_836 = arith.constant 0 : i32
      %dma_wait3A_837 = tpu.memref_slice %arg6[%dma_wait3A_825, %dma_wait3A_835, %dma_wait3A_836] : memref<2x16x128xi32, #tpu.memory_space<vmem>> -> memref<1x16x128xi32, #tpu.memory_space<vmem>>
      %dma_wait3A_838 = tpu.memref_squeeze %dma_wait3A_837 : memref<1x16x128xi32, #tpu.memory_space<vmem>> -> memref<16x128xi32, #tpu.memory_space<vmem>>
      %dma_wait3A_839 = arith.constant 0 : i32
      %dma_wait3A_840 = tpu.memref_slice %dma_wait3A_838[%dma_wait3A_826, %dma_wait3A_839] : memref<16x128xi32, #tpu.memory_space<vmem>> -> memref<1x128xi32, #tpu.memory_space<vmem>>
      %dma_wait3A_841 = tpu.memref_squeeze %dma_wait3A_840 : memref<1x128xi32, #tpu.memory_space<vmem>> -> memref<128xi32, #tpu.memory_space<vmem>>
      %dma_wait3A_842 = arith.constant 0 : i32
      %dma_wait3A_843 = arith.constant 0 : i32
      %dma_wait3A_844 = tpu.memref_slice %arg2[%select_n3A, %dma_wait3A_842, %dma_wait3A_843] : memref<4x786432x16xf32, #tpu.memory_space<hbm>> -> memref<1x786432x16xf32, #tpu.memory_space<hbm>>
      %dma_wait3A_845 = tpu.memref_squeeze %dma_wait3A_844 : memref<1x786432x16xf32, #tpu.memory_space<hbm>> -> memref<786432x16xf32, #tpu.memory_space<hbm>>
      %dma_wait3A_846 = arith.constant 0 : i32
      %dma_wait3A_847 = arith.constant 0 : i32
      %dma_wait3A_848 = tpu.memref_slice %dma_wait3A_845[%dma_wait3A_846, %dma_wait3A_847] : memref<786432x16xf32, #tpu.memory_space<hbm>> -> memref<786432x16xf32, #tpu.memory_space<hbm>>
      tpu.wait_indirect_dma semaphore(%arg9 : memref<!tpu.dma_semaphore, #tpu.memory_space<semaphore_mem>>) src(%dma_wait3A_848 : memref<786432x16xf32, #tpu.memory_space<hbm>>) dst(%dma_wait3A_834 : memref<128x16xf32, #tpu.memory_space<vmem>>)
      %dma_wait3A_849 = arith.constant 0 : i32
      %dma_wait3A_850 = arith.constant 13 : i32
      %dma_wait3A_851 = arith.constant 0 : i32
      %dma_wait3A_852 = arith.constant 0 : i32
      %dma_wait3A_853 = arith.constant 0 : i32
      %dma_wait3A_854 = tpu.memref_slice %arg7[%dma_wait3A_851, %dma_wait3A_852, %dma_wait3A_853] : memref<2x2048x16xf32, #tpu.memory_space<vmem>> -> memref<1x2048x16xf32, #tpu.memory_space<vmem>>
      %dma_wait3A_855 = tpu.memref_squeeze %dma_wait3A_854 : memref<1x2048x16xf32, #tpu.memory_space<vmem>> -> memref<2048x16xf32, #tpu.memory_space<vmem>>
      %dma_wait3A_856 = arith.constant 1664 : i32
      %dma_wait3A_857 = arith.constant 0 : i32
      %dma_wait3A_858 = tpu.memref_slice %dma_wait3A_855[%dma_wait3A_856, %dma_wait3A_857] : memref<2048x16xf32, #tpu.memory_space<vmem>> -> memref<128x16xf32, #tpu.memory_space<vmem>>
      %dma_wait3A_859 = arith.constant 0 : i32
      %dma_wait3A_860 = arith.constant 0 : i32
      %dma_wait3A_861 = tpu.memref_slice %arg6[%dma_wait3A_849, %dma_wait3A_859, %dma_wait3A_860] : memref<2x16x128xi32, #tpu.memory_space<vmem>> -> memref<1x16x128xi32, #tpu.memory_space<vmem>>
      %dma_wait3A_862 = tpu.memref_squeeze %dma_wait3A_861 : memref<1x16x128xi32, #tpu.memory_space<vmem>> -> memref<16x128xi32, #tpu.memory_space<vmem>>
      %dma_wait3A_863 = arith.constant 0 : i32
      %dma_wait3A_864 = tpu.memref_slice %dma_wait3A_862[%dma_wait3A_850, %dma_wait3A_863] : memref<16x128xi32, #tpu.memory_space<vmem>> -> memref<1x128xi32, #tpu.memory_space<vmem>>
      %dma_wait3A_865 = tpu.memref_squeeze %dma_wait3A_864 : memref<1x128xi32, #tpu.memory_space<vmem>> -> memref<128xi32, #tpu.memory_space<vmem>>
      %dma_wait3A_866 = arith.constant 0 : i32
      %dma_wait3A_867 = arith.constant 0 : i32
      %dma_wait3A_868 = tpu.memref_slice %arg2[%select_n3A, %dma_wait3A_866, %dma_wait3A_867] : memref<4x786432x16xf32, #tpu.memory_space<hbm>> -> memref<1x786432x16xf32, #tpu.memory_space<hbm>>
      %dma_wait3A_869 = tpu.memref_squeeze %dma_wait3A_868 : memref<1x786432x16xf32, #tpu.memory_space<hbm>> -> memref<786432x16xf32, #tpu.memory_space<hbm>>
      %dma_wait3A_870 = arith.constant 0 : i32
      %dma_wait3A_871 = arith.constant 0 : i32
      %dma_wait3A_872 = tpu.memref_slice %dma_wait3A_869[%dma_wait3A_870, %dma_wait3A_871] : memref<786432x16xf32, #tpu.memory_space<hbm>> -> memref<786432x16xf32, #tpu.memory_space<hbm>>
      tpu.wait_indirect_dma semaphore(%arg9 : memref<!tpu.dma_semaphore, #tpu.memory_space<semaphore_mem>>) src(%dma_wait3A_872 : memref<786432x16xf32, #tpu.memory_space<hbm>>) dst(%dma_wait3A_858 : memref<128x16xf32, #tpu.memory_space<vmem>>)
      %dma_wait3A_873 = arith.constant 0 : i32
      %dma_wait3A_874 = arith.constant 14 : i32
      %dma_wait3A_875 = arith.constant 0 : i32
      %dma_wait3A_876 = arith.constant 0 : i32
      %dma_wait3A_877 = arith.constant 0 : i32
      %dma_wait3A_878 = tpu.memref_slice %arg7[%dma_wait3A_875, %dma_wait3A_876, %dma_wait3A_877] : memref<2x2048x16xf32, #tpu.memory_space<vmem>> -> memref<1x2048x16xf32, #tpu.memory_space<vmem>>
      %dma_wait3A_879 = tpu.memref_squeeze %dma_wait3A_878 : memref<1x2048x16xf32, #tpu.memory_space<vmem>> -> memref<2048x16xf32, #tpu.memory_space<vmem>>
      %dma_wait3A_880 = arith.constant 1792 : i32
      %dma_wait3A_881 = arith.constant 0 : i32
      %dma_wait3A_882 = tpu.memref_slice %dma_wait3A_879[%dma_wait3A_880, %dma_wait3A_881] : memref<2048x16xf32, #tpu.memory_space<vmem>> -> memref<128x16xf32, #tpu.memory_space<vmem>>
      %dma_wait3A_883 = arith.constant 0 : i32
      %dma_wait3A_884 = arith.constant 0 : i32
      %dma_wait3A_885 = tpu.memref_slice %arg6[%dma_wait3A_873, %dma_wait3A_883, %dma_wait3A_884] : memref<2x16x128xi32, #tpu.memory_space<vmem>> -> memref<1x16x128xi32, #tpu.memory_space<vmem>>
      %dma_wait3A_886 = tpu.memref_squeeze %dma_wait3A_885 : memref<1x16x128xi32, #tpu.memory_space<vmem>> -> memref<16x128xi32, #tpu.memory_space<vmem>>
      %dma_wait3A_887 = arith.constant 0 : i32
      %dma_wait3A_888 = tpu.memref_slice %dma_wait3A_886[%dma_wait3A_874, %dma_wait3A_887] : memref<16x128xi32, #tpu.memory_space<vmem>> -> memref<1x128xi32, #tpu.memory_space<vmem>>
      %dma_wait3A_889 = tpu.memref_squeeze %dma_wait3A_888 : memref<1x128xi32, #tpu.memory_space<vmem>> -> memref<128xi32, #tpu.memory_space<vmem>>
      %dma_wait3A_890 = arith.constant 0 : i32
      %dma_wait3A_891 = arith.constant 0 : i32
      %dma_wait3A_892 = tpu.memref_slice %arg2[%select_n3A, %dma_wait3A_890, %dma_wait3A_891] : memref<4x786432x16xf32, #tpu.memory_space<hbm>> -> memref<1x786432x16xf32, #tpu.memory_space<hbm>>
      %dma_wait3A_893 = tpu.memref_squeeze %dma_wait3A_892 : memref<1x786432x16xf32, #tpu.memory_space<hbm>> -> memref<786432x16xf32, #tpu.memory_space<hbm>>
      %dma_wait3A_894 = arith.constant 0 : i32
      %dma_wait3A_895 = arith.constant 0 : i32
      %dma_wait3A_896 = tpu.memref_slice %dma_wait3A_893[%dma_wait3A_894, %dma_wait3A_895] : memref<786432x16xf32, #tpu.memory_space<hbm>> -> memref<786432x16xf32, #tpu.memory_space<hbm>>
      tpu.wait_indirect_dma semaphore(%arg9 : memref<!tpu.dma_semaphore, #tpu.memory_space<semaphore_mem>>) src(%dma_wait3A_896 : memref<786432x16xf32, #tpu.memory_space<hbm>>) dst(%dma_wait3A_882 : memref<128x16xf32, #tpu.memory_space<vmem>>)
      %dma_wait3A_897 = arith.constant 0 : i32
      %dma_wait3A_898 = arith.constant 15 : i32
      %dma_wait3A_899 = arith.constant 0 : i32
      %dma_wait3A_900 = arith.constant 0 : i32
      %dma_wait3A_901 = arith.constant 0 : i32
      %dma_wait3A_902 = tpu.memref_slice %arg7[%dma_wait3A_899, %dma_wait3A_900, %dma_wait3A_901] : memref<2x2048x16xf32, #tpu.memory_space<vmem>> -> memref<1x2048x16xf32, #tpu.memory_space<vmem>>
      %dma_wait3A_903 = tpu.memref_squeeze %dma_wait3A_902 : memref<1x2048x16xf32, #tpu.memory_space<vmem>> -> memref<2048x16xf32, #tpu.memory_space<vmem>>
      %dma_wait3A_904 = arith.constant 1920 : i32
      %dma_wait3A_905 = arith.constant 0 : i32
      %dma_wait3A_906 = tpu.memref_slice %dma_wait3A_903[%dma_wait3A_904, %dma_wait3A_905] : memref<2048x16xf32, #tpu.memory_space<vmem>> -> memref<128x16xf32, #tpu.memory_space<vmem>>
      %dma_wait3A_907 = arith.constant 0 : i32
      %dma_wait3A_908 = arith.constant 0 : i32
      %dma_wait3A_909 = tpu.memref_slice %arg6[%dma_wait3A_897, %dma_wait3A_907, %dma_wait3A_908] : memref<2x16x128xi32, #tpu.memory_space<vmem>> -> memref<1x16x128xi32, #tpu.memory_space<vmem>>
      %dma_wait3A_910 = tpu.memref_squeeze %dma_wait3A_909 : memref<1x16x128xi32, #tpu.memory_space<vmem>> -> memref<16x128xi32, #tpu.memory_space<vmem>>
      %dma_wait3A_911 = arith.constant 0 : i32
      %dma_wait3A_912 = tpu.memref_slice %dma_wait3A_910[%dma_wait3A_898, %dma_wait3A_911] : memref<16x128xi32, #tpu.memory_space<vmem>> -> memref<1x128xi32, #tpu.memory_space<vmem>>
      %dma_wait3A_913 = tpu.memref_squeeze %dma_wait3A_912 : memref<1x128xi32, #tpu.memory_space<vmem>> -> memref<128xi32, #tpu.memory_space<vmem>>
      %dma_wait3A_914 = arith.constant 0 : i32
      %dma_wait3A_915 = arith.constant 0 : i32
      %dma_wait3A_916 = tpu.memref_slice %arg2[%select_n3A, %dma_wait3A_914, %dma_wait3A_915] : memref<4x786432x16xf32, #tpu.memory_space<hbm>> -> memref<1x786432x16xf32, #tpu.memory_space<hbm>>
      %dma_wait3A_917 = tpu.memref_squeeze %dma_wait3A_916 : memref<1x786432x16xf32, #tpu.memory_space<hbm>> -> memref<786432x16xf32, #tpu.memory_space<hbm>>
      %dma_wait3A_918 = arith.constant 0 : i32
      %dma_wait3A_919 = arith.constant 0 : i32
      %dma_wait3A_920 = tpu.memref_slice %dma_wait3A_917[%dma_wait3A_918, %dma_wait3A_919] : memref<786432x16xf32, #tpu.memory_space<hbm>> -> memref<786432x16xf32, #tpu.memory_space<hbm>>
      tpu.wait_indirect_dma semaphore(%arg9 : memref<!tpu.dma_semaphore, #tpu.memory_space<semaphore_mem>>) src(%dma_wait3A_920 : memref<786432x16xf32, #tpu.memory_space<hbm>>) dst(%dma_wait3A_906 : memref<128x16xf32, #tpu.memory_space<vmem>>)
      %gt3A = arith.constant 0 : i32
      %gt3A_921 = arith.cmpi sgt, %add3A_153, %gt3A : i32
      %convert_element_type3A_922 = arith.extui %gt3A_921 : i1 to i32
      %cond3A_923 = arith.constant 0 : i32
      %cond3A_924 = arith.constant 0 : i32
      %cond3A_925 = arith.constant 0 : i32
      %cond3A_926 = arith.cmpi ne, %convert_element_type3A_922, %cond3A_925 : i32
      scf.if %cond3A_926 {
        %scan3A_1825 = arith.constant 0 : i32
        %scan3A_1826 = arith.constant 0 : i32
        %scan3A_1827 = arith.constant 128 : i32
        %scan3A_1828 = arith.addi %scan3A_1826, %scan3A_1827 : i32
        %scan3A_1829 = arith.constant 1 : i32
        %scan3A_1830 = scf.for %scan3A_1832 = %scan3A_1826 to %scan3A_1828 step %scan3A_1829 iter_args(%scan3A_1833 = %scan3A_1825) -> (i32)  : i32 {
          %mul3A_1834 = arith.constant 16 : i32
          %mul3A_1835 = arith.muli %scan3A_1832, %mul3A_1834 : i32
          %get3A_1836 = arith.constant 0 : i32
          %get3A_1837 = tpu.memref_slice %arg5[%cond3A_923, %get3A_1836] : memref<2x2048xi32, #tpu.memory_space<vmem>> -> memref<1x2048xi32, #tpu.memory_space<vmem>>
          %get3A_1838 = tpu.memref_squeeze %get3A_1837 : memref<1x2048xi32, #tpu.memory_space<vmem>> -> memref<2048xi32, #tpu.memory_space<vmem>>
          %get3A_1839 = arith.index_cast %mul3A_1835 : i32 to index
          %get3A_1840 = tpu.vector_load %get3A_1838[%get3A_1839] {strides = array<i32>} : memref<2048xi32, #tpu.memory_space<vmem>>, vector<16xi32>,
          %get3A_1841 = vector.shape_cast %get3A_1840 : vector<16xi32> to vector<16xi32>
          %slice3A_1842 = vector.extract_strided_slice %get3A_1841 {offsets = [0], sizes = [1], strides = [1]} : vector<16xi32> to vector<1xi32>
          %squeeze3A_1843 = vector.extract %slice3A_1842[0] : i32 from vector<1xi32>
          %eq3A_1844 = arith.constant 786432 : i32
          %eq3A_1845 = arith.cmpi eq, %squeeze3A_1843, %eq3A_1844 : i32
          %jit3A_1846 = arith.constant 0.000000e+00 : f32
          %jit3A_1847 = arith.constant 1.000000e+00 : f32
          %select_n3A_1848 = arith.select %eq3A_1845, %jit3A_1846, %jit3A_1847 : f32
          %mul3A_1849 = arith.constant 16 : i32
          %mul3A_1850 = arith.muli %scan3A_1832, %mul3A_1849 : i32
          %add3A_1851 = arith.constant 0 : i32
          %add3A_1852 = arith.addi %mul3A_1850, %add3A_1851 : i32
          %get3A_1853 = arith.constant 0 : i32
          %get3A_1854 = arith.constant 0 : i32
          %get3A_1855 = tpu.memref_slice %arg7[%cond3A_924, %get3A_1853, %get3A_1854] : memref<2x2048x16xf32, #tpu.memory_space<vmem>> -> memref<1x2048x16xf32, #tpu.memory_space<vmem>>
          %get3A_1856 = tpu.memref_squeeze %get3A_1855 : memref<1x2048x16xf32, #tpu.memory_space<vmem>> -> memref<2048x16xf32, #tpu.memory_space<vmem>>
          %get3A_1857 = arith.index_cast %add3A_1852 : i32 to index
          %get3A_1858 = arith.constant 0 : index
          %get3A_1859 = tpu.vector_load %get3A_1856[%get3A_1857, %get3A_1858] {strides = array<i32>} : memref<2048x16xf32, #tpu.memory_space<vmem>>, vector<1x16xf32>,
          %get3A_1860 = vector.shape_cast %get3A_1859 : vector<1x16xf32> to vector<16xf32>
          %mul3A_1861 = vector.broadcast %select_n3A_1848 : f32 to vector<16xf32>
          %mul3A_1862 = arith.mulf %get3A_1860, %mul3A_1861 : vector<16xf32>
          %swap3A_1863 = arith.constant 0 : i32
          %swap3A_1864 = arith.constant 0 : i32
          %swap3A_1865 = tpu.memref_slice %arg7[%cond3A_924, %swap3A_1863, %swap3A_1864] : memref<2x2048x16xf32, #tpu.memory_space<vmem>> -> memref<1x2048x16xf32, #tpu.memory_space<vmem>>
          %swap3A_1866 = tpu.memref_squeeze %swap3A_1865 : memref<1x2048x16xf32, #tpu.memory_space<vmem>> -> memref<2048x16xf32, #tpu.memory_space<vmem>>
          %swap3A_1867 = arith.index_cast %add3A_1852 : i32 to index
          %swap3A_1868 = arith.constant 0 : index
          %swap3A_1869 = tpu.vector_load %swap3A_1866[%swap3A_1867, %swap3A_1868] {strides = array<i32>} : memref<2048x16xf32, #tpu.memory_space<vmem>>, vector<1x16xf32>,
          %swap3A_1870 = vector.shape_cast %swap3A_1869 : vector<1x16xf32> to vector<16xf32>
          %swap3A_1871 = vector.shape_cast %mul3A_1862 : vector<16xf32> to vector<1x16xf32>
          tpu.vector_store %swap3A_1866[%swap3A_1867, %swap3A_1868], %swap3A_1871 {strides = array<i32>} : memref<2048x16xf32, #tpu.memory_space<vmem>>, vector<1x16xf32>,
          %slice3A_1872 = vector.extract_strided_slice %get3A_1841 {offsets = [1], sizes = [1], strides = [1]} : vector<16xi32> to vector<1xi32>
          %squeeze3A_1873 = vector.extract %slice3A_1872[0] : i32 from vector<1xi32>
          %eq3A_1874 = arith.constant 786432 : i32
          %eq3A_1875 = arith.cmpi eq, %squeeze3A_1873, %eq3A_1874 : i32
          %jit3A_1876 = arith.constant 0.000000e+00 : f32
          %jit3A_1877 = arith.constant 1.000000e+00 : f32
          %select_n3A_1878 = arith.select %eq3A_1875, %jit3A_1876, %jit3A_1877 : f32
          %mul3A_1879 = arith.constant 16 : i32
          %mul3A_1880 = arith.muli %scan3A_1832, %mul3A_1879 : i32
          %add3A_1881 = arith.constant 1 : i32
          %add3A_1882 = arith.addi %mul3A_1880, %add3A_1881 : i32
          %get3A_1883 = arith.constant 0 : i32
          %get3A_1884 = arith.constant 0 : i32
          %get3A_1885 = tpu.memref_slice %arg7[%cond3A_924, %get3A_1883, %get3A_1884] : memref<2x2048x16xf32, #tpu.memory_space<vmem>> -> memref<1x2048x16xf32, #tpu.memory_space<vmem>>
          %get3A_1886 = tpu.memref_squeeze %get3A_1885 : memref<1x2048x16xf32, #tpu.memory_space<vmem>> -> memref<2048x16xf32, #tpu.memory_space<vmem>>
          %get3A_1887 = arith.index_cast %add3A_1882 : i32 to index
          %get3A_1888 = arith.constant 0 : index
          %get3A_1889 = tpu.vector_load %get3A_1886[%get3A_1887, %get3A_1888] {strides = array<i32>} : memref<2048x16xf32, #tpu.memory_space<vmem>>, vector<1x16xf32>,
          %get3A_1890 = vector.shape_cast %get3A_1889 : vector<1x16xf32> to vector<16xf32>
          %mul3A_1891 = vector.broadcast %select_n3A_1878 : f32 to vector<16xf32>
          %mul3A_1892 = arith.mulf %get3A_1890, %mul3A_1891 : vector<16xf32>
          %swap3A_1893 = arith.constant 0 : i32
          %swap3A_1894 = arith.constant 0 : i32
          %swap3A_1895 = tpu.memref_slice %arg7[%cond3A_924, %swap3A_1893, %swap3A_1894] : memref<2x2048x16xf32, #tpu.memory_space<vmem>> -> memref<1x2048x16xf32, #tpu.memory_space<vmem>>
          %swap3A_1896 = tpu.memref_squeeze %swap3A_1895 : memref<1x2048x16xf32, #tpu.memory_space<vmem>> -> memref<2048x16xf32, #tpu.memory_space<vmem>>
          %swap3A_1897 = arith.index_cast %add3A_1882 : i32 to index
          %swap3A_1898 = arith.constant 0 : index
          %swap3A_1899 = tpu.vector_load %swap3A_1896[%swap3A_1897, %swap3A_1898] {strides = array<i32>} : memref<2048x16xf32, #tpu.memory_space<vmem>>, vector<1x16xf32>,
          %swap3A_1900 = vector.shape_cast %swap3A_1899 : vector<1x16xf32> to vector<16xf32>
          %swap3A_1901 = vector.shape_cast %mul3A_1892 : vector<16xf32> to vector<1x16xf32>
          tpu.vector_store %swap3A_1896[%swap3A_1897, %swap3A_1898], %swap3A_1901 {strides = array<i32>} : memref<2048x16xf32, #tpu.memory_space<vmem>>, vector<1x16xf32>,
          %slice3A_1902 = vector.extract_strided_slice %get3A_1841 {offsets = [2], sizes = [1], strides = [1]} : vector<16xi32> to vector<1xi32>
          %squeeze3A_1903 = vector.extract %slice3A_1902[0] : i32 from vector<1xi32>
          %eq3A_1904 = arith.constant 786432 : i32
          %eq3A_1905 = arith.cmpi eq, %squeeze3A_1903, %eq3A_1904 : i32
          %jit3A_1906 = arith.constant 0.000000e+00 : f32
          %jit3A_1907 = arith.constant 1.000000e+00 : f32
          %select_n3A_1908 = arith.select %eq3A_1905, %jit3A_1906, %jit3A_1907 : f32
          %mul3A_1909 = arith.constant 16 : i32
          %mul3A_1910 = arith.muli %scan3A_1832, %mul3A_1909 : i32
          %add3A_1911 = arith.constant 2 : i32
          %add3A_1912 = arith.addi %mul3A_1910, %add3A_1911 : i32
          %get3A_1913 = arith.constant 0 : i32
          %get3A_1914 = arith.constant 0 : i32
          %get3A_1915 = tpu.memref_slice %arg7[%cond3A_924, %get3A_1913, %get3A_1914] : memref<2x2048x16xf32, #tpu.memory_space<vmem>> -> memref<1x2048x16xf32, #tpu.memory_space<vmem>>
          %get3A_1916 = tpu.memref_squeeze %get3A_1915 : memref<1x2048x16xf32, #tpu.memory_space<vmem>> -> memref<2048x16xf32, #tpu.memory_space<vmem>>
          %get3A_1917 = arith.index_cast %add3A_1912 : i32 to index
          %get3A_1918 = arith.constant 0 : index
          %get3A_1919 = tpu.vector_load %get3A_1916[%get3A_1917, %get3A_1918] {strides = array<i32>} : memref<2048x16xf32, #tpu.memory_space<vmem>>, vector<1x16xf32>,
          %get3A_1920 = vector.shape_cast %get3A_1919 : vector<1x16xf32> to vector<16xf32>
          %mul3A_1921 = vector.broadcast %select_n3A_1908 : f32 to vector<16xf32>
          %mul3A_1922 = arith.mulf %get3A_1920, %mul3A_1921 : vector<16xf32>
          %swap3A_1923 = arith.constant 0 : i32
          %swap3A_1924 = arith.constant 0 : i32
          %swap3A_1925 = tpu.memref_slice %arg7[%cond3A_924, %swap3A_1923, %swap3A_1924] : memref<2x2048x16xf32, #tpu.memory_space<vmem>> -> memref<1x2048x16xf32, #tpu.memory_space<vmem>>
          %swap3A_1926 = tpu.memref_squeeze %swap3A_1925 : memref<1x2048x16xf32, #tpu.memory_space<vmem>> -> memref<2048x16xf32, #tpu.memory_space<vmem>>
          %swap3A_1927 = arith.index_cast %add3A_1912 : i32 to index
          %swap3A_1928 = arith.constant 0 : index
          %swap3A_1929 = tpu.vector_load %swap3A_1926[%swap3A_1927, %swap3A_1928] {strides = array<i32>} : memref<2048x16xf32, #tpu.memory_space<vmem>>, vector<1x16xf32>,
          %swap3A_1930 = vector.shape_cast %swap3A_1929 : vector<1x16xf32> to vector<16xf32>
          %swap3A_1931 = vector.shape_cast %mul3A_1922 : vector<16xf32> to vector<1x16xf32>
          tpu.vector_store %swap3A_1926[%swap3A_1927, %swap3A_1928], %swap3A_1931 {strides = array<i32>} : memref<2048x16xf32, #tpu.memory_space<vmem>>, vector<1x16xf32>,
          %slice3A_1932 = vector.extract_strided_slice %get3A_1841 {offsets = [3], sizes = [1], strides = [1]} : vector<16xi32> to vector<1xi32>
          %squeeze3A_1933 = vector.extract %slice3A_1932[0] : i32 from vector<1xi32>
          %eq3A_1934 = arith.constant 786432 : i32
          %eq3A_1935 = arith.cmpi eq, %squeeze3A_1933, %eq3A_1934 : i32
          %jit3A_1936 = arith.constant 0.000000e+00 : f32
          %jit3A_1937 = arith.constant 1.000000e+00 : f32
          %select_n3A_1938 = arith.select %eq3A_1935, %jit3A_1936, %jit3A_1937 : f32
          %mul3A_1939 = arith.constant 16 : i32
          %mul3A_1940 = arith.muli %scan3A_1832, %mul3A_1939 : i32
          %add3A_1941 = arith.constant 3 : i32
          %add3A_1942 = arith.addi %mul3A_1940, %add3A_1941 : i32
          %get3A_1943 = arith.constant 0 : i32
          %get3A_1944 = arith.constant 0 : i32
          %get3A_1945 = tpu.memref_slice %arg7[%cond3A_924, %get3A_1943, %get3A_1944] : memref<2x2048x16xf32, #tpu.memory_space<vmem>> -> memref<1x2048x16xf32, #tpu.memory_space<vmem>>
          %get3A_1946 = tpu.memref_squeeze %get3A_1945 : memref<1x2048x16xf32, #tpu.memory_space<vmem>> -> memref<2048x16xf32, #tpu.memory_space<vmem>>
          %get3A_1947 = arith.index_cast %add3A_1942 : i32 to index
          %get3A_1948 = arith.constant 0 : index
          %get3A_1949 = tpu.vector_load %get3A_1946[%get3A_1947, %get3A_1948] {strides = array<i32>} : memref<2048x16xf32, #tpu.memory_space<vmem>>, vector<1x16xf32>,
          %get3A_1950 = vector.shape_cast %get3A_1949 : vector<1x16xf32> to vector<16xf32>
          %mul3A_1951 = vector.broadcast %select_n3A_1938 : f32 to vector<16xf32>
          %mul3A_1952 = arith.mulf %get3A_1950, %mul3A_1951 : vector<16xf32>
          %swap3A_1953 = arith.constant 0 : i32
          %swap3A_1954 = arith.constant 0 : i32
          %swap3A_1955 = tpu.memref_slice %arg7[%cond3A_924, %swap3A_1953, %swap3A_1954] : memref<2x2048x16xf32, #tpu.memory_space<vmem>> -> memref<1x2048x16xf32, #tpu.memory_space<vmem>>
          %swap3A_1956 = tpu.memref_squeeze %swap3A_1955 : memref<1x2048x16xf32, #tpu.memory_space<vmem>> -> memref<2048x16xf32, #tpu.memory_space<vmem>>
          %swap3A_1957 = arith.index_cast %add3A_1942 : i32 to index
          %swap3A_1958 = arith.constant 0 : index
          %swap3A_1959 = tpu.vector_load %swap3A_1956[%swap3A_1957, %swap3A_1958] {strides = array<i32>} : memref<2048x16xf32, #tpu.memory_space<vmem>>, vector<1x16xf32>,
          %swap3A_1960 = vector.shape_cast %swap3A_1959 : vector<1x16xf32> to vector<16xf32>
          %swap3A_1961 = vector.shape_cast %mul3A_1952 : vector<16xf32> to vector<1x16xf32>
          tpu.vector_store %swap3A_1956[%swap3A_1957, %swap3A_1958], %swap3A_1961 {strides = array<i32>} : memref<2048x16xf32, #tpu.memory_space<vmem>>, vector<1x16xf32>,
          %slice3A_1962 = vector.extract_strided_slice %get3A_1841 {offsets = [4], sizes = [1], strides = [1]} : vector<16xi32> to vector<1xi32>
          %squeeze3A_1963 = vector.extract %slice3A_1962[0] : i32 from vector<1xi32>
          %eq3A_1964 = arith.constant 786432 : i32
          %eq3A_1965 = arith.cmpi eq, %squeeze3A_1963, %eq3A_1964 : i32
          %jit3A_1966 = arith.constant 0.000000e+00 : f32
          %jit3A_1967 = arith.constant 1.000000e+00 : f32
          %select_n3A_1968 = arith.select %eq3A_1965, %jit3A_1966, %jit3A_1967 : f32
          %mul3A_1969 = arith.constant 16 : i32
          %mul3A_1970 = arith.muli %scan3A_1832, %mul3A_1969 : i32
          %add3A_1971 = arith.constant 4 : i32
          %add3A_1972 = arith.addi %mul3A_1970, %add3A_1971 : i32
          %get3A_1973 = arith.constant 0 : i32
          %get3A_1974 = arith.constant 0 : i32
          %get3A_1975 = tpu.memref_slice %arg7[%cond3A_924, %get3A_1973, %get3A_1974] : memref<2x2048x16xf32, #tpu.memory_space<vmem>> -> memref<1x2048x16xf32, #tpu.memory_space<vmem>>
          %get3A_1976 = tpu.memref_squeeze %get3A_1975 : memref<1x2048x16xf32, #tpu.memory_space<vmem>> -> memref<2048x16xf32, #tpu.memory_space<vmem>>
          %get3A_1977 = arith.index_cast %add3A_1972 : i32 to index
          %get3A_1978 = arith.constant 0 : index
          %get3A_1979 = tpu.vector_load %get3A_1976[%get3A_1977, %get3A_1978] {strides = array<i32>} : memref<2048x16xf32, #tpu.memory_space<vmem>>, vector<1x16xf32>,
          %get3A_1980 = vector.shape_cast %get3A_1979 : vector<1x16xf32> to vector<16xf32>
          %mul3A_1981 = vector.broadcast %select_n3A_1968 : f32 to vector<16xf32>
          %mul3A_1982 = arith.mulf %get3A_1980, %mul3A_1981 : vector<16xf32>
          %swap3A_1983 = arith.constant 0 : i32
          %swap3A_1984 = arith.constant 0 : i32
          %swap3A_1985 = tpu.memref_slice %arg7[%cond3A_924, %swap3A_1983, %swap3A_1984] : memref<2x2048x16xf32, #tpu.memory_space<vmem>> -> memref<1x2048x16xf32, #tpu.memory_space<vmem>>
          %swap3A_1986 = tpu.memref_squeeze %swap3A_1985 : memref<1x2048x16xf32, #tpu.memory_space<vmem>> -> memref<2048x16xf32, #tpu.memory_space<vmem>>
          %swap3A_1987 = arith.index_cast %add3A_1972 : i32 to index
          %swap3A_1988 = arith.constant 0 : index
          %swap3A_1989 = tpu.vector_load %swap3A_1986[%swap3A_1987, %swap3A_1988] {strides = array<i32>} : memref<2048x16xf32, #tpu.memory_space<vmem>>, vector<1x16xf32>,
          %swap3A_1990 = vector.shape_cast %swap3A_1989 : vector<1x16xf32> to vector<16xf32>
          %swap3A_1991 = vector.shape_cast %mul3A_1982 : vector<16xf32> to vector<1x16xf32>
          tpu.vector_store %swap3A_1986[%swap3A_1987, %swap3A_1988], %swap3A_1991 {strides = array<i32>} : memref<2048x16xf32, #tpu.memory_space<vmem>>, vector<1x16xf32>,
          %slice3A_1992 = vector.extract_strided_slice %get3A_1841 {offsets = [5], sizes = [1], strides = [1]} : vector<16xi32> to vector<1xi32>
          %squeeze3A_1993 = vector.extract %slice3A_1992[0] : i32 from vector<1xi32>
          %eq3A_1994 = arith.constant 786432 : i32
          %eq3A_1995 = arith.cmpi eq, %squeeze3A_1993, %eq3A_1994 : i32
          %jit3A_1996 = arith.constant 0.000000e+00 : f32
          %jit3A_1997 = arith.constant 1.000000e+00 : f32
          %select_n3A_1998 = arith.select %eq3A_1995, %jit3A_1996, %jit3A_1997 : f32
          %mul3A_1999 = arith.constant 16 : i32
          %mul3A_2000 = arith.muli %scan3A_1832, %mul3A_1999 : i32
          %add3A_2001 = arith.constant 5 : i32
          %add3A_2002 = arith.addi %mul3A_2000, %add3A_2001 : i32
          %get3A_2003 = arith.constant 0 : i32
          %get3A_2004 = arith.constant 0 : i32
          %get3A_2005 = tpu.memref_slice %arg7[%cond3A_924, %get3A_2003, %get3A_2004] : memref<2x2048x16xf32, #tpu.memory_space<vmem>> -> memref<1x2048x16xf32, #tpu.memory_space<vmem>>
          %get3A_2006 = tpu.memref_squeeze %get3A_2005 : memref<1x2048x16xf32, #tpu.memory_space<vmem>> -> memref<2048x16xf32, #tpu.memory_space<vmem>>
          %get3A_2007 = arith.index_cast %add3A_2002 : i32 to index
          %get3A_2008 = arith.constant 0 : index
          %get3A_2009 = tpu.vector_load %get3A_2006[%get3A_2007, %get3A_2008] {strides = array<i32>} : memref<2048x16xf32, #tpu.memory_space<vmem>>, vector<1x16xf32>,
          %get3A_2010 = vector.shape_cast %get3A_2009 : vector<1x16xf32> to vector<16xf32>
          %mul3A_2011 = vector.broadcast %select_n3A_1998 : f32 to vector<16xf32>
          %mul3A_2012 = arith.mulf %get3A_2010, %mul3A_2011 : vector<16xf32>
          %swap3A_2013 = arith.constant 0 : i32
          %swap3A_2014 = arith.constant 0 : i32
          %swap3A_2015 = tpu.memref_slice %arg7[%cond3A_924, %swap3A_2013, %swap3A_2014] : memref<2x2048x16xf32, #tpu.memory_space<vmem>> -> memref<1x2048x16xf32, #tpu.memory_space<vmem>>
          %swap3A_2016 = tpu.memref_squeeze %swap3A_2015 : memref<1x2048x16xf32, #tpu.memory_space<vmem>> -> memref<2048x16xf32, #tpu.memory_space<vmem>>
          %swap3A_2017 = arith.index_cast %add3A_2002 : i32 to index
          %swap3A_2018 = arith.constant 0 : index
          %swap3A_2019 = tpu.vector_load %swap3A_2016[%swap3A_2017, %swap3A_2018] {strides = array<i32>} : memref<2048x16xf32, #tpu.memory_space<vmem>>, vector<1x16xf32>,
          %swap3A_2020 = vector.shape_cast %swap3A_2019 : vector<1x16xf32> to vector<16xf32>
          %swap3A_2021 = vector.shape_cast %mul3A_2012 : vector<16xf32> to vector<1x16xf32>
          tpu.vector_store %swap3A_2016[%swap3A_2017, %swap3A_2018], %swap3A_2021 {strides = array<i32>} : memref<2048x16xf32, #tpu.memory_space<vmem>>, vector<1x16xf32>,
          %slice3A_2022 = vector.extract_strided_slice %get3A_1841 {offsets = [6], sizes = [1], strides = [1]} : vector<16xi32> to vector<1xi32>
          %squeeze3A_2023 = vector.extract %slice3A_2022[0] : i32 from vector<1xi32>
          %eq3A_2024 = arith.constant 786432 : i32
          %eq3A_2025 = arith.cmpi eq, %squeeze3A_2023, %eq3A_2024 : i32
          %jit3A_2026 = arith.constant 0.000000e+00 : f32
          %jit3A_2027 = arith.constant 1.000000e+00 : f32
          %select_n3A_2028 = arith.select %eq3A_2025, %jit3A_2026, %jit3A_2027 : f32
          %mul3A_2029 = arith.constant 16 : i32
          %mul3A_2030 = arith.muli %scan3A_1832, %mul3A_2029 : i32
          %add3A_2031 = arith.constant 6 : i32
          %add3A_2032 = arith.addi %mul3A_2030, %add3A_2031 : i32
          %get3A_2033 = arith.constant 0 : i32
          %get3A_2034 = arith.constant 0 : i32
          %get3A_2035 = tpu.memref_slice %arg7[%cond3A_924, %get3A_2033, %get3A_2034] : memref<2x2048x16xf32, #tpu.memory_space<vmem>> -> memref<1x2048x16xf32, #tpu.memory_space<vmem>>
          %get3A_2036 = tpu.memref_squeeze %get3A_2035 : memref<1x2048x16xf32, #tpu.memory_space<vmem>> -> memref<2048x16xf32, #tpu.memory_space<vmem>>
          %get3A_2037 = arith.index_cast %add3A_2032 : i32 to index
          %get3A_2038 = arith.constant 0 : index
          %get3A_2039 = tpu.vector_load %get3A_2036[%get3A_2037, %get3A_2038] {strides = array<i32>} : memref<2048x16xf32, #tpu.memory_space<vmem>>, vector<1x16xf32>,
          %get3A_2040 = vector.shape_cast %get3A_2039 : vector<1x16xf32> to vector<16xf32>
          %mul3A_2041 = vector.broadcast %select_n3A_2028 : f32 to vector<16xf32>
          %mul3A_2042 = arith.mulf %get3A_2040, %mul3A_2041 : vector<16xf32>
          %swap3A_2043 = arith.constant 0 : i32
          %swap3A_2044 = arith.constant 0 : i32
          %swap3A_2045 = tpu.memref_slice %arg7[%cond3A_924, %swap3A_2043, %swap3A_2044] : memref<2x2048x16xf32, #tpu.memory_space<vmem>> -> memref<1x2048x16xf32, #tpu.memory_space<vmem>>
          %swap3A_2046 = tpu.memref_squeeze %swap3A_2045 : memref<1x2048x16xf32, #tpu.memory_space<vmem>> -> memref<2048x16xf32, #tpu.memory_space<vmem>>
          %swap3A_2047 = arith.index_cast %add3A_2032 : i32 to index
          %swap3A_2048 = arith.constant 0 : index
          %swap3A_2049 = tpu.vector_load %swap3A_2046[%swap3A_2047, %swap3A_2048] {strides = array<i32>} : memref<2048x16xf32, #tpu.memory_space<vmem>>, vector<1x16xf32>,
          %swap3A_2050 = vector.shape_cast %swap3A_2049 : vector<1x16xf32> to vector<16xf32>
          %swap3A_2051 = vector.shape_cast %mul3A_2042 : vector<16xf32> to vector<1x16xf32>
          tpu.vector_store %swap3A_2046[%swap3A_2047, %swap3A_2048], %swap3A_2051 {strides = array<i32>} : memref<2048x16xf32, #tpu.memory_space<vmem>>, vector<1x16xf32>,
          %slice3A_2052 = vector.extract_strided_slice %get3A_1841 {offsets = [7], sizes = [1], strides = [1]} : vector<16xi32> to vector<1xi32>
          %squeeze3A_2053 = vector.extract %slice3A_2052[0] : i32 from vector<1xi32>
          %eq3A_2054 = arith.constant 786432 : i32
          %eq3A_2055 = arith.cmpi eq, %squeeze3A_2053, %eq3A_2054 : i32
          %jit3A_2056 = arith.constant 0.000000e+00 : f32
          %jit3A_2057 = arith.constant 1.000000e+00 : f32
          %select_n3A_2058 = arith.select %eq3A_2055, %jit3A_2056, %jit3A_2057 : f32
          %mul3A_2059 = arith.constant 16 : i32
          %mul3A_2060 = arith.muli %scan3A_1832, %mul3A_2059 : i32
          %add3A_2061 = arith.constant 7 : i32
          %add3A_2062 = arith.addi %mul3A_2060, %add3A_2061 : i32
          %get3A_2063 = arith.constant 0 : i32
          %get3A_2064 = arith.constant 0 : i32
          %get3A_2065 = tpu.memref_slice %arg7[%cond3A_924, %get3A_2063, %get3A_2064] : memref<2x2048x16xf32, #tpu.memory_space<vmem>> -> memref<1x2048x16xf32, #tpu.memory_space<vmem>>
          %get3A_2066 = tpu.memref_squeeze %get3A_2065 : memref<1x2048x16xf32, #tpu.memory_space<vmem>> -> memref<2048x16xf32, #tpu.memory_space<vmem>>
          %get3A_2067 = arith.index_cast %add3A_2062 : i32 to index
          %get3A_2068 = arith.constant 0 : index
          %get3A_2069 = tpu.vector_load %get3A_2066[%get3A_2067, %get3A_2068] {strides = array<i32>} : memref<2048x16xf32, #tpu.memory_space<vmem>>, vector<1x16xf32>,
          %get3A_2070 = vector.shape_cast %get3A_2069 : vector<1x16xf32> to vector<16xf32>
          %mul3A_2071 = vector.broadcast %select_n3A_2058 : f32 to vector<16xf32>
          %mul3A_2072 = arith.mulf %get3A_2070, %mul3A_2071 : vector<16xf32>
          %swap3A_2073 = arith.constant 0 : i32
          %swap3A_2074 = arith.constant 0 : i32
          %swap3A_2075 = tpu.memref_slice %arg7[%cond3A_924, %swap3A_2073, %swap3A_2074] : memref<2x2048x16xf32, #tpu.memory_space<vmem>> -> memref<1x2048x16xf32, #tpu.memory_space<vmem>>
          %swap3A_2076 = tpu.memref_squeeze %swap3A_2075 : memref<1x2048x16xf32, #tpu.memory_space<vmem>> -> memref<2048x16xf32, #tpu.memory_space<vmem>>
          %swap3A_2077 = arith.index_cast %add3A_2062 : i32 to index
          %swap3A_2078 = arith.constant 0 : index
          %swap3A_2079 = tpu.vector_load %swap3A_2076[%swap3A_2077, %swap3A_2078] {strides = array<i32>} : memref<2048x16xf32, #tpu.memory_space<vmem>>, vector<1x16xf32>,
          %swap3A_2080 = vector.shape_cast %swap3A_2079 : vector<1x16xf32> to vector<16xf32>
          %swap3A_2081 = vector.shape_cast %mul3A_2072 : vector<16xf32> to vector<1x16xf32>
          tpu.vector_store %swap3A_2076[%swap3A_2077, %swap3A_2078], %swap3A_2081 {strides = array<i32>} : memref<2048x16xf32, #tpu.memory_space<vmem>>, vector<1x16xf32>,
          %slice3A_2082 = vector.extract_strided_slice %get3A_1841 {offsets = [8], sizes = [1], strides = [1]} : vector<16xi32> to vector<1xi32>
          %squeeze3A_2083 = vector.extract %slice3A_2082[0] : i32 from vector<1xi32>
          %eq3A_2084 = arith.constant 786432 : i32
          %eq3A_2085 = arith.cmpi eq, %squeeze3A_2083, %eq3A_2084 : i32
          %jit3A_2086 = arith.constant 0.000000e+00 : f32
          %jit3A_2087 = arith.constant 1.000000e+00 : f32
          %select_n3A_2088 = arith.select %eq3A_2085, %jit3A_2086, %jit3A_2087 : f32
          %mul3A_2089 = arith.constant 16 : i32
          %mul3A_2090 = arith.muli %scan3A_1832, %mul3A_2089 : i32
          %add3A_2091 = arith.constant 8 : i32
          %add3A_2092 = arith.addi %mul3A_2090, %add3A_2091 : i32
          %get3A_2093 = arith.constant 0 : i32
          %get3A_2094 = arith.constant 0 : i32
          %get3A_2095 = tpu.memref_slice %arg7[%cond3A_924, %get3A_2093, %get3A_2094] : memref<2x2048x16xf32, #tpu.memory_space<vmem>> -> memref<1x2048x16xf32, #tpu.memory_space<vmem>>
          %get3A_2096 = tpu.memref_squeeze %get3A_2095 : memref<1x2048x16xf32, #tpu.memory_space<vmem>> -> memref<2048x16xf32, #tpu.memory_space<vmem>>
          %get3A_2097 = arith.index_cast %add3A_2092 : i32 to index
          %get3A_2098 = arith.constant 0 : index
          %get3A_2099 = tpu.vector_load %get3A_2096[%get3A_2097, %get3A_2098] {strides = array<i32>} : memref<2048x16xf32, #tpu.memory_space<vmem>>, vector<1x16xf32>,
          %get3A_2100 = vector.shape_cast %get3A_2099 : vector<1x16xf32> to vector<16xf32>
          %mul3A_2101 = vector.broadcast %select_n3A_2088 : f32 to vector<16xf32>
          %mul3A_2102 = arith.mulf %get3A_2100, %mul3A_2101 : vector<16xf32>
          %swap3A_2103 = arith.constant 0 : i32
          %swap3A_2104 = arith.constant 0 : i32
          %swap3A_2105 = tpu.memref_slice %arg7[%cond3A_924, %swap3A_2103, %swap3A_2104] : memref<2x2048x16xf32, #tpu.memory_space<vmem>> -> memref<1x2048x16xf32, #tpu.memory_space<vmem>>
          %swap3A_2106 = tpu.memref_squeeze %swap3A_2105 : memref<1x2048x16xf32, #tpu.memory_space<vmem>> -> memref<2048x16xf32, #tpu.memory_space<vmem>>
          %swap3A_2107 = arith.index_cast %add3A_2092 : i32 to index
          %swap3A_2108 = arith.constant 0 : index
          %swap3A_2109 = tpu.vector_load %swap3A_2106[%swap3A_2107, %swap3A_2108] {strides = array<i32>} : memref<2048x16xf32, #tpu.memory_space<vmem>>, vector<1x16xf32>,
          %swap3A_2110 = vector.shape_cast %swap3A_2109 : vector<1x16xf32> to vector<16xf32>
          %swap3A_2111 = vector.shape_cast %mul3A_2102 : vector<16xf32> to vector<1x16xf32>
          tpu.vector_store %swap3A_2106[%swap3A_2107, %swap3A_2108], %swap3A_2111 {strides = array<i32>} : memref<2048x16xf32, #tpu.memory_space<vmem>>, vector<1x16xf32>,
          %slice3A_2112 = vector.extract_strided_slice %get3A_1841 {offsets = [9], sizes = [1], strides = [1]} : vector<16xi32> to vector<1xi32>
          %squeeze3A_2113 = vector.extract %slice3A_2112[0] : i32 from vector<1xi32>
          %eq3A_2114 = arith.constant 786432 : i32
          %eq3A_2115 = arith.cmpi eq, %squeeze3A_2113, %eq3A_2114 : i32
          %jit3A_2116 = arith.constant 0.000000e+00 : f32
          %jit3A_2117 = arith.constant 1.000000e+00 : f32
          %select_n3A_2118 = arith.select %eq3A_2115, %jit3A_2116, %jit3A_2117 : f32
          %mul3A_2119 = arith.constant 16 : i32
          %mul3A_2120 = arith.muli %scan3A_1832, %mul3A_2119 : i32
          %add3A_2121 = arith.constant 9 : i32
          %add3A_2122 = arith.addi %mul3A_2120, %add3A_2121 : i32
          %get3A_2123 = arith.constant 0 : i32
          %get3A_2124 = arith.constant 0 : i32
          %get3A_2125 = tpu.memref_slice %arg7[%cond3A_924, %get3A_2123, %get3A_2124] : memref<2x2048x16xf32, #tpu.memory_space<vmem>> -> memref<1x2048x16xf32, #tpu.memory_space<vmem>>
          %get3A_2126 = tpu.memref_squeeze %get3A_2125 : memref<1x2048x16xf32, #tpu.memory_space<vmem>> -> memref<2048x16xf32, #tpu.memory_space<vmem>>
          %get3A_2127 = arith.index_cast %add3A_2122 : i32 to index
          %get3A_2128 = arith.constant 0 : index
          %get3A_2129 = tpu.vector_load %get3A_2126[%get3A_2127, %get3A_2128] {strides = array<i32>} : memref<2048x16xf32, #tpu.memory_space<vmem>>, vector<1x16xf32>,
          %get3A_2130 = vector.shape_cast %get3A_2129 : vector<1x16xf32> to vector<16xf32>
          %mul3A_2131 = vector.broadcast %select_n3A_2118 : f32 to vector<16xf32>
          %mul3A_2132 = arith.mulf %get3A_2130, %mul3A_2131 : vector<16xf32>
          %swap3A_2133 = arith.constant 0 : i32
          %swap3A_2134 = arith.constant 0 : i32
          %swap3A_2135 = tpu.memref_slice %arg7[%cond3A_924, %swap3A_2133, %swap3A_2134] : memref<2x2048x16xf32, #tpu.memory_space<vmem>> -> memref<1x2048x16xf32, #tpu.memory_space<vmem>>
          %swap3A_2136 = tpu.memref_squeeze %swap3A_2135 : memref<1x2048x16xf32, #tpu.memory_space<vmem>> -> memref<2048x16xf32, #tpu.memory_space<vmem>>
          %swap3A_2137 = arith.index_cast %add3A_2122 : i32 to index
          %swap3A_2138 = arith.constant 0 : index
          %swap3A_2139 = tpu.vector_load %swap3A_2136[%swap3A_2137, %swap3A_2138] {strides = array<i32>} : memref<2048x16xf32, #tpu.memory_space<vmem>>, vector<1x16xf32>,
          %swap3A_2140 = vector.shape_cast %swap3A_2139 : vector<1x16xf32> to vector<16xf32>
          %swap3A_2141 = vector.shape_cast %mul3A_2132 : vector<16xf32> to vector<1x16xf32>
          tpu.vector_store %swap3A_2136[%swap3A_2137, %swap3A_2138], %swap3A_2141 {strides = array<i32>} : memref<2048x16xf32, #tpu.memory_space<vmem>>, vector<1x16xf32>,
          %slice3A_2142 = vector.extract_strided_slice %get3A_1841 {offsets = [10], sizes = [1], strides = [1]} : vector<16xi32> to vector<1xi32>
          %squeeze3A_2143 = vector.extract %slice3A_2142[0] : i32 from vector<1xi32>
          %eq3A_2144 = arith.constant 786432 : i32
          %eq3A_2145 = arith.cmpi eq, %squeeze3A_2143, %eq3A_2144 : i32
          %jit3A_2146 = arith.constant 0.000000e+00 : f32
          %jit3A_2147 = arith.constant 1.000000e+00 : f32
          %select_n3A_2148 = arith.select %eq3A_2145, %jit3A_2146, %jit3A_2147 : f32
          %mul3A_2149 = arith.constant 16 : i32
          %mul3A_2150 = arith.muli %scan3A_1832, %mul3A_2149 : i32
          %add3A_2151 = arith.constant 10 : i32
          %add3A_2152 = arith.addi %mul3A_2150, %add3A_2151 : i32
          %get3A_2153 = arith.constant 0 : i32
          %get3A_2154 = arith.constant 0 : i32
          %get3A_2155 = tpu.memref_slice %arg7[%cond3A_924, %get3A_2153, %get3A_2154] : memref<2x2048x16xf32, #tpu.memory_space<vmem>> -> memref<1x2048x16xf32, #tpu.memory_space<vmem>>
          %get3A_2156 = tpu.memref_squeeze %get3A_2155 : memref<1x2048x16xf32, #tpu.memory_space<vmem>> -> memref<2048x16xf32, #tpu.memory_space<vmem>>
          %get3A_2157 = arith.index_cast %add3A_2152 : i32 to index
          %get3A_2158 = arith.constant 0 : index
          %get3A_2159 = tpu.vector_load %get3A_2156[%get3A_2157, %get3A_2158] {strides = array<i32>} : memref<2048x16xf32, #tpu.memory_space<vmem>>, vector<1x16xf32>,
          %get3A_2160 = vector.shape_cast %get3A_2159 : vector<1x16xf32> to vector<16xf32>
          %mul3A_2161 = vector.broadcast %select_n3A_2148 : f32 to vector<16xf32>
          %mul3A_2162 = arith.mulf %get3A_2160, %mul3A_2161 : vector<16xf32>
          %swap3A_2163 = arith.constant 0 : i32
          %swap3A_2164 = arith.constant 0 : i32
          %swap3A_2165 = tpu.memref_slice %arg7[%cond3A_924, %swap3A_2163, %swap3A_2164] : memref<2x2048x16xf32, #tpu.memory_space<vmem>> -> memref<1x2048x16xf32, #tpu.memory_space<vmem>>
          %swap3A_2166 = tpu.memref_squeeze %swap3A_2165 : memref<1x2048x16xf32, #tpu.memory_space<vmem>> -> memref<2048x16xf32, #tpu.memory_space<vmem>>
          %swap3A_2167 = arith.index_cast %add3A_2152 : i32 to index
          %swap3A_2168 = arith.constant 0 : index
          %swap3A_2169 = tpu.vector_load %swap3A_2166[%swap3A_2167, %swap3A_2168] {strides = array<i32>} : memref<2048x16xf32, #tpu.memory_space<vmem>>, vector<1x16xf32>,
          %swap3A_2170 = vector.shape_cast %swap3A_2169 : vector<1x16xf32> to vector<16xf32>
          %swap3A_2171 = vector.shape_cast %mul3A_2162 : vector<16xf32> to vector<1x16xf32>
          tpu.vector_store %swap3A_2166[%swap3A_2167, %swap3A_2168], %swap3A_2171 {strides = array<i32>} : memref<2048x16xf32, #tpu.memory_space<vmem>>, vector<1x16xf32>,
          %slice3A_2172 = vector.extract_strided_slice %get3A_1841 {offsets = [11], sizes = [1], strides = [1]} : vector<16xi32> to vector<1xi32>
          %squeeze3A_2173 = vector.extract %slice3A_2172[0] : i32 from vector<1xi32>
          %eq3A_2174 = arith.constant 786432 : i32
          %eq3A_2175 = arith.cmpi eq, %squeeze3A_2173, %eq3A_2174 : i32
          %jit3A_2176 = arith.constant 0.000000e+00 : f32
          %jit3A_2177 = arith.constant 1.000000e+00 : f32
          %select_n3A_2178 = arith.select %eq3A_2175, %jit3A_2176, %jit3A_2177 : f32
          %mul3A_2179 = arith.constant 16 : i32
          %mul3A_2180 = arith.muli %scan3A_1832, %mul3A_2179 : i32
          %add3A_2181 = arith.constant 11 : i32
          %add3A_2182 = arith.addi %mul3A_2180, %add3A_2181 : i32
          %get3A_2183 = arith.constant 0 : i32
          %get3A_2184 = arith.constant 0 : i32
          %get3A_2185 = tpu.memref_slice %arg7[%cond3A_924, %get3A_2183, %get3A_2184] : memref<2x2048x16xf32, #tpu.memory_space<vmem>> -> memref<1x2048x16xf32, #tpu.memory_space<vmem>>
          %get3A_2186 = tpu.memref_squeeze %get3A_2185 : memref<1x2048x16xf32, #tpu.memory_space<vmem>> -> memref<2048x16xf32, #tpu.memory_space<vmem>>
          %get3A_2187 = arith.index_cast %add3A_2182 : i32 to index
          %get3A_2188 = arith.constant 0 : index
          %get3A_2189 = tpu.vector_load %get3A_2186[%get3A_2187, %get3A_2188] {strides = array<i32>} : memref<2048x16xf32, #tpu.memory_space<vmem>>, vector<1x16xf32>,
          %get3A_2190 = vector.shape_cast %get3A_2189 : vector<1x16xf32> to vector<16xf32>
          %mul3A_2191 = vector.broadcast %select_n3A_2178 : f32 to vector<16xf32>
          %mul3A_2192 = arith.mulf %get3A_2190, %mul3A_2191 : vector<16xf32>
          %swap3A_2193 = arith.constant 0 : i32
          %swap3A_2194 = arith.constant 0 : i32
          %swap3A_2195 = tpu.memref_slice %arg7[%cond3A_924, %swap3A_2193, %swap3A_2194] : memref<2x2048x16xf32, #tpu.memory_space<vmem>> -> memref<1x2048x16xf32, #tpu.memory_space<vmem>>
          %swap3A_2196 = tpu.memref_squeeze %swap3A_2195 : memref<1x2048x16xf32, #tpu.memory_space<vmem>> -> memref<2048x16xf32, #tpu.memory_space<vmem>>
          %swap3A_2197 = arith.index_cast %add3A_2182 : i32 to index
          %swap3A_2198 = arith.constant 0 : index
          %swap3A_2199 = tpu.vector_load %swap3A_2196[%swap3A_2197, %swap3A_2198] {strides = array<i32>} : memref<2048x16xf32, #tpu.memory_space<vmem>>, vector<1x16xf32>,
          %swap3A_2200 = vector.shape_cast %swap3A_2199 : vector<1x16xf32> to vector<16xf32>
          %swap3A_2201 = vector.shape_cast %mul3A_2192 : vector<16xf32> to vector<1x16xf32>
          tpu.vector_store %swap3A_2196[%swap3A_2197, %swap3A_2198], %swap3A_2201 {strides = array<i32>} : memref<2048x16xf32, #tpu.memory_space<vmem>>, vector<1x16xf32>,
          %slice3A_2202 = vector.extract_strided_slice %get3A_1841 {offsets = [12], sizes = [1], strides = [1]} : vector<16xi32> to vector<1xi32>
          %squeeze3A_2203 = vector.extract %slice3A_2202[0] : i32 from vector<1xi32>
          %eq3A_2204 = arith.constant 786432 : i32
          %eq3A_2205 = arith.cmpi eq, %squeeze3A_2203, %eq3A_2204 : i32
          %jit3A_2206 = arith.constant 0.000000e+00 : f32
          %jit3A_2207 = arith.constant 1.000000e+00 : f32
          %select_n3A_2208 = arith.select %eq3A_2205, %jit3A_2206, %jit3A_2207 : f32
          %mul3A_2209 = arith.constant 16 : i32
          %mul3A_2210 = arith.muli %scan3A_1832, %mul3A_2209 : i32
          %add3A_2211 = arith.constant 12 : i32
          %add3A_2212 = arith.addi %mul3A_2210, %add3A_2211 : i32
          %get3A_2213 = arith.constant 0 : i32
          %get3A_2214 = arith.constant 0 : i32
          %get3A_2215 = tpu.memref_slice %arg7[%cond3A_924, %get3A_2213, %get3A_2214] : memref<2x2048x16xf32, #tpu.memory_space<vmem>> -> memref<1x2048x16xf32, #tpu.memory_space<vmem>>
          %get3A_2216 = tpu.memref_squeeze %get3A_2215 : memref<1x2048x16xf32, #tpu.memory_space<vmem>> -> memref<2048x16xf32, #tpu.memory_space<vmem>>
          %get3A_2217 = arith.index_cast %add3A_2212 : i32 to index
          %get3A_2218 = arith.constant 0 : index
          %get3A_2219 = tpu.vector_load %get3A_2216[%get3A_2217, %get3A_2218] {strides = array<i32>} : memref<2048x16xf32, #tpu.memory_space<vmem>>, vector<1x16xf32>,
          %get3A_2220 = vector.shape_cast %get3A_2219 : vector<1x16xf32> to vector<16xf32>
          %mul3A_2221 = vector.broadcast %select_n3A_2208 : f32 to vector<16xf32>
          %mul3A_2222 = arith.mulf %get3A_2220, %mul3A_2221 : vector<16xf32>
          %swap3A_2223 = arith.constant 0 : i32
          %swap3A_2224 = arith.constant 0 : i32
          %swap3A_2225 = tpu.memref_slice %arg7[%cond3A_924, %swap3A_2223, %swap3A_2224] : memref<2x2048x16xf32, #tpu.memory_space<vmem>> -> memref<1x2048x16xf32, #tpu.memory_space<vmem>>
          %swap3A_2226 = tpu.memref_squeeze %swap3A_2225 : memref<1x2048x16xf32, #tpu.memory_space<vmem>> -> memref<2048x16xf32, #tpu.memory_space<vmem>>
          %swap3A_2227 = arith.index_cast %add3A_2212 : i32 to index
          %swap3A_2228 = arith.constant 0 : index
          %swap3A_2229 = tpu.vector_load %swap3A_2226[%swap3A_2227, %swap3A_2228] {strides = array<i32>} : memref<2048x16xf32, #tpu.memory_space<vmem>>, vector<1x16xf32>,
          %swap3A_2230 = vector.shape_cast %swap3A_2229 : vector<1x16xf32> to vector<16xf32>
          %swap3A_2231 = vector.shape_cast %mul3A_2222 : vector<16xf32> to vector<1x16xf32>
          tpu.vector_store %swap3A_2226[%swap3A_2227, %swap3A_2228], %swap3A_2231 {strides = array<i32>} : memref<2048x16xf32, #tpu.memory_space<vmem>>, vector<1x16xf32>,
          %slice3A_2232 = vector.extract_strided_slice %get3A_1841 {offsets = [13], sizes = [1], strides = [1]} : vector<16xi32> to vector<1xi32>
          %squeeze3A_2233 = vector.extract %slice3A_2232[0] : i32 from vector<1xi32>
          %eq3A_2234 = arith.constant 786432 : i32
          %eq3A_2235 = arith.cmpi eq, %squeeze3A_2233, %eq3A_2234 : i32
          %jit3A_2236 = arith.constant 0.000000e+00 : f32
          %jit3A_2237 = arith.constant 1.000000e+00 : f32
          %select_n3A_2238 = arith.select %eq3A_2235, %jit3A_2236, %jit3A_2237 : f32
          %mul3A_2239 = arith.constant 16 : i32
          %mul3A_2240 = arith.muli %scan3A_1832, %mul3A_2239 : i32
          %add3A_2241 = arith.constant 13 : i32
          %add3A_2242 = arith.addi %mul3A_2240, %add3A_2241 : i32
          %get3A_2243 = arith.constant 0 : i32
          %get3A_2244 = arith.constant 0 : i32
          %get3A_2245 = tpu.memref_slice %arg7[%cond3A_924, %get3A_2243, %get3A_2244] : memref<2x2048x16xf32, #tpu.memory_space<vmem>> -> memref<1x2048x16xf32, #tpu.memory_space<vmem>>
          %get3A_2246 = tpu.memref_squeeze %get3A_2245 : memref<1x2048x16xf32, #tpu.memory_space<vmem>> -> memref<2048x16xf32, #tpu.memory_space<vmem>>
          %get3A_2247 = arith.index_cast %add3A_2242 : i32 to index
          %get3A_2248 = arith.constant 0 : index
          %get3A_2249 = tpu.vector_load %get3A_2246[%get3A_2247, %get3A_2248] {strides = array<i32>} : memref<2048x16xf32, #tpu.memory_space<vmem>>, vector<1x16xf32>,
          %get3A_2250 = vector.shape_cast %get3A_2249 : vector<1x16xf32> to vector<16xf32>
          %mul3A_2251 = vector.broadcast %select_n3A_2238 : f32 to vector<16xf32>
          %mul3A_2252 = arith.mulf %get3A_2250, %mul3A_2251 : vector<16xf32>
          %swap3A_2253 = arith.constant 0 : i32
          %swap3A_2254 = arith.constant 0 : i32
          %swap3A_2255 = tpu.memref_slice %arg7[%cond3A_924, %swap3A_2253, %swap3A_2254] : memref<2x2048x16xf32, #tpu.memory_space<vmem>> -> memref<1x2048x16xf32, #tpu.memory_space<vmem>>
          %swap3A_2256 = tpu.memref_squeeze %swap3A_2255 : memref<1x2048x16xf32, #tpu.memory_space<vmem>> -> memref<2048x16xf32, #tpu.memory_space<vmem>>
          %swap3A_2257 = arith.index_cast %add3A_2242 : i32 to index
          %swap3A_2258 = arith.constant 0 : index
          %swap3A_2259 = tpu.vector_load %swap3A_2256[%swap3A_2257, %swap3A_2258] {strides = array<i32>} : memref<2048x16xf32, #tpu.memory_space<vmem>>, vector<1x16xf32>,
          %swap3A_2260 = vector.shape_cast %swap3A_2259 : vector<1x16xf32> to vector<16xf32>
          %swap3A_2261 = vector.shape_cast %mul3A_2252 : vector<16xf32> to vector<1x16xf32>
          tpu.vector_store %swap3A_2256[%swap3A_2257, %swap3A_2258], %swap3A_2261 {strides = array<i32>} : memref<2048x16xf32, #tpu.memory_space<vmem>>, vector<1x16xf32>,
          %slice3A_2262 = vector.extract_strided_slice %get3A_1841 {offsets = [14], sizes = [1], strides = [1]} : vector<16xi32> to vector<1xi32>
          %squeeze3A_2263 = vector.extract %slice3A_2262[0] : i32 from vector<1xi32>
          %eq3A_2264 = arith.constant 786432 : i32
          %eq3A_2265 = arith.cmpi eq, %squeeze3A_2263, %eq3A_2264 : i32
          %jit3A_2266 = arith.constant 0.000000e+00 : f32
          %jit3A_2267 = arith.constant 1.000000e+00 : f32
          %select_n3A_2268 = arith.select %eq3A_2265, %jit3A_2266, %jit3A_2267 : f32
          %mul3A_2269 = arith.constant 16 : i32
          %mul3A_2270 = arith.muli %scan3A_1832, %mul3A_2269 : i32
          %add3A_2271 = arith.constant 14 : i32
          %add3A_2272 = arith.addi %mul3A_2270, %add3A_2271 : i32
          %get3A_2273 = arith.constant 0 : i32
          %get3A_2274 = arith.constant 0 : i32
          %get3A_2275 = tpu.memref_slice %arg7[%cond3A_924, %get3A_2273, %get3A_2274] : memref<2x2048x16xf32, #tpu.memory_space<vmem>> -> memref<1x2048x16xf32, #tpu.memory_space<vmem>>
          %get3A_2276 = tpu.memref_squeeze %get3A_2275 : memref<1x2048x16xf32, #tpu.memory_space<vmem>> -> memref<2048x16xf32, #tpu.memory_space<vmem>>
          %get3A_2277 = arith.index_cast %add3A_2272 : i32 to index
          %get3A_2278 = arith.constant 0 : index
          %get3A_2279 = tpu.vector_load %get3A_2276[%get3A_2277, %get3A_2278] {strides = array<i32>} : memref<2048x16xf32, #tpu.memory_space<vmem>>, vector<1x16xf32>,
          %get3A_2280 = vector.shape_cast %get3A_2279 : vector<1x16xf32> to vector<16xf32>
          %mul3A_2281 = vector.broadcast %select_n3A_2268 : f32 to vector<16xf32>
          %mul3A_2282 = arith.mulf %get3A_2280, %mul3A_2281 : vector<16xf32>
          %swap3A_2283 = arith.constant 0 : i32
          %swap3A_2284 = arith.constant 0 : i32
          %swap3A_2285 = tpu.memref_slice %arg7[%cond3A_924, %swap3A_2283, %swap3A_2284] : memref<2x2048x16xf32, #tpu.memory_space<vmem>> -> memref<1x2048x16xf32, #tpu.memory_space<vmem>>
          %swap3A_2286 = tpu.memref_squeeze %swap3A_2285 : memref<1x2048x16xf32, #tpu.memory_space<vmem>> -> memref<2048x16xf32, #tpu.memory_space<vmem>>
          %swap3A_2287 = arith.index_cast %add3A_2272 : i32 to index
          %swap3A_2288 = arith.constant 0 : index
          %swap3A_2289 = tpu.vector_load %swap3A_2286[%swap3A_2287, %swap3A_2288] {strides = array<i32>} : memref<2048x16xf32, #tpu.memory_space<vmem>>, vector<1x16xf32>,
          %swap3A_2290 = vector.shape_cast %swap3A_2289 : vector<1x16xf32> to vector<16xf32>
          %swap3A_2291 = vector.shape_cast %mul3A_2282 : vector<16xf32> to vector<1x16xf32>
          tpu.vector_store %swap3A_2286[%swap3A_2287, %swap3A_2288], %swap3A_2291 {strides = array<i32>} : memref<2048x16xf32, #tpu.memory_space<vmem>>, vector<1x16xf32>,
          %slice3A_2292 = vector.extract_strided_slice %get3A_1841 {offsets = [15], sizes = [1], strides = [1]} : vector<16xi32> to vector<1xi32>
          %squeeze3A_2293 = vector.extract %slice3A_2292[0] : i32 from vector<1xi32>
          %eq3A_2294 = arith.constant 786432 : i32
          %eq3A_2295 = arith.cmpi eq, %squeeze3A_2293, %eq3A_2294 : i32
          %jit3A_2296 = arith.constant 0.000000e+00 : f32
          %jit3A_2297 = arith.constant 1.000000e+00 : f32
          %select_n3A_2298 = arith.select %eq3A_2295, %jit3A_2296, %jit3A_2297 : f32
          %mul3A_2299 = arith.constant 16 : i32
          %mul3A_2300 = arith.muli %scan3A_1832, %mul3A_2299 : i32
          %add3A_2301 = arith.constant 15 : i32
          %add3A_2302 = arith.addi %mul3A_2300, %add3A_2301 : i32
          %get3A_2303 = arith.constant 0 : i32
          %get3A_2304 = arith.constant 0 : i32
          %get3A_2305 = tpu.memref_slice %arg7[%cond3A_924, %get3A_2303, %get3A_2304] : memref<2x2048x16xf32, #tpu.memory_space<vmem>> -> memref<1x2048x16xf32, #tpu.memory_space<vmem>>
          %get3A_2306 = tpu.memref_squeeze %get3A_2305 : memref<1x2048x16xf32, #tpu.memory_space<vmem>> -> memref<2048x16xf32, #tpu.memory_space<vmem>>
          %get3A_2307 = arith.index_cast %add3A_2302 : i32 to index
          %get3A_2308 = arith.constant 0 : index
          %get3A_2309 = tpu.vector_load %get3A_2306[%get3A_2307, %get3A_2308] {strides = array<i32>} : memref<2048x16xf32, #tpu.memory_space<vmem>>, vector<1x16xf32>,
          %get3A_2310 = vector.shape_cast %get3A_2309 : vector<1x16xf32> to vector<16xf32>
          %mul3A_2311 = vector.broadcast %select_n3A_2298 : f32 to vector<16xf32>
          %mul3A_2312 = arith.mulf %get3A_2310, %mul3A_2311 : vector<16xf32>
          %swap3A_2313 = arith.constant 0 : i32
          %swap3A_2314 = arith.constant 0 : i32
          %swap3A_2315 = tpu.memref_slice %arg7[%cond3A_924, %swap3A_2313, %swap3A_2314] : memref<2x2048x16xf32, #tpu.memory_space<vmem>> -> memref<1x2048x16xf32, #tpu.memory_space<vmem>>
          %swap3A_2316 = tpu.memref_squeeze %swap3A_2315 : memref<1x2048x16xf32, #tpu.memory_space<vmem>> -> memref<2048x16xf32, #tpu.memory_space<vmem>>
          %swap3A_2317 = arith.index_cast %add3A_2302 : i32 to index
          %swap3A_2318 = arith.constant 0 : index
          %swap3A_2319 = tpu.vector_load %swap3A_2316[%swap3A_2317, %swap3A_2318] {strides = array<i32>} : memref<2048x16xf32, #tpu.memory_space<vmem>>, vector<1x16xf32>,
          %swap3A_2320 = vector.shape_cast %swap3A_2319 : vector<1x16xf32> to vector<16xf32>
          %swap3A_2321 = vector.shape_cast %mul3A_2312 : vector<16xf32> to vector<1x16xf32>
          tpu.vector_store %swap3A_2316[%swap3A_2317, %swap3A_2318], %swap3A_2321 {strides = array<i32>} : memref<2048x16xf32, #tpu.memory_space<vmem>>, vector<1x16xf32>,
          %scan3A_2322 = arith.constant 0 : i32
          scf.yield %scan3A_2322 : i32
        }
        %scan3A_1831 = arith.constant 128 : i32
      } else {
      }
      %dma_start3A_927 = arith.constant 0 : i32
      %dma_start3A_928 = arith.constant 0 : i32
      %dma_start3A_929 = arith.constant 0 : i32
      %dma_start3A_930 = tpu.memref_slice %arg7[%dma_start3A_927, %dma_start3A_928, %dma_start3A_929] : memref<2x2048x16xf32, #tpu.memory_space<vmem>> -> memref<1x2048x16xf32, #tpu.memory_space<vmem>>
      %dma_start3A_931 = tpu.memref_squeeze %dma_start3A_930 : memref<1x2048x16xf32, #tpu.memory_space<vmem>> -> memref<2048x16xf32, #tpu.memory_space<vmem>>
      %dma_start3A_932 = arith.constant 0 : i32
      %dma_start3A_933 = arith.constant 0 : i32
      %dma_start3A_934 = tpu.memref_slice %arg4[%select_n3A, %dma_start3A_932, %dma_start3A_933] : memref<4x786432x16xf32, #tpu.memory_space<hbm>> -> memref<1x786432x16xf32, #tpu.memory_space<hbm>>
      %dma_start3A_935 = tpu.memref_squeeze %dma_start3A_934 : memref<1x786432x16xf32, #tpu.memory_space<hbm>> -> memref<786432x16xf32, #tpu.memory_space<hbm>>
      %dma_start3A_936 = arith.constant 0 : i32
      %dma_start3A_937 = tpu.memref_slice %dma_start3A_935[%add3A_88, %dma_start3A_936] : memref<786432x16xf32, #tpu.memory_space<hbm>> -> memref<2048x16xf32, #tpu.memory_space<hbm>>
      %dma_start3A_938 = arith.constant 0 : i32
      %dma_start3A_939 = arith.constant 0 : i32
      %dma_start3A_940 = tpu.memref_slice %arg4[%select_n3A, %dma_start3A_938, %dma_start3A_939] : memref<4x786432x16xf32, #tpu.memory_space<hbm>> -> memref<1x786432x16xf32, #tpu.memory_space<hbm>>
      %dma_start3A_941 = tpu.memref_squeeze %dma_start3A_940 : memref<1x786432x16xf32, #tpu.memory_space<hbm>> -> memref<786432x16xf32, #tpu.memory_space<hbm>>
      %dma_start3A_942 = arith.constant 0 : i32
      %dma_start3A_943 = tpu.memref_slice %dma_start3A_941[%add3A_88, %dma_start3A_942] : memref<786432x16xf32, #tpu.memory_space<hbm>> -> memref<2048x16xf32, #tpu.memory_space<hbm>>
      %dma_start3A_944 = arith.constant 0 : i32
      %dma_start3A_945 = arith.constant 0 : i32
      %dma_start3A_946 = tpu.memref_slice %arg7[%dma_start3A_927, %dma_start3A_944, %dma_start3A_945] : memref<2x2048x16xf32, #tpu.memory_space<vmem>> -> memref<1x2048x16xf32, #tpu.memory_space<vmem>>
      %dma_start3A_947 = tpu.memref_squeeze %dma_start3A_946 : memref<1x2048x16xf32, #tpu.memory_space<vmem>> -> memref<2048x16xf32, #tpu.memory_space<vmem>>
      tpu.enqueue_dma source(%dma_start3A_947 : memref<2048x16xf32, #tpu.memory_space<vmem>>) target(%dma_start3A_943 : memref<2048x16xf32, #tpu.memory_space<hbm>>) target_semaphore(%arg10 : memref<!tpu.dma_semaphore, #tpu.memory_space<semaphore_mem>>)
      %mul3A_948 = arith.constant 2 : i32
      %mul3A_949 = arith.muli %mul3A_948, %scan3A_83 : i32
      %add3A_950 = arith.constant 1 : i32
      %add3A_951 = arith.addi %mul3A_949, %add3A_950 : i32
      %mul3A_952 = arith.constant 2048 : i32
      %mul3A_953 = arith.muli %add3A_951, %mul3A_952 : i32
      %add3A_954 = arith.addi %mul3A_32, %mul3A_953 : i32
      %ge3A_955 = arith.constant 2 : i32
      %ge3A_956 = arith.cmpi sge, %add3A_951, %ge3A_955 : i32
      %convert_element_type3A_957 = arith.extui %ge3A_956 : i1 to i32
      %cond3A_958 = arith.constant 1 : i32
      %cond3A_959 = arith.constant 0 : i32
      %cond3A_960 = arith.cmpi ne, %convert_element_type3A_957, %cond3A_959 : i32
      scf.if %cond3A_960 {
        %sub3A_1825 = arith.constant 4096 : i32
        %sub3A_1826 = arith.subi %add3A_954, %sub3A_1825 : i32
        %dma_wait3A_1827 = arith.constant 0 : i32
        %dma_wait3A_1828 = arith.constant 0 : i32
        %dma_wait3A_1829 = tpu.memref_slice %arg7[%cond3A_958, %dma_wait3A_1827, %dma_wait3A_1828] : memref<2x2048x16xf32, #tpu.memory_space<vmem>> -> memref<1x2048x16xf32, #tpu.memory_space<vmem>>
        %dma_wait3A_1830 = tpu.memref_squeeze %dma_wait3A_1829 : memref<1x2048x16xf32, #tpu.memory_space<vmem>> -> memref<2048x16xf32, #tpu.memory_space<vmem>>
        %dma_wait3A_1831 = arith.constant 0 : i32
        %dma_wait3A_1832 = arith.constant 0 : i32
        %dma_wait3A_1833 = tpu.memref_slice %arg4[%select_n3A, %dma_wait3A_1831, %dma_wait3A_1832] : memref<4x786432x16xf32, #tpu.memory_space<hbm>> -> memref<1x786432x16xf32, #tpu.memory_space<hbm>>
        %dma_wait3A_1834 = tpu.memref_squeeze %dma_wait3A_1833 : memref<1x786432x16xf32, #tpu.memory_space<hbm>> -> memref<786432x16xf32, #tpu.memory_space<hbm>>
        %dma_wait3A_1835 = arith.constant 0 : i32
        %dma_wait3A_1836 = tpu.memref_slice %dma_wait3A_1834[%sub3A_1826, %dma_wait3A_1835] : memref<786432x16xf32, #tpu.memory_space<hbm>> -> memref<2048x16xf32, #tpu.memory_space<hbm>>
        %dma_wait3A_1837 = arith.constant 0 : i32
        %dma_wait3A_1838 = arith.constant 0 : i32
        %dma_wait3A_1839 = tpu.memref_slice %arg4[%select_n3A, %dma_wait3A_1837, %dma_wait3A_1838] : memref<4x786432x16xf32, #tpu.memory_space<hbm>> -> memref<1x786432x16xf32, #tpu.memory_space<hbm>>
        %dma_wait3A_1840 = tpu.memref_squeeze %dma_wait3A_1839 : memref<1x786432x16xf32, #tpu.memory_space<hbm>> -> memref<786432x16xf32, #tpu.memory_space<hbm>>
        %dma_wait3A_1841 = arith.constant 0 : i32
        %dma_wait3A_1842 = tpu.memref_slice %dma_wait3A_1840[%sub3A_1826, %dma_wait3A_1841] : memref<786432x16xf32, #tpu.memory_space<hbm>> -> memref<2048x16xf32, #tpu.memory_space<hbm>>
        %dma_wait3A_1843 = arith.constant 0 : i32
        %dma_wait3A_1844 = arith.constant 0 : i32
        %dma_wait3A_1845 = tpu.memref_slice %arg7[%cond3A_958, %dma_wait3A_1843, %dma_wait3A_1844] : memref<2x2048x16xf32, #tpu.memory_space<vmem>> -> memref<1x2048x16xf32, #tpu.memory_space<vmem>>
        %dma_wait3A_1846 = tpu.memref_squeeze %dma_wait3A_1845 : memref<1x2048x16xf32, #tpu.memory_space<vmem>> -> memref<2048x16xf32, #tpu.memory_space<vmem>>
        tpu.wait_dma2 semaphore(%arg11 : memref<!tpu.dma_semaphore, #tpu.memory_space<semaphore_mem>>) src(%dma_wait3A_1846 : memref<2048x16xf32, #tpu.memory_space<vmem>>) dst(%dma_wait3A_1842 : memref<2048x16xf32, #tpu.memory_space<hbm>>)
      } else {
      }
      %run_scoped3A_961 = arith.constant 1 : i32
      "tpu.region"() ({
        %run_scoped3A_1825 = tpu.sem_alloc : memref<!tpu.dma_semaphore, #tpu.memory_space<semaphore_mem>>
        %dma_start3A_1826 = arith.constant 0 : i32
        %dma_start3A_1827 = tpu.memref_slice %arg5[%run_scoped3A_961, %dma_start3A_1826] : memref<2x2048xi32, #tpu.memory_space<vmem>> -> memref<1x2048xi32, #tpu.memory_space<vmem>>
        %dma_start3A_1828 = tpu.memref_squeeze %dma_start3A_1827 : memref<1x2048xi32, #tpu.memory_space<vmem>> -> memref<2048xi32, #tpu.memory_space<vmem>>
        %dma_start3A_1829 = tpu.memref_slice %arg3[%add3A_954] : memref<786432xi32, #tpu.memory_space<hbm>> -> memref<2048xi32, #tpu.memory_space<hbm>>
        %dma_start3A_1830 = arith.constant 0 : i32
        %dma_start3A_1831 = tpu.memref_slice %arg5[%run_scoped3A_961, %dma_start3A_1830] : memref<2x2048xi32, #tpu.memory_space<vmem>> -> memref<1x2048xi32, #tpu.memory_space<vmem>>
        %dma_start3A_1832 = tpu.memref_squeeze %dma_start3A_1831 : memref<1x2048xi32, #tpu.memory_space<vmem>> -> memref<2048xi32, #tpu.memory_space<vmem>>
        %dma_start3A_1833 = tpu.memref_slice %arg3[%add3A_954] : memref<786432xi32, #tpu.memory_space<hbm>> -> memref<2048xi32, #tpu.memory_space<hbm>>
        tpu.enqueue_dma source(%dma_start3A_1833 : memref<2048xi32, #tpu.memory_space<hbm>>) target(%dma_start3A_1832 : memref<2048xi32, #tpu.memory_space<vmem>>) target_semaphore(%run_scoped3A_1825 : memref<!tpu.dma_semaphore, #tpu.memory_space<semaphore_mem>>)
        %dma_wait3A_1834 = arith.constant 0 : i32
        %dma_wait3A_1835 = tpu.memref_slice %arg5[%run_scoped3A_961, %dma_wait3A_1834] : memref<2x2048xi32, #tpu.memory_space<vmem>> -> memref<1x2048xi32, #tpu.memory_space<vmem>>
        %dma_wait3A_1836 = tpu.memref_squeeze %dma_wait3A_1835 : memref<1x2048xi32, #tpu.memory_space<vmem>> -> memref<2048xi32, #tpu.memory_space<vmem>>
        %dma_wait3A_1837 = tpu.memref_slice %arg3[%add3A_954] : memref<786432xi32, #tpu.memory_space<hbm>> -> memref<2048xi32, #tpu.memory_space<hbm>>
        %dma_wait3A_1838 = arith.constant 0 : i32
        %dma_wait3A_1839 = tpu.memref_slice %arg5[%run_scoped3A_961, %dma_wait3A_1838] : memref<2x2048xi32, #tpu.memory_space<vmem>> -> memref<1x2048xi32, #tpu.memory_space<vmem>>
        %dma_wait3A_1840 = tpu.memref_squeeze %dma_wait3A_1839 : memref<1x2048xi32, #tpu.memory_space<vmem>> -> memref<2048xi32, #tpu.memory_space<vmem>>
        %dma_wait3A_1841 = tpu.memref_slice %arg3[%add3A_954] : memref<786432xi32, #tpu.memory_space<hbm>> -> memref<2048xi32, #tpu.memory_space<hbm>>
        tpu.wait_dma2 semaphore(%run_scoped3A_1825 : memref<!tpu.dma_semaphore, #tpu.memory_space<semaphore_mem>>) src(%dma_wait3A_1841 : memref<2048xi32, #tpu.memory_space<hbm>>) dst(%dma_wait3A_1840 : memref<2048xi32, #tpu.memory_space<vmem>>)
        tpu.yield
      }) : () -> ()
      %broadcast_in_dim3A_962 = arith.constant 0 : i32
      %broadcast_in_dim3A_963 = vector.broadcast %broadcast_in_dim3A_962 : i32 to vector<16xi32>
      %swap3A_964 = arith.constant 0 : index
      %swap3A_965 = tpu.vector_load %arg8[%swap3A_964] {strides = array<i32>} : memref<16xi32, #tpu.memory_space<vmem>>, vector<16xi32>,
      %swap3A_966 = vector.shape_cast %swap3A_965 : vector<16xi32> to vector<16xi32>
      %swap3A_967 = vector.shape_cast %broadcast_in_dim3A_963 : vector<16xi32> to vector<16xi32>
      tpu.vector_store %arg8[%swap3A_964], %swap3A_967 {strides = array<i32>} : memref<16xi32, #tpu.memory_space<vmem>>, vector<16xi32>,
      %scan3A_968 = arith.constant 1 : i32
      %scan3A_969 = arith.constant 1 : i32
      %scan3A_970 = arith.constant 0 : i32
      %scan3A_971 = arith.constant 0 : i32
      %scan3A_972 = arith.constant 16 : i32
      %scan3A_973 = arith.addi %scan3A_971, %scan3A_972 : i32
      %scan3A_974 = arith.constant 1 : i32
      %scan3A_975 = scf.for %scan3A_1825 = %scan3A_971 to %scan3A_973 step %scan3A_974 iter_args(%scan3A_1826 = %scan3A_970) -> (i32)  : i32 {
        %mul3A_1827 = arith.constant 128 : i32
        %mul3A_1828 = arith.muli %scan3A_1825, %mul3A_1827 : i32
        %add3A_1829 = arith.constant 0 : i32
        %add3A_1830 = arith.addi %mul3A_1828, %add3A_1829 : i32
        %get3A_1831 = arith.constant 0 : i32
        %get3A_1832 = tpu.memref_slice %arg5[%scan3A_968, %get3A_1831] : memref<2x2048xi32, #tpu.memory_space<vmem>> -> memref<1x2048xi32, #tpu.memory_space<vmem>>
        %get3A_1833 = tpu.memref_squeeze %get3A_1832 : memref<1x2048xi32, #tpu.memory_space<vmem>> -> memref<2048xi32, #tpu.memory_space<vmem>>
        %get3A_1834 = arith.index_cast %add3A_1830 : i32 to index
        %get3A_1835 = tpu.vector_load %get3A_1833[%get3A_1834] {strides = array<i32>} : memref<2048xi32, #tpu.memory_space<vmem>>, vector<16xi32>,
        %get3A_1836 = vector.shape_cast %get3A_1835 : vector<16xi32> to vector<16xi32>
        %get3A_1837 = arith.constant 0 : index
        %get3A_1838 = tpu.vector_load %arg8[%get3A_1837] {strides = array<i32>} : memref<16xi32, #tpu.memory_space<vmem>>, vector<16xi32>,
        %get3A_1839 = vector.shape_cast %get3A_1838 : vector<16xi32> to vector<16xi32>
        %eq3A_1840 = arith.constant 786432 : i32
        %eq3A_1841 = vector.broadcast %eq3A_1840 : i32 to vector<16xi32>
        %eq3A_1842 = arith.cmpi eq, %get3A_1836, %eq3A_1841 : vector<16xi32>
        %jit3A_1843 = arith.constant 1 : i32
        %jit3A_1844 = arith.constant 0 : i32
        %broadcast_in_dim3A_1845 = vector.broadcast %jit3A_1843 : i32 to vector<16xi32>
        %broadcast_in_dim3A_1846 = vector.broadcast %jit3A_1844 : i32 to vector<16xi32>
        %select_n3A_1847 = arith.select %eq3A_1842, %broadcast_in_dim3A_1845, %broadcast_in_dim3A_1846 : vector<16xi1>, vector<16xi32>
        %add3A_1848 = arith.addi %get3A_1839, %select_n3A_1847 : vector<16xi32>
        %swap3A_1849 = arith.constant 0 : index
        %swap3A_1850 = tpu.vector_load %arg8[%swap3A_1849] {strides = array<i32>} : memref<16xi32, #tpu.memory_space<vmem>>, vector<16xi32>,
        %swap3A_1851 = vector.shape_cast %swap3A_1850 : vector<16xi32> to vector<16xi32>
        %swap3A_1852 = vector.shape_cast %add3A_1848 : vector<16xi32> to vector<16xi32>
        tpu.vector_store %arg8[%swap3A_1849], %swap3A_1852 {strides = array<i32>} : memref<16xi32, #tpu.memory_space<vmem>>, vector<16xi32>,
        %min3A = arith.constant 786431 : i32
        %min3A_1853 = vector.broadcast %min3A : i32 to vector<16xi32>
        %min3A_1854 = arith.minsi %get3A_1836, %min3A_1853 : vector<16xi32>
        %swap3A_1855 = arith.constant 0 : i32
        %swap3A_1856 = arith.constant 0 : i32
        %swap3A_1857 = tpu.memref_slice %arg6[%scan3A_969, %swap3A_1855, %swap3A_1856] : memref<2x16x128xi32, #tpu.memory_space<vmem>> -> memref<1x16x128xi32, #tpu.memory_space<vmem>>
        %swap3A_1858 = tpu.memref_squeeze %swap3A_1857 : memref<1x16x128xi32, #tpu.memory_space<vmem>> -> memref<16x128xi32, #tpu.memory_space<vmem>>
        %swap3A_1859 = arith.index_cast %scan3A_1825 : i32 to index
        %swap3A_1860 = arith.constant 0 : index
        %swap3A_1861 = tpu.vector_load %swap3A_1858[%swap3A_1859, %swap3A_1860] {strides = array<i32>} : memref<16x128xi32, #tpu.memory_space<vmem>>, vector<1x16xi32>,
        %swap3A_1862 = vector.shape_cast %swap3A_1861 : vector<1x16xi32> to vector<16xi32>
        %swap3A_1863 = vector.shape_cast %min3A_1854 : vector<16xi32> to vector<1x16xi32>
        tpu.vector_store %swap3A_1858[%swap3A_1859, %swap3A_1860], %swap3A_1863 {strides = array<i32>} : memref<16x128xi32, #tpu.memory_space<vmem>>, vector<1x16xi32>,
        %mul3A_1864 = arith.constant 128 : i32
        %mul3A_1865 = arith.muli %scan3A_1825, %mul3A_1864 : i32
        %add3A_1866 = arith.constant 16 : i32
        %add3A_1867 = arith.addi %mul3A_1865, %add3A_1866 : i32
        %get3A_1868 = arith.constant 0 : i32
        %get3A_1869 = tpu.memref_slice %arg5[%scan3A_968, %get3A_1868] : memref<2x2048xi32, #tpu.memory_space<vmem>> -> memref<1x2048xi32, #tpu.memory_space<vmem>>
        %get3A_1870 = tpu.memref_squeeze %get3A_1869 : memref<1x2048xi32, #tpu.memory_space<vmem>> -> memref<2048xi32, #tpu.memory_space<vmem>>
        %get3A_1871 = arith.index_cast %add3A_1867 : i32 to index
        %get3A_1872 = tpu.vector_load %get3A_1870[%get3A_1871] {strides = array<i32>} : memref<2048xi32, #tpu.memory_space<vmem>>, vector<16xi32>,
        %get3A_1873 = vector.shape_cast %get3A_1872 : vector<16xi32> to vector<16xi32>
        %get3A_1874 = arith.constant 0 : index
        %get3A_1875 = tpu.vector_load %arg8[%get3A_1874] {strides = array<i32>} : memref<16xi32, #tpu.memory_space<vmem>>, vector<16xi32>,
        %get3A_1876 = vector.shape_cast %get3A_1875 : vector<16xi32> to vector<16xi32>
        %eq3A_1877 = arith.constant 786432 : i32
        %eq3A_1878 = vector.broadcast %eq3A_1877 : i32 to vector<16xi32>
        %eq3A_1879 = arith.cmpi eq, %get3A_1873, %eq3A_1878 : vector<16xi32>
        %jit3A_1880 = arith.constant 1 : i32
        %jit3A_1881 = arith.constant 0 : i32
        %broadcast_in_dim3A_1882 = vector.broadcast %jit3A_1880 : i32 to vector<16xi32>
        %broadcast_in_dim3A_1883 = vector.broadcast %jit3A_1881 : i32 to vector<16xi32>
        %select_n3A_1884 = arith.select %eq3A_1879, %broadcast_in_dim3A_1882, %broadcast_in_dim3A_1883 : vector<16xi1>, vector<16xi32>
        %add3A_1885 = arith.addi %get3A_1876, %select_n3A_1884 : vector<16xi32>
        %swap3A_1886 = arith.constant 0 : index
        %swap3A_1887 = tpu.vector_load %arg8[%swap3A_1886] {strides = array<i32>} : memref<16xi32, #tpu.memory_space<vmem>>, vector<16xi32>,
        %swap3A_1888 = vector.shape_cast %swap3A_1887 : vector<16xi32> to vector<16xi32>
        %swap3A_1889 = vector.shape_cast %add3A_1885 : vector<16xi32> to vector<16xi32>
        tpu.vector_store %arg8[%swap3A_1886], %swap3A_1889 {strides = array<i32>} : memref<16xi32, #tpu.memory_space<vmem>>, vector<16xi32>,
        %min3A_1890 = arith.constant 786431 : i32
        %min3A_1891 = vector.broadcast %min3A_1890 : i32 to vector<16xi32>
        %min3A_1892 = arith.minsi %get3A_1873, %min3A_1891 : vector<16xi32>
        %swap3A_1893 = arith.constant 0 : i32
        %swap3A_1894 = arith.constant 0 : i32
        %swap3A_1895 = tpu.memref_slice %arg6[%scan3A_969, %swap3A_1893, %swap3A_1894] : memref<2x16x128xi32, #tpu.memory_space<vmem>> -> memref<1x16x128xi32, #tpu.memory_space<vmem>>
        %swap3A_1896 = tpu.memref_squeeze %swap3A_1895 : memref<1x16x128xi32, #tpu.memory_space<vmem>> -> memref<16x128xi32, #tpu.memory_space<vmem>>
        %swap3A_1897 = arith.index_cast %scan3A_1825 : i32 to index
        %swap3A_1898 = arith.constant 16 : index
        %swap3A_1899 = tpu.vector_load %swap3A_1896[%swap3A_1897, %swap3A_1898] {strides = array<i32>} : memref<16x128xi32, #tpu.memory_space<vmem>>, vector<1x16xi32>,
        %swap3A_1900 = vector.shape_cast %swap3A_1899 : vector<1x16xi32> to vector<16xi32>
        %swap3A_1901 = vector.shape_cast %min3A_1892 : vector<16xi32> to vector<1x16xi32>
        tpu.vector_store %swap3A_1896[%swap3A_1897, %swap3A_1898], %swap3A_1901 {strides = array<i32>} : memref<16x128xi32, #tpu.memory_space<vmem>>, vector<1x16xi32>,
        %mul3A_1902 = arith.constant 128 : i32
        %mul3A_1903 = arith.muli %scan3A_1825, %mul3A_1902 : i32
        %add3A_1904 = arith.constant 32 : i32
        %add3A_1905 = arith.addi %mul3A_1903, %add3A_1904 : i32
        %get3A_1906 = arith.constant 0 : i32
        %get3A_1907 = tpu.memref_slice %arg5[%scan3A_968, %get3A_1906] : memref<2x2048xi32, #tpu.memory_space<vmem>> -> memref<1x2048xi32, #tpu.memory_space<vmem>>
        %get3A_1908 = tpu.memref_squeeze %get3A_1907 : memref<1x2048xi32, #tpu.memory_space<vmem>> -> memref<2048xi32, #tpu.memory_space<vmem>>
        %get3A_1909 = arith.index_cast %add3A_1905 : i32 to index
        %get3A_1910 = tpu.vector_load %get3A_1908[%get3A_1909] {strides = array<i32>} : memref<2048xi32, #tpu.memory_space<vmem>>, vector<16xi32>,
        %get3A_1911 = vector.shape_cast %get3A_1910 : vector<16xi32> to vector<16xi32>
        %get3A_1912 = arith.constant 0 : index
        %get3A_1913 = tpu.vector_load %arg8[%get3A_1912] {strides = array<i32>} : memref<16xi32, #tpu.memory_space<vmem>>, vector<16xi32>,
        %get3A_1914 = vector.shape_cast %get3A_1913 : vector<16xi32> to vector<16xi32>
        %eq3A_1915 = arith.constant 786432 : i32
        %eq3A_1916 = vector.broadcast %eq3A_1915 : i32 to vector<16xi32>
        %eq3A_1917 = arith.cmpi eq, %get3A_1911, %eq3A_1916 : vector<16xi32>
        %jit3A_1918 = arith.constant 1 : i32
        %jit3A_1919 = arith.constant 0 : i32
        %broadcast_in_dim3A_1920 = vector.broadcast %jit3A_1918 : i32 to vector<16xi32>
        %broadcast_in_dim3A_1921 = vector.broadcast %jit3A_1919 : i32 to vector<16xi32>
        %select_n3A_1922 = arith.select %eq3A_1917, %broadcast_in_dim3A_1920, %broadcast_in_dim3A_1921 : vector<16xi1>, vector<16xi32>
        %add3A_1923 = arith.addi %get3A_1914, %select_n3A_1922 : vector<16xi32>
        %swap3A_1924 = arith.constant 0 : index
        %swap3A_1925 = tpu.vector_load %arg8[%swap3A_1924] {strides = array<i32>} : memref<16xi32, #tpu.memory_space<vmem>>, vector<16xi32>,
        %swap3A_1926 = vector.shape_cast %swap3A_1925 : vector<16xi32> to vector<16xi32>
        %swap3A_1927 = vector.shape_cast %add3A_1923 : vector<16xi32> to vector<16xi32>
        tpu.vector_store %arg8[%swap3A_1924], %swap3A_1927 {strides = array<i32>} : memref<16xi32, #tpu.memory_space<vmem>>, vector<16xi32>,
        %min3A_1928 = arith.constant 786431 : i32
        %min3A_1929 = vector.broadcast %min3A_1928 : i32 to vector<16xi32>
        %min3A_1930 = arith.minsi %get3A_1911, %min3A_1929 : vector<16xi32>
        %swap3A_1931 = arith.constant 0 : i32
        %swap3A_1932 = arith.constant 0 : i32
        %swap3A_1933 = tpu.memref_slice %arg6[%scan3A_969, %swap3A_1931, %swap3A_1932] : memref<2x16x128xi32, #tpu.memory_space<vmem>> -> memref<1x16x128xi32, #tpu.memory_space<vmem>>
        %swap3A_1934 = tpu.memref_squeeze %swap3A_1933 : memref<1x16x128xi32, #tpu.memory_space<vmem>> -> memref<16x128xi32, #tpu.memory_space<vmem>>
        %swap3A_1935 = arith.index_cast %scan3A_1825 : i32 to index
        %swap3A_1936 = arith.constant 32 : index
        %swap3A_1937 = tpu.vector_load %swap3A_1934[%swap3A_1935, %swap3A_1936] {strides = array<i32>} : memref<16x128xi32, #tpu.memory_space<vmem>>, vector<1x16xi32>,
        %swap3A_1938 = vector.shape_cast %swap3A_1937 : vector<1x16xi32> to vector<16xi32>
        %swap3A_1939 = vector.shape_cast %min3A_1930 : vector<16xi32> to vector<1x16xi32>
        tpu.vector_store %swap3A_1934[%swap3A_1935, %swap3A_1936], %swap3A_1939 {strides = array<i32>} : memref<16x128xi32, #tpu.memory_space<vmem>>, vector<1x16xi32>,
        %mul3A_1940 = arith.constant 128 : i32
        %mul3A_1941 = arith.muli %scan3A_1825, %mul3A_1940 : i32
        %add3A_1942 = arith.constant 48 : i32
        %add3A_1943 = arith.addi %mul3A_1941, %add3A_1942 : i32
        %get3A_1944 = arith.constant 0 : i32
        %get3A_1945 = tpu.memref_slice %arg5[%scan3A_968, %get3A_1944] : memref<2x2048xi32, #tpu.memory_space<vmem>> -> memref<1x2048xi32, #tpu.memory_space<vmem>>
        %get3A_1946 = tpu.memref_squeeze %get3A_1945 : memref<1x2048xi32, #tpu.memory_space<vmem>> -> memref<2048xi32, #tpu.memory_space<vmem>>
        %get3A_1947 = arith.index_cast %add3A_1943 : i32 to index
        %get3A_1948 = tpu.vector_load %get3A_1946[%get3A_1947] {strides = array<i32>} : memref<2048xi32, #tpu.memory_space<vmem>>, vector<16xi32>,
        %get3A_1949 = vector.shape_cast %get3A_1948 : vector<16xi32> to vector<16xi32>
        %get3A_1950 = arith.constant 0 : index
        %get3A_1951 = tpu.vector_load %arg8[%get3A_1950] {strides = array<i32>} : memref<16xi32, #tpu.memory_space<vmem>>, vector<16xi32>,
        %get3A_1952 = vector.shape_cast %get3A_1951 : vector<16xi32> to vector<16xi32>
        %eq3A_1953 = arith.constant 786432 : i32
        %eq3A_1954 = vector.broadcast %eq3A_1953 : i32 to vector<16xi32>
        %eq3A_1955 = arith.cmpi eq, %get3A_1949, %eq3A_1954 : vector<16xi32>
        %jit3A_1956 = arith.constant 1 : i32
        %jit3A_1957 = arith.constant 0 : i32
        %broadcast_in_dim3A_1958 = vector.broadcast %jit3A_1956 : i32 to vector<16xi32>
        %broadcast_in_dim3A_1959 = vector.broadcast %jit3A_1957 : i32 to vector<16xi32>
        %select_n3A_1960 = arith.select %eq3A_1955, %broadcast_in_dim3A_1958, %broadcast_in_dim3A_1959 : vector<16xi1>, vector<16xi32>
        %add3A_1961 = arith.addi %get3A_1952, %select_n3A_1960 : vector<16xi32>
        %swap3A_1962 = arith.constant 0 : index
        %swap3A_1963 = tpu.vector_load %arg8[%swap3A_1962] {strides = array<i32>} : memref<16xi32, #tpu.memory_space<vmem>>, vector<16xi32>,
        %swap3A_1964 = vector.shape_cast %swap3A_1963 : vector<16xi32> to vector<16xi32>
        %swap3A_1965 = vector.shape_cast %add3A_1961 : vector<16xi32> to vector<16xi32>
        tpu.vector_store %arg8[%swap3A_1962], %swap3A_1965 {strides = array<i32>} : memref<16xi32, #tpu.memory_space<vmem>>, vector<16xi32>,
        %min3A_1966 = arith.constant 786431 : i32
        %min3A_1967 = vector.broadcast %min3A_1966 : i32 to vector<16xi32>
        %min3A_1968 = arith.minsi %get3A_1949, %min3A_1967 : vector<16xi32>
        %swap3A_1969 = arith.constant 0 : i32
        %swap3A_1970 = arith.constant 0 : i32
        %swap3A_1971 = tpu.memref_slice %arg6[%scan3A_969, %swap3A_1969, %swap3A_1970] : memref<2x16x128xi32, #tpu.memory_space<vmem>> -> memref<1x16x128xi32, #tpu.memory_space<vmem>>
        %swap3A_1972 = tpu.memref_squeeze %swap3A_1971 : memref<1x16x128xi32, #tpu.memory_space<vmem>> -> memref<16x128xi32, #tpu.memory_space<vmem>>
        %swap3A_1973 = arith.index_cast %scan3A_1825 : i32 to index
        %swap3A_1974 = arith.constant 48 : index
        %swap3A_1975 = tpu.vector_load %swap3A_1972[%swap3A_1973, %swap3A_1974] {strides = array<i32>} : memref<16x128xi32, #tpu.memory_space<vmem>>, vector<1x16xi32>,
        %swap3A_1976 = vector.shape_cast %swap3A_1975 : vector<1x16xi32> to vector<16xi32>
        %swap3A_1977 = vector.shape_cast %min3A_1968 : vector<16xi32> to vector<1x16xi32>
        tpu.vector_store %swap3A_1972[%swap3A_1973, %swap3A_1974], %swap3A_1977 {strides = array<i32>} : memref<16x128xi32, #tpu.memory_space<vmem>>, vector<1x16xi32>,
        %mul3A_1978 = arith.constant 128 : i32
        %mul3A_1979 = arith.muli %scan3A_1825, %mul3A_1978 : i32
        %add3A_1980 = arith.constant 64 : i32
        %add3A_1981 = arith.addi %mul3A_1979, %add3A_1980 : i32
        %get3A_1982 = arith.constant 0 : i32
        %get3A_1983 = tpu.memref_slice %arg5[%scan3A_968, %get3A_1982] : memref<2x2048xi32, #tpu.memory_space<vmem>> -> memref<1x2048xi32, #tpu.memory_space<vmem>>
        %get3A_1984 = tpu.memref_squeeze %get3A_1983 : memref<1x2048xi32, #tpu.memory_space<vmem>> -> memref<2048xi32, #tpu.memory_space<vmem>>
        %get3A_1985 = arith.index_cast %add3A_1981 : i32 to index
        %get3A_1986 = tpu.vector_load %get3A_1984[%get3A_1985] {strides = array<i32>} : memref<2048xi32, #tpu.memory_space<vmem>>, vector<16xi32>,
        %get3A_1987 = vector.shape_cast %get3A_1986 : vector<16xi32> to vector<16xi32>
        %get3A_1988 = arith.constant 0 : index
        %get3A_1989 = tpu.vector_load %arg8[%get3A_1988] {strides = array<i32>} : memref<16xi32, #tpu.memory_space<vmem>>, vector<16xi32>,
        %get3A_1990 = vector.shape_cast %get3A_1989 : vector<16xi32> to vector<16xi32>
        %eq3A_1991 = arith.constant 786432 : i32
        %eq3A_1992 = vector.broadcast %eq3A_1991 : i32 to vector<16xi32>
        %eq3A_1993 = arith.cmpi eq, %get3A_1987, %eq3A_1992 : vector<16xi32>
        %jit3A_1994 = arith.constant 1 : i32
        %jit3A_1995 = arith.constant 0 : i32
        %broadcast_in_dim3A_1996 = vector.broadcast %jit3A_1994 : i32 to vector<16xi32>
        %broadcast_in_dim3A_1997 = vector.broadcast %jit3A_1995 : i32 to vector<16xi32>
        %select_n3A_1998 = arith.select %eq3A_1993, %broadcast_in_dim3A_1996, %broadcast_in_dim3A_1997 : vector<16xi1>, vector<16xi32>
        %add3A_1999 = arith.addi %get3A_1990, %select_n3A_1998 : vector<16xi32>
        %swap3A_2000 = arith.constant 0 : index
        %swap3A_2001 = tpu.vector_load %arg8[%swap3A_2000] {strides = array<i32>} : memref<16xi32, #tpu.memory_space<vmem>>, vector<16xi32>,
        %swap3A_2002 = vector.shape_cast %swap3A_2001 : vector<16xi32> to vector<16xi32>
        %swap3A_2003 = vector.shape_cast %add3A_1999 : vector<16xi32> to vector<16xi32>
        tpu.vector_store %arg8[%swap3A_2000], %swap3A_2003 {strides = array<i32>} : memref<16xi32, #tpu.memory_space<vmem>>, vector<16xi32>,
        %min3A_2004 = arith.constant 786431 : i32
        %min3A_2005 = vector.broadcast %min3A_2004 : i32 to vector<16xi32>
        %min3A_2006 = arith.minsi %get3A_1987, %min3A_2005 : vector<16xi32>
        %swap3A_2007 = arith.constant 0 : i32
        %swap3A_2008 = arith.constant 0 : i32
        %swap3A_2009 = tpu.memref_slice %arg6[%scan3A_969, %swap3A_2007, %swap3A_2008] : memref<2x16x128xi32, #tpu.memory_space<vmem>> -> memref<1x16x128xi32, #tpu.memory_space<vmem>>
        %swap3A_2010 = tpu.memref_squeeze %swap3A_2009 : memref<1x16x128xi32, #tpu.memory_space<vmem>> -> memref<16x128xi32, #tpu.memory_space<vmem>>
        %swap3A_2011 = arith.index_cast %scan3A_1825 : i32 to index
        %swap3A_2012 = arith.constant 64 : index
        %swap3A_2013 = tpu.vector_load %swap3A_2010[%swap3A_2011, %swap3A_2012] {strides = array<i32>} : memref<16x128xi32, #tpu.memory_space<vmem>>, vector<1x16xi32>,
        %swap3A_2014 = vector.shape_cast %swap3A_2013 : vector<1x16xi32> to vector<16xi32>
        %swap3A_2015 = vector.shape_cast %min3A_2006 : vector<16xi32> to vector<1x16xi32>
        tpu.vector_store %swap3A_2010[%swap3A_2011, %swap3A_2012], %swap3A_2015 {strides = array<i32>} : memref<16x128xi32, #tpu.memory_space<vmem>>, vector<1x16xi32>,
        %mul3A_2016 = arith.constant 128 : i32
        %mul3A_2017 = arith.muli %scan3A_1825, %mul3A_2016 : i32
        %add3A_2018 = arith.constant 80 : i32
        %add3A_2019 = arith.addi %mul3A_2017, %add3A_2018 : i32
        %get3A_2020 = arith.constant 0 : i32
        %get3A_2021 = tpu.memref_slice %arg5[%scan3A_968, %get3A_2020] : memref<2x2048xi32, #tpu.memory_space<vmem>> -> memref<1x2048xi32, #tpu.memory_space<vmem>>
        %get3A_2022 = tpu.memref_squeeze %get3A_2021 : memref<1x2048xi32, #tpu.memory_space<vmem>> -> memref<2048xi32, #tpu.memory_space<vmem>>
        %get3A_2023 = arith.index_cast %add3A_2019 : i32 to index
        %get3A_2024 = tpu.vector_load %get3A_2022[%get3A_2023] {strides = array<i32>} : memref<2048xi32, #tpu.memory_space<vmem>>, vector<16xi32>,
        %get3A_2025 = vector.shape_cast %get3A_2024 : vector<16xi32> to vector<16xi32>
        %get3A_2026 = arith.constant 0 : index
        %get3A_2027 = tpu.vector_load %arg8[%get3A_2026] {strides = array<i32>} : memref<16xi32, #tpu.memory_space<vmem>>, vector<16xi32>,
        %get3A_2028 = vector.shape_cast %get3A_2027 : vector<16xi32> to vector<16xi32>
        %eq3A_2029 = arith.constant 786432 : i32
        %eq3A_2030 = vector.broadcast %eq3A_2029 : i32 to vector<16xi32>
        %eq3A_2031 = arith.cmpi eq, %get3A_2025, %eq3A_2030 : vector<16xi32>
        %jit3A_2032 = arith.constant 1 : i32
        %jit3A_2033 = arith.constant 0 : i32
        %broadcast_in_dim3A_2034 = vector.broadcast %jit3A_2032 : i32 to vector<16xi32>
        %broadcast_in_dim3A_2035 = vector.broadcast %jit3A_2033 : i32 to vector<16xi32>
        %select_n3A_2036 = arith.select %eq3A_2031, %broadcast_in_dim3A_2034, %broadcast_in_dim3A_2035 : vector<16xi1>, vector<16xi32>
        %add3A_2037 = arith.addi %get3A_2028, %select_n3A_2036 : vector<16xi32>
        %swap3A_2038 = arith.constant 0 : index
        %swap3A_2039 = tpu.vector_load %arg8[%swap3A_2038] {strides = array<i32>} : memref<16xi32, #tpu.memory_space<vmem>>, vector<16xi32>,
        %swap3A_2040 = vector.shape_cast %swap3A_2039 : vector<16xi32> to vector<16xi32>
        %swap3A_2041 = vector.shape_cast %add3A_2037 : vector<16xi32> to vector<16xi32>
        tpu.vector_store %arg8[%swap3A_2038], %swap3A_2041 {strides = array<i32>} : memref<16xi32, #tpu.memory_space<vmem>>, vector<16xi32>,
        %min3A_2042 = arith.constant 786431 : i32
        %min3A_2043 = vector.broadcast %min3A_2042 : i32 to vector<16xi32>
        %min3A_2044 = arith.minsi %get3A_2025, %min3A_2043 : vector<16xi32>
        %swap3A_2045 = arith.constant 0 : i32
        %swap3A_2046 = arith.constant 0 : i32
        %swap3A_2047 = tpu.memref_slice %arg6[%scan3A_969, %swap3A_2045, %swap3A_2046] : memref<2x16x128xi32, #tpu.memory_space<vmem>> -> memref<1x16x128xi32, #tpu.memory_space<vmem>>
        %swap3A_2048 = tpu.memref_squeeze %swap3A_2047 : memref<1x16x128xi32, #tpu.memory_space<vmem>> -> memref<16x128xi32, #tpu.memory_space<vmem>>
        %swap3A_2049 = arith.index_cast %scan3A_1825 : i32 to index
        %swap3A_2050 = arith.constant 80 : index
        %swap3A_2051 = tpu.vector_load %swap3A_2048[%swap3A_2049, %swap3A_2050] {strides = array<i32>} : memref<16x128xi32, #tpu.memory_space<vmem>>, vector<1x16xi32>,
        %swap3A_2052 = vector.shape_cast %swap3A_2051 : vector<1x16xi32> to vector<16xi32>
        %swap3A_2053 = vector.shape_cast %min3A_2044 : vector<16xi32> to vector<1x16xi32>
        tpu.vector_store %swap3A_2048[%swap3A_2049, %swap3A_2050], %swap3A_2053 {strides = array<i32>} : memref<16x128xi32, #tpu.memory_space<vmem>>, vector<1x16xi32>,
        %mul3A_2054 = arith.constant 128 : i32
        %mul3A_2055 = arith.muli %scan3A_1825, %mul3A_2054 : i32
        %add3A_2056 = arith.constant 96 : i32
        %add3A_2057 = arith.addi %mul3A_2055, %add3A_2056 : i32
        %get3A_2058 = arith.constant 0 : i32
        %get3A_2059 = tpu.memref_slice %arg5[%scan3A_968, %get3A_2058] : memref<2x2048xi32, #tpu.memory_space<vmem>> -> memref<1x2048xi32, #tpu.memory_space<vmem>>
        %get3A_2060 = tpu.memref_squeeze %get3A_2059 : memref<1x2048xi32, #tpu.memory_space<vmem>> -> memref<2048xi32, #tpu.memory_space<vmem>>
        %get3A_2061 = arith.index_cast %add3A_2057 : i32 to index
        %get3A_2062 = tpu.vector_load %get3A_2060[%get3A_2061] {strides = array<i32>} : memref<2048xi32, #tpu.memory_space<vmem>>, vector<16xi32>,
        %get3A_2063 = vector.shape_cast %get3A_2062 : vector<16xi32> to vector<16xi32>
        %get3A_2064 = arith.constant 0 : index
        %get3A_2065 = tpu.vector_load %arg8[%get3A_2064] {strides = array<i32>} : memref<16xi32, #tpu.memory_space<vmem>>, vector<16xi32>,
        %get3A_2066 = vector.shape_cast %get3A_2065 : vector<16xi32> to vector<16xi32>
        %eq3A_2067 = arith.constant 786432 : i32
        %eq3A_2068 = vector.broadcast %eq3A_2067 : i32 to vector<16xi32>
        %eq3A_2069 = arith.cmpi eq, %get3A_2063, %eq3A_2068 : vector<16xi32>
        %jit3A_2070 = arith.constant 1 : i32
        %jit3A_2071 = arith.constant 0 : i32
        %broadcast_in_dim3A_2072 = vector.broadcast %jit3A_2070 : i32 to vector<16xi32>
        %broadcast_in_dim3A_2073 = vector.broadcast %jit3A_2071 : i32 to vector<16xi32>
        %select_n3A_2074 = arith.select %eq3A_2069, %broadcast_in_dim3A_2072, %broadcast_in_dim3A_2073 : vector<16xi1>, vector<16xi32>
        %add3A_2075 = arith.addi %get3A_2066, %select_n3A_2074 : vector<16xi32>
        %swap3A_2076 = arith.constant 0 : index
        %swap3A_2077 = tpu.vector_load %arg8[%swap3A_2076] {strides = array<i32>} : memref<16xi32, #tpu.memory_space<vmem>>, vector<16xi32>,
        %swap3A_2078 = vector.shape_cast %swap3A_2077 : vector<16xi32> to vector<16xi32>
        %swap3A_2079 = vector.shape_cast %add3A_2075 : vector<16xi32> to vector<16xi32>
        tpu.vector_store %arg8[%swap3A_2076], %swap3A_2079 {strides = array<i32>} : memref<16xi32, #tpu.memory_space<vmem>>, vector<16xi32>,
        %min3A_2080 = arith.constant 786431 : i32
        %min3A_2081 = vector.broadcast %min3A_2080 : i32 to vector<16xi32>
        %min3A_2082 = arith.minsi %get3A_2063, %min3A_2081 : vector<16xi32>
        %swap3A_2083 = arith.constant 0 : i32
        %swap3A_2084 = arith.constant 0 : i32
        %swap3A_2085 = tpu.memref_slice %arg6[%scan3A_969, %swap3A_2083, %swap3A_2084] : memref<2x16x128xi32, #tpu.memory_space<vmem>> -> memref<1x16x128xi32, #tpu.memory_space<vmem>>
        %swap3A_2086 = tpu.memref_squeeze %swap3A_2085 : memref<1x16x128xi32, #tpu.memory_space<vmem>> -> memref<16x128xi32, #tpu.memory_space<vmem>>
        %swap3A_2087 = arith.index_cast %scan3A_1825 : i32 to index
        %swap3A_2088 = arith.constant 96 : index
        %swap3A_2089 = tpu.vector_load %swap3A_2086[%swap3A_2087, %swap3A_2088] {strides = array<i32>} : memref<16x128xi32, #tpu.memory_space<vmem>>, vector<1x16xi32>,
        %swap3A_2090 = vector.shape_cast %swap3A_2089 : vector<1x16xi32> to vector<16xi32>
        %swap3A_2091 = vector.shape_cast %min3A_2082 : vector<16xi32> to vector<1x16xi32>
        tpu.vector_store %swap3A_2086[%swap3A_2087, %swap3A_2088], %swap3A_2091 {strides = array<i32>} : memref<16x128xi32, #tpu.memory_space<vmem>>, vector<1x16xi32>,
        %mul3A_2092 = arith.constant 128 : i32
        %mul3A_2093 = arith.muli %scan3A_1825, %mul3A_2092 : i32
        %add3A_2094 = arith.constant 112 : i32
        %add3A_2095 = arith.addi %mul3A_2093, %add3A_2094 : i32
        %get3A_2096 = arith.constant 0 : i32
        %get3A_2097 = tpu.memref_slice %arg5[%scan3A_968, %get3A_2096] : memref<2x2048xi32, #tpu.memory_space<vmem>> -> memref<1x2048xi32, #tpu.memory_space<vmem>>
        %get3A_2098 = tpu.memref_squeeze %get3A_2097 : memref<1x2048xi32, #tpu.memory_space<vmem>> -> memref<2048xi32, #tpu.memory_space<vmem>>
        %get3A_2099 = arith.index_cast %add3A_2095 : i32 to index
        %get3A_2100 = tpu.vector_load %get3A_2098[%get3A_2099] {strides = array<i32>} : memref<2048xi32, #tpu.memory_space<vmem>>, vector<16xi32>,
        %get3A_2101 = vector.shape_cast %get3A_2100 : vector<16xi32> to vector<16xi32>
        %get3A_2102 = arith.constant 0 : index
        %get3A_2103 = tpu.vector_load %arg8[%get3A_2102] {strides = array<i32>} : memref<16xi32, #tpu.memory_space<vmem>>, vector<16xi32>,
        %get3A_2104 = vector.shape_cast %get3A_2103 : vector<16xi32> to vector<16xi32>
        %eq3A_2105 = arith.constant 786432 : i32
        %eq3A_2106 = vector.broadcast %eq3A_2105 : i32 to vector<16xi32>
        %eq3A_2107 = arith.cmpi eq, %get3A_2101, %eq3A_2106 : vector<16xi32>
        %jit3A_2108 = arith.constant 1 : i32
        %jit3A_2109 = arith.constant 0 : i32
        %broadcast_in_dim3A_2110 = vector.broadcast %jit3A_2108 : i32 to vector<16xi32>
        %broadcast_in_dim3A_2111 = vector.broadcast %jit3A_2109 : i32 to vector<16xi32>
        %select_n3A_2112 = arith.select %eq3A_2107, %broadcast_in_dim3A_2110, %broadcast_in_dim3A_2111 : vector<16xi1>, vector<16xi32>
        %add3A_2113 = arith.addi %get3A_2104, %select_n3A_2112 : vector<16xi32>
        %swap3A_2114 = arith.constant 0 : index
        %swap3A_2115 = tpu.vector_load %arg8[%swap3A_2114] {strides = array<i32>} : memref<16xi32, #tpu.memory_space<vmem>>, vector<16xi32>,
        %swap3A_2116 = vector.shape_cast %swap3A_2115 : vector<16xi32> to vector<16xi32>
        %swap3A_2117 = vector.shape_cast %add3A_2113 : vector<16xi32> to vector<16xi32>
        tpu.vector_store %arg8[%swap3A_2114], %swap3A_2117 {strides = array<i32>} : memref<16xi32, #tpu.memory_space<vmem>>, vector<16xi32>,
        %min3A_2118 = arith.constant 786431 : i32
        %min3A_2119 = vector.broadcast %min3A_2118 : i32 to vector<16xi32>
        %min3A_2120 = arith.minsi %get3A_2101, %min3A_2119 : vector<16xi32>
        %swap3A_2121 = arith.constant 0 : i32
        %swap3A_2122 = arith.constant 0 : i32
        %swap3A_2123 = tpu.memref_slice %arg6[%scan3A_969, %swap3A_2121, %swap3A_2122] : memref<2x16x128xi32, #tpu.memory_space<vmem>> -> memref<1x16x128xi32, #tpu.memory_space<vmem>>
        %swap3A_2124 = tpu.memref_squeeze %swap3A_2123 : memref<1x16x128xi32, #tpu.memory_space<vmem>> -> memref<16x128xi32, #tpu.memory_space<vmem>>
        %swap3A_2125 = arith.index_cast %scan3A_1825 : i32 to index
        %swap3A_2126 = arith.constant 112 : index
        %swap3A_2127 = tpu.vector_load %swap3A_2124[%swap3A_2125, %swap3A_2126] {strides = array<i32>} : memref<16x128xi32, #tpu.memory_space<vmem>>, vector<1x16xi32>,
        %swap3A_2128 = vector.shape_cast %swap3A_2127 : vector<1x16xi32> to vector<16xi32>
        %swap3A_2129 = vector.shape_cast %min3A_2120 : vector<16xi32> to vector<1x16xi32>
        tpu.vector_store %swap3A_2124[%swap3A_2125, %swap3A_2126], %swap3A_2129 {strides = array<i32>} : memref<16x128xi32, #tpu.memory_space<vmem>>, vector<1x16xi32>,
        %scan3A_2130 = arith.constant 0 : i32
        scf.yield %scan3A_2130 : i32
      }
      %scan3A_976 = arith.constant 16 : i32
      %get3A_977 = arith.constant 0 : index
      %get3A_978 = tpu.vector_load %arg8[%get3A_977] {strides = array<i32>} : memref<16xi32, #tpu.memory_space<vmem>>, vector<16xi32>,
      %get3A_979 = vector.shape_cast %get3A_978 : vector<16xi32> to vector<16xi32>
      %slice3A_980 = vector.extract_strided_slice %get3A_979 {offsets = [0], sizes = [1], strides = [1]} : vector<16xi32> to vector<1xi32>
      %squeeze3A_981 = vector.extract %slice3A_980[0] : i32 from vector<1xi32>
      %add3A_982 = arith.constant 0 : i32
      %add3A_983 = arith.addi %add3A_982, %squeeze3A_981 : i32
      %slice3A_984 = vector.extract_strided_slice %get3A_979 {offsets = [1], sizes = [1], strides = [1]} : vector<16xi32> to vector<1xi32>
      %squeeze3A_985 = vector.extract %slice3A_984[0] : i32 from vector<1xi32>
      %add3A_986 = arith.addi %add3A_983, %squeeze3A_985 : i32
      %slice3A_987 = vector.extract_strided_slice %get3A_979 {offsets = [2], sizes = [1], strides = [1]} : vector<16xi32> to vector<1xi32>
      %squeeze3A_988 = vector.extract %slice3A_987[0] : i32 from vector<1xi32>
      %add3A_989 = arith.addi %add3A_986, %squeeze3A_988 : i32
      %slice3A_990 = vector.extract_strided_slice %get3A_979 {offsets = [3], sizes = [1], strides = [1]} : vector<16xi32> to vector<1xi32>
      %squeeze3A_991 = vector.extract %slice3A_990[0] : i32 from vector<1xi32>
      %add3A_992 = arith.addi %add3A_989, %squeeze3A_991 : i32
      %slice3A_993 = vector.extract_strided_slice %get3A_979 {offsets = [4], sizes = [1], strides = [1]} : vector<16xi32> to vector<1xi32>
      %squeeze3A_994 = vector.extract %slice3A_993[0] : i32 from vector<1xi32>
      %add3A_995 = arith.addi %add3A_992, %squeeze3A_994 : i32
      %slice3A_996 = vector.extract_strided_slice %get3A_979 {offsets = [5], sizes = [1], strides = [1]} : vector<16xi32> to vector<1xi32>
      %squeeze3A_997 = vector.extract %slice3A_996[0] : i32 from vector<1xi32>
      %add3A_998 = arith.addi %add3A_995, %squeeze3A_997 : i32
      %slice3A_999 = vector.extract_strided_slice %get3A_979 {offsets = [6], sizes = [1], strides = [1]} : vector<16xi32> to vector<1xi32>
      %squeeze3A_1000 = vector.extract %slice3A_999[0] : i32 from vector<1xi32>
      %add3A_1001 = arith.addi %add3A_998, %squeeze3A_1000 : i32
      %slice3A_1002 = vector.extract_strided_slice %get3A_979 {offsets = [7], sizes = [1], strides = [1]} : vector<16xi32> to vector<1xi32>
      %squeeze3A_1003 = vector.extract %slice3A_1002[0] : i32 from vector<1xi32>
      %add3A_1004 = arith.addi %add3A_1001, %squeeze3A_1003 : i32
      %slice3A_1005 = vector.extract_strided_slice %get3A_979 {offsets = [8], sizes = [1], strides = [1]} : vector<16xi32> to vector<1xi32>
      %squeeze3A_1006 = vector.extract %slice3A_1005[0] : i32 from vector<1xi32>
      %add3A_1007 = arith.addi %add3A_1004, %squeeze3A_1006 : i32
      %slice3A_1008 = vector.extract_strided_slice %get3A_979 {offsets = [9], sizes = [1], strides = [1]} : vector<16xi32> to vector<1xi32>
      %squeeze3A_1009 = vector.extract %slice3A_1008[0] : i32 from vector<1xi32>
      %add3A_1010 = arith.addi %add3A_1007, %squeeze3A_1009 : i32
      %slice3A_1011 = vector.extract_strided_slice %get3A_979 {offsets = [10], sizes = [1], strides = [1]} : vector<16xi32> to vector<1xi32>
      %squeeze3A_1012 = vector.extract %slice3A_1011[0] : i32 from vector<1xi32>
      %add3A_1013 = arith.addi %add3A_1010, %squeeze3A_1012 : i32
      %slice3A_1014 = vector.extract_strided_slice %get3A_979 {offsets = [11], sizes = [1], strides = [1]} : vector<16xi32> to vector<1xi32>
      %squeeze3A_1015 = vector.extract %slice3A_1014[0] : i32 from vector<1xi32>
      %add3A_1016 = arith.addi %add3A_1013, %squeeze3A_1015 : i32
      %slice3A_1017 = vector.extract_strided_slice %get3A_979 {offsets = [12], sizes = [1], strides = [1]} : vector<16xi32> to vector<1xi32>
      %squeeze3A_1018 = vector.extract %slice3A_1017[0] : i32 from vector<1xi32>
      %add3A_1019 = arith.addi %add3A_1016, %squeeze3A_1018 : i32
      %slice3A_1020 = vector.extract_strided_slice %get3A_979 {offsets = [13], sizes = [1], strides = [1]} : vector<16xi32> to vector<1xi32>
      %squeeze3A_1021 = vector.extract %slice3A_1020[0] : i32 from vector<1xi32>
      %add3A_1022 = arith.addi %add3A_1019, %squeeze3A_1021 : i32
      %slice3A_1023 = vector.extract_strided_slice %get3A_979 {offsets = [14], sizes = [1], strides = [1]} : vector<16xi32> to vector<1xi32>
      %squeeze3A_1024 = vector.extract %slice3A_1023[0] : i32 from vector<1xi32>
      %add3A_1025 = arith.addi %add3A_1022, %squeeze3A_1024 : i32
      %slice3A_1026 = vector.extract_strided_slice %get3A_979 {offsets = [15], sizes = [1], strides = [1]} : vector<16xi32> to vector<1xi32>
      %squeeze3A_1027 = vector.extract %slice3A_1026[0] : i32 from vector<1xi32>
      %add3A_1028 = arith.addi %add3A_1025, %squeeze3A_1027 : i32
      %dma_start3A_1029 = arith.constant 1 : i32
      %dma_start3A_1030 = arith.constant 0 : i32
      %dma_start3A_1031 = arith.constant 1 : i32
      %dma_start3A_1032 = arith.constant 0 : i32
      %dma_start3A_1033 = arith.constant 0 : i32
      %dma_start3A_1034 = tpu.memref_slice %arg7[%dma_start3A_1031, %dma_start3A_1032, %dma_start3A_1033] : memref<2x2048x16xf32, #tpu.memory_space<vmem>> -> memref<1x2048x16xf32, #tpu.memory_space<vmem>>
      %dma_start3A_1035 = tpu.memref_squeeze %dma_start3A_1034 : memref<1x2048x16xf32, #tpu.memory_space<vmem>> -> memref<2048x16xf32, #tpu.memory_space<vmem>>
      %dma_start3A_1036 = arith.constant 0 : i32
      %dma_start3A_1037 = arith.constant 0 : i32
      %dma_start3A_1038 = tpu.memref_slice %dma_start3A_1035[%dma_start3A_1036, %dma_start3A_1037] : memref<2048x16xf32, #tpu.memory_space<vmem>> -> memref<128x16xf32, #tpu.memory_space<vmem>>
      %dma_start3A_1039 = arith.constant 0 : i32
      %dma_start3A_1040 = arith.constant 0 : i32
      %dma_start3A_1041 = tpu.memref_slice %arg6[%dma_start3A_1029, %dma_start3A_1039, %dma_start3A_1040] : memref<2x16x128xi32, #tpu.memory_space<vmem>> -> memref<1x16x128xi32, #tpu.memory_space<vmem>>
      %dma_start3A_1042 = tpu.memref_squeeze %dma_start3A_1041 : memref<1x16x128xi32, #tpu.memory_space<vmem>> -> memref<16x128xi32, #tpu.memory_space<vmem>>
      %dma_start3A_1043 = arith.constant 0 : i32
      %dma_start3A_1044 = tpu.memref_slice %dma_start3A_1042[%dma_start3A_1030, %dma_start3A_1043] : memref<16x128xi32, #tpu.memory_space<vmem>> -> memref<1x128xi32, #tpu.memory_space<vmem>>
      %dma_start3A_1045 = tpu.memref_squeeze %dma_start3A_1044 : memref<1x128xi32, #tpu.memory_space<vmem>> -> memref<128xi32, #tpu.memory_space<vmem>>
      %dma_start3A_1046 = arith.constant 0 : i32
      %dma_start3A_1047 = arith.constant 0 : i32
      %dma_start3A_1048 = tpu.memref_slice %arg2[%select_n3A, %dma_start3A_1046, %dma_start3A_1047] : memref<4x786432x16xf32, #tpu.memory_space<hbm>> -> memref<1x786432x16xf32, #tpu.memory_space<hbm>>
      %dma_start3A_1049 = tpu.memref_squeeze %dma_start3A_1048 : memref<1x786432x16xf32, #tpu.memory_space<hbm>> -> memref<786432x16xf32, #tpu.memory_space<hbm>>
      %dma_start3A_1050 = arith.constant 0 : i32
      %dma_start3A_1051 = arith.constant 0 : i32
      %dma_start3A_1052 = tpu.memref_slice %dma_start3A_1049[%dma_start3A_1050, %dma_start3A_1051] : memref<786432x16xf32, #tpu.memory_space<hbm>> -> memref<786432x16xf32, #tpu.memory_space<hbm>>
      tpu.enqueue_indirect_dma source(%dma_start3A_1052 : memref<786432x16xf32, #tpu.memory_space<hbm>>) target(%dma_start3A_1038 : memref<128x16xf32, #tpu.memory_space<vmem>>) offsets(%dma_start3A_1045 : memref<128xi32, #tpu.memory_space<vmem>>) semaphore(%arg9 : memref<!tpu.dma_semaphore, #tpu.memory_space<semaphore_mem>>)
      %dma_start3A_1053 = arith.constant 1 : i32
      %dma_start3A_1054 = arith.constant 1 : i32
      %dma_start3A_1055 = arith.constant 1 : i32
      %dma_start3A_1056 = arith.constant 0 : i32
      %dma_start3A_1057 = arith.constant 0 : i32
      %dma_start3A_1058 = tpu.memref_slice %arg7[%dma_start3A_1055, %dma_start3A_1056, %dma_start3A_1057] : memref<2x2048x16xf32, #tpu.memory_space<vmem>> -> memref<1x2048x16xf32, #tpu.memory_space<vmem>>
      %dma_start3A_1059 = tpu.memref_squeeze %dma_start3A_1058 : memref<1x2048x16xf32, #tpu.memory_space<vmem>> -> memref<2048x16xf32, #tpu.memory_space<vmem>>
      %dma_start3A_1060 = arith.constant 128 : i32
      %dma_start3A_1061 = arith.constant 0 : i32
      %dma_start3A_1062 = tpu.memref_slice %dma_start3A_1059[%dma_start3A_1060, %dma_start3A_1061] : memref<2048x16xf32, #tpu.memory_space<vmem>> -> memref<128x16xf32, #tpu.memory_space<vmem>>
      %dma_start3A_1063 = arith.constant 0 : i32
      %dma_start3A_1064 = arith.constant 0 : i32
      %dma_start3A_1065 = tpu.memref_slice %arg6[%dma_start3A_1053, %dma_start3A_1063, %dma_start3A_1064] : memref<2x16x128xi32, #tpu.memory_space<vmem>> -> memref<1x16x128xi32, #tpu.memory_space<vmem>>
      %dma_start3A_1066 = tpu.memref_squeeze %dma_start3A_1065 : memref<1x16x128xi32, #tpu.memory_space<vmem>> -> memref<16x128xi32, #tpu.memory_space<vmem>>
      %dma_start3A_1067 = arith.constant 0 : i32
      %dma_start3A_1068 = tpu.memref_slice %dma_start3A_1066[%dma_start3A_1054, %dma_start3A_1067] : memref<16x128xi32, #tpu.memory_space<vmem>> -> memref<1x128xi32, #tpu.memory_space<vmem>>
      %dma_start3A_1069 = tpu.memref_squeeze %dma_start3A_1068 : memref<1x128xi32, #tpu.memory_space<vmem>> -> memref<128xi32, #tpu.memory_space<vmem>>
      %dma_start3A_1070 = arith.constant 0 : i32
      %dma_start3A_1071 = arith.constant 0 : i32
      %dma_start3A_1072 = tpu.memref_slice %arg2[%select_n3A, %dma_start3A_1070, %dma_start3A_1071] : memref<4x786432x16xf32, #tpu.memory_space<hbm>> -> memref<1x786432x16xf32, #tpu.memory_space<hbm>>
      %dma_start3A_1073 = tpu.memref_squeeze %dma_start3A_1072 : memref<1x786432x16xf32, #tpu.memory_space<hbm>> -> memref<786432x16xf32, #tpu.memory_space<hbm>>
      %dma_start3A_1074 = arith.constant 0 : i32
      %dma_start3A_1075 = arith.constant 0 : i32
      %dma_start3A_1076 = tpu.memref_slice %dma_start3A_1073[%dma_start3A_1074, %dma_start3A_1075] : memref<786432x16xf32, #tpu.memory_space<hbm>> -> memref<786432x16xf32, #tpu.memory_space<hbm>>
      tpu.enqueue_indirect_dma source(%dma_start3A_1076 : memref<786432x16xf32, #tpu.memory_space<hbm>>) target(%dma_start3A_1062 : memref<128x16xf32, #tpu.memory_space<vmem>>) offsets(%dma_start3A_1069 : memref<128xi32, #tpu.memory_space<vmem>>) semaphore(%arg9 : memref<!tpu.dma_semaphore, #tpu.memory_space<semaphore_mem>>)
      %dma_start3A_1077 = arith.constant 1 : i32
      %dma_start3A_1078 = arith.constant 2 : i32
      %dma_start3A_1079 = arith.constant 1 : i32
      %dma_start3A_1080 = arith.constant 0 : i32
      %dma_start3A_1081 = arith.constant 0 : i32
      %dma_start3A_1082 = tpu.memref_slice %arg7[%dma_start3A_1079, %dma_start3A_1080, %dma_start3A_1081] : memref<2x2048x16xf32, #tpu.memory_space<vmem>> -> memref<1x2048x16xf32, #tpu.memory_space<vmem>>
      %dma_start3A_1083 = tpu.memref_squeeze %dma_start3A_1082 : memref<1x2048x16xf32, #tpu.memory_space<vmem>> -> memref<2048x16xf32, #tpu.memory_space<vmem>>
      %dma_start3A_1084 = arith.constant 256 : i32
      %dma_start3A_1085 = arith.constant 0 : i32
      %dma_start3A_1086 = tpu.memref_slice %dma_start3A_1083[%dma_start3A_1084, %dma_start3A_1085] : memref<2048x16xf32, #tpu.memory_space<vmem>> -> memref<128x16xf32, #tpu.memory_space<vmem>>
      %dma_start3A_1087 = arith.constant 0 : i32
      %dma_start3A_1088 = arith.constant 0 : i32
      %dma_start3A_1089 = tpu.memref_slice %arg6[%dma_start3A_1077, %dma_start3A_1087, %dma_start3A_1088] : memref<2x16x128xi32, #tpu.memory_space<vmem>> -> memref<1x16x128xi32, #tpu.memory_space<vmem>>
      %dma_start3A_1090 = tpu.memref_squeeze %dma_start3A_1089 : memref<1x16x128xi32, #tpu.memory_space<vmem>> -> memref<16x128xi32, #tpu.memory_space<vmem>>
      %dma_start3A_1091 = arith.constant 0 : i32
      %dma_start3A_1092 = tpu.memref_slice %dma_start3A_1090[%dma_start3A_1078, %dma_start3A_1091] : memref<16x128xi32, #tpu.memory_space<vmem>> -> memref<1x128xi32, #tpu.memory_space<vmem>>
      %dma_start3A_1093 = tpu.memref_squeeze %dma_start3A_1092 : memref<1x128xi32, #tpu.memory_space<vmem>> -> memref<128xi32, #tpu.memory_space<vmem>>
      %dma_start3A_1094 = arith.constant 0 : i32
      %dma_start3A_1095 = arith.constant 0 : i32
      %dma_start3A_1096 = tpu.memref_slice %arg2[%select_n3A, %dma_start3A_1094, %dma_start3A_1095] : memref<4x786432x16xf32, #tpu.memory_space<hbm>> -> memref<1x786432x16xf32, #tpu.memory_space<hbm>>
      %dma_start3A_1097 = tpu.memref_squeeze %dma_start3A_1096 : memref<1x786432x16xf32, #tpu.memory_space<hbm>> -> memref<786432x16xf32, #tpu.memory_space<hbm>>
      %dma_start3A_1098 = arith.constant 0 : i32
      %dma_start3A_1099 = arith.constant 0 : i32
      %dma_start3A_1100 = tpu.memref_slice %dma_start3A_1097[%dma_start3A_1098, %dma_start3A_1099] : memref<786432x16xf32, #tpu.memory_space<hbm>> -> memref<786432x16xf32, #tpu.memory_space<hbm>>
      tpu.enqueue_indirect_dma source(%dma_start3A_1100 : memref<786432x16xf32, #tpu.memory_space<hbm>>) target(%dma_start3A_1086 : memref<128x16xf32, #tpu.memory_space<vmem>>) offsets(%dma_start3A_1093 : memref<128xi32, #tpu.memory_space<vmem>>) semaphore(%arg9 : memref<!tpu.dma_semaphore, #tpu.memory_space<semaphore_mem>>)
      %dma_start3A_1101 = arith.constant 1 : i32
      %dma_start3A_1102 = arith.constant 3 : i32
      %dma_start3A_1103 = arith.constant 1 : i32
      %dma_start3A_1104 = arith.constant 0 : i32
      %dma_start3A_1105 = arith.constant 0 : i32
      %dma_start3A_1106 = tpu.memref_slice %arg7[%dma_start3A_1103, %dma_start3A_1104, %dma_start3A_1105] : memref<2x2048x16xf32, #tpu.memory_space<vmem>> -> memref<1x2048x16xf32, #tpu.memory_space<vmem>>
      %dma_start3A_1107 = tpu.memref_squeeze %dma_start3A_1106 : memref<1x2048x16xf32, #tpu.memory_space<vmem>> -> memref<2048x16xf32, #tpu.memory_space<vmem>>
      %dma_start3A_1108 = arith.constant 384 : i32
      %dma_start3A_1109 = arith.constant 0 : i32
      %dma_start3A_1110 = tpu.memref_slice %dma_start3A_1107[%dma_start3A_1108, %dma_start3A_1109] : memref<2048x16xf32, #tpu.memory_space<vmem>> -> memref<128x16xf32, #tpu.memory_space<vmem>>
      %dma_start3A_1111 = arith.constant 0 : i32
      %dma_start3A_1112 = arith.constant 0 : i32
      %dma_start3A_1113 = tpu.memref_slice %arg6[%dma_start3A_1101, %dma_start3A_1111, %dma_start3A_1112] : memref<2x16x128xi32, #tpu.memory_space<vmem>> -> memref<1x16x128xi32, #tpu.memory_space<vmem>>
      %dma_start3A_1114 = tpu.memref_squeeze %dma_start3A_1113 : memref<1x16x128xi32, #tpu.memory_space<vmem>> -> memref<16x128xi32, #tpu.memory_space<vmem>>
      %dma_start3A_1115 = arith.constant 0 : i32
      %dma_start3A_1116 = tpu.memref_slice %dma_start3A_1114[%dma_start3A_1102, %dma_start3A_1115] : memref<16x128xi32, #tpu.memory_space<vmem>> -> memref<1x128xi32, #tpu.memory_space<vmem>>
      %dma_start3A_1117 = tpu.memref_squeeze %dma_start3A_1116 : memref<1x128xi32, #tpu.memory_space<vmem>> -> memref<128xi32, #tpu.memory_space<vmem>>
      %dma_start3A_1118 = arith.constant 0 : i32
      %dma_start3A_1119 = arith.constant 0 : i32
      %dma_start3A_1120 = tpu.memref_slice %arg2[%select_n3A, %dma_start3A_1118, %dma_start3A_1119] : memref<4x786432x16xf32, #tpu.memory_space<hbm>> -> memref<1x786432x16xf32, #tpu.memory_space<hbm>>
      %dma_start3A_1121 = tpu.memref_squeeze %dma_start3A_1120 : memref<1x786432x16xf32, #tpu.memory_space<hbm>> -> memref<786432x16xf32, #tpu.memory_space<hbm>>
      %dma_start3A_1122 = arith.constant 0 : i32
      %dma_start3A_1123 = arith.constant 0 : i32
      %dma_start3A_1124 = tpu.memref_slice %dma_start3A_1121[%dma_start3A_1122, %dma_start3A_1123] : memref<786432x16xf32, #tpu.memory_space<hbm>> -> memref<786432x16xf32, #tpu.memory_space<hbm>>
      tpu.enqueue_indirect_dma source(%dma_start3A_1124 : memref<786432x16xf32, #tpu.memory_space<hbm>>) target(%dma_start3A_1110 : memref<128x16xf32, #tpu.memory_space<vmem>>) offsets(%dma_start3A_1117 : memref<128xi32, #tpu.memory_space<vmem>>) semaphore(%arg9 : memref<!tpu.dma_semaphore, #tpu.memory_space<semaphore_mem>>)
      %dma_start3A_1125 = arith.constant 1 : i32
      %dma_start3A_1126 = arith.constant 4 : i32
      %dma_start3A_1127 = arith.constant 1 : i32
      %dma_start3A_1128 = arith.constant 0 : i32
      %dma_start3A_1129 = arith.constant 0 : i32
      %dma_start3A_1130 = tpu.memref_slice %arg7[%dma_start3A_1127, %dma_start3A_1128, %dma_start3A_1129] : memref<2x2048x16xf32, #tpu.memory_space<vmem>> -> memref<1x2048x16xf32, #tpu.memory_space<vmem>>
      %dma_start3A_1131 = tpu.memref_squeeze %dma_start3A_1130 : memref<1x2048x16xf32, #tpu.memory_space<vmem>> -> memref<2048x16xf32, #tpu.memory_space<vmem>>
      %dma_start3A_1132 = arith.constant 512 : i32
      %dma_start3A_1133 = arith.constant 0 : i32
      %dma_start3A_1134 = tpu.memref_slice %dma_start3A_1131[%dma_start3A_1132, %dma_start3A_1133] : memref<2048x16xf32, #tpu.memory_space<vmem>> -> memref<128x16xf32, #tpu.memory_space<vmem>>
      %dma_start3A_1135 = arith.constant 0 : i32
      %dma_start3A_1136 = arith.constant 0 : i32
      %dma_start3A_1137 = tpu.memref_slice %arg6[%dma_start3A_1125, %dma_start3A_1135, %dma_start3A_1136] : memref<2x16x128xi32, #tpu.memory_space<vmem>> -> memref<1x16x128xi32, #tpu.memory_space<vmem>>
      %dma_start3A_1138 = tpu.memref_squeeze %dma_start3A_1137 : memref<1x16x128xi32, #tpu.memory_space<vmem>> -> memref<16x128xi32, #tpu.memory_space<vmem>>
      %dma_start3A_1139 = arith.constant 0 : i32
      %dma_start3A_1140 = tpu.memref_slice %dma_start3A_1138[%dma_start3A_1126, %dma_start3A_1139] : memref<16x128xi32, #tpu.memory_space<vmem>> -> memref<1x128xi32, #tpu.memory_space<vmem>>
      %dma_start3A_1141 = tpu.memref_squeeze %dma_start3A_1140 : memref<1x128xi32, #tpu.memory_space<vmem>> -> memref<128xi32, #tpu.memory_space<vmem>>
      %dma_start3A_1142 = arith.constant 0 : i32
      %dma_start3A_1143 = arith.constant 0 : i32
      %dma_start3A_1144 = tpu.memref_slice %arg2[%select_n3A, %dma_start3A_1142, %dma_start3A_1143] : memref<4x786432x16xf32, #tpu.memory_space<hbm>> -> memref<1x786432x16xf32, #tpu.memory_space<hbm>>
      %dma_start3A_1145 = tpu.memref_squeeze %dma_start3A_1144 : memref<1x786432x16xf32, #tpu.memory_space<hbm>> -> memref<786432x16xf32, #tpu.memory_space<hbm>>
      %dma_start3A_1146 = arith.constant 0 : i32
      %dma_start3A_1147 = arith.constant 0 : i32
      %dma_start3A_1148 = tpu.memref_slice %dma_start3A_1145[%dma_start3A_1146, %dma_start3A_1147] : memref<786432x16xf32, #tpu.memory_space<hbm>> -> memref<786432x16xf32, #tpu.memory_space<hbm>>
      tpu.enqueue_indirect_dma source(%dma_start3A_1148 : memref<786432x16xf32, #tpu.memory_space<hbm>>) target(%dma_start3A_1134 : memref<128x16xf32, #tpu.memory_space<vmem>>) offsets(%dma_start3A_1141 : memref<128xi32, #tpu.memory_space<vmem>>) semaphore(%arg9 : memref<!tpu.dma_semaphore, #tpu.memory_space<semaphore_mem>>)
      %dma_start3A_1149 = arith.constant 1 : i32
      %dma_start3A_1150 = arith.constant 5 : i32
      %dma_start3A_1151 = arith.constant 1 : i32
      %dma_start3A_1152 = arith.constant 0 : i32
      %dma_start3A_1153 = arith.constant 0 : i32
      %dma_start3A_1154 = tpu.memref_slice %arg7[%dma_start3A_1151, %dma_start3A_1152, %dma_start3A_1153] : memref<2x2048x16xf32, #tpu.memory_space<vmem>> -> memref<1x2048x16xf32, #tpu.memory_space<vmem>>
      %dma_start3A_1155 = tpu.memref_squeeze %dma_start3A_1154 : memref<1x2048x16xf32, #tpu.memory_space<vmem>> -> memref<2048x16xf32, #tpu.memory_space<vmem>>
      %dma_start3A_1156 = arith.constant 640 : i32
      %dma_start3A_1157 = arith.constant 0 : i32
      %dma_start3A_1158 = tpu.memref_slice %dma_start3A_1155[%dma_start3A_1156, %dma_start3A_1157] : memref<2048x16xf32, #tpu.memory_space<vmem>> -> memref<128x16xf32, #tpu.memory_space<vmem>>
      %dma_start3A_1159 = arith.constant 0 : i32
      %dma_start3A_1160 = arith.constant 0 : i32
      %dma_start3A_1161 = tpu.memref_slice %arg6[%dma_start3A_1149, %dma_start3A_1159, %dma_start3A_1160] : memref<2x16x128xi32, #tpu.memory_space<vmem>> -> memref<1x16x128xi32, #tpu.memory_space<vmem>>
      %dma_start3A_1162 = tpu.memref_squeeze %dma_start3A_1161 : memref<1x16x128xi32, #tpu.memory_space<vmem>> -> memref<16x128xi32, #tpu.memory_space<vmem>>
      %dma_start3A_1163 = arith.constant 0 : i32
      %dma_start3A_1164 = tpu.memref_slice %dma_start3A_1162[%dma_start3A_1150, %dma_start3A_1163] : memref<16x128xi32, #tpu.memory_space<vmem>> -> memref<1x128xi32, #tpu.memory_space<vmem>>
      %dma_start3A_1165 = tpu.memref_squeeze %dma_start3A_1164 : memref<1x128xi32, #tpu.memory_space<vmem>> -> memref<128xi32, #tpu.memory_space<vmem>>
      %dma_start3A_1166 = arith.constant 0 : i32
      %dma_start3A_1167 = arith.constant 0 : i32
      %dma_start3A_1168 = tpu.memref_slice %arg2[%select_n3A, %dma_start3A_1166, %dma_start3A_1167] : memref<4x786432x16xf32, #tpu.memory_space<hbm>> -> memref<1x786432x16xf32, #tpu.memory_space<hbm>>
      %dma_start3A_1169 = tpu.memref_squeeze %dma_start3A_1168 : memref<1x786432x16xf32, #tpu.memory_space<hbm>> -> memref<786432x16xf32, #tpu.memory_space<hbm>>
      %dma_start3A_1170 = arith.constant 0 : i32
      %dma_start3A_1171 = arith.constant 0 : i32
      %dma_start3A_1172 = tpu.memref_slice %dma_start3A_1169[%dma_start3A_1170, %dma_start3A_1171] : memref<786432x16xf32, #tpu.memory_space<hbm>> -> memref<786432x16xf32, #tpu.memory_space<hbm>>
      tpu.enqueue_indirect_dma source(%dma_start3A_1172 : memref<786432x16xf32, #tpu.memory_space<hbm>>) target(%dma_start3A_1158 : memref<128x16xf32, #tpu.memory_space<vmem>>) offsets(%dma_start3A_1165 : memref<128xi32, #tpu.memory_space<vmem>>) semaphore(%arg9 : memref<!tpu.dma_semaphore, #tpu.memory_space<semaphore_mem>>)
      %dma_start3A_1173 = arith.constant 1 : i32
      %dma_start3A_1174 = arith.constant 6 : i32
      %dma_start3A_1175 = arith.constant 1 : i32
      %dma_start3A_1176 = arith.constant 0 : i32
      %dma_start3A_1177 = arith.constant 0 : i32
      %dma_start3A_1178 = tpu.memref_slice %arg7[%dma_start3A_1175, %dma_start3A_1176, %dma_start3A_1177] : memref<2x2048x16xf32, #tpu.memory_space<vmem>> -> memref<1x2048x16xf32, #tpu.memory_space<vmem>>
      %dma_start3A_1179 = tpu.memref_squeeze %dma_start3A_1178 : memref<1x2048x16xf32, #tpu.memory_space<vmem>> -> memref<2048x16xf32, #tpu.memory_space<vmem>>
      %dma_start3A_1180 = arith.constant 768 : i32
      %dma_start3A_1181 = arith.constant 0 : i32
      %dma_start3A_1182 = tpu.memref_slice %dma_start3A_1179[%dma_start3A_1180, %dma_start3A_1181] : memref<2048x16xf32, #tpu.memory_space<vmem>> -> memref<128x16xf32, #tpu.memory_space<vmem>>
      %dma_start3A_1183 = arith.constant 0 : i32
      %dma_start3A_1184 = arith.constant 0 : i32
      %dma_start3A_1185 = tpu.memref_slice %arg6[%dma_start3A_1173, %dma_start3A_1183, %dma_start3A_1184] : memref<2x16x128xi32, #tpu.memory_space<vmem>> -> memref<1x16x128xi32, #tpu.memory_space<vmem>>
      %dma_start3A_1186 = tpu.memref_squeeze %dma_start3A_1185 : memref<1x16x128xi32, #tpu.memory_space<vmem>> -> memref<16x128xi32, #tpu.memory_space<vmem>>
      %dma_start3A_1187 = arith.constant 0 : i32
      %dma_start3A_1188 = tpu.memref_slice %dma_start3A_1186[%dma_start3A_1174, %dma_start3A_1187] : memref<16x128xi32, #tpu.memory_space<vmem>> -> memref<1x128xi32, #tpu.memory_space<vmem>>
      %dma_start3A_1189 = tpu.memref_squeeze %dma_start3A_1188 : memref<1x128xi32, #tpu.memory_space<vmem>> -> memref<128xi32, #tpu.memory_space<vmem>>
      %dma_start3A_1190 = arith.constant 0 : i32
      %dma_start3A_1191 = arith.constant 0 : i32
      %dma_start3A_1192 = tpu.memref_slice %arg2[%select_n3A, %dma_start3A_1190, %dma_start3A_1191] : memref<4x786432x16xf32, #tpu.memory_space<hbm>> -> memref<1x786432x16xf32, #tpu.memory_space<hbm>>
      %dma_start3A_1193 = tpu.memref_squeeze %dma_start3A_1192 : memref<1x786432x16xf32, #tpu.memory_space<hbm>> -> memref<786432x16xf32, #tpu.memory_space<hbm>>
      %dma_start3A_1194 = arith.constant 0 : i32
      %dma_start3A_1195 = arith.constant 0 : i32
      %dma_start3A_1196 = tpu.memref_slice %dma_start3A_1193[%dma_start3A_1194, %dma_start3A_1195] : memref<786432x16xf32, #tpu.memory_space<hbm>> -> memref<786432x16xf32, #tpu.memory_space<hbm>>
      tpu.enqueue_indirect_dma source(%dma_start3A_1196 : memref<786432x16xf32, #tpu.memory_space<hbm>>) target(%dma_start3A_1182 : memref<128x16xf32, #tpu.memory_space<vmem>>) offsets(%dma_start3A_1189 : memref<128xi32, #tpu.memory_space<vmem>>) semaphore(%arg9 : memref<!tpu.dma_semaphore, #tpu.memory_space<semaphore_mem>>)
      %dma_start3A_1197 = arith.constant 1 : i32
      %dma_start3A_1198 = arith.constant 7 : i32
      %dma_start3A_1199 = arith.constant 1 : i32
      %dma_start3A_1200 = arith.constant 0 : i32
      %dma_start3A_1201 = arith.constant 0 : i32
      %dma_start3A_1202 = tpu.memref_slice %arg7[%dma_start3A_1199, %dma_start3A_1200, %dma_start3A_1201] : memref<2x2048x16xf32, #tpu.memory_space<vmem>> -> memref<1x2048x16xf32, #tpu.memory_space<vmem>>
      %dma_start3A_1203 = tpu.memref_squeeze %dma_start3A_1202 : memref<1x2048x16xf32, #tpu.memory_space<vmem>> -> memref<2048x16xf32, #tpu.memory_space<vmem>>
      %dma_start3A_1204 = arith.constant 896 : i32
      %dma_start3A_1205 = arith.constant 0 : i32
      %dma_start3A_1206 = tpu.memref_slice %dma_start3A_1203[%dma_start3A_1204, %dma_start3A_1205] : memref<2048x16xf32, #tpu.memory_space<vmem>> -> memref<128x16xf32, #tpu.memory_space<vmem>>
      %dma_start3A_1207 = arith.constant 0 : i32
      %dma_start3A_1208 = arith.constant 0 : i32
      %dma_start3A_1209 = tpu.memref_slice %arg6[%dma_start3A_1197, %dma_start3A_1207, %dma_start3A_1208] : memref<2x16x128xi32, #tpu.memory_space<vmem>> -> memref<1x16x128xi32, #tpu.memory_space<vmem>>
      %dma_start3A_1210 = tpu.memref_squeeze %dma_start3A_1209 : memref<1x16x128xi32, #tpu.memory_space<vmem>> -> memref<16x128xi32, #tpu.memory_space<vmem>>
      %dma_start3A_1211 = arith.constant 0 : i32
      %dma_start3A_1212 = tpu.memref_slice %dma_start3A_1210[%dma_start3A_1198, %dma_start3A_1211] : memref<16x128xi32, #tpu.memory_space<vmem>> -> memref<1x128xi32, #tpu.memory_space<vmem>>
      %dma_start3A_1213 = tpu.memref_squeeze %dma_start3A_1212 : memref<1x128xi32, #tpu.memory_space<vmem>> -> memref<128xi32, #tpu.memory_space<vmem>>
      %dma_start3A_1214 = arith.constant 0 : i32
      %dma_start3A_1215 = arith.constant 0 : i32
      %dma_start3A_1216 = tpu.memref_slice %arg2[%select_n3A, %dma_start3A_1214, %dma_start3A_1215] : memref<4x786432x16xf32, #tpu.memory_space<hbm>> -> memref<1x786432x16xf32, #tpu.memory_space<hbm>>
      %dma_start3A_1217 = tpu.memref_squeeze %dma_start3A_1216 : memref<1x786432x16xf32, #tpu.memory_space<hbm>> -> memref<786432x16xf32, #tpu.memory_space<hbm>>
      %dma_start3A_1218 = arith.constant 0 : i32
      %dma_start3A_1219 = arith.constant 0 : i32
      %dma_start3A_1220 = tpu.memref_slice %dma_start3A_1217[%dma_start3A_1218, %dma_start3A_1219] : memref<786432x16xf32, #tpu.memory_space<hbm>> -> memref<786432x16xf32, #tpu.memory_space<hbm>>
      tpu.enqueue_indirect_dma source(%dma_start3A_1220 : memref<786432x16xf32, #tpu.memory_space<hbm>>) target(%dma_start3A_1206 : memref<128x16xf32, #tpu.memory_space<vmem>>) offsets(%dma_start3A_1213 : memref<128xi32, #tpu.memory_space<vmem>>) semaphore(%arg9 : memref<!tpu.dma_semaphore, #tpu.memory_space<semaphore_mem>>)
      %dma_start3A_1221 = arith.constant 1 : i32
      %dma_start3A_1222 = arith.constant 8 : i32
      %dma_start3A_1223 = arith.constant 1 : i32
      %dma_start3A_1224 = arith.constant 0 : i32
      %dma_start3A_1225 = arith.constant 0 : i32
      %dma_start3A_1226 = tpu.memref_slice %arg7[%dma_start3A_1223, %dma_start3A_1224, %dma_start3A_1225] : memref<2x2048x16xf32, #tpu.memory_space<vmem>> -> memref<1x2048x16xf32, #tpu.memory_space<vmem>>
      %dma_start3A_1227 = tpu.memref_squeeze %dma_start3A_1226 : memref<1x2048x16xf32, #tpu.memory_space<vmem>> -> memref<2048x16xf32, #tpu.memory_space<vmem>>
      %dma_start3A_1228 = arith.constant 1024 : i32
      %dma_start3A_1229 = arith.constant 0 : i32
      %dma_start3A_1230 = tpu.memref_slice %dma_start3A_1227[%dma_start3A_1228, %dma_start3A_1229] : memref<2048x16xf32, #tpu.memory_space<vmem>> -> memref<128x16xf32, #tpu.memory_space<vmem>>
      %dma_start3A_1231 = arith.constant 0 : i32
      %dma_start3A_1232 = arith.constant 0 : i32
      %dma_start3A_1233 = tpu.memref_slice %arg6[%dma_start3A_1221, %dma_start3A_1231, %dma_start3A_1232] : memref<2x16x128xi32, #tpu.memory_space<vmem>> -> memref<1x16x128xi32, #tpu.memory_space<vmem>>
      %dma_start3A_1234 = tpu.memref_squeeze %dma_start3A_1233 : memref<1x16x128xi32, #tpu.memory_space<vmem>> -> memref<16x128xi32, #tpu.memory_space<vmem>>
      %dma_start3A_1235 = arith.constant 0 : i32
      %dma_start3A_1236 = tpu.memref_slice %dma_start3A_1234[%dma_start3A_1222, %dma_start3A_1235] : memref<16x128xi32, #tpu.memory_space<vmem>> -> memref<1x128xi32, #tpu.memory_space<vmem>>
      %dma_start3A_1237 = tpu.memref_squeeze %dma_start3A_1236 : memref<1x128xi32, #tpu.memory_space<vmem>> -> memref<128xi32, #tpu.memory_space<vmem>>
      %dma_start3A_1238 = arith.constant 0 : i32
      %dma_start3A_1239 = arith.constant 0 : i32
      %dma_start3A_1240 = tpu.memref_slice %arg2[%select_n3A, %dma_start3A_1238, %dma_start3A_1239] : memref<4x786432x16xf32, #tpu.memory_space<hbm>> -> memref<1x786432x16xf32, #tpu.memory_space<hbm>>
      %dma_start3A_1241 = tpu.memref_squeeze %dma_start3A_1240 : memref<1x786432x16xf32, #tpu.memory_space<hbm>> -> memref<786432x16xf32, #tpu.memory_space<hbm>>
      %dma_start3A_1242 = arith.constant 0 : i32
      %dma_start3A_1243 = arith.constant 0 : i32
      %dma_start3A_1244 = tpu.memref_slice %dma_start3A_1241[%dma_start3A_1242, %dma_start3A_1243] : memref<786432x16xf32, #tpu.memory_space<hbm>> -> memref<786432x16xf32, #tpu.memory_space<hbm>>
      tpu.enqueue_indirect_dma source(%dma_start3A_1244 : memref<786432x16xf32, #tpu.memory_space<hbm>>) target(%dma_start3A_1230 : memref<128x16xf32, #tpu.memory_space<vmem>>) offsets(%dma_start3A_1237 : memref<128xi32, #tpu.memory_space<vmem>>) semaphore(%arg9 : memref<!tpu.dma_semaphore, #tpu.memory_space<semaphore_mem>>)
      %dma_start3A_1245 = arith.constant 1 : i32
      %dma_start3A_1246 = arith.constant 9 : i32
      %dma_start3A_1247 = arith.constant 1 : i32
      %dma_start3A_1248 = arith.constant 0 : i32
      %dma_start3A_1249 = arith.constant 0 : i32
      %dma_start3A_1250 = tpu.memref_slice %arg7[%dma_start3A_1247, %dma_start3A_1248, %dma_start3A_1249] : memref<2x2048x16xf32, #tpu.memory_space<vmem>> -> memref<1x2048x16xf32, #tpu.memory_space<vmem>>
      %dma_start3A_1251 = tpu.memref_squeeze %dma_start3A_1250 : memref<1x2048x16xf32, #tpu.memory_space<vmem>> -> memref<2048x16xf32, #tpu.memory_space<vmem>>
      %dma_start3A_1252 = arith.constant 1152 : i32
      %dma_start3A_1253 = arith.constant 0 : i32
      %dma_start3A_1254 = tpu.memref_slice %dma_start3A_1251[%dma_start3A_1252, %dma_start3A_1253] : memref<2048x16xf32, #tpu.memory_space<vmem>> -> memref<128x16xf32, #tpu.memory_space<vmem>>
      %dma_start3A_1255 = arith.constant 0 : i32
      %dma_start3A_1256 = arith.constant 0 : i32
      %dma_start3A_1257 = tpu.memref_slice %arg6[%dma_start3A_1245, %dma_start3A_1255, %dma_start3A_1256] : memref<2x16x128xi32, #tpu.memory_space<vmem>> -> memref<1x16x128xi32, #tpu.memory_space<vmem>>
      %dma_start3A_1258 = tpu.memref_squeeze %dma_start3A_1257 : memref<1x16x128xi32, #tpu.memory_space<vmem>> -> memref<16x128xi32, #tpu.memory_space<vmem>>
      %dma_start3A_1259 = arith.constant 0 : i32
      %dma_start3A_1260 = tpu.memref_slice %dma_start3A_1258[%dma_start3A_1246, %dma_start3A_1259] : memref<16x128xi32, #tpu.memory_space<vmem>> -> memref<1x128xi32, #tpu.memory_space<vmem>>
      %dma_start3A_1261 = tpu.memref_squeeze %dma_start3A_1260 : memref<1x128xi32, #tpu.memory_space<vmem>> -> memref<128xi32, #tpu.memory_space<vmem>>
      %dma_start3A_1262 = arith.constant 0 : i32
      %dma_start3A_1263 = arith.constant 0 : i32
      %dma_start3A_1264 = tpu.memref_slice %arg2[%select_n3A, %dma_start3A_1262, %dma_start3A_1263] : memref<4x786432x16xf32, #tpu.memory_space<hbm>> -> memref<1x786432x16xf32, #tpu.memory_space<hbm>>
      %dma_start3A_1265 = tpu.memref_squeeze %dma_start3A_1264 : memref<1x786432x16xf32, #tpu.memory_space<hbm>> -> memref<786432x16xf32, #tpu.memory_space<hbm>>
      %dma_start3A_1266 = arith.constant 0 : i32
      %dma_start3A_1267 = arith.constant 0 : i32
      %dma_start3A_1268 = tpu.memref_slice %dma_start3A_1265[%dma_start3A_1266, %dma_start3A_1267] : memref<786432x16xf32, #tpu.memory_space<hbm>> -> memref<786432x16xf32, #tpu.memory_space<hbm>>
      tpu.enqueue_indirect_dma source(%dma_start3A_1268 : memref<786432x16xf32, #tpu.memory_space<hbm>>) target(%dma_start3A_1254 : memref<128x16xf32, #tpu.memory_space<vmem>>) offsets(%dma_start3A_1261 : memref<128xi32, #tpu.memory_space<vmem>>) semaphore(%arg9 : memref<!tpu.dma_semaphore, #tpu.memory_space<semaphore_mem>>)
      %dma_start3A_1269 = arith.constant 1 : i32
      %dma_start3A_1270 = arith.constant 10 : i32
      %dma_start3A_1271 = arith.constant 1 : i32
      %dma_start3A_1272 = arith.constant 0 : i32
      %dma_start3A_1273 = arith.constant 0 : i32
      %dma_start3A_1274 = tpu.memref_slice %arg7[%dma_start3A_1271, %dma_start3A_1272, %dma_start3A_1273] : memref<2x2048x16xf32, #tpu.memory_space<vmem>> -> memref<1x2048x16xf32, #tpu.memory_space<vmem>>
      %dma_start3A_1275 = tpu.memref_squeeze %dma_start3A_1274 : memref<1x2048x16xf32, #tpu.memory_space<vmem>> -> memref<2048x16xf32, #tpu.memory_space<vmem>>
      %dma_start3A_1276 = arith.constant 1280 : i32
      %dma_start3A_1277 = arith.constant 0 : i32
      %dma_start3A_1278 = tpu.memref_slice %dma_start3A_1275[%dma_start3A_1276, %dma_start3A_1277] : memref<2048x16xf32, #tpu.memory_space<vmem>> -> memref<128x16xf32, #tpu.memory_space<vmem>>
      %dma_start3A_1279 = arith.constant 0 : i32
      %dma_start3A_1280 = arith.constant 0 : i32
      %dma_start3A_1281 = tpu.memref_slice %arg6[%dma_start3A_1269, %dma_start3A_1279, %dma_start3A_1280] : memref<2x16x128xi32, #tpu.memory_space<vmem>> -> memref<1x16x128xi32, #tpu.memory_space<vmem>>
      %dma_start3A_1282 = tpu.memref_squeeze %dma_start3A_1281 : memref<1x16x128xi32, #tpu.memory_space<vmem>> -> memref<16x128xi32, #tpu.memory_space<vmem>>
      %dma_start3A_1283 = arith.constant 0 : i32
      %dma_start3A_1284 = tpu.memref_slice %dma_start3A_1282[%dma_start3A_1270, %dma_start3A_1283] : memref<16x128xi32, #tpu.memory_space<vmem>> -> memref<1x128xi32, #tpu.memory_space<vmem>>
      %dma_start3A_1285 = tpu.memref_squeeze %dma_start3A_1284 : memref<1x128xi32, #tpu.memory_space<vmem>> -> memref<128xi32, #tpu.memory_space<vmem>>
      %dma_start3A_1286 = arith.constant 0 : i32
      %dma_start3A_1287 = arith.constant 0 : i32
      %dma_start3A_1288 = tpu.memref_slice %arg2[%select_n3A, %dma_start3A_1286, %dma_start3A_1287] : memref<4x786432x16xf32, #tpu.memory_space<hbm>> -> memref<1x786432x16xf32, #tpu.memory_space<hbm>>
      %dma_start3A_1289 = tpu.memref_squeeze %dma_start3A_1288 : memref<1x786432x16xf32, #tpu.memory_space<hbm>> -> memref<786432x16xf32, #tpu.memory_space<hbm>>
      %dma_start3A_1290 = arith.constant 0 : i32
      %dma_start3A_1291 = arith.constant 0 : i32
      %dma_start3A_1292 = tpu.memref_slice %dma_start3A_1289[%dma_start3A_1290, %dma_start3A_1291] : memref<786432x16xf32, #tpu.memory_space<hbm>> -> memref<786432x16xf32, #tpu.memory_space<hbm>>
      tpu.enqueue_indirect_dma source(%dma_start3A_1292 : memref<786432x16xf32, #tpu.memory_space<hbm>>) target(%dma_start3A_1278 : memref<128x16xf32, #tpu.memory_space<vmem>>) offsets(%dma_start3A_1285 : memref<128xi32, #tpu.memory_space<vmem>>) semaphore(%arg9 : memref<!tpu.dma_semaphore, #tpu.memory_space<semaphore_mem>>)
      %dma_start3A_1293 = arith.constant 1 : i32
      %dma_start3A_1294 = arith.constant 11 : i32
      %dma_start3A_1295 = arith.constant 1 : i32
      %dma_start3A_1296 = arith.constant 0 : i32
      %dma_start3A_1297 = arith.constant 0 : i32
      %dma_start3A_1298 = tpu.memref_slice %arg7[%dma_start3A_1295, %dma_start3A_1296, %dma_start3A_1297] : memref<2x2048x16xf32, #tpu.memory_space<vmem>> -> memref<1x2048x16xf32, #tpu.memory_space<vmem>>
      %dma_start3A_1299 = tpu.memref_squeeze %dma_start3A_1298 : memref<1x2048x16xf32, #tpu.memory_space<vmem>> -> memref<2048x16xf32, #tpu.memory_space<vmem>>
      %dma_start3A_1300 = arith.constant 1408 : i32
      %dma_start3A_1301 = arith.constant 0 : i32
      %dma_start3A_1302 = tpu.memref_slice %dma_start3A_1299[%dma_start3A_1300, %dma_start3A_1301] : memref<2048x16xf32, #tpu.memory_space<vmem>> -> memref<128x16xf32, #tpu.memory_space<vmem>>
      %dma_start3A_1303 = arith.constant 0 : i32
      %dma_start3A_1304 = arith.constant 0 : i32
      %dma_start3A_1305 = tpu.memref_slice %arg6[%dma_start3A_1293, %dma_start3A_1303, %dma_start3A_1304] : memref<2x16x128xi32, #tpu.memory_space<vmem>> -> memref<1x16x128xi32, #tpu.memory_space<vmem>>
      %dma_start3A_1306 = tpu.memref_squeeze %dma_start3A_1305 : memref<1x16x128xi32, #tpu.memory_space<vmem>> -> memref<16x128xi32, #tpu.memory_space<vmem>>
      %dma_start3A_1307 = arith.constant 0 : i32
      %dma_start3A_1308 = tpu.memref_slice %dma_start3A_1306[%dma_start3A_1294, %dma_start3A_1307] : memref<16x128xi32, #tpu.memory_space<vmem>> -> memref<1x128xi32, #tpu.memory_space<vmem>>
      %dma_start3A_1309 = tpu.memref_squeeze %dma_start3A_1308 : memref<1x128xi32, #tpu.memory_space<vmem>> -> memref<128xi32, #tpu.memory_space<vmem>>
      %dma_start3A_1310 = arith.constant 0 : i32
      %dma_start3A_1311 = arith.constant 0 : i32
      %dma_start3A_1312 = tpu.memref_slice %arg2[%select_n3A, %dma_start3A_1310, %dma_start3A_1311] : memref<4x786432x16xf32, #tpu.memory_space<hbm>> -> memref<1x786432x16xf32, #tpu.memory_space<hbm>>
      %dma_start3A_1313 = tpu.memref_squeeze %dma_start3A_1312 : memref<1x786432x16xf32, #tpu.memory_space<hbm>> -> memref<786432x16xf32, #tpu.memory_space<hbm>>
      %dma_start3A_1314 = arith.constant 0 : i32
      %dma_start3A_1315 = arith.constant 0 : i32
      %dma_start3A_1316 = tpu.memref_slice %dma_start3A_1313[%dma_start3A_1314, %dma_start3A_1315] : memref<786432x16xf32, #tpu.memory_space<hbm>> -> memref<786432x16xf32, #tpu.memory_space<hbm>>
      tpu.enqueue_indirect_dma source(%dma_start3A_1316 : memref<786432x16xf32, #tpu.memory_space<hbm>>) target(%dma_start3A_1302 : memref<128x16xf32, #tpu.memory_space<vmem>>) offsets(%dma_start3A_1309 : memref<128xi32, #tpu.memory_space<vmem>>) semaphore(%arg9 : memref<!tpu.dma_semaphore, #tpu.memory_space<semaphore_mem>>)
      %dma_start3A_1317 = arith.constant 1 : i32
      %dma_start3A_1318 = arith.constant 12 : i32
      %dma_start3A_1319 = arith.constant 1 : i32
      %dma_start3A_1320 = arith.constant 0 : i32
      %dma_start3A_1321 = arith.constant 0 : i32
      %dma_start3A_1322 = tpu.memref_slice %arg7[%dma_start3A_1319, %dma_start3A_1320, %dma_start3A_1321] : memref<2x2048x16xf32, #tpu.memory_space<vmem>> -> memref<1x2048x16xf32, #tpu.memory_space<vmem>>
      %dma_start3A_1323 = tpu.memref_squeeze %dma_start3A_1322 : memref<1x2048x16xf32, #tpu.memory_space<vmem>> -> memref<2048x16xf32, #tpu.memory_space<vmem>>
      %dma_start3A_1324 = arith.constant 1536 : i32
      %dma_start3A_1325 = arith.constant 0 : i32
      %dma_start3A_1326 = tpu.memref_slice %dma_start3A_1323[%dma_start3A_1324, %dma_start3A_1325] : memref<2048x16xf32, #tpu.memory_space<vmem>> -> memref<128x16xf32, #tpu.memory_space<vmem>>
      %dma_start3A_1327 = arith.constant 0 : i32
      %dma_start3A_1328 = arith.constant 0 : i32
      %dma_start3A_1329 = tpu.memref_slice %arg6[%dma_start3A_1317, %dma_start3A_1327, %dma_start3A_1328] : memref<2x16x128xi32, #tpu.memory_space<vmem>> -> memref<1x16x128xi32, #tpu.memory_space<vmem>>
      %dma_start3A_1330 = tpu.memref_squeeze %dma_start3A_1329 : memref<1x16x128xi32, #tpu.memory_space<vmem>> -> memref<16x128xi32, #tpu.memory_space<vmem>>
      %dma_start3A_1331 = arith.constant 0 : i32
      %dma_start3A_1332 = tpu.memref_slice %dma_start3A_1330[%dma_start3A_1318, %dma_start3A_1331] : memref<16x128xi32, #tpu.memory_space<vmem>> -> memref<1x128xi32, #tpu.memory_space<vmem>>
      %dma_start3A_1333 = tpu.memref_squeeze %dma_start3A_1332 : memref<1x128xi32, #tpu.memory_space<vmem>> -> memref<128xi32, #tpu.memory_space<vmem>>
      %dma_start3A_1334 = arith.constant 0 : i32
      %dma_start3A_1335 = arith.constant 0 : i32
      %dma_start3A_1336 = tpu.memref_slice %arg2[%select_n3A, %dma_start3A_1334, %dma_start3A_1335] : memref<4x786432x16xf32, #tpu.memory_space<hbm>> -> memref<1x786432x16xf32, #tpu.memory_space<hbm>>
      %dma_start3A_1337 = tpu.memref_squeeze %dma_start3A_1336 : memref<1x786432x16xf32, #tpu.memory_space<hbm>> -> memref<786432x16xf32, #tpu.memory_space<hbm>>
      %dma_start3A_1338 = arith.constant 0 : i32
      %dma_start3A_1339 = arith.constant 0 : i32
      %dma_start3A_1340 = tpu.memref_slice %dma_start3A_1337[%dma_start3A_1338, %dma_start3A_1339] : memref<786432x16xf32, #tpu.memory_space<hbm>> -> memref<786432x16xf32, #tpu.memory_space<hbm>>
      tpu.enqueue_indirect_dma source(%dma_start3A_1340 : memref<786432x16xf32, #tpu.memory_space<hbm>>) target(%dma_start3A_1326 : memref<128x16xf32, #tpu.memory_space<vmem>>) offsets(%dma_start3A_1333 : memref<128xi32, #tpu.memory_space<vmem>>) semaphore(%arg9 : memref<!tpu.dma_semaphore, #tpu.memory_space<semaphore_mem>>)
      %dma_start3A_1341 = arith.constant 1 : i32
      %dma_start3A_1342 = arith.constant 13 : i32
      %dma_start3A_1343 = arith.constant 1 : i32
      %dma_start3A_1344 = arith.constant 0 : i32
      %dma_start3A_1345 = arith.constant 0 : i32
      %dma_start3A_1346 = tpu.memref_slice %arg7[%dma_start3A_1343, %dma_start3A_1344, %dma_start3A_1345] : memref<2x2048x16xf32, #tpu.memory_space<vmem>> -> memref<1x2048x16xf32, #tpu.memory_space<vmem>>
      %dma_start3A_1347 = tpu.memref_squeeze %dma_start3A_1346 : memref<1x2048x16xf32, #tpu.memory_space<vmem>> -> memref<2048x16xf32, #tpu.memory_space<vmem>>
      %dma_start3A_1348 = arith.constant 1664 : i32
      %dma_start3A_1349 = arith.constant 0 : i32
      %dma_start3A_1350 = tpu.memref_slice %dma_start3A_1347[%dma_start3A_1348, %dma_start3A_1349] : memref<2048x16xf32, #tpu.memory_space<vmem>> -> memref<128x16xf32, #tpu.memory_space<vmem>>
      %dma_start3A_1351 = arith.constant 0 : i32
      %dma_start3A_1352 = arith.constant 0 : i32
      %dma_start3A_1353 = tpu.memref_slice %arg6[%dma_start3A_1341, %dma_start3A_1351, %dma_start3A_1352] : memref<2x16x128xi32, #tpu.memory_space<vmem>> -> memref<1x16x128xi32, #tpu.memory_space<vmem>>
      %dma_start3A_1354 = tpu.memref_squeeze %dma_start3A_1353 : memref<1x16x128xi32, #tpu.memory_space<vmem>> -> memref<16x128xi32, #tpu.memory_space<vmem>>
      %dma_start3A_1355 = arith.constant 0 : i32
      %dma_start3A_1356 = tpu.memref_slice %dma_start3A_1354[%dma_start3A_1342, %dma_start3A_1355] : memref<16x128xi32, #tpu.memory_space<vmem>> -> memref<1x128xi32, #tpu.memory_space<vmem>>
      %dma_start3A_1357 = tpu.memref_squeeze %dma_start3A_1356 : memref<1x128xi32, #tpu.memory_space<vmem>> -> memref<128xi32, #tpu.memory_space<vmem>>
      %dma_start3A_1358 = arith.constant 0 : i32
      %dma_start3A_1359 = arith.constant 0 : i32
      %dma_start3A_1360 = tpu.memref_slice %arg2[%select_n3A, %dma_start3A_1358, %dma_start3A_1359] : memref<4x786432x16xf32, #tpu.memory_space<hbm>> -> memref<1x786432x16xf32, #tpu.memory_space<hbm>>
      %dma_start3A_1361 = tpu.memref_squeeze %dma_start3A_1360 : memref<1x786432x16xf32, #tpu.memory_space<hbm>> -> memref<786432x16xf32, #tpu.memory_space<hbm>>
      %dma_start3A_1362 = arith.constant 0 : i32
      %dma_start3A_1363 = arith.constant 0 : i32
      %dma_start3A_1364 = tpu.memref_slice %dma_start3A_1361[%dma_start3A_1362, %dma_start3A_1363] : memref<786432x16xf32, #tpu.memory_space<hbm>> -> memref<786432x16xf32, #tpu.memory_space<hbm>>
      tpu.enqueue_indirect_dma source(%dma_start3A_1364 : memref<786432x16xf32, #tpu.memory_space<hbm>>) target(%dma_start3A_1350 : memref<128x16xf32, #tpu.memory_space<vmem>>) offsets(%dma_start3A_1357 : memref<128xi32, #tpu.memory_space<vmem>>) semaphore(%arg9 : memref<!tpu.dma_semaphore, #tpu.memory_space<semaphore_mem>>)
      %dma_start3A_1365 = arith.constant 1 : i32
      %dma_start3A_1366 = arith.constant 14 : i32
      %dma_start3A_1367 = arith.constant 1 : i32
      %dma_start3A_1368 = arith.constant 0 : i32
      %dma_start3A_1369 = arith.constant 0 : i32
      %dma_start3A_1370 = tpu.memref_slice %arg7[%dma_start3A_1367, %dma_start3A_1368, %dma_start3A_1369] : memref<2x2048x16xf32, #tpu.memory_space<vmem>> -> memref<1x2048x16xf32, #tpu.memory_space<vmem>>
      %dma_start3A_1371 = tpu.memref_squeeze %dma_start3A_1370 : memref<1x2048x16xf32, #tpu.memory_space<vmem>> -> memref<2048x16xf32, #tpu.memory_space<vmem>>
      %dma_start3A_1372 = arith.constant 1792 : i32
      %dma_start3A_1373 = arith.constant 0 : i32
      %dma_start3A_1374 = tpu.memref_slice %dma_start3A_1371[%dma_start3A_1372, %dma_start3A_1373] : memref<2048x16xf32, #tpu.memory_space<vmem>> -> memref<128x16xf32, #tpu.memory_space<vmem>>
      %dma_start3A_1375 = arith.constant 0 : i32
      %dma_start3A_1376 = arith.constant 0 : i32
      %dma_start3A_1377 = tpu.memref_slice %arg6[%dma_start3A_1365, %dma_start3A_1375, %dma_start3A_1376] : memref<2x16x128xi32, #tpu.memory_space<vmem>> -> memref<1x16x128xi32, #tpu.memory_space<vmem>>
      %dma_start3A_1378 = tpu.memref_squeeze %dma_start3A_1377 : memref<1x16x128xi32, #tpu.memory_space<vmem>> -> memref<16x128xi32, #tpu.memory_space<vmem>>
      %dma_start3A_1379 = arith.constant 0 : i32
      %dma_start3A_1380 = tpu.memref_slice %dma_start3A_1378[%dma_start3A_1366, %dma_start3A_1379] : memref<16x128xi32, #tpu.memory_space<vmem>> -> memref<1x128xi32, #tpu.memory_space<vmem>>
      %dma_start3A_1381 = tpu.memref_squeeze %dma_start3A_1380 : memref<1x128xi32, #tpu.memory_space<vmem>> -> memref<128xi32, #tpu.memory_space<vmem>>
      %dma_start3A_1382 = arith.constant 0 : i32
      %dma_start3A_1383 = arith.constant 0 : i32
      %dma_start3A_1384 = tpu.memref_slice %arg2[%select_n3A, %dma_start3A_1382, %dma_start3A_1383] : memref<4x786432x16xf32, #tpu.memory_space<hbm>> -> memref<1x786432x16xf32, #tpu.memory_space<hbm>>
      %dma_start3A_1385 = tpu.memref_squeeze %dma_start3A_1384 : memref<1x786432x16xf32, #tpu.memory_space<hbm>> -> memref<786432x16xf32, #tpu.memory_space<hbm>>
      %dma_start3A_1386 = arith.constant 0 : i32
      %dma_start3A_1387 = arith.constant 0 : i32
      %dma_start3A_1388 = tpu.memref_slice %dma_start3A_1385[%dma_start3A_1386, %dma_start3A_1387] : memref<786432x16xf32, #tpu.memory_space<hbm>> -> memref<786432x16xf32, #tpu.memory_space<hbm>>
      tpu.enqueue_indirect_dma source(%dma_start3A_1388 : memref<786432x16xf32, #tpu.memory_space<hbm>>) target(%dma_start3A_1374 : memref<128x16xf32, #tpu.memory_space<vmem>>) offsets(%dma_start3A_1381 : memref<128xi32, #tpu.memory_space<vmem>>) semaphore(%arg9 : memref<!tpu.dma_semaphore, #tpu.memory_space<semaphore_mem>>)
      %dma_start3A_1389 = arith.constant 1 : i32
      %dma_start3A_1390 = arith.constant 15 : i32
      %dma_start3A_1391 = arith.constant 1 : i32
      %dma_start3A_1392 = arith.constant 0 : i32
      %dma_start3A_1393 = arith.constant 0 : i32
      %dma_start3A_1394 = tpu.memref_slice %arg7[%dma_start3A_1391, %dma_start3A_1392, %dma_start3A_1393] : memref<2x2048x16xf32, #tpu.memory_space<vmem>> -> memref<1x2048x16xf32, #tpu.memory_space<vmem>>
      %dma_start3A_1395 = tpu.memref_squeeze %dma_start3A_1394 : memref<1x2048x16xf32, #tpu.memory_space<vmem>> -> memref<2048x16xf32, #tpu.memory_space<vmem>>
      %dma_start3A_1396 = arith.constant 1920 : i32
      %dma_start3A_1397 = arith.constant 0 : i32
      %dma_start3A_1398 = tpu.memref_slice %dma_start3A_1395[%dma_start3A_1396, %dma_start3A_1397] : memref<2048x16xf32, #tpu.memory_space<vmem>> -> memref<128x16xf32, #tpu.memory_space<vmem>>
      %dma_start3A_1399 = arith.constant 0 : i32
      %dma_start3A_1400 = arith.constant 0 : i32
      %dma_start3A_1401 = tpu.memref_slice %arg6[%dma_start3A_1389, %dma_start3A_1399, %dma_start3A_1400] : memref<2x16x128xi32, #tpu.memory_space<vmem>> -> memref<1x16x128xi32, #tpu.memory_space<vmem>>
      %dma_start3A_1402 = tpu.memref_squeeze %dma_start3A_1401 : memref<1x16x128xi32, #tpu.memory_space<vmem>> -> memref<16x128xi32, #tpu.memory_space<vmem>>
      %dma_start3A_1403 = arith.constant 0 : i32
      %dma_start3A_1404 = tpu.memref_slice %dma_start3A_1402[%dma_start3A_1390, %dma_start3A_1403] : memref<16x128xi32, #tpu.memory_space<vmem>> -> memref<1x128xi32, #tpu.memory_space<vmem>>
      %dma_start3A_1405 = tpu.memref_squeeze %dma_start3A_1404 : memref<1x128xi32, #tpu.memory_space<vmem>> -> memref<128xi32, #tpu.memory_space<vmem>>
      %dma_start3A_1406 = arith.constant 0 : i32
      %dma_start3A_1407 = arith.constant 0 : i32
      %dma_start3A_1408 = tpu.memref_slice %arg2[%select_n3A, %dma_start3A_1406, %dma_start3A_1407] : memref<4x786432x16xf32, #tpu.memory_space<hbm>> -> memref<1x786432x16xf32, #tpu.memory_space<hbm>>
      %dma_start3A_1409 = tpu.memref_squeeze %dma_start3A_1408 : memref<1x786432x16xf32, #tpu.memory_space<hbm>> -> memref<786432x16xf32, #tpu.memory_space<hbm>>
      %dma_start3A_1410 = arith.constant 0 : i32
      %dma_start3A_1411 = arith.constant 0 : i32
      %dma_start3A_1412 = tpu.memref_slice %dma_start3A_1409[%dma_start3A_1410, %dma_start3A_1411] : memref<786432x16xf32, #tpu.memory_space<hbm>> -> memref<786432x16xf32, #tpu.memory_space<hbm>>
      tpu.enqueue_indirect_dma source(%dma_start3A_1412 : memref<786432x16xf32, #tpu.memory_space<hbm>>) target(%dma_start3A_1398 : memref<128x16xf32, #tpu.memory_space<vmem>>) offsets(%dma_start3A_1405 : memref<128xi32, #tpu.memory_space<vmem>>) semaphore(%arg9 : memref<!tpu.dma_semaphore, #tpu.memory_space<semaphore_mem>>)
      %dma_wait3A_1413 = arith.constant 1 : i32
      %dma_wait3A_1414 = arith.constant 0 : i32
      %dma_wait3A_1415 = arith.constant 1 : i32
      %dma_wait3A_1416 = arith.constant 0 : i32
      %dma_wait3A_1417 = arith.constant 0 : i32
      %dma_wait3A_1418 = tpu.memref_slice %arg7[%dma_wait3A_1415, %dma_wait3A_1416, %dma_wait3A_1417] : memref<2x2048x16xf32, #tpu.memory_space<vmem>> -> memref<1x2048x16xf32, #tpu.memory_space<vmem>>
      %dma_wait3A_1419 = tpu.memref_squeeze %dma_wait3A_1418 : memref<1x2048x16xf32, #tpu.memory_space<vmem>> -> memref<2048x16xf32, #tpu.memory_space<vmem>>
      %dma_wait3A_1420 = arith.constant 0 : i32
      %dma_wait3A_1421 = arith.constant 0 : i32
      %dma_wait3A_1422 = tpu.memref_slice %dma_wait3A_1419[%dma_wait3A_1420, %dma_wait3A_1421] : memref<2048x16xf32, #tpu.memory_space<vmem>> -> memref<128x16xf32, #tpu.memory_space<vmem>>
      %dma_wait3A_1423 = arith.constant 0 : i32
      %dma_wait3A_1424 = arith.constant 0 : i32
      %dma_wait3A_1425 = tpu.memref_slice %arg6[%dma_wait3A_1413, %dma_wait3A_1423, %dma_wait3A_1424] : memref<2x16x128xi32, #tpu.memory_space<vmem>> -> memref<1x16x128xi32, #tpu.memory_space<vmem>>
      %dma_wait3A_1426 = tpu.memref_squeeze %dma_wait3A_1425 : memref<1x16x128xi32, #tpu.memory_space<vmem>> -> memref<16x128xi32, #tpu.memory_space<vmem>>
      %dma_wait3A_1427 = arith.constant 0 : i32
      %dma_wait3A_1428 = tpu.memref_slice %dma_wait3A_1426[%dma_wait3A_1414, %dma_wait3A_1427] : memref<16x128xi32, #tpu.memory_space<vmem>> -> memref<1x128xi32, #tpu.memory_space<vmem>>
      %dma_wait3A_1429 = tpu.memref_squeeze %dma_wait3A_1428 : memref<1x128xi32, #tpu.memory_space<vmem>> -> memref<128xi32, #tpu.memory_space<vmem>>
      %dma_wait3A_1430 = arith.constant 0 : i32
      %dma_wait3A_1431 = arith.constant 0 : i32
      %dma_wait3A_1432 = tpu.memref_slice %arg2[%select_n3A, %dma_wait3A_1430, %dma_wait3A_1431] : memref<4x786432x16xf32, #tpu.memory_space<hbm>> -> memref<1x786432x16xf32, #tpu.memory_space<hbm>>
      %dma_wait3A_1433 = tpu.memref_squeeze %dma_wait3A_1432 : memref<1x786432x16xf32, #tpu.memory_space<hbm>> -> memref<786432x16xf32, #tpu.memory_space<hbm>>
      %dma_wait3A_1434 = arith.constant 0 : i32
      %dma_wait3A_1435 = arith.constant 0 : i32
      %dma_wait3A_1436 = tpu.memref_slice %dma_wait3A_1433[%dma_wait3A_1434, %dma_wait3A_1435] : memref<786432x16xf32, #tpu.memory_space<hbm>> -> memref<786432x16xf32, #tpu.memory_space<hbm>>
      tpu.wait_indirect_dma semaphore(%arg9 : memref<!tpu.dma_semaphore, #tpu.memory_space<semaphore_mem>>) src(%dma_wait3A_1436 : memref<786432x16xf32, #tpu.memory_space<hbm>>) dst(%dma_wait3A_1422 : memref<128x16xf32, #tpu.memory_space<vmem>>)
      %dma_wait3A_1437 = arith.constant 1 : i32
      %dma_wait3A_1438 = arith.constant 1 : i32
      %dma_wait3A_1439 = arith.constant 1 : i32
      %dma_wait3A_1440 = arith.constant 0 : i32
      %dma_wait3A_1441 = arith.constant 0 : i32
      %dma_wait3A_1442 = tpu.memref_slice %arg7[%dma_wait3A_1439, %dma_wait3A_1440, %dma_wait3A_1441] : memref<2x2048x16xf32, #tpu.memory_space<vmem>> -> memref<1x2048x16xf32, #tpu.memory_space<vmem>>
      %dma_wait3A_1443 = tpu.memref_squeeze %dma_wait3A_1442 : memref<1x2048x16xf32, #tpu.memory_space<vmem>> -> memref<2048x16xf32, #tpu.memory_space<vmem>>
      %dma_wait3A_1444 = arith.constant 128 : i32
      %dma_wait3A_1445 = arith.constant 0 : i32
      %dma_wait3A_1446 = tpu.memref_slice %dma_wait3A_1443[%dma_wait3A_1444, %dma_wait3A_1445] : memref<2048x16xf32, #tpu.memory_space<vmem>> -> memref<128x16xf32, #tpu.memory_space<vmem>>
      %dma_wait3A_1447 = arith.constant 0 : i32
      %dma_wait3A_1448 = arith.constant 0 : i32
      %dma_wait3A_1449 = tpu.memref_slice %arg6[%dma_wait3A_1437, %dma_wait3A_1447, %dma_wait3A_1448] : memref<2x16x128xi32, #tpu.memory_space<vmem>> -> memref<1x16x128xi32, #tpu.memory_space<vmem>>
      %dma_wait3A_1450 = tpu.memref_squeeze %dma_wait3A_1449 : memref<1x16x128xi32, #tpu.memory_space<vmem>> -> memref<16x128xi32, #tpu.memory_space<vmem>>
      %dma_wait3A_1451 = arith.constant 0 : i32
      %dma_wait3A_1452 = tpu.memref_slice %dma_wait3A_1450[%dma_wait3A_1438, %dma_wait3A_1451] : memref<16x128xi32, #tpu.memory_space<vmem>> -> memref<1x128xi32, #tpu.memory_space<vmem>>
      %dma_wait3A_1453 = tpu.memref_squeeze %dma_wait3A_1452 : memref<1x128xi32, #tpu.memory_space<vmem>> -> memref<128xi32, #tpu.memory_space<vmem>>
      %dma_wait3A_1454 = arith.constant 0 : i32
      %dma_wait3A_1455 = arith.constant 0 : i32
      %dma_wait3A_1456 = tpu.memref_slice %arg2[%select_n3A, %dma_wait3A_1454, %dma_wait3A_1455] : memref<4x786432x16xf32, #tpu.memory_space<hbm>> -> memref<1x786432x16xf32, #tpu.memory_space<hbm>>
      %dma_wait3A_1457 = tpu.memref_squeeze %dma_wait3A_1456 : memref<1x786432x16xf32, #tpu.memory_space<hbm>> -> memref<786432x16xf32, #tpu.memory_space<hbm>>
      %dma_wait3A_1458 = arith.constant 0 : i32
      %dma_wait3A_1459 = arith.constant 0 : i32
      %dma_wait3A_1460 = tpu.memref_slice %dma_wait3A_1457[%dma_wait3A_1458, %dma_wait3A_1459] : memref<786432x16xf32, #tpu.memory_space<hbm>> -> memref<786432x16xf32, #tpu.memory_space<hbm>>
      tpu.wait_indirect_dma semaphore(%arg9 : memref<!tpu.dma_semaphore, #tpu.memory_space<semaphore_mem>>) src(%dma_wait3A_1460 : memref<786432x16xf32, #tpu.memory_space<hbm>>) dst(%dma_wait3A_1446 : memref<128x16xf32, #tpu.memory_space<vmem>>)
      %dma_wait3A_1461 = arith.constant 1 : i32
      %dma_wait3A_1462 = arith.constant 2 : i32
      %dma_wait3A_1463 = arith.constant 1 : i32
      %dma_wait3A_1464 = arith.constant 0 : i32
      %dma_wait3A_1465 = arith.constant 0 : i32
      %dma_wait3A_1466 = tpu.memref_slice %arg7[%dma_wait3A_1463, %dma_wait3A_1464, %dma_wait3A_1465] : memref<2x2048x16xf32, #tpu.memory_space<vmem>> -> memref<1x2048x16xf32, #tpu.memory_space<vmem>>
      %dma_wait3A_1467 = tpu.memref_squeeze %dma_wait3A_1466 : memref<1x2048x16xf32, #tpu.memory_space<vmem>> -> memref<2048x16xf32, #tpu.memory_space<vmem>>
      %dma_wait3A_1468 = arith.constant 256 : i32
      %dma_wait3A_1469 = arith.constant 0 : i32
      %dma_wait3A_1470 = tpu.memref_slice %dma_wait3A_1467[%dma_wait3A_1468, %dma_wait3A_1469] : memref<2048x16xf32, #tpu.memory_space<vmem>> -> memref<128x16xf32, #tpu.memory_space<vmem>>
      %dma_wait3A_1471 = arith.constant 0 : i32
      %dma_wait3A_1472 = arith.constant 0 : i32
      %dma_wait3A_1473 = tpu.memref_slice %arg6[%dma_wait3A_1461, %dma_wait3A_1471, %dma_wait3A_1472] : memref<2x16x128xi32, #tpu.memory_space<vmem>> -> memref<1x16x128xi32, #tpu.memory_space<vmem>>
      %dma_wait3A_1474 = tpu.memref_squeeze %dma_wait3A_1473 : memref<1x16x128xi32, #tpu.memory_space<vmem>> -> memref<16x128xi32, #tpu.memory_space<vmem>>
      %dma_wait3A_1475 = arith.constant 0 : i32
      %dma_wait3A_1476 = tpu.memref_slice %dma_wait3A_1474[%dma_wait3A_1462, %dma_wait3A_1475] : memref<16x128xi32, #tpu.memory_space<vmem>> -> memref<1x128xi32, #tpu.memory_space<vmem>>
      %dma_wait3A_1477 = tpu.memref_squeeze %dma_wait3A_1476 : memref<1x128xi32, #tpu.memory_space<vmem>> -> memref<128xi32, #tpu.memory_space<vmem>>
      %dma_wait3A_1478 = arith.constant 0 : i32
      %dma_wait3A_1479 = arith.constant 0 : i32
      %dma_wait3A_1480 = tpu.memref_slice %arg2[%select_n3A, %dma_wait3A_1478, %dma_wait3A_1479] : memref<4x786432x16xf32, #tpu.memory_space<hbm>> -> memref<1x786432x16xf32, #tpu.memory_space<hbm>>
      %dma_wait3A_1481 = tpu.memref_squeeze %dma_wait3A_1480 : memref<1x786432x16xf32, #tpu.memory_space<hbm>> -> memref<786432x16xf32, #tpu.memory_space<hbm>>
      %dma_wait3A_1482 = arith.constant 0 : i32
      %dma_wait3A_1483 = arith.constant 0 : i32
      %dma_wait3A_1484 = tpu.memref_slice %dma_wait3A_1481[%dma_wait3A_1482, %dma_wait3A_1483] : memref<786432x16xf32, #tpu.memory_space<hbm>> -> memref<786432x16xf32, #tpu.memory_space<hbm>>
      tpu.wait_indirect_dma semaphore(%arg9 : memref<!tpu.dma_semaphore, #tpu.memory_space<semaphore_mem>>) src(%dma_wait3A_1484 : memref<786432x16xf32, #tpu.memory_space<hbm>>) dst(%dma_wait3A_1470 : memref<128x16xf32, #tpu.memory_space<vmem>>)
      %dma_wait3A_1485 = arith.constant 1 : i32
      %dma_wait3A_1486 = arith.constant 3 : i32
      %dma_wait3A_1487 = arith.constant 1 : i32
      %dma_wait3A_1488 = arith.constant 0 : i32
      %dma_wait3A_1489 = arith.constant 0 : i32
      %dma_wait3A_1490 = tpu.memref_slice %arg7[%dma_wait3A_1487, %dma_wait3A_1488, %dma_wait3A_1489] : memref<2x2048x16xf32, #tpu.memory_space<vmem>> -> memref<1x2048x16xf32, #tpu.memory_space<vmem>>
      %dma_wait3A_1491 = tpu.memref_squeeze %dma_wait3A_1490 : memref<1x2048x16xf32, #tpu.memory_space<vmem>> -> memref<2048x16xf32, #tpu.memory_space<vmem>>
      %dma_wait3A_1492 = arith.constant 384 : i32
      %dma_wait3A_1493 = arith.constant 0 : i32
      %dma_wait3A_1494 = tpu.memref_slice %dma_wait3A_1491[%dma_wait3A_1492, %dma_wait3A_1493] : memref<2048x16xf32, #tpu.memory_space<vmem>> -> memref<128x16xf32, #tpu.memory_space<vmem>>
      %dma_wait3A_1495 = arith.constant 0 : i32
      %dma_wait3A_1496 = arith.constant 0 : i32
      %dma_wait3A_1497 = tpu.memref_slice %arg6[%dma_wait3A_1485, %dma_wait3A_1495, %dma_wait3A_1496] : memref<2x16x128xi32, #tpu.memory_space<vmem>> -> memref<1x16x128xi32, #tpu.memory_space<vmem>>
      %dma_wait3A_1498 = tpu.memref_squeeze %dma_wait3A_1497 : memref<1x16x128xi32, #tpu.memory_space<vmem>> -> memref<16x128xi32, #tpu.memory_space<vmem>>
      %dma_wait3A_1499 = arith.constant 0 : i32
      %dma_wait3A_1500 = tpu.memref_slice %dma_wait3A_1498[%dma_wait3A_1486, %dma_wait3A_1499] : memref<16x128xi32, #tpu.memory_space<vmem>> -> memref<1x128xi32, #tpu.memory_space<vmem>>
      %dma_wait3A_1501 = tpu.memref_squeeze %dma_wait3A_1500 : memref<1x128xi32, #tpu.memory_space<vmem>> -> memref<128xi32, #tpu.memory_space<vmem>>
      %dma_wait3A_1502 = arith.constant 0 : i32
      %dma_wait3A_1503 = arith.constant 0 : i32
      %dma_wait3A_1504 = tpu.memref_slice %arg2[%select_n3A, %dma_wait3A_1502, %dma_wait3A_1503] : memref<4x786432x16xf32, #tpu.memory_space<hbm>> -> memref<1x786432x16xf32, #tpu.memory_space<hbm>>
      %dma_wait3A_1505 = tpu.memref_squeeze %dma_wait3A_1504 : memref<1x786432x16xf32, #tpu.memory_space<hbm>> -> memref<786432x16xf32, #tpu.memory_space<hbm>>
      %dma_wait3A_1506 = arith.constant 0 : i32
      %dma_wait3A_1507 = arith.constant 0 : i32
      %dma_wait3A_1508 = tpu.memref_slice %dma_wait3A_1505[%dma_wait3A_1506, %dma_wait3A_1507] : memref<786432x16xf32, #tpu.memory_space<hbm>> -> memref<786432x16xf32, #tpu.memory_space<hbm>>
      tpu.wait_indirect_dma semaphore(%arg9 : memref<!tpu.dma_semaphore, #tpu.memory_space<semaphore_mem>>) src(%dma_wait3A_1508 : memref<786432x16xf32, #tpu.memory_space<hbm>>) dst(%dma_wait3A_1494 : memref<128x16xf32, #tpu.memory_space<vmem>>)
      %dma_wait3A_1509 = arith.constant 1 : i32
      %dma_wait3A_1510 = arith.constant 4 : i32
      %dma_wait3A_1511 = arith.constant 1 : i32
      %dma_wait3A_1512 = arith.constant 0 : i32
      %dma_wait3A_1513 = arith.constant 0 : i32
      %dma_wait3A_1514 = tpu.memref_slice %arg7[%dma_wait3A_1511, %dma_wait3A_1512, %dma_wait3A_1513] : memref<2x2048x16xf32, #tpu.memory_space<vmem>> -> memref<1x2048x16xf32, #tpu.memory_space<vmem>>
      %dma_wait3A_1515 = tpu.memref_squeeze %dma_wait3A_1514 : memref<1x2048x16xf32, #tpu.memory_space<vmem>> -> memref<2048x16xf32, #tpu.memory_space<vmem>>
      %dma_wait3A_1516 = arith.constant 512 : i32
      %dma_wait3A_1517 = arith.constant 0 : i32
      %dma_wait3A_1518 = tpu.memref_slice %dma_wait3A_1515[%dma_wait3A_1516, %dma_wait3A_1517] : memref<2048x16xf32, #tpu.memory_space<vmem>> -> memref<128x16xf32, #tpu.memory_space<vmem>>
      %dma_wait3A_1519 = arith.constant 0 : i32
      %dma_wait3A_1520 = arith.constant 0 : i32
      %dma_wait3A_1521 = tpu.memref_slice %arg6[%dma_wait3A_1509, %dma_wait3A_1519, %dma_wait3A_1520] : memref<2x16x128xi32, #tpu.memory_space<vmem>> -> memref<1x16x128xi32, #tpu.memory_space<vmem>>
      %dma_wait3A_1522 = tpu.memref_squeeze %dma_wait3A_1521 : memref<1x16x128xi32, #tpu.memory_space<vmem>> -> memref<16x128xi32, #tpu.memory_space<vmem>>
      %dma_wait3A_1523 = arith.constant 0 : i32
      %dma_wait3A_1524 = tpu.memref_slice %dma_wait3A_1522[%dma_wait3A_1510, %dma_wait3A_1523] : memref<16x128xi32, #tpu.memory_space<vmem>> -> memref<1x128xi32, #tpu.memory_space<vmem>>
      %dma_wait3A_1525 = tpu.memref_squeeze %dma_wait3A_1524 : memref<1x128xi32, #tpu.memory_space<vmem>> -> memref<128xi32, #tpu.memory_space<vmem>>
      %dma_wait3A_1526 = arith.constant 0 : i32
      %dma_wait3A_1527 = arith.constant 0 : i32
      %dma_wait3A_1528 = tpu.memref_slice %arg2[%select_n3A, %dma_wait3A_1526, %dma_wait3A_1527] : memref<4x786432x16xf32, #tpu.memory_space<hbm>> -> memref<1x786432x16xf32, #tpu.memory_space<hbm>>
      %dma_wait3A_1529 = tpu.memref_squeeze %dma_wait3A_1528 : memref<1x786432x16xf32, #tpu.memory_space<hbm>> -> memref<786432x16xf32, #tpu.memory_space<hbm>>
      %dma_wait3A_1530 = arith.constant 0 : i32
      %dma_wait3A_1531 = arith.constant 0 : i32
      %dma_wait3A_1532 = tpu.memref_slice %dma_wait3A_1529[%dma_wait3A_1530, %dma_wait3A_1531] : memref<786432x16xf32, #tpu.memory_space<hbm>> -> memref<786432x16xf32, #tpu.memory_space<hbm>>
      tpu.wait_indirect_dma semaphore(%arg9 : memref<!tpu.dma_semaphore, #tpu.memory_space<semaphore_mem>>) src(%dma_wait3A_1532 : memref<786432x16xf32, #tpu.memory_space<hbm>>) dst(%dma_wait3A_1518 : memref<128x16xf32, #tpu.memory_space<vmem>>)
      %dma_wait3A_1533 = arith.constant 1 : i32
      %dma_wait3A_1534 = arith.constant 5 : i32
      %dma_wait3A_1535 = arith.constant 1 : i32
      %dma_wait3A_1536 = arith.constant 0 : i32
      %dma_wait3A_1537 = arith.constant 0 : i32
      %dma_wait3A_1538 = tpu.memref_slice %arg7[%dma_wait3A_1535, %dma_wait3A_1536, %dma_wait3A_1537] : memref<2x2048x16xf32, #tpu.memory_space<vmem>> -> memref<1x2048x16xf32, #tpu.memory_space<vmem>>
      %dma_wait3A_1539 = tpu.memref_squeeze %dma_wait3A_1538 : memref<1x2048x16xf32, #tpu.memory_space<vmem>> -> memref<2048x16xf32, #tpu.memory_space<vmem>>
      %dma_wait3A_1540 = arith.constant 640 : i32
      %dma_wait3A_1541 = arith.constant 0 : i32
      %dma_wait3A_1542 = tpu.memref_slice %dma_wait3A_1539[%dma_wait3A_1540, %dma_wait3A_1541] : memref<2048x16xf32, #tpu.memory_space<vmem>> -> memref<128x16xf32, #tpu.memory_space<vmem>>
      %dma_wait3A_1543 = arith.constant 0 : i32
      %dma_wait3A_1544 = arith.constant 0 : i32
      %dma_wait3A_1545 = tpu.memref_slice %arg6[%dma_wait3A_1533, %dma_wait3A_1543, %dma_wait3A_1544] : memref<2x16x128xi32, #tpu.memory_space<vmem>> -> memref<1x16x128xi32, #tpu.memory_space<vmem>>
      %dma_wait3A_1546 = tpu.memref_squeeze %dma_wait3A_1545 : memref<1x16x128xi32, #tpu.memory_space<vmem>> -> memref<16x128xi32, #tpu.memory_space<vmem>>
      %dma_wait3A_1547 = arith.constant 0 : i32
      %dma_wait3A_1548 = tpu.memref_slice %dma_wait3A_1546[%dma_wait3A_1534, %dma_wait3A_1547] : memref<16x128xi32, #tpu.memory_space<vmem>> -> memref<1x128xi32, #tpu.memory_space<vmem>>
      %dma_wait3A_1549 = tpu.memref_squeeze %dma_wait3A_1548 : memref<1x128xi32, #tpu.memory_space<vmem>> -> memref<128xi32, #tpu.memory_space<vmem>>
      %dma_wait3A_1550 = arith.constant 0 : i32
      %dma_wait3A_1551 = arith.constant 0 : i32
      %dma_wait3A_1552 = tpu.memref_slice %arg2[%select_n3A, %dma_wait3A_1550, %dma_wait3A_1551] : memref<4x786432x16xf32, #tpu.memory_space<hbm>> -> memref<1x786432x16xf32, #tpu.memory_space<hbm>>
      %dma_wait3A_1553 = tpu.memref_squeeze %dma_wait3A_1552 : memref<1x786432x16xf32, #tpu.memory_space<hbm>> -> memref<786432x16xf32, #tpu.memory_space<hbm>>
      %dma_wait3A_1554 = arith.constant 0 : i32
      %dma_wait3A_1555 = arith.constant 0 : i32
      %dma_wait3A_1556 = tpu.memref_slice %dma_wait3A_1553[%dma_wait3A_1554, %dma_wait3A_1555] : memref<786432x16xf32, #tpu.memory_space<hbm>> -> memref<786432x16xf32, #tpu.memory_space<hbm>>
      tpu.wait_indirect_dma semaphore(%arg9 : memref<!tpu.dma_semaphore, #tpu.memory_space<semaphore_mem>>) src(%dma_wait3A_1556 : memref<786432x16xf32, #tpu.memory_space<hbm>>) dst(%dma_wait3A_1542 : memref<128x16xf32, #tpu.memory_space<vmem>>)
      %dma_wait3A_1557 = arith.constant 1 : i32
      %dma_wait3A_1558 = arith.constant 6 : i32
      %dma_wait3A_1559 = arith.constant 1 : i32
      %dma_wait3A_1560 = arith.constant 0 : i32
      %dma_wait3A_1561 = arith.constant 0 : i32
      %dma_wait3A_1562 = tpu.memref_slice %arg7[%dma_wait3A_1559, %dma_wait3A_1560, %dma_wait3A_1561] : memref<2x2048x16xf32, #tpu.memory_space<vmem>> -> memref<1x2048x16xf32, #tpu.memory_space<vmem>>
      %dma_wait3A_1563 = tpu.memref_squeeze %dma_wait3A_1562 : memref<1x2048x16xf32, #tpu.memory_space<vmem>> -> memref<2048x16xf32, #tpu.memory_space<vmem>>
      %dma_wait3A_1564 = arith.constant 768 : i32
      %dma_wait3A_1565 = arith.constant 0 : i32
      %dma_wait3A_1566 = tpu.memref_slice %dma_wait3A_1563[%dma_wait3A_1564, %dma_wait3A_1565] : memref<2048x16xf32, #tpu.memory_space<vmem>> -> memref<128x16xf32, #tpu.memory_space<vmem>>
      %dma_wait3A_1567 = arith.constant 0 : i32
      %dma_wait3A_1568 = arith.constant 0 : i32
      %dma_wait3A_1569 = tpu.memref_slice %arg6[%dma_wait3A_1557, %dma_wait3A_1567, %dma_wait3A_1568] : memref<2x16x128xi32, #tpu.memory_space<vmem>> -> memref<1x16x128xi32, #tpu.memory_space<vmem>>
      %dma_wait3A_1570 = tpu.memref_squeeze %dma_wait3A_1569 : memref<1x16x128xi32, #tpu.memory_space<vmem>> -> memref<16x128xi32, #tpu.memory_space<vmem>>
      %dma_wait3A_1571 = arith.constant 0 : i32
      %dma_wait3A_1572 = tpu.memref_slice %dma_wait3A_1570[%dma_wait3A_1558, %dma_wait3A_1571] : memref<16x128xi32, #tpu.memory_space<vmem>> -> memref<1x128xi32, #tpu.memory_space<vmem>>
      %dma_wait3A_1573 = tpu.memref_squeeze %dma_wait3A_1572 : memref<1x128xi32, #tpu.memory_space<vmem>> -> memref<128xi32, #tpu.memory_space<vmem>>
      %dma_wait3A_1574 = arith.constant 0 : i32
      %dma_wait3A_1575 = arith.constant 0 : i32
      %dma_wait3A_1576 = tpu.memref_slice %arg2[%select_n3A, %dma_wait3A_1574, %dma_wait3A_1575] : memref<4x786432x16xf32, #tpu.memory_space<hbm>> -> memref<1x786432x16xf32, #tpu.memory_space<hbm>>
      %dma_wait3A_1577 = tpu.memref_squeeze %dma_wait3A_1576 : memref<1x786432x16xf32, #tpu.memory_space<hbm>> -> memref<786432x16xf32, #tpu.memory_space<hbm>>
      %dma_wait3A_1578 = arith.constant 0 : i32
      %dma_wait3A_1579 = arith.constant 0 : i32
      %dma_wait3A_1580 = tpu.memref_slice %dma_wait3A_1577[%dma_wait3A_1578, %dma_wait3A_1579] : memref<786432x16xf32, #tpu.memory_space<hbm>> -> memref<786432x16xf32, #tpu.memory_space<hbm>>
      tpu.wait_indirect_dma semaphore(%arg9 : memref<!tpu.dma_semaphore, #tpu.memory_space<semaphore_mem>>) src(%dma_wait3A_1580 : memref<786432x16xf32, #tpu.memory_space<hbm>>) dst(%dma_wait3A_1566 : memref<128x16xf32, #tpu.memory_space<vmem>>)
      %dma_wait3A_1581 = arith.constant 1 : i32
      %dma_wait3A_1582 = arith.constant 7 : i32
      %dma_wait3A_1583 = arith.constant 1 : i32
      %dma_wait3A_1584 = arith.constant 0 : i32
      %dma_wait3A_1585 = arith.constant 0 : i32
      %dma_wait3A_1586 = tpu.memref_slice %arg7[%dma_wait3A_1583, %dma_wait3A_1584, %dma_wait3A_1585] : memref<2x2048x16xf32, #tpu.memory_space<vmem>> -> memref<1x2048x16xf32, #tpu.memory_space<vmem>>
      %dma_wait3A_1587 = tpu.memref_squeeze %dma_wait3A_1586 : memref<1x2048x16xf32, #tpu.memory_space<vmem>> -> memref<2048x16xf32, #tpu.memory_space<vmem>>
      %dma_wait3A_1588 = arith.constant 896 : i32
      %dma_wait3A_1589 = arith.constant 0 : i32
      %dma_wait3A_1590 = tpu.memref_slice %dma_wait3A_1587[%dma_wait3A_1588, %dma_wait3A_1589] : memref<2048x16xf32, #tpu.memory_space<vmem>> -> memref<128x16xf32, #tpu.memory_space<vmem>>
      %dma_wait3A_1591 = arith.constant 0 : i32
      %dma_wait3A_1592 = arith.constant 0 : i32
      %dma_wait3A_1593 = tpu.memref_slice %arg6[%dma_wait3A_1581, %dma_wait3A_1591, %dma_wait3A_1592] : memref<2x16x128xi32, #tpu.memory_space<vmem>> -> memref<1x16x128xi32, #tpu.memory_space<vmem>>
      %dma_wait3A_1594 = tpu.memref_squeeze %dma_wait3A_1593 : memref<1x16x128xi32, #tpu.memory_space<vmem>> -> memref<16x128xi32, #tpu.memory_space<vmem>>
      %dma_wait3A_1595 = arith.constant 0 : i32
      %dma_wait3A_1596 = tpu.memref_slice %dma_wait3A_1594[%dma_wait3A_1582, %dma_wait3A_1595] : memref<16x128xi32, #tpu.memory_space<vmem>> -> memref<1x128xi32, #tpu.memory_space<vmem>>
      %dma_wait3A_1597 = tpu.memref_squeeze %dma_wait3A_1596 : memref<1x128xi32, #tpu.memory_space<vmem>> -> memref<128xi32, #tpu.memory_space<vmem>>
      %dma_wait3A_1598 = arith.constant 0 : i32
      %dma_wait3A_1599 = arith.constant 0 : i32
      %dma_wait3A_1600 = tpu.memref_slice %arg2[%select_n3A, %dma_wait3A_1598, %dma_wait3A_1599] : memref<4x786432x16xf32, #tpu.memory_space<hbm>> -> memref<1x786432x16xf32, #tpu.memory_space<hbm>>
      %dma_wait3A_1601 = tpu.memref_squeeze %dma_wait3A_1600 : memref<1x786432x16xf32, #tpu.memory_space<hbm>> -> memref<786432x16xf32, #tpu.memory_space<hbm>>
      %dma_wait3A_1602 = arith.constant 0 : i32
      %dma_wait3A_1603 = arith.constant 0 : i32
      %dma_wait3A_1604 = tpu.memref_slice %dma_wait3A_1601[%dma_wait3A_1602, %dma_wait3A_1603] : memref<786432x16xf32, #tpu.memory_space<hbm>> -> memref<786432x16xf32, #tpu.memory_space<hbm>>
      tpu.wait_indirect_dma semaphore(%arg9 : memref<!tpu.dma_semaphore, #tpu.memory_space<semaphore_mem>>) src(%dma_wait3A_1604 : memref<786432x16xf32, #tpu.memory_space<hbm>>) dst(%dma_wait3A_1590 : memref<128x16xf32, #tpu.memory_space<vmem>>)
      %dma_wait3A_1605 = arith.constant 1 : i32
      %dma_wait3A_1606 = arith.constant 8 : i32
      %dma_wait3A_1607 = arith.constant 1 : i32
      %dma_wait3A_1608 = arith.constant 0 : i32
      %dma_wait3A_1609 = arith.constant 0 : i32
      %dma_wait3A_1610 = tpu.memref_slice %arg7[%dma_wait3A_1607, %dma_wait3A_1608, %dma_wait3A_1609] : memref<2x2048x16xf32, #tpu.memory_space<vmem>> -> memref<1x2048x16xf32, #tpu.memory_space<vmem>>
      %dma_wait3A_1611 = tpu.memref_squeeze %dma_wait3A_1610 : memref<1x2048x16xf32, #tpu.memory_space<vmem>> -> memref<2048x16xf32, #tpu.memory_space<vmem>>
      %dma_wait3A_1612 = arith.constant 1024 : i32
      %dma_wait3A_1613 = arith.constant 0 : i32
      %dma_wait3A_1614 = tpu.memref_slice %dma_wait3A_1611[%dma_wait3A_1612, %dma_wait3A_1613] : memref<2048x16xf32, #tpu.memory_space<vmem>> -> memref<128x16xf32, #tpu.memory_space<vmem>>
      %dma_wait3A_1615 = arith.constant 0 : i32
      %dma_wait3A_1616 = arith.constant 0 : i32
      %dma_wait3A_1617 = tpu.memref_slice %arg6[%dma_wait3A_1605, %dma_wait3A_1615, %dma_wait3A_1616] : memref<2x16x128xi32, #tpu.memory_space<vmem>> -> memref<1x16x128xi32, #tpu.memory_space<vmem>>
      %dma_wait3A_1618 = tpu.memref_squeeze %dma_wait3A_1617 : memref<1x16x128xi32, #tpu.memory_space<vmem>> -> memref<16x128xi32, #tpu.memory_space<vmem>>
      %dma_wait3A_1619 = arith.constant 0 : i32
      %dma_wait3A_1620 = tpu.memref_slice %dma_wait3A_1618[%dma_wait3A_1606, %dma_wait3A_1619] : memref<16x128xi32, #tpu.memory_space<vmem>> -> memref<1x128xi32, #tpu.memory_space<vmem>>
      %dma_wait3A_1621 = tpu.memref_squeeze %dma_wait3A_1620 : memref<1x128xi32, #tpu.memory_space<vmem>> -> memref<128xi32, #tpu.memory_space<vmem>>
      %dma_wait3A_1622 = arith.constant 0 : i32
      %dma_wait3A_1623 = arith.constant 0 : i32
      %dma_wait3A_1624 = tpu.memref_slice %arg2[%select_n3A, %dma_wait3A_1622, %dma_wait3A_1623] : memref<4x786432x16xf32, #tpu.memory_space<hbm>> -> memref<1x786432x16xf32, #tpu.memory_space<hbm>>
      %dma_wait3A_1625 = tpu.memref_squeeze %dma_wait3A_1624 : memref<1x786432x16xf32, #tpu.memory_space<hbm>> -> memref<786432x16xf32, #tpu.memory_space<hbm>>
      %dma_wait3A_1626 = arith.constant 0 : i32
      %dma_wait3A_1627 = arith.constant 0 : i32
      %dma_wait3A_1628 = tpu.memref_slice %dma_wait3A_1625[%dma_wait3A_1626, %dma_wait3A_1627] : memref<786432x16xf32, #tpu.memory_space<hbm>> -> memref<786432x16xf32, #tpu.memory_space<hbm>>
      tpu.wait_indirect_dma semaphore(%arg9 : memref<!tpu.dma_semaphore, #tpu.memory_space<semaphore_mem>>) src(%dma_wait3A_1628 : memref<786432x16xf32, #tpu.memory_space<hbm>>) dst(%dma_wait3A_1614 : memref<128x16xf32, #tpu.memory_space<vmem>>)
      %dma_wait3A_1629 = arith.constant 1 : i32
      %dma_wait3A_1630 = arith.constant 9 : i32
      %dma_wait3A_1631 = arith.constant 1 : i32
      %dma_wait3A_1632 = arith.constant 0 : i32
      %dma_wait3A_1633 = arith.constant 0 : i32
      %dma_wait3A_1634 = tpu.memref_slice %arg7[%dma_wait3A_1631, %dma_wait3A_1632, %dma_wait3A_1633] : memref<2x2048x16xf32, #tpu.memory_space<vmem>> -> memref<1x2048x16xf32, #tpu.memory_space<vmem>>
      %dma_wait3A_1635 = tpu.memref_squeeze %dma_wait3A_1634 : memref<1x2048x16xf32, #tpu.memory_space<vmem>> -> memref<2048x16xf32, #tpu.memory_space<vmem>>
      %dma_wait3A_1636 = arith.constant 1152 : i32
      %dma_wait3A_1637 = arith.constant 0 : i32
      %dma_wait3A_1638 = tpu.memref_slice %dma_wait3A_1635[%dma_wait3A_1636, %dma_wait3A_1637] : memref<2048x16xf32, #tpu.memory_space<vmem>> -> memref<128x16xf32, #tpu.memory_space<vmem>>
      %dma_wait3A_1639 = arith.constant 0 : i32
      %dma_wait3A_1640 = arith.constant 0 : i32
      %dma_wait3A_1641 = tpu.memref_slice %arg6[%dma_wait3A_1629, %dma_wait3A_1639, %dma_wait3A_1640] : memref<2x16x128xi32, #tpu.memory_space<vmem>> -> memref<1x16x128xi32, #tpu.memory_space<vmem>>
      %dma_wait3A_1642 = tpu.memref_squeeze %dma_wait3A_1641 : memref<1x16x128xi32, #tpu.memory_space<vmem>> -> memref<16x128xi32, #tpu.memory_space<vmem>>
      %dma_wait3A_1643 = arith.constant 0 : i32
      %dma_wait3A_1644 = tpu.memref_slice %dma_wait3A_1642[%dma_wait3A_1630, %dma_wait3A_1643] : memref<16x128xi32, #tpu.memory_space<vmem>> -> memref<1x128xi32, #tpu.memory_space<vmem>>
      %dma_wait3A_1645 = tpu.memref_squeeze %dma_wait3A_1644 : memref<1x128xi32, #tpu.memory_space<vmem>> -> memref<128xi32, #tpu.memory_space<vmem>>
      %dma_wait3A_1646 = arith.constant 0 : i32
      %dma_wait3A_1647 = arith.constant 0 : i32
      %dma_wait3A_1648 = tpu.memref_slice %arg2[%select_n3A, %dma_wait3A_1646, %dma_wait3A_1647] : memref<4x786432x16xf32, #tpu.memory_space<hbm>> -> memref<1x786432x16xf32, #tpu.memory_space<hbm>>
      %dma_wait3A_1649 = tpu.memref_squeeze %dma_wait3A_1648 : memref<1x786432x16xf32, #tpu.memory_space<hbm>> -> memref<786432x16xf32, #tpu.memory_space<hbm>>
      %dma_wait3A_1650 = arith.constant 0 : i32
      %dma_wait3A_1651 = arith.constant 0 : i32
      %dma_wait3A_1652 = tpu.memref_slice %dma_wait3A_1649[%dma_wait3A_1650, %dma_wait3A_1651] : memref<786432x16xf32, #tpu.memory_space<hbm>> -> memref<786432x16xf32, #tpu.memory_space<hbm>>
      tpu.wait_indirect_dma semaphore(%arg9 : memref<!tpu.dma_semaphore, #tpu.memory_space<semaphore_mem>>) src(%dma_wait3A_1652 : memref<786432x16xf32, #tpu.memory_space<hbm>>) dst(%dma_wait3A_1638 : memref<128x16xf32, #tpu.memory_space<vmem>>)
      %dma_wait3A_1653 = arith.constant 1 : i32
      %dma_wait3A_1654 = arith.constant 10 : i32
      %dma_wait3A_1655 = arith.constant 1 : i32
      %dma_wait3A_1656 = arith.constant 0 : i32
      %dma_wait3A_1657 = arith.constant 0 : i32
      %dma_wait3A_1658 = tpu.memref_slice %arg7[%dma_wait3A_1655, %dma_wait3A_1656, %dma_wait3A_1657] : memref<2x2048x16xf32, #tpu.memory_space<vmem>> -> memref<1x2048x16xf32, #tpu.memory_space<vmem>>
      %dma_wait3A_1659 = tpu.memref_squeeze %dma_wait3A_1658 : memref<1x2048x16xf32, #tpu.memory_space<vmem>> -> memref<2048x16xf32, #tpu.memory_space<vmem>>
      %dma_wait3A_1660 = arith.constant 1280 : i32
      %dma_wait3A_1661 = arith.constant 0 : i32
      %dma_wait3A_1662 = tpu.memref_slice %dma_wait3A_1659[%dma_wait3A_1660, %dma_wait3A_1661] : memref<2048x16xf32, #tpu.memory_space<vmem>> -> memref<128x16xf32, #tpu.memory_space<vmem>>
      %dma_wait3A_1663 = arith.constant 0 : i32
      %dma_wait3A_1664 = arith.constant 0 : i32
      %dma_wait3A_1665 = tpu.memref_slice %arg6[%dma_wait3A_1653, %dma_wait3A_1663, %dma_wait3A_1664] : memref<2x16x128xi32, #tpu.memory_space<vmem>> -> memref<1x16x128xi32, #tpu.memory_space<vmem>>
      %dma_wait3A_1666 = tpu.memref_squeeze %dma_wait3A_1665 : memref<1x16x128xi32, #tpu.memory_space<vmem>> -> memref<16x128xi32, #tpu.memory_space<vmem>>
      %dma_wait3A_1667 = arith.constant 0 : i32
      %dma_wait3A_1668 = tpu.memref_slice %dma_wait3A_1666[%dma_wait3A_1654, %dma_wait3A_1667] : memref<16x128xi32, #tpu.memory_space<vmem>> -> memref<1x128xi32, #tpu.memory_space<vmem>>
      %dma_wait3A_1669 = tpu.memref_squeeze %dma_wait3A_1668 : memref<1x128xi32, #tpu.memory_space<vmem>> -> memref<128xi32, #tpu.memory_space<vmem>>
      %dma_wait3A_1670 = arith.constant 0 : i32
      %dma_wait3A_1671 = arith.constant 0 : i32
      %dma_wait3A_1672 = tpu.memref_slice %arg2[%select_n3A, %dma_wait3A_1670, %dma_wait3A_1671] : memref<4x786432x16xf32, #tpu.memory_space<hbm>> -> memref<1x786432x16xf32, #tpu.memory_space<hbm>>
      %dma_wait3A_1673 = tpu.memref_squeeze %dma_wait3A_1672 : memref<1x786432x16xf32, #tpu.memory_space<hbm>> -> memref<786432x16xf32, #tpu.memory_space<hbm>>
      %dma_wait3A_1674 = arith.constant 0 : i32
      %dma_wait3A_1675 = arith.constant 0 : i32
      %dma_wait3A_1676 = tpu.memref_slice %dma_wait3A_1673[%dma_wait3A_1674, %dma_wait3A_1675] : memref<786432x16xf32, #tpu.memory_space<hbm>> -> memref<786432x16xf32, #tpu.memory_space<hbm>>
      tpu.wait_indirect_dma semaphore(%arg9 : memref<!tpu.dma_semaphore, #tpu.memory_space<semaphore_mem>>) src(%dma_wait3A_1676 : memref<786432x16xf32, #tpu.memory_space<hbm>>) dst(%dma_wait3A_1662 : memref<128x16xf32, #tpu.memory_space<vmem>>)
      %dma_wait3A_1677 = arith.constant 1 : i32
      %dma_wait3A_1678 = arith.constant 11 : i32
      %dma_wait3A_1679 = arith.constant 1 : i32
      %dma_wait3A_1680 = arith.constant 0 : i32
      %dma_wait3A_1681 = arith.constant 0 : i32
      %dma_wait3A_1682 = tpu.memref_slice %arg7[%dma_wait3A_1679, %dma_wait3A_1680, %dma_wait3A_1681] : memref<2x2048x16xf32, #tpu.memory_space<vmem>> -> memref<1x2048x16xf32, #tpu.memory_space<vmem>>
      %dma_wait3A_1683 = tpu.memref_squeeze %dma_wait3A_1682 : memref<1x2048x16xf32, #tpu.memory_space<vmem>> -> memref<2048x16xf32, #tpu.memory_space<vmem>>
      %dma_wait3A_1684 = arith.constant 1408 : i32
      %dma_wait3A_1685 = arith.constant 0 : i32
      %dma_wait3A_1686 = tpu.memref_slice %dma_wait3A_1683[%dma_wait3A_1684, %dma_wait3A_1685] : memref<2048x16xf32, #tpu.memory_space<vmem>> -> memref<128x16xf32, #tpu.memory_space<vmem>>
      %dma_wait3A_1687 = arith.constant 0 : i32
      %dma_wait3A_1688 = arith.constant 0 : i32
      %dma_wait3A_1689 = tpu.memref_slice %arg6[%dma_wait3A_1677, %dma_wait3A_1687, %dma_wait3A_1688] : memref<2x16x128xi32, #tpu.memory_space<vmem>> -> memref<1x16x128xi32, #tpu.memory_space<vmem>>
      %dma_wait3A_1690 = tpu.memref_squeeze %dma_wait3A_1689 : memref<1x16x128xi32, #tpu.memory_space<vmem>> -> memref<16x128xi32, #tpu.memory_space<vmem>>
      %dma_wait3A_1691 = arith.constant 0 : i32
      %dma_wait3A_1692 = tpu.memref_slice %dma_wait3A_1690[%dma_wait3A_1678, %dma_wait3A_1691] : memref<16x128xi32, #tpu.memory_space<vmem>> -> memref<1x128xi32, #tpu.memory_space<vmem>>
      %dma_wait3A_1693 = tpu.memref_squeeze %dma_wait3A_1692 : memref<1x128xi32, #tpu.memory_space<vmem>> -> memref<128xi32, #tpu.memory_space<vmem>>
      %dma_wait3A_1694 = arith.constant 0 : i32
      %dma_wait3A_1695 = arith.constant 0 : i32
      %dma_wait3A_1696 = tpu.memref_slice %arg2[%select_n3A, %dma_wait3A_1694, %dma_wait3A_1695] : memref<4x786432x16xf32, #tpu.memory_space<hbm>> -> memref<1x786432x16xf32, #tpu.memory_space<hbm>>
      %dma_wait3A_1697 = tpu.memref_squeeze %dma_wait3A_1696 : memref<1x786432x16xf32, #tpu.memory_space<hbm>> -> memref<786432x16xf32, #tpu.memory_space<hbm>>
      %dma_wait3A_1698 = arith.constant 0 : i32
      %dma_wait3A_1699 = arith.constant 0 : i32
      %dma_wait3A_1700 = tpu.memref_slice %dma_wait3A_1697[%dma_wait3A_1698, %dma_wait3A_1699] : memref<786432x16xf32, #tpu.memory_space<hbm>> -> memref<786432x16xf32, #tpu.memory_space<hbm>>
      tpu.wait_indirect_dma semaphore(%arg9 : memref<!tpu.dma_semaphore, #tpu.memory_space<semaphore_mem>>) src(%dma_wait3A_1700 : memref<786432x16xf32, #tpu.memory_space<hbm>>) dst(%dma_wait3A_1686 : memref<128x16xf32, #tpu.memory_space<vmem>>)
      %dma_wait3A_1701 = arith.constant 1 : i32
      %dma_wait3A_1702 = arith.constant 12 : i32
      %dma_wait3A_1703 = arith.constant 1 : i32
      %dma_wait3A_1704 = arith.constant 0 : i32
      %dma_wait3A_1705 = arith.constant 0 : i32
      %dma_wait3A_1706 = tpu.memref_slice %arg7[%dma_wait3A_1703, %dma_wait3A_1704, %dma_wait3A_1705] : memref<2x2048x16xf32, #tpu.memory_space<vmem>> -> memref<1x2048x16xf32, #tpu.memory_space<vmem>>
      %dma_wait3A_1707 = tpu.memref_squeeze %dma_wait3A_1706 : memref<1x2048x16xf32, #tpu.memory_space<vmem>> -> memref<2048x16xf32, #tpu.memory_space<vmem>>
      %dma_wait3A_1708 = arith.constant 1536 : i32
      %dma_wait3A_1709 = arith.constant 0 : i32
      %dma_wait3A_1710 = tpu.memref_slice %dma_wait3A_1707[%dma_wait3A_1708, %dma_wait3A_1709] : memref<2048x16xf32, #tpu.memory_space<vmem>> -> memref<128x16xf32, #tpu.memory_space<vmem>>
      %dma_wait3A_1711 = arith.constant 0 : i32
      %dma_wait3A_1712 = arith.constant 0 : i32
      %dma_wait3A_1713 = tpu.memref_slice %arg6[%dma_wait3A_1701, %dma_wait3A_1711, %dma_wait3A_1712] : memref<2x16x128xi32, #tpu.memory_space<vmem>> -> memref<1x16x128xi32, #tpu.memory_space<vmem>>
      %dma_wait3A_1714 = tpu.memref_squeeze %dma_wait3A_1713 : memref<1x16x128xi32, #tpu.memory_space<vmem>> -> memref<16x128xi32, #tpu.memory_space<vmem>>
      %dma_wait3A_1715 = arith.constant 0 : i32
      %dma_wait3A_1716 = tpu.memref_slice %dma_wait3A_1714[%dma_wait3A_1702, %dma_wait3A_1715] : memref<16x128xi32, #tpu.memory_space<vmem>> -> memref<1x128xi32, #tpu.memory_space<vmem>>
      %dma_wait3A_1717 = tpu.memref_squeeze %dma_wait3A_1716 : memref<1x128xi32, #tpu.memory_space<vmem>> -> memref<128xi32, #tpu.memory_space<vmem>>
      %dma_wait3A_1718 = arith.constant 0 : i32
      %dma_wait3A_1719 = arith.constant 0 : i32
      %dma_wait3A_1720 = tpu.memref_slice %arg2[%select_n3A, %dma_wait3A_1718, %dma_wait3A_1719] : memref<4x786432x16xf32, #tpu.memory_space<hbm>> -> memref<1x786432x16xf32, #tpu.memory_space<hbm>>
      %dma_wait3A_1721 = tpu.memref_squeeze %dma_wait3A_1720 : memref<1x786432x16xf32, #tpu.memory_space<hbm>> -> memref<786432x16xf32, #tpu.memory_space<hbm>>
      %dma_wait3A_1722 = arith.constant 0 : i32
      %dma_wait3A_1723 = arith.constant 0 : i32
      %dma_wait3A_1724 = tpu.memref_slice %dma_wait3A_1721[%dma_wait3A_1722, %dma_wait3A_1723] : memref<786432x16xf32, #tpu.memory_space<hbm>> -> memref<786432x16xf32, #tpu.memory_space<hbm>>
      tpu.wait_indirect_dma semaphore(%arg9 : memref<!tpu.dma_semaphore, #tpu.memory_space<semaphore_mem>>) src(%dma_wait3A_1724 : memref<786432x16xf32, #tpu.memory_space<hbm>>) dst(%dma_wait3A_1710 : memref<128x16xf32, #tpu.memory_space<vmem>>)
      %dma_wait3A_1725 = arith.constant 1 : i32
      %dma_wait3A_1726 = arith.constant 13 : i32
      %dma_wait3A_1727 = arith.constant 1 : i32
      %dma_wait3A_1728 = arith.constant 0 : i32
      %dma_wait3A_1729 = arith.constant 0 : i32
      %dma_wait3A_1730 = tpu.memref_slice %arg7[%dma_wait3A_1727, %dma_wait3A_1728, %dma_wait3A_1729] : memref<2x2048x16xf32, #tpu.memory_space<vmem>> -> memref<1x2048x16xf32, #tpu.memory_space<vmem>>
      %dma_wait3A_1731 = tpu.memref_squeeze %dma_wait3A_1730 : memref<1x2048x16xf32, #tpu.memory_space<vmem>> -> memref<2048x16xf32, #tpu.memory_space<vmem>>
      %dma_wait3A_1732 = arith.constant 1664 : i32
      %dma_wait3A_1733 = arith.constant 0 : i32
      %dma_wait3A_1734 = tpu.memref_slice %dma_wait3A_1731[%dma_wait3A_1732, %dma_wait3A_1733] : memref<2048x16xf32, #tpu.memory_space<vmem>> -> memref<128x16xf32, #tpu.memory_space<vmem>>
      %dma_wait3A_1735 = arith.constant 0 : i32
      %dma_wait3A_1736 = arith.constant 0 : i32
      %dma_wait3A_1737 = tpu.memref_slice %arg6[%dma_wait3A_1725, %dma_wait3A_1735, %dma_wait3A_1736] : memref<2x16x128xi32, #tpu.memory_space<vmem>> -> memref<1x16x128xi32, #tpu.memory_space<vmem>>
      %dma_wait3A_1738 = tpu.memref_squeeze %dma_wait3A_1737 : memref<1x16x128xi32, #tpu.memory_space<vmem>> -> memref<16x128xi32, #tpu.memory_space<vmem>>
      %dma_wait3A_1739 = arith.constant 0 : i32
      %dma_wait3A_1740 = tpu.memref_slice %dma_wait3A_1738[%dma_wait3A_1726, %dma_wait3A_1739] : memref<16x128xi32, #tpu.memory_space<vmem>> -> memref<1x128xi32, #tpu.memory_space<vmem>>
      %dma_wait3A_1741 = tpu.memref_squeeze %dma_wait3A_1740 : memref<1x128xi32, #tpu.memory_space<vmem>> -> memref<128xi32, #tpu.memory_space<vmem>>
      %dma_wait3A_1742 = arith.constant 0 : i32
      %dma_wait3A_1743 = arith.constant 0 : i32
      %dma_wait3A_1744 = tpu.memref_slice %arg2[%select_n3A, %dma_wait3A_1742, %dma_wait3A_1743] : memref<4x786432x16xf32, #tpu.memory_space<hbm>> -> memref<1x786432x16xf32, #tpu.memory_space<hbm>>
      %dma_wait3A_1745 = tpu.memref_squeeze %dma_wait3A_1744 : memref<1x786432x16xf32, #tpu.memory_space<hbm>> -> memref<786432x16xf32, #tpu.memory_space<hbm>>
      %dma_wait3A_1746 = arith.constant 0 : i32
      %dma_wait3A_1747 = arith.constant 0 : i32
      %dma_wait3A_1748 = tpu.memref_slice %dma_wait3A_1745[%dma_wait3A_1746, %dma_wait3A_1747] : memref<786432x16xf32, #tpu.memory_space<hbm>> -> memref<786432x16xf32, #tpu.memory_space<hbm>>
      tpu.wait_indirect_dma semaphore(%arg9 : memref<!tpu.dma_semaphore, #tpu.memory_space<semaphore_mem>>) src(%dma_wait3A_1748 : memref<786432x16xf32, #tpu.memory_space<hbm>>) dst(%dma_wait3A_1734 : memref<128x16xf32, #tpu.memory_space<vmem>>)
      %dma_wait3A_1749 = arith.constant 1 : i32
      %dma_wait3A_1750 = arith.constant 14 : i32
      %dma_wait3A_1751 = arith.constant 1 : i32
      %dma_wait3A_1752 = arith.constant 0 : i32
      %dma_wait3A_1753 = arith.constant 0 : i32
      %dma_wait3A_1754 = tpu.memref_slice %arg7[%dma_wait3A_1751, %dma_wait3A_1752, %dma_wait3A_1753] : memref<2x2048x16xf32, #tpu.memory_space<vmem>> -> memref<1x2048x16xf32, #tpu.memory_space<vmem>>
      %dma_wait3A_1755 = tpu.memref_squeeze %dma_wait3A_1754 : memref<1x2048x16xf32, #tpu.memory_space<vmem>> -> memref<2048x16xf32, #tpu.memory_space<vmem>>
      %dma_wait3A_1756 = arith.constant 1792 : i32
      %dma_wait3A_1757 = arith.constant 0 : i32
      %dma_wait3A_1758 = tpu.memref_slice %dma_wait3A_1755[%dma_wait3A_1756, %dma_wait3A_1757] : memref<2048x16xf32, #tpu.memory_space<vmem>> -> memref<128x16xf32, #tpu.memory_space<vmem>>
      %dma_wait3A_1759 = arith.constant 0 : i32
      %dma_wait3A_1760 = arith.constant 0 : i32
      %dma_wait3A_1761 = tpu.memref_slice %arg6[%dma_wait3A_1749, %dma_wait3A_1759, %dma_wait3A_1760] : memref<2x16x128xi32, #tpu.memory_space<vmem>> -> memref<1x16x128xi32, #tpu.memory_space<vmem>>
      %dma_wait3A_1762 = tpu.memref_squeeze %dma_wait3A_1761 : memref<1x16x128xi32, #tpu.memory_space<vmem>> -> memref<16x128xi32, #tpu.memory_space<vmem>>
      %dma_wait3A_1763 = arith.constant 0 : i32
      %dma_wait3A_1764 = tpu.memref_slice %dma_wait3A_1762[%dma_wait3A_1750, %dma_wait3A_1763] : memref<16x128xi32, #tpu.memory_space<vmem>> -> memref<1x128xi32, #tpu.memory_space<vmem>>
      %dma_wait3A_1765 = tpu.memref_squeeze %dma_wait3A_1764 : memref<1x128xi32, #tpu.memory_space<vmem>> -> memref<128xi32, #tpu.memory_space<vmem>>
      %dma_wait3A_1766 = arith.constant 0 : i32
      %dma_wait3A_1767 = arith.constant 0 : i32
      %dma_wait3A_1768 = tpu.memref_slice %arg2[%select_n3A, %dma_wait3A_1766, %dma_wait3A_1767] : memref<4x786432x16xf32, #tpu.memory_space<hbm>> -> memref<1x786432x16xf32, #tpu.memory_space<hbm>>
      %dma_wait3A_1769 = tpu.memref_squeeze %dma_wait3A_1768 : memref<1x786432x16xf32, #tpu.memory_space<hbm>> -> memref<786432x16xf32, #tpu.memory_space<hbm>>
      %dma_wait3A_1770 = arith.constant 0 : i32
      %dma_wait3A_1771 = arith.constant 0 : i32
      %dma_wait3A_1772 = tpu.memref_slice %dma_wait3A_1769[%dma_wait3A_1770, %dma_wait3A_1771] : memref<786432x16xf32, #tpu.memory_space<hbm>> -> memref<786432x16xf32, #tpu.memory_space<hbm>>
      tpu.wait_indirect_dma semaphore(%arg9 : memref<!tpu.dma_semaphore, #tpu.memory_space<semaphore_mem>>) src(%dma_wait3A_1772 : memref<786432x16xf32, #tpu.memory_space<hbm>>) dst(%dma_wait3A_1758 : memref<128x16xf32, #tpu.memory_space<vmem>>)
      %dma_wait3A_1773 = arith.constant 1 : i32
      %dma_wait3A_1774 = arith.constant 15 : i32
      %dma_wait3A_1775 = arith.constant 1 : i32
      %dma_wait3A_1776 = arith.constant 0 : i32
      %dma_wait3A_1777 = arith.constant 0 : i32
      %dma_wait3A_1778 = tpu.memref_slice %arg7[%dma_wait3A_1775, %dma_wait3A_1776, %dma_wait3A_1777] : memref<2x2048x16xf32, #tpu.memory_space<vmem>> -> memref<1x2048x16xf32, #tpu.memory_space<vmem>>
      %dma_wait3A_1779 = tpu.memref_squeeze %dma_wait3A_1778 : memref<1x2048x16xf32, #tpu.memory_space<vmem>> -> memref<2048x16xf32, #tpu.memory_space<vmem>>
      %dma_wait3A_1780 = arith.constant 1920 : i32
      %dma_wait3A_1781 = arith.constant 0 : i32
      %dma_wait3A_1782 = tpu.memref_slice %dma_wait3A_1779[%dma_wait3A_1780, %dma_wait3A_1781] : memref<2048x16xf32, #tpu.memory_space<vmem>> -> memref<128x16xf32, #tpu.memory_space<vmem>>
      %dma_wait3A_1783 = arith.constant 0 : i32
      %dma_wait3A_1784 = arith.constant 0 : i32
      %dma_wait3A_1785 = tpu.memref_slice %arg6[%dma_wait3A_1773, %dma_wait3A_1783, %dma_wait3A_1784] : memref<2x16x128xi32, #tpu.memory_space<vmem>> -> memref<1x16x128xi32, #tpu.memory_space<vmem>>
      %dma_wait3A_1786 = tpu.memref_squeeze %dma_wait3A_1785 : memref<1x16x128xi32, #tpu.memory_space<vmem>> -> memref<16x128xi32, #tpu.memory_space<vmem>>
      %dma_wait3A_1787 = arith.constant 0 : i32
      %dma_wait3A_1788 = tpu.memref_slice %dma_wait3A_1786[%dma_wait3A_1774, %dma_wait3A_1787] : memref<16x128xi32, #tpu.memory_space<vmem>> -> memref<1x128xi32, #tpu.memory_space<vmem>>
      %dma_wait3A_1789 = tpu.memref_squeeze %dma_wait3A_1788 : memref<1x128xi32, #tpu.memory_space<vmem>> -> memref<128xi32, #tpu.memory_space<vmem>>
      %dma_wait3A_1790 = arith.constant 0 : i32
      %dma_wait3A_1791 = arith.constant 0 : i32
      %dma_wait3A_1792 = tpu.memref_slice %arg2[%select_n3A, %dma_wait3A_1790, %dma_wait3A_1791] : memref<4x786432x16xf32, #tpu.memory_space<hbm>> -> memref<1x786432x16xf32, #tpu.memory_space<hbm>>
      %dma_wait3A_1793 = tpu.memref_squeeze %dma_wait3A_1792 : memref<1x786432x16xf32, #tpu.memory_space<hbm>> -> memref<786432x16xf32, #tpu.memory_space<hbm>>
      %dma_wait3A_1794 = arith.constant 0 : i32
      %dma_wait3A_1795 = arith.constant 0 : i32
      %dma_wait3A_1796 = tpu.memref_slice %dma_wait3A_1793[%dma_wait3A_1794, %dma_wait3A_1795] : memref<786432x16xf32, #tpu.memory_space<hbm>> -> memref<786432x16xf32, #tpu.memory_space<hbm>>
      tpu.wait_indirect_dma semaphore(%arg9 : memref<!tpu.dma_semaphore, #tpu.memory_space<semaphore_mem>>) src(%dma_wait3A_1796 : memref<786432x16xf32, #tpu.memory_space<hbm>>) dst(%dma_wait3A_1782 : memref<128x16xf32, #tpu.memory_space<vmem>>)
      %gt3A_1797 = arith.constant 0 : i32
      %gt3A_1798 = arith.cmpi sgt, %add3A_1028, %gt3A_1797 : i32
      %convert_element_type3A_1799 = arith.extui %gt3A_1798 : i1 to i32
      %cond3A_1800 = arith.constant 1 : i32
      %cond3A_1801 = arith.constant 1 : i32
      %cond3A_1802 = arith.constant 0 : i32
      %cond3A_1803 = arith.cmpi ne, %convert_element_type3A_1799, %cond3A_1802 : i32
      scf.if %cond3A_1803 {
        %scan3A_1825 = arith.constant 0 : i32
        %scan3A_1826 = arith.constant 0 : i32
        %scan3A_1827 = arith.constant 128 : i32
        %scan3A_1828 = arith.addi %scan3A_1826, %scan3A_1827 : i32
        %scan3A_1829 = arith.constant 1 : i32
        %scan3A_1830 = scf.for %scan3A_1832 = %scan3A_1826 to %scan3A_1828 step %scan3A_1829 iter_args(%scan3A_1833 = %scan3A_1825) -> (i32)  : i32 {
          %mul3A_1834 = arith.constant 16 : i32
          %mul3A_1835 = arith.muli %scan3A_1832, %mul3A_1834 : i32
          %get3A_1836 = arith.constant 0 : i32
          %get3A_1837 = tpu.memref_slice %arg5[%cond3A_1800, %get3A_1836] : memref<2x2048xi32, #tpu.memory_space<vmem>> -> memref<1x2048xi32, #tpu.memory_space<vmem>>
          %get3A_1838 = tpu.memref_squeeze %get3A_1837 : memref<1x2048xi32, #tpu.memory_space<vmem>> -> memref<2048xi32, #tpu.memory_space<vmem>>
          %get3A_1839 = arith.index_cast %mul3A_1835 : i32 to index
          %get3A_1840 = tpu.vector_load %get3A_1838[%get3A_1839] {strides = array<i32>} : memref<2048xi32, #tpu.memory_space<vmem>>, vector<16xi32>,
          %get3A_1841 = vector.shape_cast %get3A_1840 : vector<16xi32> to vector<16xi32>
          %slice3A_1842 = vector.extract_strided_slice %get3A_1841 {offsets = [0], sizes = [1], strides = [1]} : vector<16xi32> to vector<1xi32>
          %squeeze3A_1843 = vector.extract %slice3A_1842[0] : i32 from vector<1xi32>
          %eq3A_1844 = arith.constant 786432 : i32
          %eq3A_1845 = arith.cmpi eq, %squeeze3A_1843, %eq3A_1844 : i32
          %jit3A_1846 = arith.constant 0.000000e+00 : f32
          %jit3A_1847 = arith.constant 1.000000e+00 : f32
          %select_n3A_1848 = arith.select %eq3A_1845, %jit3A_1846, %jit3A_1847 : f32
          %mul3A_1849 = arith.constant 16 : i32
          %mul3A_1850 = arith.muli %scan3A_1832, %mul3A_1849 : i32
          %add3A_1851 = arith.constant 0 : i32
          %add3A_1852 = arith.addi %mul3A_1850, %add3A_1851 : i32
          %get3A_1853 = arith.constant 0 : i32
          %get3A_1854 = arith.constant 0 : i32
          %get3A_1855 = tpu.memref_slice %arg7[%cond3A_1801, %get3A_1853, %get3A_1854] : memref<2x2048x16xf32, #tpu.memory_space<vmem>> -> memref<1x2048x16xf32, #tpu.memory_space<vmem>>
          %get3A_1856 = tpu.memref_squeeze %get3A_1855 : memref<1x2048x16xf32, #tpu.memory_space<vmem>> -> memref<2048x16xf32, #tpu.memory_space<vmem>>
          %get3A_1857 = arith.index_cast %add3A_1852 : i32 to index
          %get3A_1858 = arith.constant 0 : index
          %get3A_1859 = tpu.vector_load %get3A_1856[%get3A_1857, %get3A_1858] {strides = array<i32>} : memref<2048x16xf32, #tpu.memory_space<vmem>>, vector<1x16xf32>,
          %get3A_1860 = vector.shape_cast %get3A_1859 : vector<1x16xf32> to vector<16xf32>
          %mul3A_1861 = vector.broadcast %select_n3A_1848 : f32 to vector<16xf32>
          %mul3A_1862 = arith.mulf %get3A_1860, %mul3A_1861 : vector<16xf32>
          %swap3A_1863 = arith.constant 0 : i32
          %swap3A_1864 = arith.constant 0 : i32
          %swap3A_1865 = tpu.memref_slice %arg7[%cond3A_1801, %swap3A_1863, %swap3A_1864] : memref<2x2048x16xf32, #tpu.memory_space<vmem>> -> memref<1x2048x16xf32, #tpu.memory_space<vmem>>
          %swap3A_1866 = tpu.memref_squeeze %swap3A_1865 : memref<1x2048x16xf32, #tpu.memory_space<vmem>> -> memref<2048x16xf32, #tpu.memory_space<vmem>>
          %swap3A_1867 = arith.index_cast %add3A_1852 : i32 to index
          %swap3A_1868 = arith.constant 0 : index
          %swap3A_1869 = tpu.vector_load %swap3A_1866[%swap3A_1867, %swap3A_1868] {strides = array<i32>} : memref<2048x16xf32, #tpu.memory_space<vmem>>, vector<1x16xf32>,
          %swap3A_1870 = vector.shape_cast %swap3A_1869 : vector<1x16xf32> to vector<16xf32>
          %swap3A_1871 = vector.shape_cast %mul3A_1862 : vector<16xf32> to vector<1x16xf32>
          tpu.vector_store %swap3A_1866[%swap3A_1867, %swap3A_1868], %swap3A_1871 {strides = array<i32>} : memref<2048x16xf32, #tpu.memory_space<vmem>>, vector<1x16xf32>,
          %slice3A_1872 = vector.extract_strided_slice %get3A_1841 {offsets = [1], sizes = [1], strides = [1]} : vector<16xi32> to vector<1xi32>
          %squeeze3A_1873 = vector.extract %slice3A_1872[0] : i32 from vector<1xi32>
          %eq3A_1874 = arith.constant 786432 : i32
          %eq3A_1875 = arith.cmpi eq, %squeeze3A_1873, %eq3A_1874 : i32
          %jit3A_1876 = arith.constant 0.000000e+00 : f32
          %jit3A_1877 = arith.constant 1.000000e+00 : f32
          %select_n3A_1878 = arith.select %eq3A_1875, %jit3A_1876, %jit3A_1877 : f32
          %mul3A_1879 = arith.constant 16 : i32
          %mul3A_1880 = arith.muli %scan3A_1832, %mul3A_1879 : i32
          %add3A_1881 = arith.constant 1 : i32
          %add3A_1882 = arith.addi %mul3A_1880, %add3A_1881 : i32
          %get3A_1883 = arith.constant 0 : i32
          %get3A_1884 = arith.constant 0 : i32
          %get3A_1885 = tpu.memref_slice %arg7[%cond3A_1801, %get3A_1883, %get3A_1884] : memref<2x2048x16xf32, #tpu.memory_space<vmem>> -> memref<1x2048x16xf32, #tpu.memory_space<vmem>>
          %get3A_1886 = tpu.memref_squeeze %get3A_1885 : memref<1x2048x16xf32, #tpu.memory_space<vmem>> -> memref<2048x16xf32, #tpu.memory_space<vmem>>
          %get3A_1887 = arith.index_cast %add3A_1882 : i32 to index
          %get3A_1888 = arith.constant 0 : index
          %get3A_1889 = tpu.vector_load %get3A_1886[%get3A_1887, %get3A_1888] {strides = array<i32>} : memref<2048x16xf32, #tpu.memory_space<vmem>>, vector<1x16xf32>,
          %get3A_1890 = vector.shape_cast %get3A_1889 : vector<1x16xf32> to vector<16xf32>
          %mul3A_1891 = vector.broadcast %select_n3A_1878 : f32 to vector<16xf32>
          %mul3A_1892 = arith.mulf %get3A_1890, %mul3A_1891 : vector<16xf32>
          %swap3A_1893 = arith.constant 0 : i32
          %swap3A_1894 = arith.constant 0 : i32
          %swap3A_1895 = tpu.memref_slice %arg7[%cond3A_1801, %swap3A_1893, %swap3A_1894] : memref<2x2048x16xf32, #tpu.memory_space<vmem>> -> memref<1x2048x16xf32, #tpu.memory_space<vmem>>
          %swap3A_1896 = tpu.memref_squeeze %swap3A_1895 : memref<1x2048x16xf32, #tpu.memory_space<vmem>> -> memref<2048x16xf32, #tpu.memory_space<vmem>>
          %swap3A_1897 = arith.index_cast %add3A_1882 : i32 to index
          %swap3A_1898 = arith.constant 0 : index
          %swap3A_1899 = tpu.vector_load %swap3A_1896[%swap3A_1897, %swap3A_1898] {strides = array<i32>} : memref<2048x16xf32, #tpu.memory_space<vmem>>, vector<1x16xf32>,
          %swap3A_1900 = vector.shape_cast %swap3A_1899 : vector<1x16xf32> to vector<16xf32>
          %swap3A_1901 = vector.shape_cast %mul3A_1892 : vector<16xf32> to vector<1x16xf32>
          tpu.vector_store %swap3A_1896[%swap3A_1897, %swap3A_1898], %swap3A_1901 {strides = array<i32>} : memref<2048x16xf32, #tpu.memory_space<vmem>>, vector<1x16xf32>,
          %slice3A_1902 = vector.extract_strided_slice %get3A_1841 {offsets = [2], sizes = [1], strides = [1]} : vector<16xi32> to vector<1xi32>
          %squeeze3A_1903 = vector.extract %slice3A_1902[0] : i32 from vector<1xi32>
          %eq3A_1904 = arith.constant 786432 : i32
          %eq3A_1905 = arith.cmpi eq, %squeeze3A_1903, %eq3A_1904 : i32
          %jit3A_1906 = arith.constant 0.000000e+00 : f32
          %jit3A_1907 = arith.constant 1.000000e+00 : f32
          %select_n3A_1908 = arith.select %eq3A_1905, %jit3A_1906, %jit3A_1907 : f32
          %mul3A_1909 = arith.constant 16 : i32
          %mul3A_1910 = arith.muli %scan3A_1832, %mul3A_1909 : i32
          %add3A_1911 = arith.constant 2 : i32
          %add3A_1912 = arith.addi %mul3A_1910, %add3A_1911 : i32
          %get3A_1913 = arith.constant 0 : i32
          %get3A_1914 = arith.constant 0 : i32
          %get3A_1915 = tpu.memref_slice %arg7[%cond3A_1801, %get3A_1913, %get3A_1914] : memref<2x2048x16xf32, #tpu.memory_space<vmem>> -> memref<1x2048x16xf32, #tpu.memory_space<vmem>>
          %get3A_1916 = tpu.memref_squeeze %get3A_1915 : memref<1x2048x16xf32, #tpu.memory_space<vmem>> -> memref<2048x16xf32, #tpu.memory_space<vmem>>
          %get3A_1917 = arith.index_cast %add3A_1912 : i32 to index
          %get3A_1918 = arith.constant 0 : index
          %get3A_1919 = tpu.vector_load %get3A_1916[%get3A_1917, %get3A_1918] {strides = array<i32>} : memref<2048x16xf32, #tpu.memory_space<vmem>>, vector<1x16xf32>,
          %get3A_1920 = vector.shape_cast %get3A_1919 : vector<1x16xf32> to vector<16xf32>
          %mul3A_1921 = vector.broadcast %select_n3A_1908 : f32 to vector<16xf32>
          %mul3A_1922 = arith.mulf %get3A_1920, %mul3A_1921 : vector<16xf32>
          %swap3A_1923 = arith.constant 0 : i32
          %swap3A_1924 = arith.constant 0 : i32
          %swap3A_1925 = tpu.memref_slice %arg7[%cond3A_1801, %swap3A_1923, %swap3A_1924] : memref<2x2048x16xf32, #tpu.memory_space<vmem>> -> memref<1x2048x16xf32, #tpu.memory_space<vmem>>
          %swap3A_1926 = tpu.memref_squeeze %swap3A_1925 : memref<1x2048x16xf32, #tpu.memory_space<vmem>> -> memref<2048x16xf32, #tpu.memory_space<vmem>>
          %swap3A_1927 = arith.index_cast %add3A_1912 : i32 to index
          %swap3A_1928 = arith.constant 0 : index
          %swap3A_1929 = tpu.vector_load %swap3A_1926[%swap3A_1927, %swap3A_1928] {strides = array<i32>} : memref<2048x16xf32, #tpu.memory_space<vmem>>, vector<1x16xf32>,
          %swap3A_1930 = vector.shape_cast %swap3A_1929 : vector<1x16xf32> to vector<16xf32>
          %swap3A_1931 = vector.shape_cast %mul3A_1922 : vector<16xf32> to vector<1x16xf32>
          tpu.vector_store %swap3A_1926[%swap3A_1927, %swap3A_1928], %swap3A_1931 {strides = array<i32>} : memref<2048x16xf32, #tpu.memory_space<vmem>>, vector<1x16xf32>,
          %slice3A_1932 = vector.extract_strided_slice %get3A_1841 {offsets = [3], sizes = [1], strides = [1]} : vector<16xi32> to vector<1xi32>
          %squeeze3A_1933 = vector.extract %slice3A_1932[0] : i32 from vector<1xi32>
          %eq3A_1934 = arith.constant 786432 : i32
          %eq3A_1935 = arith.cmpi eq, %squeeze3A_1933, %eq3A_1934 : i32
          %jit3A_1936 = arith.constant 0.000000e+00 : f32
          %jit3A_1937 = arith.constant 1.000000e+00 : f32
          %select_n3A_1938 = arith.select %eq3A_1935, %jit3A_1936, %jit3A_1937 : f32
          %mul3A_1939 = arith.constant 16 : i32
          %mul3A_1940 = arith.muli %scan3A_1832, %mul3A_1939 : i32
          %add3A_1941 = arith.constant 3 : i32
          %add3A_1942 = arith.addi %mul3A_1940, %add3A_1941 : i32
          %get3A_1943 = arith.constant 0 : i32
          %get3A_1944 = arith.constant 0 : i32
          %get3A_1945 = tpu.memref_slice %arg7[%cond3A_1801, %get3A_1943, %get3A_1944] : memref<2x2048x16xf32, #tpu.memory_space<vmem>> -> memref<1x2048x16xf32, #tpu.memory_space<vmem>>
          %get3A_1946 = tpu.memref_squeeze %get3A_1945 : memref<1x2048x16xf32, #tpu.memory_space<vmem>> -> memref<2048x16xf32, #tpu.memory_space<vmem>>
          %get3A_1947 = arith.index_cast %add3A_1942 : i32 to index
          %get3A_1948 = arith.constant 0 : index
          %get3A_1949 = tpu.vector_load %get3A_1946[%get3A_1947, %get3A_1948] {strides = array<i32>} : memref<2048x16xf32, #tpu.memory_space<vmem>>, vector<1x16xf32>,
          %get3A_1950 = vector.shape_cast %get3A_1949 : vector<1x16xf32> to vector<16xf32>
          %mul3A_1951 = vector.broadcast %select_n3A_1938 : f32 to vector<16xf32>
          %mul3A_1952 = arith.mulf %get3A_1950, %mul3A_1951 : vector<16xf32>
          %swap3A_1953 = arith.constant 0 : i32
          %swap3A_1954 = arith.constant 0 : i32
          %swap3A_1955 = tpu.memref_slice %arg7[%cond3A_1801, %swap3A_1953, %swap3A_1954] : memref<2x2048x16xf32, #tpu.memory_space<vmem>> -> memref<1x2048x16xf32, #tpu.memory_space<vmem>>
          %swap3A_1956 = tpu.memref_squeeze %swap3A_1955 : memref<1x2048x16xf32, #tpu.memory_space<vmem>> -> memref<2048x16xf32, #tpu.memory_space<vmem>>
          %swap3A_1957 = arith.index_cast %add3A_1942 : i32 to index
          %swap3A_1958 = arith.constant 0 : index
          %swap3A_1959 = tpu.vector_load %swap3A_1956[%swap3A_1957, %swap3A_1958] {strides = array<i32>} : memref<2048x16xf32, #tpu.memory_space<vmem>>, vector<1x16xf32>,
          %swap3A_1960 = vector.shape_cast %swap3A_1959 : vector<1x16xf32> to vector<16xf32>
          %swap3A_1961 = vector.shape_cast %mul3A_1952 : vector<16xf32> to vector<1x16xf32>
          tpu.vector_store %swap3A_1956[%swap3A_1957, %swap3A_1958], %swap3A_1961 {strides = array<i32>} : memref<2048x16xf32, #tpu.memory_space<vmem>>, vector<1x16xf32>,
          %slice3A_1962 = vector.extract_strided_slice %get3A_1841 {offsets = [4], sizes = [1], strides = [1]} : vector<16xi32> to vector<1xi32>
          %squeeze3A_1963 = vector.extract %slice3A_1962[0] : i32 from vector<1xi32>
          %eq3A_1964 = arith.constant 786432 : i32
          %eq3A_1965 = arith.cmpi eq, %squeeze3A_1963, %eq3A_1964 : i32
          %jit3A_1966 = arith.constant 0.000000e+00 : f32
          %jit3A_1967 = arith.constant 1.000000e+00 : f32
          %select_n3A_1968 = arith.select %eq3A_1965, %jit3A_1966, %jit3A_1967 : f32
          %mul3A_1969 = arith.constant 16 : i32
          %mul3A_1970 = arith.muli %scan3A_1832, %mul3A_1969 : i32
          %add3A_1971 = arith.constant 4 : i32
          %add3A_1972 = arith.addi %mul3A_1970, %add3A_1971 : i32
          %get3A_1973 = arith.constant 0 : i32
          %get3A_1974 = arith.constant 0 : i32
          %get3A_1975 = tpu.memref_slice %arg7[%cond3A_1801, %get3A_1973, %get3A_1974] : memref<2x2048x16xf32, #tpu.memory_space<vmem>> -> memref<1x2048x16xf32, #tpu.memory_space<vmem>>
          %get3A_1976 = tpu.memref_squeeze %get3A_1975 : memref<1x2048x16xf32, #tpu.memory_space<vmem>> -> memref<2048x16xf32, #tpu.memory_space<vmem>>
          %get3A_1977 = arith.index_cast %add3A_1972 : i32 to index
          %get3A_1978 = arith.constant 0 : index
          %get3A_1979 = tpu.vector_load %get3A_1976[%get3A_1977, %get3A_1978] {strides = array<i32>} : memref<2048x16xf32, #tpu.memory_space<vmem>>, vector<1x16xf32>,
          %get3A_1980 = vector.shape_cast %get3A_1979 : vector<1x16xf32> to vector<16xf32>
          %mul3A_1981 = vector.broadcast %select_n3A_1968 : f32 to vector<16xf32>
          %mul3A_1982 = arith.mulf %get3A_1980, %mul3A_1981 : vector<16xf32>
          %swap3A_1983 = arith.constant 0 : i32
          %swap3A_1984 = arith.constant 0 : i32
          %swap3A_1985 = tpu.memref_slice %arg7[%cond3A_1801, %swap3A_1983, %swap3A_1984] : memref<2x2048x16xf32, #tpu.memory_space<vmem>> -> memref<1x2048x16xf32, #tpu.memory_space<vmem>>
          %swap3A_1986 = tpu.memref_squeeze %swap3A_1985 : memref<1x2048x16xf32, #tpu.memory_space<vmem>> -> memref<2048x16xf32, #tpu.memory_space<vmem>>
          %swap3A_1987 = arith.index_cast %add3A_1972 : i32 to index
          %swap3A_1988 = arith.constant 0 : index
          %swap3A_1989 = tpu.vector_load %swap3A_1986[%swap3A_1987, %swap3A_1988] {strides = array<i32>} : memref<2048x16xf32, #tpu.memory_space<vmem>>, vector<1x16xf32>,
          %swap3A_1990 = vector.shape_cast %swap3A_1989 : vector<1x16xf32> to vector<16xf32>
          %swap3A_1991 = vector.shape_cast %mul3A_1982 : vector<16xf32> to vector<1x16xf32>
          tpu.vector_store %swap3A_1986[%swap3A_1987, %swap3A_1988], %swap3A_1991 {strides = array<i32>} : memref<2048x16xf32, #tpu.memory_space<vmem>>, vector<1x16xf32>,
          %slice3A_1992 = vector.extract_strided_slice %get3A_1841 {offsets = [5], sizes = [1], strides = [1]} : vector<16xi32> to vector<1xi32>
          %squeeze3A_1993 = vector.extract %slice3A_1992[0] : i32 from vector<1xi32>
          %eq3A_1994 = arith.constant 786432 : i32
          %eq3A_1995 = arith.cmpi eq, %squeeze3A_1993, %eq3A_1994 : i32
          %jit3A_1996 = arith.constant 0.000000e+00 : f32
          %jit3A_1997 = arith.constant 1.000000e+00 : f32
          %select_n3A_1998 = arith.select %eq3A_1995, %jit3A_1996, %jit3A_1997 : f32
          %mul3A_1999 = arith.constant 16 : i32
          %mul3A_2000 = arith.muli %scan3A_1832, %mul3A_1999 : i32
          %add3A_2001 = arith.constant 5 : i32
          %add3A_2002 = arith.addi %mul3A_2000, %add3A_2001 : i32
          %get3A_2003 = arith.constant 0 : i32
          %get3A_2004 = arith.constant 0 : i32
          %get3A_2005 = tpu.memref_slice %arg7[%cond3A_1801, %get3A_2003, %get3A_2004] : memref<2x2048x16xf32, #tpu.memory_space<vmem>> -> memref<1x2048x16xf32, #tpu.memory_space<vmem>>
          %get3A_2006 = tpu.memref_squeeze %get3A_2005 : memref<1x2048x16xf32, #tpu.memory_space<vmem>> -> memref<2048x16xf32, #tpu.memory_space<vmem>>
          %get3A_2007 = arith.index_cast %add3A_2002 : i32 to index
          %get3A_2008 = arith.constant 0 : index
          %get3A_2009 = tpu.vector_load %get3A_2006[%get3A_2007, %get3A_2008] {strides = array<i32>} : memref<2048x16xf32, #tpu.memory_space<vmem>>, vector<1x16xf32>,
          %get3A_2010 = vector.shape_cast %get3A_2009 : vector<1x16xf32> to vector<16xf32>
          %mul3A_2011 = vector.broadcast %select_n3A_1998 : f32 to vector<16xf32>
          %mul3A_2012 = arith.mulf %get3A_2010, %mul3A_2011 : vector<16xf32>
          %swap3A_2013 = arith.constant 0 : i32
          %swap3A_2014 = arith.constant 0 : i32
          %swap3A_2015 = tpu.memref_slice %arg7[%cond3A_1801, %swap3A_2013, %swap3A_2014] : memref<2x2048x16xf32, #tpu.memory_space<vmem>> -> memref<1x2048x16xf32, #tpu.memory_space<vmem>>
          %swap3A_2016 = tpu.memref_squeeze %swap3A_2015 : memref<1x2048x16xf32, #tpu.memory_space<vmem>> -> memref<2048x16xf32, #tpu.memory_space<vmem>>
          %swap3A_2017 = arith.index_cast %add3A_2002 : i32 to index
          %swap3A_2018 = arith.constant 0 : index
          %swap3A_2019 = tpu.vector_load %swap3A_2016[%swap3A_2017, %swap3A_2018] {strides = array<i32>} : memref<2048x16xf32, #tpu.memory_space<vmem>>, vector<1x16xf32>,
          %swap3A_2020 = vector.shape_cast %swap3A_2019 : vector<1x16xf32> to vector<16xf32>
          %swap3A_2021 = vector.shape_cast %mul3A_2012 : vector<16xf32> to vector<1x16xf32>
          tpu.vector_store %swap3A_2016[%swap3A_2017, %swap3A_2018], %swap3A_2021 {strides = array<i32>} : memref<2048x16xf32, #tpu.memory_space<vmem>>, vector<1x16xf32>,
          %slice3A_2022 = vector.extract_strided_slice %get3A_1841 {offsets = [6], sizes = [1], strides = [1]} : vector<16xi32> to vector<1xi32>
          %squeeze3A_2023 = vector.extract %slice3A_2022[0] : i32 from vector<1xi32>
          %eq3A_2024 = arith.constant 786432 : i32
          %eq3A_2025 = arith.cmpi eq, %squeeze3A_2023, %eq3A_2024 : i32
          %jit3A_2026 = arith.constant 0.000000e+00 : f32
          %jit3A_2027 = arith.constant 1.000000e+00 : f32
          %select_n3A_2028 = arith.select %eq3A_2025, %jit3A_2026, %jit3A_2027 : f32
          %mul3A_2029 = arith.constant 16 : i32
          %mul3A_2030 = arith.muli %scan3A_1832, %mul3A_2029 : i32
          %add3A_2031 = arith.constant 6 : i32
          %add3A_2032 = arith.addi %mul3A_2030, %add3A_2031 : i32
          %get3A_2033 = arith.constant 0 : i32
          %get3A_2034 = arith.constant 0 : i32
          %get3A_2035 = tpu.memref_slice %arg7[%cond3A_1801, %get3A_2033, %get3A_2034] : memref<2x2048x16xf32, #tpu.memory_space<vmem>> -> memref<1x2048x16xf32, #tpu.memory_space<vmem>>
          %get3A_2036 = tpu.memref_squeeze %get3A_2035 : memref<1x2048x16xf32, #tpu.memory_space<vmem>> -> memref<2048x16xf32, #tpu.memory_space<vmem>>
          %get3A_2037 = arith.index_cast %add3A_2032 : i32 to index
          %get3A_2038 = arith.constant 0 : index
          %get3A_2039 = tpu.vector_load %get3A_2036[%get3A_2037, %get3A_2038] {strides = array<i32>} : memref<2048x16xf32, #tpu.memory_space<vmem>>, vector<1x16xf32>,
          %get3A_2040 = vector.shape_cast %get3A_2039 : vector<1x16xf32> to vector<16xf32>
          %mul3A_2041 = vector.broadcast %select_n3A_2028 : f32 to vector<16xf32>
          %mul3A_2042 = arith.mulf %get3A_2040, %mul3A_2041 : vector<16xf32>
          %swap3A_2043 = arith.constant 0 : i32
          %swap3A_2044 = arith.constant 0 : i32
          %swap3A_2045 = tpu.memref_slice %arg7[%cond3A_1801, %swap3A_2043, %swap3A_2044] : memref<2x2048x16xf32, #tpu.memory_space<vmem>> -> memref<1x2048x16xf32, #tpu.memory_space<vmem>>
          %swap3A_2046 = tpu.memref_squeeze %swap3A_2045 : memref<1x2048x16xf32, #tpu.memory_space<vmem>> -> memref<2048x16xf32, #tpu.memory_space<vmem>>
          %swap3A_2047 = arith.index_cast %add3A_2032 : i32 to index
          %swap3A_2048 = arith.constant 0 : index
          %swap3A_2049 = tpu.vector_load %swap3A_2046[%swap3A_2047, %swap3A_2048] {strides = array<i32>} : memref<2048x16xf32, #tpu.memory_space<vmem>>, vector<1x16xf32>,
          %swap3A_2050 = vector.shape_cast %swap3A_2049 : vector<1x16xf32> to vector<16xf32>
          %swap3A_2051 = vector.shape_cast %mul3A_2042 : vector<16xf32> to vector<1x16xf32>
          tpu.vector_store %swap3A_2046[%swap3A_2047, %swap3A_2048], %swap3A_2051 {strides = array<i32>} : memref<2048x16xf32, #tpu.memory_space<vmem>>, vector<1x16xf32>,
          %slice3A_2052 = vector.extract_strided_slice %get3A_1841 {offsets = [7], sizes = [1], strides = [1]} : vector<16xi32> to vector<1xi32>
          %squeeze3A_2053 = vector.extract %slice3A_2052[0] : i32 from vector<1xi32>
          %eq3A_2054 = arith.constant 786432 : i32
          %eq3A_2055 = arith.cmpi eq, %squeeze3A_2053, %eq3A_2054 : i32
          %jit3A_2056 = arith.constant 0.000000e+00 : f32
          %jit3A_2057 = arith.constant 1.000000e+00 : f32
          %select_n3A_2058 = arith.select %eq3A_2055, %jit3A_2056, %jit3A_2057 : f32
          %mul3A_2059 = arith.constant 16 : i32
          %mul3A_2060 = arith.muli %scan3A_1832, %mul3A_2059 : i32
          %add3A_2061 = arith.constant 7 : i32
          %add3A_2062 = arith.addi %mul3A_2060, %add3A_2061 : i32
          %get3A_2063 = arith.constant 0 : i32
          %get3A_2064 = arith.constant 0 : i32
          %get3A_2065 = tpu.memref_slice %arg7[%cond3A_1801, %get3A_2063, %get3A_2064] : memref<2x2048x16xf32, #tpu.memory_space<vmem>> -> memref<1x2048x16xf32, #tpu.memory_space<vmem>>
          %get3A_2066 = tpu.memref_squeeze %get3A_2065 : memref<1x2048x16xf32, #tpu.memory_space<vmem>> -> memref<2048x16xf32, #tpu.memory_space<vmem>>
          %get3A_2067 = arith.index_cast %add3A_2062 : i32 to index
          %get3A_2068 = arith.constant 0 : index
          %get3A_2069 = tpu.vector_load %get3A_2066[%get3A_2067, %get3A_2068] {strides = array<i32>} : memref<2048x16xf32, #tpu.memory_space<vmem>>, vector<1x16xf32>,
          %get3A_2070 = vector.shape_cast %get3A_2069 : vector<1x16xf32> to vector<16xf32>
          %mul3A_2071 = vector.broadcast %select_n3A_2058 : f32 to vector<16xf32>
          %mul3A_2072 = arith.mulf %get3A_2070, %mul3A_2071 : vector<16xf32>
          %swap3A_2073 = arith.constant 0 : i32
          %swap3A_2074 = arith.constant 0 : i32
          %swap3A_2075 = tpu.memref_slice %arg7[%cond3A_1801, %swap3A_2073, %swap3A_2074] : memref<2x2048x16xf32, #tpu.memory_space<vmem>> -> memref<1x2048x16xf32, #tpu.memory_space<vmem>>
          %swap3A_2076 = tpu.memref_squeeze %swap3A_2075 : memref<1x2048x16xf32, #tpu.memory_space<vmem>> -> memref<2048x16xf32, #tpu.memory_space<vmem>>
          %swap3A_2077 = arith.index_cast %add3A_2062 : i32 to index
          %swap3A_2078 = arith.constant 0 : index
          %swap3A_2079 = tpu.vector_load %swap3A_2076[%swap3A_2077, %swap3A_2078] {strides = array<i32>} : memref<2048x16xf32, #tpu.memory_space<vmem>>, vector<1x16xf32>,
          %swap3A_2080 = vector.shape_cast %swap3A_2079 : vector<1x16xf32> to vector<16xf32>
          %swap3A_2081 = vector.shape_cast %mul3A_2072 : vector<16xf32> to vector<1x16xf32>
          tpu.vector_store %swap3A_2076[%swap3A_2077, %swap3A_2078], %swap3A_2081 {strides = array<i32>} : memref<2048x16xf32, #tpu.memory_space<vmem>>, vector<1x16xf32>,
          %slice3A_2082 = vector.extract_strided_slice %get3A_1841 {offsets = [8], sizes = [1], strides = [1]} : vector<16xi32> to vector<1xi32>
          %squeeze3A_2083 = vector.extract %slice3A_2082[0] : i32 from vector<1xi32>
          %eq3A_2084 = arith.constant 786432 : i32
          %eq3A_2085 = arith.cmpi eq, %squeeze3A_2083, %eq3A_2084 : i32
          %jit3A_2086 = arith.constant 0.000000e+00 : f32
          %jit3A_2087 = arith.constant 1.000000e+00 : f32
          %select_n3A_2088 = arith.select %eq3A_2085, %jit3A_2086, %jit3A_2087 : f32
          %mul3A_2089 = arith.constant 16 : i32
          %mul3A_2090 = arith.muli %scan3A_1832, %mul3A_2089 : i32
          %add3A_2091 = arith.constant 8 : i32
          %add3A_2092 = arith.addi %mul3A_2090, %add3A_2091 : i32
          %get3A_2093 = arith.constant 0 : i32
          %get3A_2094 = arith.constant 0 : i32
          %get3A_2095 = tpu.memref_slice %arg7[%cond3A_1801, %get3A_2093, %get3A_2094] : memref<2x2048x16xf32, #tpu.memory_space<vmem>> -> memref<1x2048x16xf32, #tpu.memory_space<vmem>>
          %get3A_2096 = tpu.memref_squeeze %get3A_2095 : memref<1x2048x16xf32, #tpu.memory_space<vmem>> -> memref<2048x16xf32, #tpu.memory_space<vmem>>
          %get3A_2097 = arith.index_cast %add3A_2092 : i32 to index
          %get3A_2098 = arith.constant 0 : index
          %get3A_2099 = tpu.vector_load %get3A_2096[%get3A_2097, %get3A_2098] {strides = array<i32>} : memref<2048x16xf32, #tpu.memory_space<vmem>>, vector<1x16xf32>,
          %get3A_2100 = vector.shape_cast %get3A_2099 : vector<1x16xf32> to vector<16xf32>
          %mul3A_2101 = vector.broadcast %select_n3A_2088 : f32 to vector<16xf32>
          %mul3A_2102 = arith.mulf %get3A_2100, %mul3A_2101 : vector<16xf32>
          %swap3A_2103 = arith.constant 0 : i32
          %swap3A_2104 = arith.constant 0 : i32
          %swap3A_2105 = tpu.memref_slice %arg7[%cond3A_1801, %swap3A_2103, %swap3A_2104] : memref<2x2048x16xf32, #tpu.memory_space<vmem>> -> memref<1x2048x16xf32, #tpu.memory_space<vmem>>
          %swap3A_2106 = tpu.memref_squeeze %swap3A_2105 : memref<1x2048x16xf32, #tpu.memory_space<vmem>> -> memref<2048x16xf32, #tpu.memory_space<vmem>>
          %swap3A_2107 = arith.index_cast %add3A_2092 : i32 to index
          %swap3A_2108 = arith.constant 0 : index
          %swap3A_2109 = tpu.vector_load %swap3A_2106[%swap3A_2107, %swap3A_2108] {strides = array<i32>} : memref<2048x16xf32, #tpu.memory_space<vmem>>, vector<1x16xf32>,
          %swap3A_2110 = vector.shape_cast %swap3A_2109 : vector<1x16xf32> to vector<16xf32>
          %swap3A_2111 = vector.shape_cast %mul3A_2102 : vector<16xf32> to vector<1x16xf32>
          tpu.vector_store %swap3A_2106[%swap3A_2107, %swap3A_2108], %swap3A_2111 {strides = array<i32>} : memref<2048x16xf32, #tpu.memory_space<vmem>>, vector<1x16xf32>,
          %slice3A_2112 = vector.extract_strided_slice %get3A_1841 {offsets = [9], sizes = [1], strides = [1]} : vector<16xi32> to vector<1xi32>
          %squeeze3A_2113 = vector.extract %slice3A_2112[0] : i32 from vector<1xi32>
          %eq3A_2114 = arith.constant 786432 : i32
          %eq3A_2115 = arith.cmpi eq, %squeeze3A_2113, %eq3A_2114 : i32
          %jit3A_2116 = arith.constant 0.000000e+00 : f32
          %jit3A_2117 = arith.constant 1.000000e+00 : f32
          %select_n3A_2118 = arith.select %eq3A_2115, %jit3A_2116, %jit3A_2117 : f32
          %mul3A_2119 = arith.constant 16 : i32
          %mul3A_2120 = arith.muli %scan3A_1832, %mul3A_2119 : i32
          %add3A_2121 = arith.constant 9 : i32
          %add3A_2122 = arith.addi %mul3A_2120, %add3A_2121 : i32
          %get3A_2123 = arith.constant 0 : i32
          %get3A_2124 = arith.constant 0 : i32
          %get3A_2125 = tpu.memref_slice %arg7[%cond3A_1801, %get3A_2123, %get3A_2124] : memref<2x2048x16xf32, #tpu.memory_space<vmem>> -> memref<1x2048x16xf32, #tpu.memory_space<vmem>>
          %get3A_2126 = tpu.memref_squeeze %get3A_2125 : memref<1x2048x16xf32, #tpu.memory_space<vmem>> -> memref<2048x16xf32, #tpu.memory_space<vmem>>
          %get3A_2127 = arith.index_cast %add3A_2122 : i32 to index
          %get3A_2128 = arith.constant 0 : index
          %get3A_2129 = tpu.vector_load %get3A_2126[%get3A_2127, %get3A_2128] {strides = array<i32>} : memref<2048x16xf32, #tpu.memory_space<vmem>>, vector<1x16xf32>,
          %get3A_2130 = vector.shape_cast %get3A_2129 : vector<1x16xf32> to vector<16xf32>
          %mul3A_2131 = vector.broadcast %select_n3A_2118 : f32 to vector<16xf32>
          %mul3A_2132 = arith.mulf %get3A_2130, %mul3A_2131 : vector<16xf32>
          %swap3A_2133 = arith.constant 0 : i32
          %swap3A_2134 = arith.constant 0 : i32
          %swap3A_2135 = tpu.memref_slice %arg7[%cond3A_1801, %swap3A_2133, %swap3A_2134] : memref<2x2048x16xf32, #tpu.memory_space<vmem>> -> memref<1x2048x16xf32, #tpu.memory_space<vmem>>
          %swap3A_2136 = tpu.memref_squeeze %swap3A_2135 : memref<1x2048x16xf32, #tpu.memory_space<vmem>> -> memref<2048x16xf32, #tpu.memory_space<vmem>>
          %swap3A_2137 = arith.index_cast %add3A_2122 : i32 to index
          %swap3A_2138 = arith.constant 0 : index
          %swap3A_2139 = tpu.vector_load %swap3A_2136[%swap3A_2137, %swap3A_2138] {strides = array<i32>} : memref<2048x16xf32, #tpu.memory_space<vmem>>, vector<1x16xf32>,
          %swap3A_2140 = vector.shape_cast %swap3A_2139 : vector<1x16xf32> to vector<16xf32>
          %swap3A_2141 = vector.shape_cast %mul3A_2132 : vector<16xf32> to vector<1x16xf32>
          tpu.vector_store %swap3A_2136[%swap3A_2137, %swap3A_2138], %swap3A_2141 {strides = array<i32>} : memref<2048x16xf32, #tpu.memory_space<vmem>>, vector<1x16xf32>,
          %slice3A_2142 = vector.extract_strided_slice %get3A_1841 {offsets = [10], sizes = [1], strides = [1]} : vector<16xi32> to vector<1xi32>
          %squeeze3A_2143 = vector.extract %slice3A_2142[0] : i32 from vector<1xi32>
          %eq3A_2144 = arith.constant 786432 : i32
          %eq3A_2145 = arith.cmpi eq, %squeeze3A_2143, %eq3A_2144 : i32
          %jit3A_2146 = arith.constant 0.000000e+00 : f32
          %jit3A_2147 = arith.constant 1.000000e+00 : f32
          %select_n3A_2148 = arith.select %eq3A_2145, %jit3A_2146, %jit3A_2147 : f32
          %mul3A_2149 = arith.constant 16 : i32
          %mul3A_2150 = arith.muli %scan3A_1832, %mul3A_2149 : i32
          %add3A_2151 = arith.constant 10 : i32
          %add3A_2152 = arith.addi %mul3A_2150, %add3A_2151 : i32
          %get3A_2153 = arith.constant 0 : i32
          %get3A_2154 = arith.constant 0 : i32
          %get3A_2155 = tpu.memref_slice %arg7[%cond3A_1801, %get3A_2153, %get3A_2154] : memref<2x2048x16xf32, #tpu.memory_space<vmem>> -> memref<1x2048x16xf32, #tpu.memory_space<vmem>>
          %get3A_2156 = tpu.memref_squeeze %get3A_2155 : memref<1x2048x16xf32, #tpu.memory_space<vmem>> -> memref<2048x16xf32, #tpu.memory_space<vmem>>
          %get3A_2157 = arith.index_cast %add3A_2152 : i32 to index
          %get3A_2158 = arith.constant 0 : index
          %get3A_2159 = tpu.vector_load %get3A_2156[%get3A_2157, %get3A_2158] {strides = array<i32>} : memref<2048x16xf32, #tpu.memory_space<vmem>>, vector<1x16xf32>,
          %get3A_2160 = vector.shape_cast %get3A_2159 : vector<1x16xf32> to vector<16xf32>
          %mul3A_2161 = vector.broadcast %select_n3A_2148 : f32 to vector<16xf32>
          %mul3A_2162 = arith.mulf %get3A_2160, %mul3A_2161 : vector<16xf32>
          %swap3A_2163 = arith.constant 0 : i32
          %swap3A_2164 = arith.constant 0 : i32
          %swap3A_2165 = tpu.memref_slice %arg7[%cond3A_1801, %swap3A_2163, %swap3A_2164] : memref<2x2048x16xf32, #tpu.memory_space<vmem>> -> memref<1x2048x16xf32, #tpu.memory_space<vmem>>
          %swap3A_2166 = tpu.memref_squeeze %swap3A_2165 : memref<1x2048x16xf32, #tpu.memory_space<vmem>> -> memref<2048x16xf32, #tpu.memory_space<vmem>>
          %swap3A_2167 = arith.index_cast %add3A_2152 : i32 to index
          %swap3A_2168 = arith.constant 0 : index
          %swap3A_2169 = tpu.vector_load %swap3A_2166[%swap3A_2167, %swap3A_2168] {strides = array<i32>} : memref<2048x16xf32, #tpu.memory_space<vmem>>, vector<1x16xf32>,
          %swap3A_2170 = vector.shape_cast %swap3A_2169 : vector<1x16xf32> to vector<16xf32>
          %swap3A_2171 = vector.shape_cast %mul3A_2162 : vector<16xf32> to vector<1x16xf32>
          tpu.vector_store %swap3A_2166[%swap3A_2167, %swap3A_2168], %swap3A_2171 {strides = array<i32>} : memref<2048x16xf32, #tpu.memory_space<vmem>>, vector<1x16xf32>,
          %slice3A_2172 = vector.extract_strided_slice %get3A_1841 {offsets = [11], sizes = [1], strides = [1]} : vector<16xi32> to vector<1xi32>
          %squeeze3A_2173 = vector.extract %slice3A_2172[0] : i32 from vector<1xi32>
          %eq3A_2174 = arith.constant 786432 : i32
          %eq3A_2175 = arith.cmpi eq, %squeeze3A_2173, %eq3A_2174 : i32
          %jit3A_2176 = arith.constant 0.000000e+00 : f32
          %jit3A_2177 = arith.constant 1.000000e+00 : f32
          %select_n3A_2178 = arith.select %eq3A_2175, %jit3A_2176, %jit3A_2177 : f32
          %mul3A_2179 = arith.constant 16 : i32
          %mul3A_2180 = arith.muli %scan3A_1832, %mul3A_2179 : i32
          %add3A_2181 = arith.constant 11 : i32
          %add3A_2182 = arith.addi %mul3A_2180, %add3A_2181 : i32
          %get3A_2183 = arith.constant 0 : i32
          %get3A_2184 = arith.constant 0 : i32
          %get3A_2185 = tpu.memref_slice %arg7[%cond3A_1801, %get3A_2183, %get3A_2184] : memref<2x2048x16xf32, #tpu.memory_space<vmem>> -> memref<1x2048x16xf32, #tpu.memory_space<vmem>>
          %get3A_2186 = tpu.memref_squeeze %get3A_2185 : memref<1x2048x16xf32, #tpu.memory_space<vmem>> -> memref<2048x16xf32, #tpu.memory_space<vmem>>
          %get3A_2187 = arith.index_cast %add3A_2182 : i32 to index
          %get3A_2188 = arith.constant 0 : index
          %get3A_2189 = tpu.vector_load %get3A_2186[%get3A_2187, %get3A_2188] {strides = array<i32>} : memref<2048x16xf32, #tpu.memory_space<vmem>>, vector<1x16xf32>,
          %get3A_2190 = vector.shape_cast %get3A_2189 : vector<1x16xf32> to vector<16xf32>
          %mul3A_2191 = vector.broadcast %select_n3A_2178 : f32 to vector<16xf32>
          %mul3A_2192 = arith.mulf %get3A_2190, %mul3A_2191 : vector<16xf32>
          %swap3A_2193 = arith.constant 0 : i32
          %swap3A_2194 = arith.constant 0 : i32
          %swap3A_2195 = tpu.memref_slice %arg7[%cond3A_1801, %swap3A_2193, %swap3A_2194] : memref<2x2048x16xf32, #tpu.memory_space<vmem>> -> memref<1x2048x16xf32, #tpu.memory_space<vmem>>
          %swap3A_2196 = tpu.memref_squeeze %swap3A_2195 : memref<1x2048x16xf32, #tpu.memory_space<vmem>> -> memref<2048x16xf32, #tpu.memory_space<vmem>>
          %swap3A_2197 = arith.index_cast %add3A_2182 : i32 to index
          %swap3A_2198 = arith.constant 0 : index
          %swap3A_2199 = tpu.vector_load %swap3A_2196[%swap3A_2197, %swap3A_2198] {strides = array<i32>} : memref<2048x16xf32, #tpu.memory_space<vmem>>, vector<1x16xf32>,
          %swap3A_2200 = vector.shape_cast %swap3A_2199 : vector<1x16xf32> to vector<16xf32>
          %swap3A_2201 = vector.shape_cast %mul3A_2192 : vector<16xf32> to vector<1x16xf32>
          tpu.vector_store %swap3A_2196[%swap3A_2197, %swap3A_2198], %swap3A_2201 {strides = array<i32>} : memref<2048x16xf32, #tpu.memory_space<vmem>>, vector<1x16xf32>,
          %slice3A_2202 = vector.extract_strided_slice %get3A_1841 {offsets = [12], sizes = [1], strides = [1]} : vector<16xi32> to vector<1xi32>
          %squeeze3A_2203 = vector.extract %slice3A_2202[0] : i32 from vector<1xi32>
          %eq3A_2204 = arith.constant 786432 : i32
          %eq3A_2205 = arith.cmpi eq, %squeeze3A_2203, %eq3A_2204 : i32
          %jit3A_2206 = arith.constant 0.000000e+00 : f32
          %jit3A_2207 = arith.constant 1.000000e+00 : f32
          %select_n3A_2208 = arith.select %eq3A_2205, %jit3A_2206, %jit3A_2207 : f32
          %mul3A_2209 = arith.constant 16 : i32
          %mul3A_2210 = arith.muli %scan3A_1832, %mul3A_2209 : i32
          %add3A_2211 = arith.constant 12 : i32
          %add3A_2212 = arith.addi %mul3A_2210, %add3A_2211 : i32
          %get3A_2213 = arith.constant 0 : i32
          %get3A_2214 = arith.constant 0 : i32
          %get3A_2215 = tpu.memref_slice %arg7[%cond3A_1801, %get3A_2213, %get3A_2214] : memref<2x2048x16xf32, #tpu.memory_space<vmem>> -> memref<1x2048x16xf32, #tpu.memory_space<vmem>>
          %get3A_2216 = tpu.memref_squeeze %get3A_2215 : memref<1x2048x16xf32, #tpu.memory_space<vmem>> -> memref<2048x16xf32, #tpu.memory_space<vmem>>
          %get3A_2217 = arith.index_cast %add3A_2212 : i32 to index
          %get3A_2218 = arith.constant 0 : index
          %get3A_2219 = tpu.vector_load %get3A_2216[%get3A_2217, %get3A_2218] {strides = array<i32>} : memref<2048x16xf32, #tpu.memory_space<vmem>>, vector<1x16xf32>,
          %get3A_2220 = vector.shape_cast %get3A_2219 : vector<1x16xf32> to vector<16xf32>
          %mul3A_2221 = vector.broadcast %select_n3A_2208 : f32 to vector<16xf32>
          %mul3A_2222 = arith.mulf %get3A_2220, %mul3A_2221 : vector<16xf32>
          %swap3A_2223 = arith.constant 0 : i32
          %swap3A_2224 = arith.constant 0 : i32
          %swap3A_2225 = tpu.memref_slice %arg7[%cond3A_1801, %swap3A_2223, %swap3A_2224] : memref<2x2048x16xf32, #tpu.memory_space<vmem>> -> memref<1x2048x16xf32, #tpu.memory_space<vmem>>
          %swap3A_2226 = tpu.memref_squeeze %swap3A_2225 : memref<1x2048x16xf32, #tpu.memory_space<vmem>> -> memref<2048x16xf32, #tpu.memory_space<vmem>>
          %swap3A_2227 = arith.index_cast %add3A_2212 : i32 to index
          %swap3A_2228 = arith.constant 0 : index
          %swap3A_2229 = tpu.vector_load %swap3A_2226[%swap3A_2227, %swap3A_2228] {strides = array<i32>} : memref<2048x16xf32, #tpu.memory_space<vmem>>, vector<1x16xf32>,
          %swap3A_2230 = vector.shape_cast %swap3A_2229 : vector<1x16xf32> to vector<16xf32>
          %swap3A_2231 = vector.shape_cast %mul3A_2222 : vector<16xf32> to vector<1x16xf32>
          tpu.vector_store %swap3A_2226[%swap3A_2227, %swap3A_2228], %swap3A_2231 {strides = array<i32>} : memref<2048x16xf32, #tpu.memory_space<vmem>>, vector<1x16xf32>,
          %slice3A_2232 = vector.extract_strided_slice %get3A_1841 {offsets = [13], sizes = [1], strides = [1]} : vector<16xi32> to vector<1xi32>
          %squeeze3A_2233 = vector.extract %slice3A_2232[0] : i32 from vector<1xi32>
          %eq3A_2234 = arith.constant 786432 : i32
          %eq3A_2235 = arith.cmpi eq, %squeeze3A_2233, %eq3A_2234 : i32
          %jit3A_2236 = arith.constant 0.000000e+00 : f32
          %jit3A_2237 = arith.constant 1.000000e+00 : f32
          %select_n3A_2238 = arith.select %eq3A_2235, %jit3A_2236, %jit3A_2237 : f32
          %mul3A_2239 = arith.constant 16 : i32
          %mul3A_2240 = arith.muli %scan3A_1832, %mul3A_2239 : i32
          %add3A_2241 = arith.constant 13 : i32
          %add3A_2242 = arith.addi %mul3A_2240, %add3A_2241 : i32
          %get3A_2243 = arith.constant 0 : i32
          %get3A_2244 = arith.constant 0 : i32
          %get3A_2245 = tpu.memref_slice %arg7[%cond3A_1801, %get3A_2243, %get3A_2244] : memref<2x2048x16xf32, #tpu.memory_space<vmem>> -> memref<1x2048x16xf32, #tpu.memory_space<vmem>>
          %get3A_2246 = tpu.memref_squeeze %get3A_2245 : memref<1x2048x16xf32, #tpu.memory_space<vmem>> -> memref<2048x16xf32, #tpu.memory_space<vmem>>
          %get3A_2247 = arith.index_cast %add3A_2242 : i32 to index
          %get3A_2248 = arith.constant 0 : index
          %get3A_2249 = tpu.vector_load %get3A_2246[%get3A_2247, %get3A_2248] {strides = array<i32>} : memref<2048x16xf32, #tpu.memory_space<vmem>>, vector<1x16xf32>,
          %get3A_2250 = vector.shape_cast %get3A_2249 : vector<1x16xf32> to vector<16xf32>
          %mul3A_2251 = vector.broadcast %select_n3A_2238 : f32 to vector<16xf32>
          %mul3A_2252 = arith.mulf %get3A_2250, %mul3A_2251 : vector<16xf32>
          %swap3A_2253 = arith.constant 0 : i32
          %swap3A_2254 = arith.constant 0 : i32
          %swap3A_2255 = tpu.memref_slice %arg7[%cond3A_1801, %swap3A_2253, %swap3A_2254] : memref<2x2048x16xf32, #tpu.memory_space<vmem>> -> memref<1x2048x16xf32, #tpu.memory_space<vmem>>
          %swap3A_2256 = tpu.memref_squeeze %swap3A_2255 : memref<1x2048x16xf32, #tpu.memory_space<vmem>> -> memref<2048x16xf32, #tpu.memory_space<vmem>>
          %swap3A_2257 = arith.index_cast %add3A_2242 : i32 to index
          %swap3A_2258 = arith.constant 0 : index
          %swap3A_2259 = tpu.vector_load %swap3A_2256[%swap3A_2257, %swap3A_2258] {strides = array<i32>} : memref<2048x16xf32, #tpu.memory_space<vmem>>, vector<1x16xf32>,
          %swap3A_2260 = vector.shape_cast %swap3A_2259 : vector<1x16xf32> to vector<16xf32>
          %swap3A_2261 = vector.shape_cast %mul3A_2252 : vector<16xf32> to vector<1x16xf32>
          tpu.vector_store %swap3A_2256[%swap3A_2257, %swap3A_2258], %swap3A_2261 {strides = array<i32>} : memref<2048x16xf32, #tpu.memory_space<vmem>>, vector<1x16xf32>,
          %slice3A_2262 = vector.extract_strided_slice %get3A_1841 {offsets = [14], sizes = [1], strides = [1]} : vector<16xi32> to vector<1xi32>
          %squeeze3A_2263 = vector.extract %slice3A_2262[0] : i32 from vector<1xi32>
          %eq3A_2264 = arith.constant 786432 : i32
          %eq3A_2265 = arith.cmpi eq, %squeeze3A_2263, %eq3A_2264 : i32
          %jit3A_2266 = arith.constant 0.000000e+00 : f32
          %jit3A_2267 = arith.constant 1.000000e+00 : f32
          %select_n3A_2268 = arith.select %eq3A_2265, %jit3A_2266, %jit3A_2267 : f32
          %mul3A_2269 = arith.constant 16 : i32
          %mul3A_2270 = arith.muli %scan3A_1832, %mul3A_2269 : i32
          %add3A_2271 = arith.constant 14 : i32
          %add3A_2272 = arith.addi %mul3A_2270, %add3A_2271 : i32
          %get3A_2273 = arith.constant 0 : i32
          %get3A_2274 = arith.constant 0 : i32
          %get3A_2275 = tpu.memref_slice %arg7[%cond3A_1801, %get3A_2273, %get3A_2274] : memref<2x2048x16xf32, #tpu.memory_space<vmem>> -> memref<1x2048x16xf32, #tpu.memory_space<vmem>>
          %get3A_2276 = tpu.memref_squeeze %get3A_2275 : memref<1x2048x16xf32, #tpu.memory_space<vmem>> -> memref<2048x16xf32, #tpu.memory_space<vmem>>
          %get3A_2277 = arith.index_cast %add3A_2272 : i32 to index
          %get3A_2278 = arith.constant 0 : index
          %get3A_2279 = tpu.vector_load %get3A_2276[%get3A_2277, %get3A_2278] {strides = array<i32>} : memref<2048x16xf32, #tpu.memory_space<vmem>>, vector<1x16xf32>,
          %get3A_2280 = vector.shape_cast %get3A_2279 : vector<1x16xf32> to vector<16xf32>
          %mul3A_2281 = vector.broadcast %select_n3A_2268 : f32 to vector<16xf32>
          %mul3A_2282 = arith.mulf %get3A_2280, %mul3A_2281 : vector<16xf32>
          %swap3A_2283 = arith.constant 0 : i32
          %swap3A_2284 = arith.constant 0 : i32
          %swap3A_2285 = tpu.memref_slice %arg7[%cond3A_1801, %swap3A_2283, %swap3A_2284] : memref<2x2048x16xf32, #tpu.memory_space<vmem>> -> memref<1x2048x16xf32, #tpu.memory_space<vmem>>
          %swap3A_2286 = tpu.memref_squeeze %swap3A_2285 : memref<1x2048x16xf32, #tpu.memory_space<vmem>> -> memref<2048x16xf32, #tpu.memory_space<vmem>>
          %swap3A_2287 = arith.index_cast %add3A_2272 : i32 to index
          %swap3A_2288 = arith.constant 0 : index
          %swap3A_2289 = tpu.vector_load %swap3A_2286[%swap3A_2287, %swap3A_2288] {strides = array<i32>} : memref<2048x16xf32, #tpu.memory_space<vmem>>, vector<1x16xf32>,
          %swap3A_2290 = vector.shape_cast %swap3A_2289 : vector<1x16xf32> to vector<16xf32>
          %swap3A_2291 = vector.shape_cast %mul3A_2282 : vector<16xf32> to vector<1x16xf32>
          tpu.vector_store %swap3A_2286[%swap3A_2287, %swap3A_2288], %swap3A_2291 {strides = array<i32>} : memref<2048x16xf32, #tpu.memory_space<vmem>>, vector<1x16xf32>,
          %slice3A_2292 = vector.extract_strided_slice %get3A_1841 {offsets = [15], sizes = [1], strides = [1]} : vector<16xi32> to vector<1xi32>
          %squeeze3A_2293 = vector.extract %slice3A_2292[0] : i32 from vector<1xi32>
          %eq3A_2294 = arith.constant 786432 : i32
          %eq3A_2295 = arith.cmpi eq, %squeeze3A_2293, %eq3A_2294 : i32
          %jit3A_2296 = arith.constant 0.000000e+00 : f32
          %jit3A_2297 = arith.constant 1.000000e+00 : f32
          %select_n3A_2298 = arith.select %eq3A_2295, %jit3A_2296, %jit3A_2297 : f32
          %mul3A_2299 = arith.constant 16 : i32
          %mul3A_2300 = arith.muli %scan3A_1832, %mul3A_2299 : i32
          %add3A_2301 = arith.constant 15 : i32
          %add3A_2302 = arith.addi %mul3A_2300, %add3A_2301 : i32
          %get3A_2303 = arith.constant 0 : i32
          %get3A_2304 = arith.constant 0 : i32
          %get3A_2305 = tpu.memref_slice %arg7[%cond3A_1801, %get3A_2303, %get3A_2304] : memref<2x2048x16xf32, #tpu.memory_space<vmem>> -> memref<1x2048x16xf32, #tpu.memory_space<vmem>>
          %get3A_2306 = tpu.memref_squeeze %get3A_2305 : memref<1x2048x16xf32, #tpu.memory_space<vmem>> -> memref<2048x16xf32, #tpu.memory_space<vmem>>
          %get3A_2307 = arith.index_cast %add3A_2302 : i32 to index
          %get3A_2308 = arith.constant 0 : index
          %get3A_2309 = tpu.vector_load %get3A_2306[%get3A_2307, %get3A_2308] {strides = array<i32>} : memref<2048x16xf32, #tpu.memory_space<vmem>>, vector<1x16xf32>,
          %get3A_2310 = vector.shape_cast %get3A_2309 : vector<1x16xf32> to vector<16xf32>
          %mul3A_2311 = vector.broadcast %select_n3A_2298 : f32 to vector<16xf32>
          %mul3A_2312 = arith.mulf %get3A_2310, %mul3A_2311 : vector<16xf32>
          %swap3A_2313 = arith.constant 0 : i32
          %swap3A_2314 = arith.constant 0 : i32
          %swap3A_2315 = tpu.memref_slice %arg7[%cond3A_1801, %swap3A_2313, %swap3A_2314] : memref<2x2048x16xf32, #tpu.memory_space<vmem>> -> memref<1x2048x16xf32, #tpu.memory_space<vmem>>
          %swap3A_2316 = tpu.memref_squeeze %swap3A_2315 : memref<1x2048x16xf32, #tpu.memory_space<vmem>> -> memref<2048x16xf32, #tpu.memory_space<vmem>>
          %swap3A_2317 = arith.index_cast %add3A_2302 : i32 to index
          %swap3A_2318 = arith.constant 0 : index
          %swap3A_2319 = tpu.vector_load %swap3A_2316[%swap3A_2317, %swap3A_2318] {strides = array<i32>} : memref<2048x16xf32, #tpu.memory_space<vmem>>, vector<1x16xf32>,
          %swap3A_2320 = vector.shape_cast %swap3A_2319 : vector<1x16xf32> to vector<16xf32>
          %swap3A_2321 = vector.shape_cast %mul3A_2312 : vector<16xf32> to vector<1x16xf32>
          tpu.vector_store %swap3A_2316[%swap3A_2317, %swap3A_2318], %swap3A_2321 {strides = array<i32>} : memref<2048x16xf32, #tpu.memory_space<vmem>>, vector<1x16xf32>,
          %scan3A_2322 = arith.constant 0 : i32
          scf.yield %scan3A_2322 : i32
        }
        %scan3A_1831 = arith.constant 128 : i32
      } else {
      }
      %dma_start3A_1804 = arith.constant 1 : i32
      %dma_start3A_1805 = arith.constant 0 : i32
      %dma_start3A_1806 = arith.constant 0 : i32
      %dma_start3A_1807 = tpu.memref_slice %arg7[%dma_start3A_1804, %dma_start3A_1805, %dma_start3A_1806] : memref<2x2048x16xf32, #tpu.memory_space<vmem>> -> memref<1x2048x16xf32, #tpu.memory_space<vmem>>
      %dma_start3A_1808 = tpu.memref_squeeze %dma_start3A_1807 : memref<1x2048x16xf32, #tpu.memory_space<vmem>> -> memref<2048x16xf32, #tpu.memory_space<vmem>>
      %dma_start3A_1809 = arith.constant 0 : i32
      %dma_start3A_1810 = arith.constant 0 : i32
      %dma_start3A_1811 = tpu.memref_slice %arg4[%select_n3A, %dma_start3A_1809, %dma_start3A_1810] : memref<4x786432x16xf32, #tpu.memory_space<hbm>> -> memref<1x786432x16xf32, #tpu.memory_space<hbm>>
      %dma_start3A_1812 = tpu.memref_squeeze %dma_start3A_1811 : memref<1x786432x16xf32, #tpu.memory_space<hbm>> -> memref<786432x16xf32, #tpu.memory_space<hbm>>
      %dma_start3A_1813 = arith.constant 0 : i32
      %dma_start3A_1814 = tpu.memref_slice %dma_start3A_1812[%add3A_954, %dma_start3A_1813] : memref<786432x16xf32, #tpu.memory_space<hbm>> -> memref<2048x16xf32, #tpu.memory_space<hbm>>
      %dma_start3A_1815 = arith.constant 0 : i32
      %dma_start3A_1816 = arith.constant 0 : i32
      %dma_start3A_1817 = tpu.memref_slice %arg4[%select_n3A, %dma_start3A_1815, %dma_start3A_1816] : memref<4x786432x16xf32, #tpu.memory_space<hbm>> -> memref<1x786432x16xf32, #tpu.memory_space<hbm>>
      %dma_start3A_1818 = tpu.memref_squeeze %dma_start3A_1817 : memref<1x786432x16xf32, #tpu.memory_space<hbm>> -> memref<786432x16xf32, #tpu.memory_space<hbm>>
      %dma_start3A_1819 = arith.constant 0 : i32
      %dma_start3A_1820 = tpu.memref_slice %dma_start3A_1818[%add3A_954, %dma_start3A_1819] : memref<786432x16xf32, #tpu.memory_space<hbm>> -> memref<2048x16xf32, #tpu.memory_space<hbm>>
      %dma_start3A_1821 = arith.constant 0 : i32
      %dma_start3A_1822 = arith.constant 0 : i32
      %dma_start3A_1823 = tpu.memref_slice %arg7[%dma_start3A_1804, %dma_start3A_1821, %dma_start3A_1822] : memref<2x2048x16xf32, #tpu.memory_space<vmem>> -> memref<1x2048x16xf32, #tpu.memory_space<vmem>>
      %dma_start3A_1824 = tpu.memref_squeeze %dma_start3A_1823 : memref<1x2048x16xf32, #tpu.memory_space<vmem>> -> memref<2048x16xf32, #tpu.memory_space<vmem>>
      tpu.enqueue_dma source(%dma_start3A_1824 : memref<2048x16xf32, #tpu.memory_space<vmem>>) target(%dma_start3A_1820 : memref<2048x16xf32, #tpu.memory_space<hbm>>) target_semaphore(%arg11 : memref<!tpu.dma_semaphore, #tpu.memory_space<semaphore_mem>>)
    }
    %scan3A_37 = arith.constant 24 : i32
    %add3A_38 = arith.constant 94208 : i32
    %add3A_39 = arith.addi %mul3A_32, %add3A_38 : i32
    %dma_wait3A = arith.constant 0 : i32
    %dma_wait3A_40 = arith.constant 0 : i32
    %dma_wait3A_41 = arith.constant 0 : i32
    %dma_wait3A_42 = tpu.memref_slice %arg7[%dma_wait3A, %dma_wait3A_40, %dma_wait3A_41] : memref<2x2048x16xf32, #tpu.memory_space<vmem>> -> memref<1x2048x16xf32, #tpu.memory_space<vmem>>
    %dma_wait3A_43 = tpu.memref_squeeze %dma_wait3A_42 : memref<1x2048x16xf32, #tpu.memory_space<vmem>> -> memref<2048x16xf32, #tpu.memory_space<vmem>>
    %dma_wait3A_44 = arith.constant 0 : i32
    %dma_wait3A_45 = arith.constant 0 : i32
    %dma_wait3A_46 = tpu.memref_slice %arg4[%select_n3A, %dma_wait3A_44, %dma_wait3A_45] : memref<4x786432x16xf32, #tpu.memory_space<hbm>> -> memref<1x786432x16xf32, #tpu.memory_space<hbm>>
    %dma_wait3A_47 = tpu.memref_squeeze %dma_wait3A_46 : memref<1x786432x16xf32, #tpu.memory_space<hbm>> -> memref<786432x16xf32, #tpu.memory_space<hbm>>
    %dma_wait3A_48 = arith.constant 0 : i32
    %dma_wait3A_49 = tpu.memref_slice %dma_wait3A_47[%add3A_39, %dma_wait3A_48] : memref<786432x16xf32, #tpu.memory_space<hbm>> -> memref<2048x16xf32, #tpu.memory_space<hbm>>
    %dma_wait3A_50 = arith.constant 0 : i32
    %dma_wait3A_51 = arith.constant 0 : i32
    %dma_wait3A_52 = tpu.memref_slice %arg4[%select_n3A, %dma_wait3A_50, %dma_wait3A_51] : memref<4x786432x16xf32, #tpu.memory_space<hbm>> -> memref<1x786432x16xf32, #tpu.memory_space<hbm>>
    %dma_wait3A_53 = tpu.memref_squeeze %dma_wait3A_52 : memref<1x786432x16xf32, #tpu.memory_space<hbm>> -> memref<786432x16xf32, #tpu.memory_space<hbm>>
    %dma_wait3A_54 = arith.constant 0 : i32
    %dma_wait3A_55 = tpu.memref_slice %dma_wait3A_53[%add3A_39, %dma_wait3A_54] : memref<786432x16xf32, #tpu.memory_space<hbm>> -> memref<2048x16xf32, #tpu.memory_space<hbm>>
    %dma_wait3A_56 = arith.constant 0 : i32
    %dma_wait3A_57 = arith.constant 0 : i32
    %dma_wait3A_58 = tpu.memref_slice %arg7[%dma_wait3A, %dma_wait3A_56, %dma_wait3A_57] : memref<2x2048x16xf32, #tpu.memory_space<vmem>> -> memref<1x2048x16xf32, #tpu.memory_space<vmem>>
    %dma_wait3A_59 = tpu.memref_squeeze %dma_wait3A_58 : memref<1x2048x16xf32, #tpu.memory_space<vmem>> -> memref<2048x16xf32, #tpu.memory_space<vmem>>
    tpu.wait_dma2 semaphore(%arg10 : memref<!tpu.dma_semaphore, #tpu.memory_space<semaphore_mem>>) src(%dma_wait3A_59 : memref<2048x16xf32, #tpu.memory_space<vmem>>) dst(%dma_wait3A_55 : memref<2048x16xf32, #tpu.memory_space<hbm>>)
    %add3A_60 = arith.constant 96256 : i32
    %add3A_61 = arith.addi %mul3A_32, %add3A_60 : i32
    %dma_wait3A_62 = arith.constant 1 : i32
    %dma_wait3A_63 = arith.constant 0 : i32
    %dma_wait3A_64 = arith.constant 0 : i32
    %dma_wait3A_65 = tpu.memref_slice %arg7[%dma_wait3A_62, %dma_wait3A_63, %dma_wait3A_64] : memref<2x2048x16xf32, #tpu.memory_space<vmem>> -> memref<1x2048x16xf32, #tpu.memory_space<vmem>>
    %dma_wait3A_66 = tpu.memref_squeeze %dma_wait3A_65 : memref<1x2048x16xf32, #tpu.memory_space<vmem>> -> memref<2048x16xf32, #tpu.memory_space<vmem>>
    %dma_wait3A_67 = arith.constant 0 : i32
    %dma_wait3A_68 = arith.constant 0 : i32
    %dma_wait3A_69 = tpu.memref_slice %arg4[%select_n3A, %dma_wait3A_67, %dma_wait3A_68] : memref<4x786432x16xf32, #tpu.memory_space<hbm>> -> memref<1x786432x16xf32, #tpu.memory_space<hbm>>
    %dma_wait3A_70 = tpu.memref_squeeze %dma_wait3A_69 : memref<1x786432x16xf32, #tpu.memory_space<hbm>> -> memref<786432x16xf32, #tpu.memory_space<hbm>>
    %dma_wait3A_71 = arith.constant 0 : i32
    %dma_wait3A_72 = tpu.memref_slice %dma_wait3A_70[%add3A_61, %dma_wait3A_71] : memref<786432x16xf32, #tpu.memory_space<hbm>> -> memref<2048x16xf32, #tpu.memory_space<hbm>>
    %dma_wait3A_73 = arith.constant 0 : i32
    %dma_wait3A_74 = arith.constant 0 : i32
    %dma_wait3A_75 = tpu.memref_slice %arg4[%select_n3A, %dma_wait3A_73, %dma_wait3A_74] : memref<4x786432x16xf32, #tpu.memory_space<hbm>> -> memref<1x786432x16xf32, #tpu.memory_space<hbm>>
    %dma_wait3A_76 = tpu.memref_squeeze %dma_wait3A_75 : memref<1x786432x16xf32, #tpu.memory_space<hbm>> -> memref<786432x16xf32, #tpu.memory_space<hbm>>
    %dma_wait3A_77 = arith.constant 0 : i32
    %dma_wait3A_78 = tpu.memref_slice %dma_wait3A_76[%add3A_61, %dma_wait3A_77] : memref<786432x16xf32, #tpu.memory_space<hbm>> -> memref<2048x16xf32, #tpu.memory_space<hbm>>
    %dma_wait3A_79 = arith.constant 0 : i32
    %dma_wait3A_80 = arith.constant 0 : i32
    %dma_wait3A_81 = tpu.memref_slice %arg7[%dma_wait3A_62, %dma_wait3A_79, %dma_wait3A_80] : memref<2x2048x16xf32, #tpu.memory_space<vmem>> -> memref<1x2048x16xf32, #tpu.memory_space<vmem>>
    %dma_wait3A_82 = tpu.memref_squeeze %dma_wait3A_81 : memref<1x2048x16xf32, #tpu.memory_space<vmem>> -> memref<2048x16xf32, #tpu.memory_space<vmem>>
    tpu.wait_dma2 semaphore(%arg11 : memref<!tpu.dma_semaphore, #tpu.memory_space<semaphore_mem>>) src(%dma_wait3A_82 : memref<2048x16xf32, #tpu.memory_space<vmem>>) dst(%dma_wait3A_78 : memref<2048x16xf32, #tpu.memory_space<hbm>>)
    return
  }
}

</mosaic_0001>

<sc_bundles>
// kernel: kernel.3.cloned.1.call-start
scs
__scs_entry_jumppad:
0x0: {  	(pc) =	sbr.rel $0x88, $3  }
0x1: {  	(tag) =	ssettag $0x0;
	lr =	simm.s32 $0x1  }
0x2: {  	[smem:$0x3F9F] =	sst lr;
	_ =	strace $0xD0000000  }
0x3: {  	_ = 	snop  }
0x4: {  	_ = 	snop  }
0x5: {  	_ = 	snop  }
0x6: {  	_ = 	snop  }
0x7: {  	_ = 	snop  }
__scs_overlays_trampoline_lowered:
0x8: {  	[smem:$0x3FAE] =	sst s0  }
0x9: {  	[smem:$0x3FAF] =	sst s1  }
0xa: {  	[smem:$0x3FB0] =	sst s2  }
0xb: {  	[smem:$0x3FB1] =	sst s3  }
0xc: {  	[smem:$0x3FB2] =	sst s4  }
0xd: {  	[smem:$0x3FB3] =	sst s5  }
0xe: {  	[smem:$0x3FB4] =	sst s6  }
0xf: {  	[smem:$0x3FB5] =	sst s7  }
0x10: {  	[smem:$0x3FB6] =	sst s8  }
0x11: {  	[smem:$0x3FB7] =	sst s9;
	s0 =	simm.s32 @!p0 $0x0  }
0x12: {  	s1 =	sld [smem:$0x3F9D];
	s0 =	simm.s32 @p0 $0x1  }
0x13: {  	[smem:$0x3FB8] =	sst s0;
	s0 =	simm.s32 @!p1 $0x0  }
0x14: {  	s2 =	sld [smem:$0x3F9C];
	s0 =	simm.s32 @p1 $0x1  }
0x15: {  	[smem:$0x3FB9] =	sst s0;
	s0 =	simm.s32 @!p2 $0x0  }
0x16: {  	s3 =	sld [smem:$0x3FDB];
	s0 =	simm.s32 @p2 $0x1  }
0x17: {  	s4 =	simm.s32 $0x1BF5;
	[smem:$0x3FBB] =	sst s0  }
0x18: {  	s0 =	sld [smem:$0x3F9E];
	_ =	swait.ge [sflag:s4], $0x0  }
0x19: {  	s7 =	sld [smem:$0x3F9F]  }
0x1a: {  	s8 =	sadd.s32 $0xFFFFE003, lr  }
0x1b: {  	s9 =	sadd.s32 $0xFFFFFEF7, lr;
	s5 =	simm.s32 $0xFFFFFFFF;
	p2 =	slt.u32 s8, $0xFFFFF086  }
0x1c: {  	p1 =	slt.u32 s9, $0xF7A;
	s5 =	simm.s32 @!p2 $0x0  }
0x1d: {  	s5 =	simm.s32 @p1 $0x1;
	p0 =	seq.s32 s7, s2  }
0x1e: {  	s7 =	smul.u32 @!p0 $0xF7A, s2;
	p2 =	seq.s32 @!p0 s5, $0x0  }
0x1f: {  	s9 =	smul.u32 $0xF7A, s1;
	s8 =	simm.s32 @!p0 $0x1BF5;
	p2 =	por !p2, p0  }
0x20: {  	[sflag:s8] =	ssyncset.s32 @!p0 $0xFFFFF086;
	s6 =	sadd.s32 @!p0 s3, s7;
	s7 =	simm.s32 @!p0 $0x108  }
0x21: {  	s3 =	sadd.s32 s3, s9;
	s6 =	sadd.s32 @!p0 $0x88, s6;
	s7 =	simm.s32 @p2 $0x1082  }
0x22: {  	[simem:s7], [sflag:s8] =	dma.local @!p0 [hbm:s6], $0xF7A  }
0x23: {  	s9 =	sor.u32 $0xD0000000, s2;
	s6 =	simm.s32 $0x108;
	_ =	swait.ge @!p0 [sflag:s8], $0x0  }
0x24: {  	s3 =	sadd.s32 $0x88, s3;
	s6 =	simm.s32 @!p1 $0x1082;
	[sflag:s4] =	ssyncset.s32 $0xFFFFF086  }
0x25: {  	[simem:s6], [sflag:s4] =	dma.local [hbm:s3], $0xF7A  }
0x26: {  	[smem:$0x3F9F] =	sst s1;
	(tag) =	ssettag s2;
	_ =	strace s9  }
0x27: {  	s1 =	sld [smem:$0x3FAF]  }
0x28: {  	s2 =	sld [smem:$0x3FB0]  }
0x29: {  	s4 =	sld [smem:$0x3FB2]  }
0x2a: {  	p0 =	seq.s32 s5, $0x0;
	s5 =	sld [smem:$0x3FB3]  }
0x2b: {  	s6 =	sld [smem:$0x3FB4]  }
0x2c: {  	s7 =	sld [smem:$0x3FB5]  }
0x2d: {  	s3 =	simm.s32 $0x108;
	s8 =	sld [smem:$0x3FB6]  }
0x2e: {  	s3 =	simm.s32 @!p0 $0x1082;
	s9 =	sld [smem:$0x3FB7]  }
0x2f: {  	lr =	sadd.s32 s0, s3;
	s0 =	sld [smem:$0x3FAE]  }
0x30: {  	s3 =	sld [smem:$0x3FB1]  }
0x31: {  	[smem:$0x3FBA] =	sst s10  }
0x32: {  	s10 =	sld [smem:$0x3FB8];
	_ =	sdelay $0x3  }
0x33: {  	p0 =	seq.s32 s10, $0x1;
	s10 =	sld [smem:$0x3FBA];
	_ =	sdelay $0x3  }
0x34: {  	[smem:$0x3FBA] =	sst s10  }
0x35: {  	s10 =	sld [smem:$0x3FB9];
	_ =	sdelay $0x3  }
0x36: {  	p1 =	seq.s32 s10, $0x1;
	s10 =	sld [smem:$0x3FBA];
	_ =	sdelay $0x3  }
0x37: {  	[smem:$0x3FBA] =	sst s10  }
0x38: {  	s10 =	sld [smem:$0x3FBB]  }
0x39: {  	_ = 	snop;
	(pc) =	sbr.ind lr, $3  }
0x3a: {  	_ = 	snop  }
0x3b: {  	_ = 	snop  }
0x3c: {  	p2 =	seq.s32 s10, $0x1;
	s10 =	sld [smem:$0x3FBA]  }
0x3d: {  	_ =	shalt  }
0x3e: {  	_ =	shalt  }
0x3f: {  	_ =	shalt  }
0x40: {  	_ =	shalt  }
0x41: {  	_ =	shalt  }
0x42: {  	_ =	shalt  }
0x43: {  	_ =	shalt  }
0x44: {  	_ =	shalt  }
0x45: {  	_ =	shalt  }
0x46: {  	_ =	shalt  }
0x47: {  	_ =	shalt  }
0x48: {  	_ =	shalt  }
0x49: {  	_ =	shalt  }
0x4a: {  	_ =	shalt  }
0x4b: {  	_ =	shalt  }
0x4c: {  	_ =	shalt  }
0x4d: {  	_ =	shalt  }
0x4e: {  	_ =	shalt  }
0x4f: {  	_ =	shalt  }
0x50: {  	_ =	shalt  }
0x51: {  	_ =	shalt  }
0x52: {  	_ =	shalt  }
0x53: {  	_ =	shalt  }
0x54: {  	_ =	shalt  }
0x55: {  	_ =	shalt  }
0x56: {  	_ =	shalt  }
0x57: {  	_ =	shalt  }
0x58: {  	_ =	shalt  }
0x59: {  	_ =	shalt  }
0x5a: {  	_ =	shalt  }
0x5b: {  	_ =	shalt  }
0x5c: {  	_ =	shalt  }
0x5d: {  	_ =	shalt  }
0x5e: {  	_ =	shalt  }
0x5f: {  	_ =	shalt  }
0x60: {  	_ =	shalt  }
0x61: {  	_ =	shalt  }
0x62: {  	_ =	shalt  }
0x63: {  	_ =	shalt  }
0x64: {  	_ =	shalt  }
0x65: {  	_ =	shalt  }
0x66: {  	_ =	shalt  }
0x67: {  	_ =	shalt  }
0x68: {  	_ =	shalt  }
0x69: {  	_ =	shalt  }
0x6a: {  	_ =	shalt  }
0x6b: {  	_ =	shalt  }
0x6c: {  	_ =	shalt  }
0x6d: {  	_ =	shalt  }
0x6e: {  	_ =	shalt  }
0x6f: {  	_ =	shalt  }
0x70: {  	_ =	shalt  }
0x71: {  	_ =	shalt  }
0x72: {  	_ =	shalt  }
0x73: {  	_ =	shalt  }
0x74: {  	_ =	shalt  }
0x75: {  	_ =	shalt  }
0x76: {  	_ =	shalt  }
0x77: {  	_ =	shalt  }
0x78: {  	_ =	shalt  }
0x79: {  	_ =	shalt  }
0x7a: {  	_ =	shalt  }
0x7b: {  	_ =	shalt  }
0x7c: {  	_ =	shalt  }
0x7d: {  	_ =	shalt  }
0x7e: {  	_ =	shalt  }
0x7f: {  	_ =	shalt  }
0x80: {  	_ =	shalt  }
0x81: {  	_ =	shalt  }
0x82: {  	_ =	shalt  }
0x83: {  	_ =	shalt  }
0x84: {  	_ =	shalt  }
0x85: {  	_ =	shalt  }
0x86: {  	_ =	shalt  }
0x87: {  	_ =	shalt  }
.Lfunc_end0:
.L_simem_size_0:
called_computation.1_lowered:
.L_overlay_start_0:
0x88: {  	s2 =	sld [smem:$0x3FD9]  }
0x89: {  	s3 =	sld [smem:$0x3FFE];
	_ =	sdelay $0x1  }
0x8a: {  	s1 =	srdreg.scid  }
0x8b: {  	s0 =	sand.u32 $0x1, s1  }
0x8c: {  	s17 =	sshll.u32 s0, $0xA;
	s2 =	sadd.s32 s3, s2  }
0x8d: {  	s2 =	sadd.s32 s2, s17  }
0x8e: {  	[smem:$0x3FC6] =	sst s2  }
0x8f: {  	_ = 	snop  }
0x90: {  	s2 =	sld [smem:$0x3FC8]  }
0x91: {  	s18 =	sld [smem:$0x3FD0];
	(tm) =	ssettm $0x1  }
0x92: {  	s4 =	sld [smem:$0x3FFB];
	_ =	sdelay $0x3  }
0x93: {  	_ =	strace s4  }
0x94: {  	s4 =	sld [smem:$0x3FFC];
	_ =	sdelay $0x3  }
0x95: {  	_ =	strace s4  }
0x96: {  	s4 =	sld [smem:$0x3FFD];
	_ =	sdelay $0x3  }
0x97: {  	_ =	strace s4  }
0x98: {  	_ =	strace $0x8FFFFFFF  }
0x99: {  	s19 =	sld [smem:$0x3FDB];
	_ =	sdelay $0x1  }
0x9a: {  	s5 =	simm.s32 $_scs_section_size  }
0x9b: {  	s6 =	simm.s32 $_size__tile_overlayer_lowered;
	s7 =	simm.s32 $_tile_overlayer_lowered  }
0x9c: {  	s22 =	simm.s32 $0x1BFF;
	s21 =	sshll.u32 s7, $0x1;
	s4 =	sadd.s32 s5, s19  }
0x9d: {  	s8 =	simm.s32 $0x0;
	s20 =	sshll.u32 s6, $0x1;
	s6 =	sadd.s32 s21, s4  }
0x9e: {  	[timem:s8], [sflag:s22] =	dma.local [hbm:s6], s20  }
0x9f: {  	_ =	swait.ge [sflag:s22], s20  }
0xa0: {  	s5 =	ssub.s32 $0x0, s20;
	[sflag:s22] =	ssyncset.done $0x0  }
0xa1: {  	[sflag:s22] =	ssyncadd.s32 s5;
	_ =	sdelay $0x1  }
0xa2: {  	s23 =	simm.s32 $0x1B8B  }
0xa3: {  	_ =	swait.ge [sflag:s23], $0x1  }
0xa4: {  	[sflag:s23] =	ssyncset.done $0x0  }
0xa5: {  	s25 =	simm.s32 $0x1B8E;
	s24 =	sld [smem:$0x3FFE];
	[sflag:s23] =	ssyncadd.s32 $0xFFFFFFFF  }
0xa6: {  	s26 =	simm.s32 $execute0_lowered;
	[smem:$0x3FD2] =	sst s25  }
0xa7: {  	s6 =	sshll.u32 s26, $0x1;
	_ =	strace $0x80000046;
	[dreg:$0x1] =	wrdreg $0xFFFFFFFF  }
0xa8: {  	s28 =	simm.s32 $_size_execute0_lowered;
	s4 =	sadd.s32 s4, s6;
	[dreg:$0x0] =	wrdreg $0x0  }
0xa9: {  	s6 =	sshll.u32 s28, $0x1;
	[dreg:$0x2] =	wrdreg s4  }
0xaa: {  	[dreg:$0x3] =	wrdreg s6  }
0xab: {  	[dreg:$0x4] =	wrdreg $0xC0  }
0xac: {  	_ =	task [dreg:s8], $0x5FFFF  }
0xad: {  	[dreg:$0x1] =	wrdreg $0xFFFFFFFF  }
0xae: {  	[dreg:$0x0] =	wrdreg $0x60  }
0xaf: {  	[dreg:$0x2] =	wrdreg s18  }
0xb0: {  	[dreg:$0x3] =	wrdreg s2  }
0xb1: {  	[dreg:$0x4] =	wrdreg s24  }
0xb2: {  	[dreg:$0x5] =	wrdreg $0x9  }
0xb3: {  	_ =	task.clear_ibuf [dreg:s8], $0x6FFFF;
	_ =	strace $0x90000046  }
0xb4: {  	s29 =	simm.s32 $0x9;
	_ =	strace $0x80000048  }
0xb5: {  	_ =	swait.ge [sflag:s29], $0x1  }
0xb6: {  	[sflag:s29] =	ssyncadd.s32 $0xFFFFFFFF  }
0xb7: {  	_ =	strace $0x90000048  }
0xb8: {  	_ =	sfence  }
0xb9: {  	s30 =	sld [smem:$0x0];
	_ =	sdelay $0x2  }
0xba: {  	s31 =	sshll.u32 s1, $0xD;
	s1 =	sshrl.u32 s1, $0x2  }
0xbb: {  	s3 =	sand.u32 $0x4000, s31;
	s1 =	sadd.s32 s1, s30  }
0xbc: {  	s0 =	sor.u32 s3, s0;
	s1 =	sshll.u32 s1, $0x11  }
0xbd: {  	s0 =	sor.u32 s1, s0  }
0xbe: {  	s0 =	sadd.s32 $0x8F2B, s0  }
0xbf: {  	[sflag:s0] =	ssyncadd.remote.s32 $0x1  }
0xc0: {  	_ =	sfence.sel $0xFFFF  }
0xc1: {  	[dreg:$0x0] =	wrdreg $0xFFFFFFFF;
	(pc) =	sbr.abs _section_cstart, $3  }
0xc2: {  	[dreg:$0x1] =	wrdreg $0xFFFFFFFF  }
0xc3: {  	_ =	task.clear_ibuf [dreg:s8], $0x2FFFF;
	_ =	strace $0x9FFFFFFF  }
0xc4: {  	(tm) =	ssettm $0x7FFFFFFF  }
0xc5: {  	_ =	shalt  }
tec
execute0_lowered:
.L_overlay_start_1:
0x0: {  	(tag) =	ssettag $0x1  }
0x1: {  	s0 =	rddreg [dreg:$0x0]  }
0x2: {  	s2 =	rddreg [dreg:$0x1]  }
0x3: {  	s1 =	rddreg [dreg:$0x2]  }
0x4: {  	s3 =	simm.s32 $0x0;
	s7 =	stileid.u32;
	s4 =	srdreg.scid  }
0x5: {  	s9 =	simm.s32 $0x80;
	s11 =	simm.s32 $0x2000;
	s19 =	simm.s32 $0x1  }
0x6: {  	s22 =	simm.s32 $0xA000;
	[smem:$0x7FF] =	sst s3;
	s5 =	sshrl.u32 s7, $0x2  }
0x7: {  	s4 =	sand.u32 $0x1, s4;
	s7 =	sshll.u32 s7, $0x1;
	s5 =	smul.u32 $0x180000, s5  }
.Ltmp0:
0x8: {  	s6 =	ssub.s32 $0x2, s4;
	s7 =	sand.u32 $0x6, s7;
	(pc) =	sbr.rel .LBB2_1-.Ltmp0, $4  }
0x9: {  	_ =	strace $0x80000047;
	s8 =	sshrl.u32 s6, $0x1;
	s4 =	sor.u32 s4, s7  }
0xa: {  	s7 =	simm.s32 $0x0;
	s1 =	sadd.s32 s5, s1;
	s8 =	ssub.s32 s6, s8  }
0xb: {  	s4 =	smul.u32 $0x18000, s4;
	s5 =	sadd.s32 s0, s5;
	s31 =	smax.u32 s8, $0x1  }
0xc: {  	v0 =	vimm.s32 $0x0;
	s6 =	sadd.s32 $0x800, s1;
	s8 =	simm.s32 $0x4;
	[dreg:$0x4] =	wrdreg s31  }
.LBB2_15:
0xd: {  	s0 =	simm.s32 $0x2  }
0xe: {  	_ =	swait.ge [sflag:s0], $0x8000  }
0xf: {  	[sflag:s0] =	ssyncset.done $0x0  }
0x10: {  	s31 =	simm.s32 $0x3;
	[sflag:s0] =	ssyncadd.s32 $0xFFFF8000  }
0x11: {  	_ =	swait.ge [sflag:s31], $0x8000  }
0x12: {  	s7 =	rddreg [dreg:$0x5]  }
0x13: {  	s1 =	rddreg [dreg:$0x4];
	s7 =	sadd.s32 $0x1, s7  }
0x14: {  	p0 =	sne.s32 s7, s1  }
.Ltmp1:
0x15: {  	_ = 	snop;
	(pc) =	sbr.rel @!p0 .LBB2_16-.Ltmp1, $3  }
0x16: {  	_ =	sdelay $0x1  }
0x17: {  	[sflag:s31] =	ssyncset.done $0x0  }
0x18: {  	[sflag:s31] =	ssyncadd.s32 $0xFFFF8000  }
.LBB2_1:
.Ltmp2:
0x19: {  	(pc) =	sbr.rel .LBB2_2-.Ltmp2, $2  }
0x1a: {  	_ =	sdelay $0x2  }
0x1b: {  	[dreg:$0x5] =	wrdreg s7;
	s1 =	simm.s32 $0x0  }
.LBB2_14:
0x1c: {  	s1 =	sadd.s32 $0x1, s1  }
0x1d: {  	p0 =	sne.s32 s1, $0x18  }
.Ltmp3:
0x1e: {  	_ = 	snop;
	(pc) =	sbr.rel @!p0 .LBB2_15-.Ltmp3, $4  }
0x1f: {  	_ = 	snop  }
0x20: {  	s7 =	sshll.u32 s7, $0x1  }
0x21: {  	s7 =	sadd.s32 s7, s6  }
0x22: {  	[hbm4b:s7+s3] =	stream.linear.scatter [tilespmem:s22], [sflag:$0x3], $0x8000, $0x38;
	[tilespmem:$0x12010] =	vst v63  }
.LBB2_2:
0x23: {  	p0 =	seq.s32 s1, $0x0  }
0x24: {  	s7 =	sshll.u32 s1, $0xC;
	s12 =	simm.s32 @!p0 $0x2  }
0x25: {  	s10 =	sadd.s32 s4, s7;
	_ =	swait.ge @!p0 [sflag:s12], $0x8000  }
0x26: {  	s13 =	sshrl.u32 s10, $0x3;
	[sflag:s12] =	ssyncset.done @!p0 $0x0  }
0x27: {  	s31 =	simm.s32 $0x0;
	s30 =	sadd.s32 s2, s13;
	[sflag:s12] =	ssyncadd.s32 @!p0 $0xFFFF8000  }
0x28: {  	[tilespmem:s31], [sflag:$0x4] =	stream.linear.gather [hbm4b:s30+s31], $0x800, $0x38;
	[tilespmem:$0x12010] =	vst v63  }
0x29: {  	_ =	swait.ge [sflag:s8], $0x800  }
0x2a: {  	[sflag:s8] =	ssyncset.done $0x0  }
0x2b: {  	[sflag:s8] =	ssyncadd.s32 $0xFFFFF800  }
0x2c: {  	s12 =	simm.s32 $0x0;
	[tilespmem:$0x12000] =	vst v0  }
0x2d: {  	v1 =	vld [tilespmem:s12+$0x0];
	_ =	sdelay $0x1  }
0x2e: {  	v2 =	vld [tilespmem:$0x12000];
	_ =	sdelay $0x2  }
0x2f: {  	vm0 =	veq.s32 v1, $0xC0000  }
0x30: {  	v3 =	vsel vm0, $0x1, v0  }
0x31: {  	v2 =	vadd.s32 v3, v2  }
0x32: {  	vm13 =	vlt.s32 v1, $0xBFFFF;
	[tilespmem:$0x12000] =	vst v2  }
0x33: {  	v1 =	vnsel vm13, $0xBFFFF, v1;
	v2 =	vld [tilespmem:s12+$0x10]  }
0x34: {  	[tilespmem:s12+$0x1000] =	vst v1  }
0x35: {  	v1 =	vld [tilespmem:$0x12000];
	_ =	sdelay $0x2  }
0x36: {  	vm14 =	veq.s32 v2, $0xC0000  }
0x37: {  	v3 =	vsel vm14, $0x1, v0  }
0x38: {  	v1 =	vadd.s32 v3, v1  }
0x39: {  	vm15 =	vlt.s32 v2, $0xBFFFF;
	[tilespmem:$0x12000] =	vst v1  }
0x3a: {  	v1 =	vnsel vm15, $0xBFFFF, v2;
	v2 =	vld [tilespmem:s12+$0x20]  }
0x3b: {  	[tilespmem:s12+$0x1010] =	vst v1  }
0x3c: {  	v1 =	vld [tilespmem:$0x12000];
	_ =	sdelay $0x2  }
0x3d: {  	vm4 =	veq.s32 v2, $0xC0000  }
0x3e: {  	v3 =	vsel vm4, $0x1, v0  }
0x3f: {  	v1 =	vadd.s32 v3, v1  }
0x40: {  	vm5 =	vlt.s32 v2, $0xBFFFF;
	[tilespmem:$0x12000] =	vst v1  }
0x41: {  	v2 =	vnsel vm5, $0xBFFFF, v2;
	v1 =	vld [tilespmem:s12+$0x30]  }
0x42: {  	[tilespmem:s12+$0x1020] =	vst v2  }
0x43: {  	v2 =	vld [tilespmem:$0x12000];
	_ =	sdelay $0x2  }
0x44: {  	vm6 =	veq.s32 v1, $0xC0000  }
0x45: {  	v3 =	vsel vm6, $0x1, v0  }
0x46: {  	vm7 =	vlt.s32 v1, $0xBFFFF;
	v2 =	vadd.s32 v3, v2  }
0x47: {  	v1 =	vnsel vm7, $0xBFFFF, v1;
	[tilespmem:$0x12000] =	vst v2  }
0x48: {  	[tilespmem:s12+$0x1030] =	vst v1;
	v1 =	vld [tilespmem:s12+$0x40];
	_ =	sdelay $0x1  }
0x49: {  	v2 =	vld [tilespmem:$0x12000];
	_ =	sdelay $0x2  }
0x4a: {  	vm8 =	veq.s32 v1, $0xC0000  }
0x4b: {  	v3 =	vsel vm8, $0x1, v0  }
0x4c: {  	vm9 =	vlt.s32 v1, $0xBFFFF;
	v2 =	vadd.s32 v3, v2  }
0x4d: {  	v1 =	vnsel vm9, $0xBFFFF, v1;
	[tilespmem:$0x12000] =	vst v2  }
0x4e: {  	[tilespmem:s12+$0x1040] =	vst v1;
	v1 =	vld [tilespmem:s12+$0x50];
	_ =	sdelay $0x1  }
0x4f: {  	v2 =	vld [tilespmem:$0x12000];
	_ =	sdelay $0x2  }
0x50: {  	vm10 =	veq.s32 v1, $0xC0000  }
0x51: {  	v3 =	vsel vm10, $0x1, v0  }
0x52: {  	vm11 =	vlt.s32 v1, $0xBFFFF;
	v2 =	vadd.s32 v3, v2  }
0x53: {  	v1 =	vnsel vm11, $0xBFFFF, v1;
	[tilespmem:$0x12000] =	vst v2  }
0x54: {  	[tilespmem:s12+$0x1050] =	vst v1;
	v1 =	vld [tilespmem:s12+$0x60];
	_ =	sdelay $0x1  }
0x55: {  	v2 =	vld [tilespmem:$0x12000];
	_ =	sdelay $0x2  }
0x56: {  	vm12 =	veq.s32 v1, $0xC0000  }
0x57: {  	v3 =	vsel vm12, $0x1, v0  }
0x58: {  	vm13 =	vlt.s32 v1, $0xBFFFF;
	v2 =	vadd.s32 v3, v2  }
0x59: {  	v1 =	vnsel vm13, $0xBFFFF, v1;
	[tilespmem:$0x12000] =	vst v2  }
0x5a: {  	[tilespmem:s12+$0x1060] =	vst v1;
	v1 =	vld [tilespmem:s12+$0x70];
	_ =	sdelay $0x1  }
0x5b: {  	v2 =	vld [tilespmem:$0x12000];
	_ =	sdelay $0x2  }
0x5c: {  	vm14 =	veq.s32 v1, $0xC0000  }
0x5d: {  	v3 =	vsel vm14, $0x1, v0  }
0x5e: {  	vm15 =	vlt.s32 v1, $0xBFFFF;
	v2 =	vadd.s32 v3, v2  }
0x5f: {  	s15 =	simm.s32 $0x80;
	s13 =	simm.s32 $0x400;
	v1 =	vnsel vm15, $0xBFFFF, v1;
	[tilespmem:$0x12000] =	vst v2  }
.LBB2_3:
0x60: {  	p1 =	sne.s32 s13, $0x1E00;
	v2 =	vld [tilespmem:s15+$0x0];
	[tilespmem:s12+$0x1070] =	vst v1;
	s14 =	smov.u32 s13;
	s13 =	sadd.s32 $0x200, s13  }
0x61: {  	s12 =	smov.u32 s15  }
0x62: {  	v1 =	vld [tilespmem:$0x12000];
	_ =	sdelay $0x2  }
0x63: {  	vm0 =	veq.s32 v2, $0xC0000;
	vm1 =	vlt.s32 v2, $0xBFFFF  }
0x64: {  	v3 =	vsel vm0, $0x1, v0;
	v2 =	vnsel vm1, $0xBFFFF, v2  }
0x65: {  	v1 =	vadd.s32 v3, v1  }
0x66: {  	[tilespmem:$0x12000] =	vst v1  }
0x67: {  	v1 =	vld [tilespmem:s12+$0x10]  }
0x68: {  	[tilespmem:s12+$0x1000] =	vst v2  }
0x69: {  	v2 =	vld [tilespmem:$0x12000];
	_ =	sdelay $0x2  }
0x6a: {  	vm0 =	veq.s32 v1, $0xC0000;
	vm1 =	vlt.s32 v1, $0xBFFFF  }
0x6b: {  	v3 =	vsel vm0, $0x1, v0;
	v1 =	vnsel vm1, $0xBFFFF, v1  }
0x6c: {  	v2 =	vadd.s32 v3, v2  }
0x6d: {  	[tilespmem:$0x12000] =	vst v2  }
0x6e: {  	v2 =	vld [tilespmem:s12+$0x20]  }
0x6f: {  	[tilespmem:s12+$0x1010] =	vst v1  }
0x70: {  	v1 =	vld [tilespmem:$0x12000];
	_ =	sdelay $0x2  }
0x71: {  	vm0 =	veq.s32 v2, $0xC0000;
	vm1 =	vlt.s32 v2, $0xBFFFF  }
0x72: {  	v3 =	vsel vm0, $0x1, v0;
	v2 =	vnsel vm1, $0xBFFFF, v2  }
0x73: {  	v1 =	vadd.s32 v3, v1  }
0x74: {  	[tilespmem:$0x12000] =	vst v1  }
0x75: {  	[tilespmem:s12+$0x1020] =	vst v2;
	v1 =	vld [tilespmem:s12+$0x30];
	_ =	sdelay $0x1  }
0x76: {  	v2 =	vld [tilespmem:$0x12000];
	_ =	sdelay $0x2  }
0x77: {  	vm0 =	veq.s32 v1, $0xC0000  }
0x78: {  	v3 =	vsel vm0, $0x1, v0  }
0x79: {  	vm0 =	vlt.s32 v1, $0xBFFFF;
	v2 =	vadd.s32 v3, v2  }
0x7a: {  	v1 =	vnsel vm0, $0xBFFFF, v1;
	[tilespmem:$0x12000] =	vst v2  }
0x7b: {  	[tilespmem:s12+$0x1030] =	vst v1;
	v1 =	vld [tilespmem:s12+$0x40]  }
0x7c: {  	v2 =	vld [tilespmem:$0x12000];
	_ =	sdelay $0x3  }
0x7d: {  	vm0 =	veq.s32 v1, $0xC0000;
	vm1 =	vlt.s32 v1, $0xBFFFF  }
0x7e: {  	v3 =	vsel vm0, $0x1, v0;
	v1 =	vnsel vm1, $0xBFFFF, v1  }
0x7f: {  	v2 =	vadd.s32 v3, v2  }
0x80: {  	[tilespmem:$0x12000] =	vst v2  }
0x81: {  	[tilespmem:s12+$0x1040] =	vst v1;
	v1 =	vld [tilespmem:s12+$0x50]  }
0x82: {  	v2 =	vld [tilespmem:$0x12000];
	_ =	sdelay $0x3  }
0x83: {  	vm0 =	veq.s32 v1, $0xC0000;
	vm1 =	vlt.s32 v1, $0xBFFFF  }
0x84: {  	v3 =	vsel vm0, $0x1, v0;
	v1 =	vnsel vm1, $0xBFFFF, v1  }
0x85: {  	v2 =	vadd.s32 v3, v2  }
0x86: {  	[tilespmem:$0x12000] =	vst v2  }
0x87: {  	[tilespmem:s12+$0x1050] =	vst v1;
	v1 =	vld [tilespmem:s12+$0x60]  }
0x88: {  	v2 =	vld [tilespmem:$0x12000];
	_ =	sdelay $0x3  }
0x89: {  	vm0 =	veq.s32 v1, $0xC0000;
	vm1 =	vlt.s32 v1, $0xBFFFF  }
0x8a: {  	v3 =	vsel vm0, $0x1, v0;
	v1 =	vnsel vm1, $0xBFFFF, v1  }
0x8b: {  	v2 =	vadd.s32 v3, v2  }
0x8c: {  	[tilespmem:$0x12000] =	vst v2  }
0x8d: {  	[tilespmem:s12+$0x1060] =	vst v1;
	v1 =	vld [tilespmem:s12+$0x70]  }
0x8e: {  	v2 =	vld [tilespmem:$0x12000];
	_ =	sdelay $0x2  }
.Ltmp4:
0x8f: {  	(pc) =	sbr.rel @p1 .LBB2_3-.Ltmp4, $4  }
0x90: {  	vm0 =	veq.s32 v1, $0xC0000;
	vm1 =	vlt.s32 v1, $0xBFFFF  }
0x91: {  	v3 =	vsel vm0, $0x1, v0;
	v1 =	vnsel vm1, $0xBFFFF, v1  }
0x92: {  	v2 =	vadd.s32 v3, v2  }
0x93: {  	s15 =	sshra.s32 s14, $0x2;
	[tilespmem:$0x12000] =	vst v2  }
0x94: {  	v2 =	vld [tilespmem:s15+$0x0]  }
0x95: {  	[tilespmem:s12+$0x1070] =	vst v1  }
0x96: {  	v1 =	vld [tilespmem:$0x12000];
	_ =	sdelay $0x2  }
0x97: {  	vm0 =	veq.s32 v2, $0xC0000  }
0x98: {  	v3 =	vsel vm0, $0x1, v0  }
0x99: {  	v1 =	vadd.s32 v3, v1  }
0x9a: {  	vm13 =	vlt.s32 v2, $0xBFFFF;
	[tilespmem:$0x12000] =	vst v1  }
0x9b: {  	v1 =	vnsel vm13, $0xBFFFF, v2;
	v2 =	vld [tilespmem:s15+$0x10]  }
0x9c: {  	[tilespmem:s15+$0x1000] =	vst v1  }
0x9d: {  	v1 =	vld [tilespmem:$0x12000];
	_ =	sdelay $0x2  }
0x9e: {  	vm14 =	veq.s32 v2, $0xC0000  }
0x9f: {  	v3 =	vsel vm14, $0x1, v0  }
0xa0: {  	v1 =	vadd.s32 v3, v1  }
0xa1: {  	vm15 =	vlt.s32 v2, $0xBFFFF;
	[tilespmem:$0x12000] =	vst v1  }
0xa2: {  	v1 =	vnsel vm15, $0xBFFFF, v2;
	v2 =	vld [tilespmem:s15+$0x20]  }
0xa3: {  	[tilespmem:s15+$0x1010] =	vst v1  }
0xa4: {  	v1 =	vld [tilespmem:$0x12000];
	_ =	sdelay $0x2  }
0xa5: {  	vm4 =	veq.s32 v2, $0xC0000  }
0xa6: {  	v3 =	vsel vm4, $0x1, v0  }
0xa7: {  	v1 =	vadd.s32 v3, v1  }
0xa8: {  	vm5 =	vlt.s32 v2, $0xBFFFF;
	[tilespmem:$0x12000] =	vst v1  }
0xa9: {  	v2 =	vnsel vm5, $0xBFFFF, v2;
	v1 =	vld [tilespmem:s15+$0x30]  }
0xaa: {  	[tilespmem:s15+$0x1020] =	vst v2  }
0xab: {  	v2 =	vld [tilespmem:$0x12000];
	_ =	sdelay $0x2  }
0xac: {  	vm6 =	veq.s32 v1, $0xC0000  }
0xad: {  	v3 =	vsel vm6, $0x1, v0  }
0xae: {  	vm7 =	vlt.s32 v1, $0xBFFFF;
	v2 =	vadd.s32 v3, v2  }
0xaf: {  	v1 =	vnsel vm7, $0xBFFFF, v1;
	[tilespmem:$0x12000] =	vst v2  }
0xb0: {  	[tilespmem:s15+$0x1030] =	vst v1;
	v1 =	vld [tilespmem:s15+$0x40];
	_ =	sdelay $0x1  }
0xb1: {  	v2 =	vld [tilespmem:$0x12000];
	_ =	sdelay $0x2  }
0xb2: {  	vm8 =	veq.s32 v1, $0xC0000  }
0xb3: {  	v3 =	vsel vm8, $0x1, v0  }
0xb4: {  	vm9 =	vlt.s32 v1, $0xBFFFF;
	v2 =	vadd.s32 v3, v2  }
0xb5: {  	v1 =	vnsel vm9, $0xBFFFF, v1;
	[tilespmem:$0x12000] =	vst v2  }
0xb6: {  	[tilespmem:s15+$0x1040] =	vst v1;
	v1 =	vld [tilespmem:s15+$0x50];
	_ =	sdelay $0x1  }
0xb7: {  	v2 =	vld [tilespmem:$0x12000];
	_ =	sdelay $0x2  }
0xb8: {  	vm10 =	veq.s32 v1, $0xC0000  }
0xb9: {  	v3 =	vsel vm10, $0x1, v0  }
0xba: {  	vm11 =	vlt.s32 v1, $0xBFFFF;
	v2 =	vadd.s32 v3, v2  }
0xbb: {  	v1 =	vnsel vm11, $0xBFFFF, v1;
	[tilespmem:$0x12000] =	vst v2  }
0xbc: {  	[tilespmem:s15+$0x1050] =	vst v1;
	v1 =	vld [tilespmem:s15+$0x60];
	_ =	sdelay $0x1  }
0xbd: {  	v2 =	vld [tilespmem:$0x12000];
	_ =	sdelay $0x2  }
0xbe: {  	vm12 =	veq.s32 v1, $0xC0000  }
0xbf: {  	v3 =	vsel vm12, $0x1, v0  }
0xc0: {  	vm13 =	vlt.s32 v1, $0xBFFFF;
	v2 =	vadd.s32 v3, v2  }
0xc1: {  	v1 =	vnsel vm13, $0xBFFFF, v1;
	[tilespmem:$0x12000] =	vst v2  }
0xc2: {  	[tilespmem:s15+$0x1060] =	vst v1;
	v1 =	vld [tilespmem:s15+$0x70];
	_ =	sdelay $0x1  }
0xc3: {  	v2 =	vld [tilespmem:$0x12000];
	_ =	sdelay $0x2  }
0xc4: {  	vm14 =	veq.s32 v1, $0xC0000  }
0xc5: {  	v3 =	vsel vm14, $0x1, v0  }
0xc6: {  	vm15 =	vlt.s32 v1, $0xBFFFF;
	v2 =	vadd.s32 v3, v2  }
0xc7: {  	v1 =	vnsel vm15, $0xBFFFF, v1;
	[tilespmem:$0x12000] =	vst v2  }
0xc8: {  	[tilespmem:s15+$0x1070] =	vst v1  }
0xc9: {  	s13 =	simm.s32 $0x1000;
	v1 =	vld [tilespmem:$0x12000]  }
0xca: {  	[tilespmem:s11], [sflag:$0x1] =	stream.indirect.gather [hbm4b:s5+s9], $0x10, s13, s9, $0xb8;
	[tilespmem:$0x12010] =	vst v63  }
0xcb: {  	s14 =	simm.s32 $0x1080;
	s16 =	simm.s32 $0x2800  }
0xcc: {  	[tilespmem:s16], [sflag:$0x1] =	stream.indirect.gather [hbm4b:s5+s9], $0x10, s14, s9, $0xb8;
	[tilespmem:$0x12010] =	vst v63  }
0xcd: {  	s17 =	simm.s32 $0x1100;
	s16 =	simm.s32 $0x3000  }
0xce: {  	[tilespmem:s16], [sflag:$0x1] =	stream.indirect.gather [hbm4b:s5+s9], $0x10, s17, s9, $0xb8;
	(v2sf) =	vpush v1, $0x0;
	[tilespmem:$0x12010] =	vst v63  }
0xcf: {  	s18 =	simm.s32 $0x1180;
	s17 =	simm.s32 $0x3800  }
0xd0: {  	(v2sf) =	vpush v1, $0x1;
	[tilespmem:s17], [sflag:$0x1] =	stream.indirect.gather [hbm4b:s5+s9], $0x10, s18, s9, $0xb8;
	[tilespmem:$0x12010] =	vst v63  }
0xd1: {  	s20 =	simm.s32 $0x1200;
	s18 =	simm.s32 $0x4000;
	(v2sf) =	vpush v1, $0x2  }
0xd2: {  	[tilespmem:s18], [sflag:$0x1] =	stream.indirect.gather [hbm4b:s5+s9], $0x10, s20, s9, $0xb8;
	[tilespmem:$0x12010] =	vst v63  }
0xd3: {  	s21 =	simm.s32 $0x1280;
	(v2sf) =	vpush v1, $0x3;
	s20 =	simm.s32 $0x4800  }
0xd4: {  	(v2sf) =	vpush v1, $0x4;
	[tilespmem:s20], [sflag:$0x1] =	stream.indirect.gather [hbm4b:s5+s9], $0x10, s21, s9, $0xb8;
	[tilespmem:$0x12010] =	vst v63  }
0xd5: {  	s23 =	simm.s32 $0x1300;
	(v2sf) =	vpush v1, $0x5;
	s21 =	simm.s32 $0x5000  }
0xd6: {  	(v2sf) =	vpush v1, $0x6;
	[tilespmem:s21], [sflag:$0x1] =	stream.indirect.gather [hbm4b:s5+s9], $0x10, s23, s9, $0xb8;
	[tilespmem:$0x12010] =	vst v63  }
0xd7: {  	s24 =	simm.s32 $0x1380;
	(v2sf) =	vpush v1, $0x7;
	s23 =	simm.s32 $0x5800  }
0xd8: {  	[tilespmem:s23], [sflag:$0x1] =	stream.indirect.gather [hbm4b:s5+s9], $0x10, s24, s9, $0xb8;
	[tilespmem:$0x12010] =	vst v63  }
0xd9: {  	s25 =	simm.s32 $0x1400;
	s24 =	simm.s32 $0x6000  }
0xda: {  	[tilespmem:s24], [sflag:$0x1] =	stream.indirect.gather [hbm4b:s5+s9], $0x10, s25, s9, $0xb8;
	[tilespmem:$0x12010] =	vst v63  }
0xdb: {  	s26 =	simm.s32 $0x1480;
	s25 =	simm.s32 $0x6800  }
0xdc: {  	[tilespmem:s25], [sflag:$0x1] =	stream.indirect.gather [hbm4b:s5+s9], $0x10, s26, s9, $0xb8;
	[tilespmem:$0x12010] =	vst v63  }
0xdd: {  	s28 =	simm.s32 $0x1500;
	s26 =	simm.s32 $0x7000;
	s12 =	spop (v2sf)  }
0xde: {  	[tilespmem:s26], [sflag:$0x1] =	stream.indirect.gather [hbm4b:s5+s9], $0x10, s28, s9, $0xb8;
	[tilespmem:$0x12010] =	vst v63  }
0xdf: {  	(v2sf) =	vpush v1, $0x8;
	s13 =	spop (v2sf)  }
0xe0: {  	s29 =	simm.s32 $0x1580;
	s28 =	simm.s32 $0x7800;
	(v2sf) =	vpush v1, $0x9;
	s14 =	spop (v2sf)  }
0xe1: {  	(v2sf) =	vpush v1, $0xA;
	[tilespmem:s28], [sflag:$0x1] =	stream.indirect.gather [hbm4b:s5+s9], $0x10, s29, s9, $0xb8;
	[tilespmem:$0x12010] =	vst v63  }
0xe2: {  	s15 =	spop (v2sf);
	(v2sf) =	vpush v1, $0xB  }
0xe3: {  	s16 =	spop (v2sf);
	(v2sf) =	vpush v1, $0xC  }
0xe4: {  	s17 =	spop (v2sf);
	(v2sf) =	vpush v1, $0xD  }
0xe5: {  	s18 =	spop (v2sf);
	(v2sf) =	vpush v1, $0xE  }
0xe6: {  	s30 =	simm.s32 $0x1600;
	s29 =	simm.s32 $0x8000;
	s20 =	spop (v2sf);
	(v2sf) =	vpush v1, $0xF  }
0xe7: {  	[tilespmem:s29], [sflag:$0x1] =	stream.indirect.gather [hbm4b:s5+s9], $0x10, s30, s9, $0xb8;
	[tilespmem:$0x12010] =	vst v63  }
0xe8: {  	s31 =	simm.s32 $0x1680;
	s30 =	simm.s32 $0x8800  }
0xe9: {  	[tilespmem:s30], [sflag:$0x1] =	stream.indirect.gather [hbm4b:s5+s9], $0x10, s31, s9, $0xb8;
	[tilespmem:$0x12010] =	vst v63  }
0xea: {  	s0 =	simm.s32 $0x1700;
	s31 =	simm.s32 $0x9000  }
0xeb: {  	[tilespmem:s31], [sflag:$0x1] =	stream.indirect.gather [hbm4b:s5+s9], $0x10, s0, s9, $0xb8;
	[tilespmem:$0x12010] =	vst v63  }
0xec: {  	s31 =	simm.s32 $0x1780;
	s0 =	simm.s32 $0x9800  }
0xed: {  	[tilespmem:s0], [sflag:$0x1] =	stream.indirect.gather [hbm4b:s5+s9], $0x10, s31, s9, $0xb8;
	[tilespmem:$0x12010] =	vst v63  }
0xee: {  	s21 =	spop (v2sf)  }
0xef: {  	s23 =	spop (v2sf)  }
0xf0: {  	s24 =	spop (v2sf)  }
0xf1: {  	s25 =	spop (v2sf)  }
0xf2: {  	s26 =	spop (v2sf)  }
0xf3: {  	s28 =	spop (v2sf)  }
0xf4: {  	s29 =	spop (v2sf)  }
0xf5: {  	s30 =	spop (v2sf)  }
0xf6: {  	_ =	swait.ge [sflag:s19], $0x800  }
0xf7: {  	[sflag:s19] =	ssyncset.done $0x0  }
0xf8: {  	[sflag:s19] =	ssyncadd.s32 $0xFFFFF800  }
0xf9: {  	_ =	swait.ge [sflag:s19], $0x800  }
0xfa: {  	[sflag:s19] =	ssyncset.done $0x0  }
0xfb: {  	[sflag:s19] =	ssyncadd.s32 $0xFFFFF800  }
0xfc: {  	_ =	swait.ge [sflag:s19], $0x800  }
0xfd: {  	[sflag:s19] =	ssyncset.done $0x0  }
0xfe: {  	[sflag:s19] =	ssyncadd.s32 $0xFFFFF800  }
0xff: {  	_ =	swait.ge [sflag:s19], $0x800  }
0x100: {  	[sflag:s19] =	ssyncset.done $0x0  }
0x101: {  	[sflag:s19] =	ssyncadd.s32 $0xFFFFF800  }
0x102: {  	_ =	swait.ge [sflag:s19], $0x800  }
0x103: {  	[sflag:s19] =	ssyncset.done $0x0  }
0x104: {  	[sflag:s19] =	ssyncadd.s32 $0xFFFFF800  }
0x105: {  	_ =	swait.ge [sflag:s19], $0x800  }
0x106: {  	[sflag:s19] =	ssyncset.done $0x0  }
0x107: {  	[sflag:s19] =	ssyncadd.s32 $0xFFFFF800  }
0x108: {  	_ =	swait.ge [sflag:s19], $0x800  }
0x109: {  	[sflag:s19] =	ssyncset.done $0x0  }
0x10a: {  	[sflag:s19] =	ssyncadd.s32 $0xFFFFF800  }
0x10b: {  	_ =	swait.ge [sflag:s19], $0x800  }
0x10c: {  	[sflag:s19] =	ssyncset.done $0x0  }
0x10d: {  	[sflag:s19] =	ssyncadd.s32 $0xFFFFF800  }
0x10e: {  	_ =	swait.ge [sflag:s19], $0x800  }
0x10f: {  	[sflag:s19] =	ssyncset.done $0x0  }
0x110: {  	[sflag:s19] =	ssyncadd.s32 $0xFFFFF800  }
0x111: {  	s12 =	sadd.s32 s13, s12;
	_ =	swait.ge [sflag:s19], $0x800  }
0x112: {  	s12 =	sadd.s32 s14, s12;
	[sflag:s19] =	ssyncset.done $0x0  }
0x113: {  	s12 =	sadd.s32 s15, s12;
	[sflag:s19] =	ssyncadd.s32 $0xFFFFF800  }
0x114: {  	s12 =	sadd.s32 s16, s12;
	_ =	swait.ge [sflag:s19], $0x800  }
0x115: {  	s12 =	sadd.s32 s17, s12;
	[sflag:s19] =	ssyncset.done $0x0  }
0x116: {  	s12 =	sadd.s32 s18, s12;
	[sflag:s19] =	ssyncadd.s32 $0xFFFFF800  }
0x117: {  	s12 =	sadd.s32 s20, s12;
	_ =	swait.ge [sflag:s19], $0x800  }
0x118: {  	s12 =	sadd.s32 s21, s12;
	[sflag:s19] =	ssyncset.done $0x0  }
0x119: {  	s12 =	sadd.s32 s23, s12;
	[sflag:s19] =	ssyncadd.s32 $0xFFFFF800  }
0x11a: {  	s12 =	sadd.s32 s24, s12;
	_ =	swait.ge [sflag:s19], $0x800  }
0x11b: {  	s12 =	sadd.s32 s25, s12;
	[sflag:s19] =	ssyncset.done $0x0  }
0x11c: {  	s12 =	sadd.s32 s26, s12;
	[sflag:s19] =	ssyncadd.s32 $0xFFFFF800  }
0x11d: {  	s12 =	sadd.s32 s28, s12;
	_ =	swait.ge [sflag:s19], $0x800  }
0x11e: {  	s12 =	sadd.s32 s29, s12;
	[sflag:s19] =	ssyncset.done $0x0  }
0x11f: {  	s12 =	sadd.s32 s30, s12;
	[sflag:s19] =	ssyncadd.s32 $0xFFFFF800  }
0x120: {  	p1 =	slt.s32 s12, $0x1;
	_ =	swait.ge [sflag:s19], $0x800  }
.Ltmp5:
0x121: {  	[sflag:s19] =	ssyncset.done $0x0;
	(pc) =	sbr.rel @p1 .LBB2_8-.Ltmp5, $4  }
0x122: {  	[sflag:s19] =	ssyncadd.s32 $0xFFFFF800  }
0x123: {  	_ =	swait.ge [sflag:s19], $0x800  }
0x124: {  	[sflag:s19] =	ssyncset.done $0x0  }
0x125: {  	[sflag:s19] =	ssyncadd.s32 $0xFFFFF800  }
0x126: {  	s12 =	simm.s32 $0x0  }
0x127: {  	v1 =	vld [tilespmem:s12+$0x0];
	_ =	sdelay $0x4  }
0x128: {  	(v2sf) =	vpush v1, $0x0  }
0x129: {  	(v2sf) =	vpush v1, $0x1  }
0x12a: {  	(v2sf) =	vpush v1, $0x2;
	_ =	sdelay $0x1  }
0x12b: {  	(v2sf) =	vpush v1, $0x3  }
0x12c: {  	(v2sf) =	vpush v1, $0x4  }
0x12d: {  	(v2sf) =	vpush v1, $0x5;
	_ =	sdelay $0x1  }
0x12e: {  	(v2sf) =	vpush v1, $0x6  }
0x12f: {  	(v2sf) =	vpush v1, $0x7;
	_ =	sdelay $0x1  }
0x130: {  	(v2sf) =	vpush v1, $0x8  }
0x131: {  	(v2sf) =	vpush v1, $0x9  }
0x132: {  	(v2sf) =	vpush v1, $0xA;
	_ =	sdelay $0x1  }
0x133: {  	s13 =	simm.f32 $0.0e+00;
	s14 =	simm.f32 $0.0e+00;
	s16 =	spop (v2sf);
	(v2sf) =	vpush v1, $0xB  }
0x134: {  	s12 =	simm.s32 $0x2080;
	p1 =	seq.s32 s16, $0xC0000;
	s17 =	spop (v2sf);
	(v2sf) =	vpush v1, $0xC  }
0x135: {  	v2 =	vld [tilespmem:s12+$0xFFFFFF80];
	s13 =	simm.s32 @!p1 $0x3F800000;
	p1 =	seq.s32 s17, $0xC0000;
	s15 =	spop (v2sf);
	(v2sf) =	vpush v1, $0xD  }
0x136: {  	v3 =	vld [tilespmem:s12+$0xFFFFFF90];
	s16 =	simm.f32 $0.0e+00;
	s14 =	simm.s32 @!p1 $0x3F800000;
	p1 =	seq.s32 s15, $0xC0000  }
0x137: {  	v4 =	vld [tilespmem:s12+$0xFFFFFFA0];
	s18 =	spop (v2sf);
	s15 =	simm.f32 $0.0e+00;
	(v2sf) =	vpush v1, $0xE;
	s16 =	simm.s32 @!p1 $0x3F800000  }
0x138: {  	v5 =	vld [tilespmem:s12+$0xFFFFFFC0];
	p1 =	seq.s32 s18, $0xC0000;
	s17 =	spop (v2sf);
	(v2sf) =	vpush v1, $0xF;
	s18 =	simm.f32 $0.0e+00  }
0x139: {  	v1 =	vld [tilespmem:s12+$0xFFFFFFB0];
	s15 =	simm.s32 @!p1 $0x3F800000;
	p1 =	seq.s32 s17, $0xC0000;
	s20 =	spop (v2sf)  }
0x13a: {  	v6 =	vld [tilespmem:s12+$0xFFFFFFD0];
	v2 =	vmul.f32 s13, v2;
	s17 =	simm.f32 $0.0e+00;
	s18 =	simm.s32 @!p1 $0x3F800000;
	p1 =	seq.s32 s20, $0xC0000  }
0x13b: {  	v7 =	vld [tilespmem:s12+$0xFFFFFFE0];
	v3 =	vmul.f32 s14, v3;
	s20 =	spop (v2sf);
	s17 =	simm.s32 @!p1 $0x3F800000  }
0x13c: {  	v58 =	vld [tilespmem:s12+$0xFFFFFFF0];
	[tilespmem:s12+$0xFFFFFF80] =	vst v2;
	p1 =	seq.s32 s20, $0xC0000;
	s21 =	spop (v2sf);
	s20 =	simm.f32 $0.0e+00  }
0x13d: {  	s13 =	simm.f32 $0.0e+00;
	v2 =	vmul.f32 s16, v4;
	[tilespmem:s12+$0xFFFFFF90] =	vst v3;
	v3 =	vld [tilespmem:s12+$0x0];
	s20 =	simm.s32 @!p1 $0x3F800000;
	p1 =	seq.s32 s21, $0xC0000  }
0x13e: {  	s14 =	simm.f32 $0.0e+00;
	s23 =	spop (v2sf);
	s13 =	simm.s32 @!p1 $0x3F800000;
	v1 =	vmul.f32 s15, v1  }
0x13f: {  	v5 =	vmul.f32 s18, v5;
	[tilespmem:s12+$0xFFFFFFA0] =	vst v2;
	v2 =	vld [tilespmem:s12+$0x10];
	p1 =	seq.s32 s23, $0xC0000;
	s24 =	spop (v2sf);
	s15 =	simm.f32 $0.0e+00  }
0x140: {  	v59 =	vld [tilespmem:s12+$0x20];
	s15 =	simm.s32 @!p1 $0x3F800000;
	p1 =	seq.s32 s24, $0xC0000;
	s25 =	spop (v2sf);
	[tilespmem:s12+$0xFFFFFFB0] =	vst v1;
	v1 =	vmul.f32 s17, v6  }
0x141: {  	v61 =	vld [tilespmem:s12+$0x30];
	[tilespmem:s12+$0xFFFFFFC0] =	vst v5;
	v60 =	vmul.f32 s20, v7;
	v4 =	vmul.f32 s13, v58;
	s13 =	simm.f32 $0.0e+00;
	s14 =	simm.s32 @!p1 $0x3F800000;
	p1 =	seq.s32 s25, $0xC0000  }
0x142: {  	s17 =	simm.f32 $0.0e+00;
	v3 =	vmul.f32 s15, v3;
	s15 =	simm.f32 $0.0e+00;
	[tilespmem:s12+$0xFFFFFFD0] =	vst v1;
	v1 =	vld [tilespmem:s12+$0x40];
	s26 =	spop (v2sf)  }
0x143: {  	v62 =	vld [tilespmem:s12+$0x50];
	[tilespmem:s12+$0xFFFFFFE0] =	vst v60;
	s17 =	simm.s32 @!p1 $0x3F800000;
	p1 =	seq.s32 s26, $0xC0000;
	s28 =	spop (v2sf)  }
0x144: {  	v63 =	vld [tilespmem:s12+$0x60];
	[tilespmem:s12+$0xFFFFFFF0] =	vst v4;
	v2 =	vmul.f32 s14, v2;
	s13 =	simm.s32 @!p1 $0x3F800000;
	p1 =	seq.s32 s28, $0xC0000;
	s29 =	spop (v2sf)  }
0x145: {  	s14 =	simm.f32 $0.0e+00;
	v6 =	vmul.f32 s17, v59;
	[tilespmem:s12+$0x0] =	vst v3;
	v3 =	vld [tilespmem:s12+$0x70];
	s15 =	simm.s32 @!p1 $0x3F800000;
	p1 =	seq.s32 s29, $0xC0000  }
0x146: {  	[tilespmem:s12+$0x10] =	vst v2;
	v2 =	vmul.f32 s13, v61;
	s30 =	spop (v2sf);
	s14 =	simm.s32 @!p1 $0x3F800000  }
0x147: {  	[tilespmem:s12+$0x20] =	vst v6;
	v1 =	vmul.f32 s15, v1;
	p1 =	seq.s32 s30, $0xC0000;
	s31 =	spop (v2sf);
	s15 =	simm.f32 $0.0e+00  }
0x148: {  	s13 =	simm.f32 $0.0e+00;
	v5 =	vmul.f32 s14, v62;
	[tilespmem:s12+$0x30] =	vst v2;
	s15 =	simm.s32 @!p1 $0x3F800000;
	p1 =	seq.s32 s31, $0xC0000  }
0x149: {  	[tilespmem:s12+$0x40] =	vst v1;
	v1 =	vmul.f32 s15, v63;
	s13 =	simm.s32 @!p1 $0x3F800000  }
0x14a: {  	[tilespmem:s12+$0x50] =	vst v5;
	v2 =	vmul.f32 s13, v3  }
0x14b: {  	[tilespmem:s12+$0x60] =	vst v1  }
0x14c: {  	s14 =	simm.s32 $0x10;
	s13 =	simm.s32 $0x80;
	[tilespmem:s12+$0x70] =	vst v2  }
.LBB2_6:
0x14d: {  	p1 =	sne.s32 s13, $0x1FC0;
	v1 =	vld [tilespmem:s14+$0x0];
	_ =	sdelay $0x4  }
0x14e: {  	(v2sf) =	vpush v1, $0x0  }
0x14f: {  	(v2sf) =	vpush v1, $0x1  }
0x150: {  	(v2sf) =	vpush v1, $0x2  }
0x151: {  	(v2sf) =	vpush v1, $0x3  }
0x152: {  	(v2sf) =	vpush v1, $0x4  }
0x153: {  	(v2sf) =	vpush v1, $0x5  }
0x154: {  	(v2sf) =	vpush v1, $0x6  }
0x155: {  	(v2sf) =	vpush v1, $0x7  }
0x156: {  	(v2sf) =	vpush v1, $0x8  }
0x157: {  	(v2sf) =	vpush v1, $0x9  }
0x158: {  	(v2sf) =	vpush v1, $0xA  }
0x159: {  	(v2sf) =	vpush v1, $0xB  }
0x15a: {  	s12 =	sadd.s32 $0x100, s12;
	(v2sf) =	vpush v1, $0xC  }
0x15b: {  	v2 =	vld [tilespmem:s12+$0xFFFFFF80];
	(v2sf) =	vpush v1, $0xD  }
0x15c: {  	v3 =	vld [tilespmem:s12+$0xFFFFFF90];
	(v2sf) =	vpush v1, $0xE  }
0x15d: {  	s14 =	spop (v2sf)  }
0x15e: {  	s15 =	simm.f32 $0.0e+00;
	v4 =	vld [tilespmem:s12+$0xFFFFFFA0];
	(v2sf) =	vpush v1, $0xF;
	p2 =	seq.s32 s14, $0xC0000  }
0x15f: {  	s14 =	spop (v2sf);
	s15 =	simm.s32 @!p2 $0x3F800000  }
0x160: {  	v1 =	vld [tilespmem:s12+$0xFFFFFFB0];
	p2 =	seq.s32 s14, $0xC0000;
	v2 =	vmul.f32 s15, v2;
	s15 =	simm.f32 $0.0e+00  }
0x161: {  	v5 =	vld [tilespmem:s12+$0xFFFFFFC0];
	s14 =	spop (v2sf);
	s15 =	simm.s32 @!p2 $0x3F800000  }
0x162: {  	v6 =	vld [tilespmem:s12+$0xFFFFFFD0];
	p2 =	seq.s32 s14, $0xC0000;
	s14 =	spop (v2sf);
	v3 =	vmul.f32 s15, v3;
	s15 =	simm.f32 $0.0e+00  }
0x163: {  	v7 =	vld [tilespmem:s12+$0xFFFFFFE0];
	s15 =	simm.s32 @!p2 $0x3F800000;
	p2 =	seq.s32 s14, $0xC0000;
	s14 =	spop (v2sf)  }
0x164: {  	[tilespmem:s12+$0xFFFFFF80] =	vst v2;
	v2 =	vmul.f32 s15, v4;
	s15 =	simm.f32 $0.0e+00  }
0x165: {  	s15 =	simm.s32 @!p2 $0x3F800000  }
0x166: {  	v4 =	vld [tilespmem:s12+$0xFFFFFFF0];
	p2 =	seq.s32 s14, $0xC0000;
	s14 =	spop (v2sf);
	v1 =	vmul.f32 s15, v1;
	s15 =	simm.f32 $0.0e+00  }
0x167: {  	[tilespmem:s12+$0xFFFFFF90] =	vst v3;
	v3 =	vld [tilespmem:s12+$0x0];
	s15 =	simm.s32 @!p2 $0x3F800000;
	p2 =	seq.s32 s14, $0xC0000;
	s14 =	spop (v2sf)  }
0x168: {  	[tilespmem:s12+$0xFFFFFFA0] =	vst v2;
	v2 =	vmul.f32 s15, v5;
	s15 =	simm.f32 $0.0e+00  }
0x169: {  	v5 =	vld [tilespmem:s12+$0x10];
	s15 =	simm.s32 @!p2 $0x3F800000;
	p2 =	seq.s32 s14, $0xC0000;
	s14 =	spop (v2sf)  }
0x16a: {  	[tilespmem:s12+$0xFFFFFFB0] =	vst v1;
	v1 =	vmul.f32 s15, v6;
	s15 =	simm.f32 $0.0e+00  }
0x16b: {  	v6 =	vld [tilespmem:s12+$0x20];
	s15 =	simm.s32 @!p2 $0x3F800000;
	p2 =	seq.s32 s14, $0xC0000;
	s14 =	spop (v2sf)  }
0x16c: {  	[tilespmem:s12+$0xFFFFFFC0] =	vst v2;
	v2 =	vmul.f32 s15, v7;
	s15 =	simm.f32 $0.0e+00  }
0x16d: {  	v7 =	vld [tilespmem:s12+$0x30];
	s15 =	simm.s32 @!p2 $0x3F800000;
	p2 =	seq.s32 s14, $0xC0000;
	s14 =	spop (v2sf)  }
0x16e: {  	[tilespmem:s12+$0xFFFFFFD0] =	vst v1;
	v1 =	vmul.f32 s15, v4;
	s15 =	simm.f32 $0.0e+00  }
0x16f: {  	v4 =	vld [tilespmem:s12+$0x40];
	s15 =	simm.s32 @!p2 $0x3F800000;
	p2 =	seq.s32 s14, $0xC0000;
	s14 =	spop (v2sf)  }
0x170: {  	[tilespmem:s12+$0xFFFFFFE0] =	vst v2;
	v2 =	vmul.f32 s15, v3;
	s15 =	simm.f32 $0.0e+00  }
0x171: {  	v3 =	vld [tilespmem:s12+$0x50];
	s15 =	simm.s32 @!p2 $0x3F800000;
	p2 =	seq.s32 s14, $0xC0000;
	s14 =	spop (v2sf)  }
0x172: {  	[tilespmem:s12+$0xFFFFFFF0] =	vst v1;
	v1 =	vmul.f32 s15, v5;
	s15 =	simm.f32 $0.0e+00  }
0x173: {  	v5 =	vld [tilespmem:s12+$0x60];
	s15 =	simm.s32 @!p2 $0x3F800000;
	p2 =	seq.s32 s14, $0xC0000;
	s14 =	spop (v2sf)  }
0x174: {  	[tilespmem:s12+$0x0] =	vst v2;
	v2 =	vmul.f32 s15, v6;
	s15 =	simm.f32 $0.0e+00  }
0x175: {  	v6 =	vld [tilespmem:s12+$0x70];
	s15 =	simm.s32 @!p2 $0x3F800000;
	p2 =	seq.s32 s14, $0xC0000;
	s14 =	spop (v2sf)  }
0x176: {  	[tilespmem:s12+$0x10] =	vst v1;
	v1 =	vmul.f32 s15, v7;
	s15 =	simm.f32 $0.0e+00  }
0x177: {  	s15 =	simm.s32 @!p2 $0x3F800000;
	p2 =	seq.s32 s14, $0xC0000;
	s14 =	spop (v2sf)  }
0x178: {  	[tilespmem:s12+$0x20] =	vst v2;
	v2 =	vmul.f32 s15, v4;
	s15 =	simm.f32 $0.0e+00  }
0x179: {  	s15 =	simm.s32 @!p2 $0x3F800000;
	p2 =	seq.s32 s14, $0xC0000;
	s14 =	spop (v2sf)  }
0x17a: {  	[tilespmem:s12+$0x30] =	vst v1;
	v1 =	vmul.f32 s15, v3;
	s15 =	simm.f32 $0.0e+00  }
0x17b: {  	s15 =	simm.s32 @!p2 $0x3F800000  }
.Ltmp6:
0x17c: {  	p2 =	seq.s32 s14, $0xC0000;
	s14 =	simm.f32 $0.0e+00;
	(pc) =	sbr.rel @p1 .LBB2_6-.Ltmp6, $4  }
0x17d: {  	[tilespmem:s12+$0x40] =	vst v2;
	v2 =	vmul.f32 s15, v5;
	s14 =	simm.s32 @!p2 $0x3F800000  }
0x17e: {  	[tilespmem:s12+$0x50] =	vst v1;
	v1 =	vmul.f32 s14, v6  }
0x17f: {  	[tilespmem:s12+$0x60] =	vst v2  }
0x180: {  	s14 =	sshra.s32 s13, $0x2;
	s13 =	sadd.s32 $0x40, s13;
	[tilespmem:s12+$0x70] =	vst v1  }
0x181: {  	v1 =	vld [tilespmem:s14+$0x0];
	_ =	sdelay $0x4  }
0x182: {  	(v2sf) =	vpush v1, $0x0  }
0x183: {  	(v2sf) =	vpush v1, $0x1  }
0x184: {  	(v2sf) =	vpush v1, $0x2;
	_ =	sdelay $0x1  }
0x185: {  	(v2sf) =	vpush v1, $0x3  }
0x186: {  	(v2sf) =	vpush v1, $0x4  }
0x187: {  	(v2sf) =	vpush v1, $0x5;
	_ =	sdelay $0x1  }
0x188: {  	(v2sf) =	vpush v1, $0x6  }
0x189: {  	(v2sf) =	vpush v1, $0x7;
	_ =	sdelay $0x1  }
0x18a: {  	(v2sf) =	vpush v1, $0x8  }
0x18b: {  	(v2sf) =	vpush v1, $0x9  }
0x18c: {  	(v2sf) =	vpush v1, $0xA;
	_ =	sdelay $0x1  }
0x18d: {  	s14 =	simm.f32 $0.0e+00;
	s12 =	sadd.s32 $0x100, s12;
	s13 =	spop (v2sf);
	(v2sf) =	vpush v1, $0xB  }
0x18e: {  	p1 =	seq.s32 s13, $0xC0000;
	s17 =	spop (v2sf);
	s13 =	simm.f32 $0.0e+00;
	(v2sf) =	vpush v1, $0xC  }
0x18f: {  	v2 =	vld [tilespmem:s12+$0xFFFFFF80];
	s14 =	simm.s32 @!p1 $0x3F800000;
	p1 =	seq.s32 s17, $0xC0000;
	s15 =	spop (v2sf);
	(v2sf) =	vpush v1, $0xD  }
0x190: {  	s16 =	simm.f32 $0.0e+00;
	v3 =	vld [tilespmem:s12+$0xFFFFFF90];
	s13 =	simm.s32 @!p1 $0x3F800000;
	p1 =	seq.s32 s15, $0xC0000  }
0x191: {  	v4 =	vld [tilespmem:s12+$0xFFFFFFA0];
	s18 =	spop (v2sf);
	s15 =	simm.f32 $0.0e+00;
	(v2sf) =	vpush v1, $0xE;
	s16 =	simm.s32 @!p1 $0x3F800000  }
0x192: {  	v5 =	vld [tilespmem:s12+$0xFFFFFFC0];
	p1 =	seq.s32 s18, $0xC0000;
	s17 =	spop (v2sf);
	(v2sf) =	vpush v1, $0xF;
	s18 =	simm.f32 $0.0e+00  }
0x193: {  	v1 =	vld [tilespmem:s12+$0xFFFFFFB0];
	s15 =	simm.s32 @!p1 $0x3F800000;
	p1 =	seq.s32 s17, $0xC0000;
	s20 =	spop (v2sf)  }
0x194: {  	v6 =	vld [tilespmem:s12+$0xFFFFFFD0];
	v2 =	vmul.f32 s14, v2;
	s17 =	simm.f32 $0.0e+00;
	s18 =	simm.s32 @!p1 $0x3F800000;
	p1 =	seq.s32 s20, $0xC0000  }
0x195: {  	v7 =	vld [tilespmem:s12+$0xFFFFFFE0];
	v3 =	vmul.f32 s13, v3;
	s20 =	spop (v2sf);
	s17 =	simm.s32 @!p1 $0x3F800000  }
0x196: {  	v58 =	vld [tilespmem:s12+$0xFFFFFFF0];
	[tilespmem:s12+$0xFFFFFF80] =	vst v2;
	p1 =	seq.s32 s20, $0xC0000;
	s21 =	spop (v2sf);
	s20 =	simm.f32 $0.0e+00  }
0x197: {  	s13 =	simm.f32 $0.0e+00;
	v2 =	vmul.f32 s16, v4;
	[tilespmem:s12+$0xFFFFFF90] =	vst v3;
	v3 =	vld [tilespmem:s12+$0x0];
	s20 =	simm.s32 @!p1 $0x3F800000;
	p1 =	seq.s32 s21, $0xC0000  }
0x198: {  	s14 =	simm.f32 $0.0e+00;
	s23 =	spop (v2sf);
	s13 =	simm.s32 @!p1 $0x3F800000;
	v1 =	vmul.f32 s15, v1  }
0x199: {  	v5 =	vmul.f32 s18, v5;
	[tilespmem:s12+$0xFFFFFFA0] =	vst v2;
	v2 =	vld [tilespmem:s12+$0x10];
	p1 =	seq.s32 s23, $0xC0000;
	s24 =	spop (v2sf);
	s15 =	simm.f32 $0.0e+00  }
0x19a: {  	v59 =	vld [tilespmem:s12+$0x20];
	s15 =	simm.s32 @!p1 $0x3F800000;
	p1 =	seq.s32 s24, $0xC0000;
	s25 =	spop (v2sf);
	[tilespmem:s12+$0xFFFFFFB0] =	vst v1;
	v1 =	vmul.f32 s17, v6  }
0x19b: {  	v61 =	vld [tilespmem:s12+$0x30];
	[tilespmem:s12+$0xFFFFFFC0] =	vst v5;
	v60 =	vmul.f32 s20, v7;
	v4 =	vmul.f32 s13, v58;
	s13 =	simm.f32 $0.0e+00;
	s14 =	simm.s32 @!p1 $0x3F800000;
	p1 =	seq.s32 s25, $0xC0000  }
0x19c: {  	s17 =	simm.f32 $0.0e+00;
	v3 =	vmul.f32 s15, v3;
	s15 =	simm.f32 $0.0e+00;
	[tilespmem:s12+$0xFFFFFFD0] =	vst v1;
	v1 =	vld [tilespmem:s12+$0x40];
	s26 =	spop (v2sf)  }
0x19d: {  	v62 =	vld [tilespmem:s12+$0x50];
	[tilespmem:s12+$0xFFFFFFE0] =	vst v60;
	s17 =	simm.s32 @!p1 $0x3F800000;
	p1 =	seq.s32 s26, $0xC0000;
	s28 =	spop (v2sf)  }
0x19e: {  	v63 =	vld [tilespmem:s12+$0x60];
	[tilespmem:s12+$0xFFFFFFF0] =	vst v4;
	v2 =	vmul.f32 s14, v2;
	s13 =	simm.s32 @!p1 $0x3F800000;
	p1 =	seq.s32 s28, $0xC0000;
	s29 =	spop (v2sf)  }
0x19f: {  	s14 =	simm.f32 $0.0e+00;
	v6 =	vmul.f32 s17, v59;
	[tilespmem:s12+$0x0] =	vst v3;
	v3 =	vld [tilespmem:s12+$0x70];
	s15 =	simm.s32 @!p1 $0x3F800000;
	p1 =	seq.s32 s29, $0xC0000  }
0x1a0: {  	[tilespmem:s12+$0x10] =	vst v2;
	v2 =	vmul.f32 s13, v61;
	s30 =	spop (v2sf);
	s14 =	simm.s32 @!p1 $0x3F800000  }
0x1a1: {  	[tilespmem:s12+$0x20] =	vst v6;
	v1 =	vmul.f32 s15, v1;
	p1 =	seq.s32 s30, $0xC0000;
	s31 =	spop (v2sf);
	s15 =	simm.f32 $0.0e+00  }
0x1a2: {  	s13 =	simm.f32 $0.0e+00;
	v5 =	vmul.f32 s14, v62;
	[tilespmem:s12+$0x30] =	vst v2;
	s15 =	simm.s32 @!p1 $0x3F800000;
	p1 =	seq.s32 s31, $0xC0000  }
0x1a3: {  	[tilespmem:s12+$0x40] =	vst v1;
	v1 =	vmul.f32 s15, v63;
	s13 =	simm.s32 @!p1 $0x3F800000  }
0x1a4: {  	[tilespmem:s12+$0x50] =	vst v5;
	v2 =	vmul.f32 s13, v3  }
0x1a5: {  	[tilespmem:s12+$0x60] =	vst v1  }
0x1a6: {  	[tilespmem:s12+$0x70] =	vst v2  }
.LBB2_8:
0x1a7: {  	s10 =	sshll.u32 s10, $0x1  }
0x1a8: {  	s10 =	sadd.s32 s10, s6  }
0x1a9: {  	[hbm4b:s10+s3] =	stream.linear.scatter [tilespmem:s11], [sflag:$0x2], $0x8000, $0x38;
	[tilespmem:$0x12010] =	vst v63  }
0x1aa: {  	s7 =	sadd.s32 s7, s4;
	s10 =	simm.s32 @!p0 $0x3  }
0x1ab: {  	s7 =	sadd.s32 $0x800, s7;
	_ =	swait.ge @!p0 [sflag:s10], $0x8000  }
0x1ac: {  	s31 =	simm.s32 $0x0;
	s12 =	sshrl.u32 s7, $0x3;
	[sflag:s10] =	ssyncset.done @!p0 $0x0  }
0x1ad: {  	s0 =	simm.s32 $0x800;
	s30 =	sadd.s32 s2, s12;
	[sflag:s10] =	ssyncadd.s32 @!p0 $0xFFFF8000  }
0x1ae: {  	[tilespmem:s0], [sflag:$0x4] =	stream.linear.gather [hbm4b:s30+s31], $0x800, $0x38;
	[tilespmem:$0x12010] =	vst v63  }
0x1af: {  	_ =	swait.ge [sflag:s8], $0x800  }
0x1b0: {  	[sflag:s8] =	ssyncset.done $0x0  }
0x1b1: {  	[sflag:s8] =	ssyncadd.s32 $0xFFFFF800  }
0x1b2: {  	s10 =	simm.s32 $0x0;
	[tilespmem:$0x12000] =	vst v0  }
0x1b3: {  	v1 =	vld [tilespmem:s10+$0x800];
	_ =	sdelay $0x1  }
0x1b4: {  	v2 =	vld [tilespmem:$0x12000];
	_ =	sdelay $0x2  }
0x1b5: {  	vm0 =	veq.s32 v1, $0xC0000  }
0x1b6: {  	v3 =	vsel vm0, $0x1, v0  }
0x1b7: {  	v2 =	vadd.s32 v3, v2  }
0x1b8: {  	vm13 =	vlt.s32 v1, $0xBFFFF;
	[tilespmem:$0x12000] =	vst v2  }
0x1b9: {  	v1 =	vnsel vm13, $0xBFFFF, v1;
	v2 =	vld [tilespmem:s10+$0x810]  }
0x1ba: {  	[tilespmem:s10+$0x1800] =	vst v1  }
0x1bb: {  	v1 =	vld [tilespmem:$0x12000];
	_ =	sdelay $0x2  }
0x1bc: {  	vm14 =	veq.s32 v2, $0xC0000  }
0x1bd: {  	v3 =	vsel vm14, $0x1, v0  }
0x1be: {  	v1 =	vadd.s32 v3, v1  }
0x1bf: {  	vm15 =	vlt.s32 v2, $0xBFFFF;
	[tilespmem:$0x12000] =	vst v1  }
0x1c0: {  	v1 =	vnsel vm15, $0xBFFFF, v2;
	v2 =	vld [tilespmem:s10+$0x820]  }
0x1c1: {  	[tilespmem:s10+$0x1810] =	vst v1  }
0x1c2: {  	v1 =	vld [tilespmem:$0x12000];
	_ =	sdelay $0x2  }
0x1c3: {  	vm4 =	veq.s32 v2, $0xC0000  }
0x1c4: {  	v3 =	vsel vm4, $0x1, v0  }
0x1c5: {  	v1 =	vadd.s32 v3, v1  }
0x1c6: {  	vm5 =	vlt.s32 v2, $0xBFFFF;
	[tilespmem:$0x12000] =	vst v1  }
0x1c7: {  	v2 =	vnsel vm5, $0xBFFFF, v2;
	v1 =	vld [tilespmem:s10+$0x830]  }
0x1c8: {  	[tilespmem:s10+$0x1820] =	vst v2  }
0x1c9: {  	v2 =	vld [tilespmem:$0x12000];
	_ =	sdelay $0x2  }
0x1ca: {  	vm6 =	veq.s32 v1, $0xC0000  }
0x1cb: {  	v3 =	vsel vm6, $0x1, v0  }
0x1cc: {  	vm7 =	vlt.s32 v1, $0xBFFFF;
	v2 =	vadd.s32 v3, v2  }
0x1cd: {  	v1 =	vnsel vm7, $0xBFFFF, v1;
	[tilespmem:$0x12000] =	vst v2  }
0x1ce: {  	[tilespmem:s10+$0x1830] =	vst v1;
	v1 =	vld [tilespmem:s10+$0x840];
	_ =	sdelay $0x1  }
0x1cf: {  	v2 =	vld [tilespmem:$0x12000];
	_ =	sdelay $0x2  }
0x1d0: {  	vm8 =	veq.s32 v1, $0xC0000  }
0x1d1: {  	v3 =	vsel vm8, $0x1, v0  }
0x1d2: {  	vm9 =	vlt.s32 v1, $0xBFFFF;
	v2 =	vadd.s32 v3, v2  }
0x1d3: {  	v1 =	vnsel vm9, $0xBFFFF, v1;
	[tilespmem:$0x12000] =	vst v2  }
0x1d4: {  	[tilespmem:s10+$0x1840] =	vst v1;
	v1 =	vld [tilespmem:s10+$0x850];
	_ =	sdelay $0x1  }
0x1d5: {  	v2 =	vld [tilespmem:$0x12000];
	_ =	sdelay $0x2  }
0x1d6: {  	vm10 =	veq.s32 v1, $0xC0000  }
0x1d7: {  	v3 =	vsel vm10, $0x1, v0  }
0x1d8: {  	vm11 =	vlt.s32 v1, $0xBFFFF;
	v2 =	vadd.s32 v3, v2  }
0x1d9: {  	v1 =	vnsel vm11, $0xBFFFF, v1;
	[tilespmem:$0x12000] =	vst v2  }
0x1da: {  	[tilespmem:s10+$0x1850] =	vst v1;
	v1 =	vld [tilespmem:s10+$0x860];
	_ =	sdelay $0x1  }
0x1db: {  	v2 =	vld [tilespmem:$0x12000];
	_ =	sdelay $0x2  }
0x1dc: {  	vm12 =	veq.s32 v1, $0xC0000  }
0x1dd: {  	v3 =	vsel vm12, $0x1, v0  }
0x1de: {  	vm13 =	vlt.s32 v1, $0xBFFFF;
	v2 =	vadd.s32 v3, v2  }
0x1df: {  	v1 =	vnsel vm13, $0xBFFFF, v1;
	[tilespmem:$0x12000] =	vst v2  }
0x1e0: {  	[tilespmem:s10+$0x1860] =	vst v1;
	v1 =	vld [tilespmem:s10+$0x870];
	_ =	sdelay $0x1  }
0x1e1: {  	v2 =	vld [tilespmem:$0x12000];
	_ =	sdelay $0x2  }
0x1e2: {  	vm14 =	veq.s32 v1, $0xC0000  }
0x1e3: {  	v3 =	vsel vm14, $0x1, v0  }
0x1e4: {  	vm15 =	vlt.s32 v1, $0xBFFFF;
	v2 =	vadd.s32 v3, v2  }
0x1e5: {  	s14 =	simm.s32 $0x80;
	s12 =	simm.s32 $0x400;
	v1 =	vnsel vm15, $0xBFFFF, v1;
	[tilespmem:$0x12000] =	vst v2  }
.LBB2_9:
0x1e6: {  	p0 =	sne.s32 s12, $0x1E00;
	v2 =	vld [tilespmem:s14+$0x800];
	[tilespmem:s10+$0x1870] =	vst v1;
	s13 =	smov.u32 s12;
	s12 =	sadd.s32 $0x200, s12  }
0x1e7: {  	s10 =	smov.u32 s14  }
0x1e8: {  	v1 =	vld [tilespmem:$0x12000];
	_ =	sdelay $0x2  }
0x1e9: {  	vm0 =	veq.s32 v2, $0xC0000;
	vm1 =	vlt.s32 v2, $0xBFFFF  }
0x1ea: {  	v3 =	vsel vm0, $0x1, v0;
	v2 =	vnsel vm1, $0xBFFFF, v2  }
0x1eb: {  	v1 =	vadd.s32 v3, v1  }
0x1ec: {  	[tilespmem:$0x12000] =	vst v1  }
0x1ed: {  	v1 =	vld [tilespmem:s10+$0x810]  }
0x1ee: {  	[tilespmem:s10+$0x1800] =	vst v2  }
0x1ef: {  	v2 =	vld [tilespmem:$0x12000];
	_ =	sdelay $0x2  }
0x1f0: {  	vm0 =	veq.s32 v1, $0xC0000;
	vm1 =	vlt.s32 v1, $0xBFFFF  }
0x1f1: {  	v3 =	vsel vm0, $0x1, v0;
	v1 =	vnsel vm1, $0xBFFFF, v1  }
0x1f2: {  	v2 =	vadd.s32 v3, v2  }
0x1f3: {  	[tilespmem:$0x12000] =	vst v2  }
0x1f4: {  	v2 =	vld [tilespmem:s10+$0x820]  }
0x1f5: {  	[tilespmem:s10+$0x1810] =	vst v1  }
0x1f6: {  	v1 =	vld [tilespmem:$0x12000];
	_ =	sdelay $0x2  }
0x1f7: {  	vm0 =	veq.s32 v2, $0xC0000;
	vm1 =	vlt.s32 v2, $0xBFFFF  }
0x1f8: {  	v3 =	vsel vm0, $0x1, v0;
	v2 =	vnsel vm1, $0xBFFFF, v2  }
0x1f9: {  	v1 =	vadd.s32 v3, v1  }
0x1fa: {  	[tilespmem:$0x12000] =	vst v1  }
0x1fb: {  	[tilespmem:s10+$0x1820] =	vst v2;
	v1 =	vld [tilespmem:s10+$0x830];
	_ =	sdelay $0x1  }
0x1fc: {  	v2 =	vld [tilespmem:$0x12000];
	_ =	sdelay $0x2  }
0x1fd: {  	vm0 =	veq.s32 v1, $0xC0000  }
0x1fe: {  	v3 =	vsel vm0, $0x1, v0  }
0x1ff: {  	vm0 =	vlt.s32 v1, $0xBFFFF;
	v2 =	vadd.s32 v3, v2  }
0x200: {  	v1 =	vnsel vm0, $0xBFFFF, v1;
	[tilespmem:$0x12000] =	vst v2  }
0x201: {  	[tilespmem:s10+$0x1830] =	vst v1;
	v1 =	vld [tilespmem:s10+$0x840]  }
0x202: {  	v2 =	vld [tilespmem:$0x12000];
	_ =	sdelay $0x3  }
0x203: {  	vm0 =	veq.s32 v1, $0xC0000;
	vm1 =	vlt.s32 v1, $0xBFFFF  }
0x204: {  	v3 =	vsel vm0, $0x1, v0;
	v1 =	vnsel vm1, $0xBFFFF, v1  }
0x205: {  	v2 =	vadd.s32 v3, v2  }
0x206: {  	[tilespmem:$0x12000] =	vst v2  }
0x207: {  	[tilespmem:s10+$0x1840] =	vst v1;
	v1 =	vld [tilespmem:s10+$0x850]  }
0x208: {  	v2 =	vld [tilespmem:$0x12000];
	_ =	sdelay $0x3  }
0x209: {  	vm0 =	veq.s32 v1, $0xC0000;
	vm1 =	vlt.s32 v1, $0xBFFFF  }
0x20a: {  	v3 =	vsel vm0, $0x1, v0;
	v1 =	vnsel vm1, $0xBFFFF, v1  }
0x20b: {  	v2 =	vadd.s32 v3, v2  }
0x20c: {  	[tilespmem:$0x12000] =	vst v2  }
0x20d: {  	[tilespmem:s10+$0x1850] =	vst v1;
	v1 =	vld [tilespmem:s10+$0x860]  }
0x20e: {  	v2 =	vld [tilespmem:$0x12000];
	_ =	sdelay $0x3  }
0x20f: {  	vm0 =	veq.s32 v1, $0xC0000;
	vm1 =	vlt.s32 v1, $0xBFFFF  }
0x210: {  	v3 =	vsel vm0, $0x1, v0;
	v1 =	vnsel vm1, $0xBFFFF, v1  }
0x211: {  	v2 =	vadd.s32 v3, v2  }
0x212: {  	[tilespmem:$0x12000] =	vst v2  }
0x213: {  	[tilespmem:s10+$0x1860] =	vst v1;
	v1 =	vld [tilespmem:s10+$0x870]  }
0x214: {  	v2 =	vld [tilespmem:$0x12000];
	_ =	sdelay $0x2  }
.Ltmp7:
0x215: {  	(pc) =	sbr.rel @p0 .LBB2_9-.Ltmp7, $4  }
0x216: {  	vm0 =	veq.s32 v1, $0xC0000;
	vm1 =	vlt.s32 v1, $0xBFFFF  }
0x217: {  	v3 =	vsel vm0, $0x1, v0;
	v1 =	vnsel vm1, $0xBFFFF, v1  }
0x218: {  	v2 =	vadd.s32 v3, v2  }
0x219: {  	s14 =	sshra.s32 s13, $0x2;
	[tilespmem:$0x12000] =	vst v2  }
0x21a: {  	v2 =	vld [tilespmem:s14+$0x800]  }
0x21b: {  	[tilespmem:s10+$0x1870] =	vst v1  }
0x21c: {  	v1 =	vld [tilespmem:$0x12000];
	_ =	sdelay $0x2  }
0x21d: {  	vm0 =	veq.s32 v2, $0xC0000  }
0x21e: {  	v3 =	vsel vm0, $0x1, v0  }
0x21f: {  	v1 =	vadd.s32 v3, v1  }
0x220: {  	vm13 =	vlt.s32 v2, $0xBFFFF;
	[tilespmem:$0x12000] =	vst v1  }
0x221: {  	v1 =	vnsel vm13, $0xBFFFF, v2;
	v2 =	vld [tilespmem:s14+$0x810]  }
0x222: {  	[tilespmem:s14+$0x1800] =	vst v1  }
0x223: {  	v1 =	vld [tilespmem:$0x12000];
	_ =	sdelay $0x2  }
0x224: {  	vm14 =	veq.s32 v2, $0xC0000  }
0x225: {  	v3 =	vsel vm14, $0x1, v0  }
0x226: {  	v1 =	vadd.s32 v3, v1  }
0x227: {  	vm15 =	vlt.s32 v2, $0xBFFFF;
	[tilespmem:$0x12000] =	vst v1  }
0x228: {  	v1 =	vnsel vm15, $0xBFFFF, v2;
	v2 =	vld [tilespmem:s14+$0x820]  }
0x229: {  	[tilespmem:s14+$0x1810] =	vst v1  }
0x22a: {  	v1 =	vld [tilespmem:$0x12000];
	_ =	sdelay $0x2  }
0x22b: {  	vm4 =	veq.s32 v2, $0xC0000  }
0x22c: {  	v3 =	vsel vm4, $0x1, v0  }
0x22d: {  	v1 =	vadd.s32 v3, v1  }
0x22e: {  	vm5 =	vlt.s32 v2, $0xBFFFF;
	[tilespmem:$0x12000] =	vst v1  }
0x22f: {  	v2 =	vnsel vm5, $0xBFFFF, v2;
	v1 =	vld [tilespmem:s14+$0x830]  }
0x230: {  	[tilespmem:s14+$0x1820] =	vst v2  }
0x231: {  	v2 =	vld [tilespmem:$0x12000];
	_ =	sdelay $0x2  }
0x232: {  	vm6 =	veq.s32 v1, $0xC0000  }
0x233: {  	v3 =	vsel vm6, $0x1, v0  }
0x234: {  	vm7 =	vlt.s32 v1, $0xBFFFF;
	v2 =	vadd.s32 v3, v2  }
0x235: {  	v1 =	vnsel vm7, $0xBFFFF, v1;
	[tilespmem:$0x12000] =	vst v2  }
0x236: {  	[tilespmem:s14+$0x1830] =	vst v1;
	v1 =	vld [tilespmem:s14+$0x840];
	_ =	sdelay $0x1  }
0x237: {  	v2 =	vld [tilespmem:$0x12000];
	_ =	sdelay $0x2  }
0x238: {  	vm8 =	veq.s32 v1, $0xC0000  }
0x239: {  	v3 =	vsel vm8, $0x1, v0  }
0x23a: {  	vm9 =	vlt.s32 v1, $0xBFFFF;
	v2 =	vadd.s32 v3, v2  }
0x23b: {  	v1 =	vnsel vm9, $0xBFFFF, v1;
	[tilespmem:$0x12000] =	vst v2  }
0x23c: {  	[tilespmem:s14+$0x1840] =	vst v1;
	v1 =	vld [tilespmem:s14+$0x850];
	_ =	sdelay $0x1  }
0x23d: {  	v2 =	vld [tilespmem:$0x12000];
	_ =	sdelay $0x2  }
0x23e: {  	vm10 =	veq.s32 v1, $0xC0000  }
0x23f: {  	v3 =	vsel vm10, $0x1, v0  }
0x240: {  	vm11 =	vlt.s32 v1, $0xBFFFF;
	v2 =	vadd.s32 v3, v2  }
0x241: {  	v1 =	vnsel vm11, $0xBFFFF, v1;
	[tilespmem:$0x12000] =	vst v2  }
0x242: {  	[tilespmem:s14+$0x1850] =	vst v1;
	v1 =	vld [tilespmem:s14+$0x860];
	_ =	sdelay $0x1  }
0x243: {  	v2 =	vld [tilespmem:$0x12000];
	_ =	sdelay $0x2  }
0x244: {  	vm12 =	veq.s32 v1, $0xC0000  }
0x245: {  	v3 =	vsel vm12, $0x1, v0  }
0x246: {  	vm13 =	vlt.s32 v1, $0xBFFFF;
	v2 =	vadd.s32 v3, v2  }
0x247: {  	v1 =	vnsel vm13, $0xBFFFF, v1;
	[tilespmem:$0x12000] =	vst v2  }
0x248: {  	[tilespmem:s14+$0x1860] =	vst v1;
	v1 =	vld [tilespmem:s14+$0x870];
	_ =	sdelay $0x1  }
0x249: {  	v2 =	vld [tilespmem:$0x12000];
	_ =	sdelay $0x2  }
0x24a: {  	vm14 =	veq.s32 v1, $0xC0000  }
0x24b: {  	v3 =	vsel vm14, $0x1, v0  }
0x24c: {  	vm15 =	vlt.s32 v1, $0xBFFFF;
	v2 =	vadd.s32 v3, v2  }
0x24d: {  	v1 =	vnsel vm15, $0xBFFFF, v1;
	[tilespmem:$0x12000] =	vst v2  }
0x24e: {  	[tilespmem:s14+$0x1870] =	vst v1  }
0x24f: {  	s0 =	simm.s32 $0x1800;
	v1 =	vld [tilespmem:$0x12000]  }
0x250: {  	[tilespmem:s22], [sflag:$0x1] =	stream.indirect.gather [hbm4b:s5+s9], $0x10, s0, s9, $0xb8;
	[tilespmem:$0x12010] =	vst v63  }
0x251: {  	s31 =	simm.s32 $0x1880;
	s13 =	simm.s32 $0xA800  }
0x252: {  	[tilespmem:s13], [sflag:$0x1] =	stream.indirect.gather [hbm4b:s5+s9], $0x10, s31, s9, $0xb8;
	[tilespmem:$0x12010] =	vst v63  }
0x253: {  	s15 =	simm.s32 $0xB000;
	s14 =	simm.s32 $0x1900  }
0x254: {  	[tilespmem:s15], [sflag:$0x1] =	stream.indirect.gather [hbm4b:s5+s9], $0x10, s14, s9, $0xb8;
	(v2sf) =	vpush v1, $0x0;
	[tilespmem:$0x12010] =	vst v63  }
0x255: {  	s16 =	simm.s32 $0x1980;
	s15 =	simm.s32 $0xB800  }
0x256: {  	(v2sf) =	vpush v1, $0x1;
	[tilespmem:s15], [sflag:$0x1] =	stream.indirect.gather [hbm4b:s5+s9], $0x10, s16, s9, $0xb8;
	[tilespmem:$0x12010] =	vst v63  }
0x257: {  	s17 =	simm.s32 $0x1A00;
	s16 =	simm.s32 $0xC000;
	(v2sf) =	vpush v1, $0x2  }
0x258: {  	[tilespmem:s16], [sflag:$0x1] =	stream.indirect.gather [hbm4b:s5+s9], $0x10, s17, s9, $0xb8;
	[tilespmem:$0x12010] =	vst v63  }
0x259: {  	s18 =	simm.s32 $0x1A80;
	(v2sf) =	vpush v1, $0x3;
	s17 =	simm.s32 $0xC800  }
0x25a: {  	(v2sf) =	vpush v1, $0x4;
	[tilespmem:s17], [sflag:$0x1] =	stream.indirect.gather [hbm4b:s5+s9], $0x10, s18, s9, $0xb8;
	[tilespmem:$0x12010] =	vst v63  }
0x25b: {  	s20 =	simm.s32 $0x1B00;
	(v2sf) =	vpush v1, $0x5;
	s18 =	simm.s32 $0xD000  }
0x25c: {  	(v2sf) =	vpush v1, $0x6;
	[tilespmem:s18], [sflag:$0x1] =	stream.indirect.gather [hbm4b:s5+s9], $0x10, s20, s9, $0xb8;
	[tilespmem:$0x12010] =	vst v63  }
0x25d: {  	s21 =	simm.s32 $0x1B80;
	(v2sf) =	vpush v1, $0x7;
	s20 =	simm.s32 $0xD800  }
0x25e: {  	[tilespmem:s20], [sflag:$0x1] =	stream.indirect.gather [hbm4b:s5+s9], $0x10, s21, s9, $0xb8;
	[tilespmem:$0x12010] =	vst v63  }
0x25f: {  	s23 =	simm.s32 $0x1C00;
	s21 =	simm.s32 $0xE000  }
0x260: {  	[tilespmem:s21], [sflag:$0x1] =	stream.indirect.gather [hbm4b:s5+s9], $0x10, s23, s9, $0xb8;
	[tilespmem:$0x12010] =	vst v63  }
0x261: {  	s24 =	simm.s32 $0x1C80;
	s23 =	simm.s32 $0xE800  }
0x262: {  	[tilespmem:s23], [sflag:$0x1] =	stream.indirect.gather [hbm4b:s5+s9], $0x10, s24, s9, $0xb8;
	[tilespmem:$0x12010] =	vst v63  }
0x263: {  	s25 =	simm.s32 $0x1D00;
	s24 =	simm.s32 $0xF000;
	s10 =	spop (v2sf)  }
0x264: {  	[tilespmem:s24], [sflag:$0x1] =	stream.indirect.gather [hbm4b:s5+s9], $0x10, s25, s9, $0xb8;
	[tilespmem:$0x12010] =	vst v63  }
0x265: {  	(v2sf) =	vpush v1, $0x8;
	s12 =	spop (v2sf)  }
0x266: {  	s26 =	simm.s32 $0x1D80;
	s25 =	simm.s32 $0xF800;
	(v2sf) =	vpush v1, $0x9;
	s13 =	spop (v2sf)  }
0x267: {  	(v2sf) =	vpush v1, $0xA;
	[tilespmem:s25], [sflag:$0x1] =	stream.indirect.gather [hbm4b:s5+s9], $0x10, s26, s9, $0xb8;
	[tilespmem:$0x12010] =	vst v63  }
0x268: {  	s14 =	spop (v2sf);
	(v2sf) =	vpush v1, $0xB  }
0x269: {  	s15 =	spop (v2sf);
	(v2sf) =	vpush v1, $0xC  }
0x26a: {  	s16 =	spop (v2sf);
	(v2sf) =	vpush v1, $0xD  }
0x26b: {  	s17 =	spop (v2sf);
	(v2sf) =	vpush v1, $0xE  }
0x26c: {  	s28 =	simm.s32 $0x1E00;
	s26 =	simm.s32 $0x10000;
	s18 =	spop (v2sf);
	(v2sf) =	vpush v1, $0xF  }
0x26d: {  	[tilespmem:s26], [sflag:$0x1] =	stream.indirect.gather [hbm4b:s5+s9], $0x10, s28, s9, $0xb8;
	[tilespmem:$0x12010] =	vst v63  }
0x26e: {  	s29 =	simm.s32 $0x1E80;
	s28 =	simm.s32 $0x10800  }
0x26f: {  	[tilespmem:s28], [sflag:$0x1] =	stream.indirect.gather [hbm4b:s5+s9], $0x10, s29, s9, $0xb8;
	[tilespmem:$0x12010] =	vst v63  }
0x270: {  	s30 =	simm.s32 $0x1F00;
	s29 =	simm.s32 $0x11000  }
0x271: {  	[tilespmem:s29], [sflag:$0x1] =	stream.indirect.gather [hbm4b:s5+s9], $0x10, s30, s9, $0xb8;
	[tilespmem:$0x12010] =	vst v63  }
0x272: {  	s31 =	simm.s32 $0x1F80;
	s30 =	simm.s32 $0x11800  }
0x273: {  	[tilespmem:s30], [sflag:$0x1] =	stream.indirect.gather [hbm4b:s5+s9], $0x10, s31, s9, $0xb8;
	[tilespmem:$0x12010] =	vst v63  }
0x274: {  	s20 =	spop (v2sf)  }
0x275: {  	s21 =	spop (v2sf)  }
0x276: {  	s23 =	spop (v2sf)  }
0x277: {  	s24 =	spop (v2sf)  }
0x278: {  	s25 =	spop (v2sf)  }
0x279: {  	s26 =	spop (v2sf)  }
0x27a: {  	s28 =	spop (v2sf)  }
0x27b: {  	s29 =	spop (v2sf)  }
0x27c: {  	_ =	swait.ge [sflag:s19], $0x800  }
0x27d: {  	[sflag:s19] =	ssyncset.done $0x0  }
0x27e: {  	[sflag:s19] =	ssyncadd.s32 $0xFFFFF800  }
0x27f: {  	_ =	swait.ge [sflag:s19], $0x800  }
0x280: {  	[sflag:s19] =	ssyncset.done $0x0  }
0x281: {  	[sflag:s19] =	ssyncadd.s32 $0xFFFFF800  }
0x282: {  	_ =	swait.ge [sflag:s19], $0x800  }
0x283: {  	[sflag:s19] =	ssyncset.done $0x0  }
0x284: {  	[sflag:s19] =	ssyncadd.s32 $0xFFFFF800  }
0x285: {  	_ =	swait.ge [sflag:s19], $0x800  }
0x286: {  	[sflag:s19] =	ssyncset.done $0x0  }
0x287: {  	[sflag:s19] =	ssyncadd.s32 $0xFFFFF800  }
0x288: {  	_ =	swait.ge [sflag:s19], $0x800  }
0x289: {  	[sflag:s19] =	ssyncset.done $0x0  }
0x28a: {  	[sflag:s19] =	ssyncadd.s32 $0xFFFFF800  }
0x28b: {  	_ =	swait.ge [sflag:s19], $0x800  }
0x28c: {  	[sflag:s19] =	ssyncset.done $0x0  }
0x28d: {  	[sflag:s19] =	ssyncadd.s32 $0xFFFFF800  }
0x28e: {  	_ =	swait.ge [sflag:s19], $0x800  }
0x28f: {  	[sflag:s19] =	ssyncset.done $0x0  }
0x290: {  	[sflag:s19] =	ssyncadd.s32 $0xFFFFF800  }
0x291: {  	_ =	swait.ge [sflag:s19], $0x800  }
0x292: {  	[sflag:s19] =	ssyncset.done $0x0  }
0x293: {  	[sflag:s19] =	ssyncadd.s32 $0xFFFFF800  }
0x294: {  	_ =	swait.ge [sflag:s19], $0x800  }
0x295: {  	[sflag:s19] =	ssyncset.done $0x0  }
0x296: {  	[sflag:s19] =	ssyncadd.s32 $0xFFFFF800  }
0x297: {  	s10 =	sadd.s32 s12, s10;
	_ =	swait.ge [sflag:s19], $0x800  }
0x298: {  	s10 =	sadd.s32 s13, s10;
	[sflag:s19] =	ssyncset.done $0x0  }
0x299: {  	s10 =	sadd.s32 s14, s10;
	[sflag:s19] =	ssyncadd.s32 $0xFFFFF800  }
0x29a: {  	s10 =	sadd.s32 s15, s10;
	_ =	swait.ge [sflag:s19], $0x800  }
0x29b: {  	s10 =	sadd.s32 s16, s10;
	[sflag:s19] =	ssyncset.done $0x0  }
0x29c: {  	s10 =	sadd.s32 s17, s10;
	[sflag:s19] =	ssyncadd.s32 $0xFFFFF800  }
0x29d: {  	s10 =	sadd.s32 s18, s10;
	_ =	swait.ge [sflag:s19], $0x800  }
0x29e: {  	s10 =	sadd.s32 s20, s10;
	[sflag:s19] =	ssyncset.done $0x0  }
0x29f: {  	s10 =	sadd.s32 s21, s10;
	[sflag:s19] =	ssyncadd.s32 $0xFFFFF800  }
0x2a0: {  	s10 =	sadd.s32 s23, s10;
	_ =	swait.ge [sflag:s19], $0x800  }
0x2a1: {  	s10 =	sadd.s32 s24, s10;
	[sflag:s19] =	ssyncset.done $0x0  }
0x2a2: {  	s10 =	sadd.s32 s25, s10;
	[sflag:s19] =	ssyncadd.s32 $0xFFFFF800  }
0x2a3: {  	s10 =	sadd.s32 s26, s10;
	_ =	swait.ge [sflag:s19], $0x800  }
0x2a4: {  	s10 =	sadd.s32 s28, s10;
	[sflag:s19] =	ssyncset.done $0x0  }
0x2a5: {  	s10 =	sadd.s32 s29, s10;
	[sflag:s19] =	ssyncadd.s32 $0xFFFFF800  }
0x2a6: {  	p0 =	slt.s32 s10, $0x1;
	_ =	swait.ge [sflag:s19], $0x800  }
.Ltmp8:
0x2a7: {  	[sflag:s19] =	ssyncset.done $0x0;
	(pc) =	sbr.rel @p0 .LBB2_14-.Ltmp8, $4  }
0x2a8: {  	[sflag:s19] =	ssyncadd.s32 $0xFFFFF800  }
0x2a9: {  	_ =	swait.ge [sflag:s19], $0x800  }
0x2aa: {  	[sflag:s19] =	ssyncset.done $0x0  }
0x2ab: {  	[sflag:s19] =	ssyncadd.s32 $0xFFFFF800  }
0x2ac: {  	s12 =	simm.s32 $0x800  }
0x2ad: {  	s10 =	simm.s32 $0x0;
	s13 =	simm.s32 $0x400;
	v1 =	vld [tilespmem:s12+$0x0]  }
.LBB2_12:
0x2ae: {  	p0 =	sne.s32 s13, $0x1FC00;
	_ =	sdelay $0x3  }
0x2af: {  	(v2sf) =	vpush v1, $0x0  }
0x2b0: {  	(v2sf) =	vpush v1, $0x1  }
0x2b1: {  	(v2sf) =	vpush v1, $0x2  }
0x2b2: {  	(v2sf) =	vpush v1, $0x3  }
0x2b3: {  	(v2sf) =	vpush v1, $0x4  }
0x2b4: {  	(v2sf) =	vpush v1, $0x5  }
0x2b5: {  	(v2sf) =	vpush v1, $0x6  }
0x2b6: {  	(v2sf) =	vpush v1, $0x7  }
0x2b7: {  	(v2sf) =	vpush v1, $0x8  }
0x2b8: {  	(v2sf) =	vpush v1, $0x9  }
0x2b9: {  	(v2sf) =	vpush v1, $0xA  }
0x2ba: {  	(v2sf) =	vpush v1, $0xB  }
0x2bb: {  	s14 =	sshra.s32 s10, $0x2;
	s10 =	smov.u32 s13;
	(v2sf) =	vpush v1, $0xC  }
0x2bc: {  	v2 =	vld [tilespmem:s14+$0xA000];
	(v2sf) =	vpush v1, $0xD  }
0x2bd: {  	v3 =	vld [tilespmem:s14+$0xA010];
	(v2sf) =	vpush v1, $0xE  }
0x2be: {  	s15 =	spop (v2sf)  }
0x2bf: {  	s16 =	simm.f32 $0.0e+00;
	v4 =	vld [tilespmem:s14+$0xA020];
	(v2sf) =	vpush v1, $0xF;
	p1 =	seq.s32 s15, $0xC0000  }
0x2c0: {  	s15 =	spop (v2sf);
	s16 =	simm.s32 @!p1 $0x3F800000  }
0x2c1: {  	v1 =	vld [tilespmem:s14+$0xA030];
	p1 =	seq.s32 s15, $0xC0000;
	v2 =	vmul.f32 s16, v2;
	s16 =	simm.f32 $0.0e+00  }
0x2c2: {  	v5 =	vld [tilespmem:s14+$0xA040];
	s15 =	spop (v2sf);
	s16 =	simm.s32 @!p1 $0x3F800000  }
0x2c3: {  	v6 =	vld [tilespmem:s14+$0xA050];
	p1 =	seq.s32 s15, $0xC0000;
	s15 =	spop (v2sf);
	v3 =	vmul.f32 s16, v3;
	s16 =	simm.f32 $0.0e+00  }
0x2c4: {  	v7 =	vld [tilespmem:s14+$0xA060];
	s16 =	simm.s32 @!p1 $0x3F800000;
	p1 =	seq.s32 s15, $0xC0000;
	s15 =	spop (v2sf)  }
0x2c5: {  	[tilespmem:s14+$0xA000] =	vst v2;
	v2 =	vmul.f32 s16, v4;
	s16 =	simm.f32 $0.0e+00  }
0x2c6: {  	s16 =	simm.s32 @!p1 $0x3F800000  }
0x2c7: {  	v4 =	vld [tilespmem:s14+$0xA070];
	p1 =	seq.s32 s15, $0xC0000;
	s15 =	spop (v2sf);
	v1 =	vmul.f32 s16, v1;
	s16 =	simm.f32 $0.0e+00  }
0x2c8: {  	[tilespmem:s14+$0xA010] =	vst v3;
	v3 =	vld [tilespmem:s14+$0xA080];
	s16 =	simm.s32 @!p1 $0x3F800000;
	p1 =	seq.s32 s15, $0xC0000;
	s15 =	spop (v2sf)  }
0x2c9: {  	[tilespmem:s14+$0xA020] =	vst v2;
	v2 =	vmul.f32 s16, v5;
	s16 =	simm.f32 $0.0e+00  }
0x2ca: {  	v5 =	vld [tilespmem:s14+$0xA090];
	s16 =	simm.s32 @!p1 $0x3F800000;
	p1 =	seq.s32 s15, $0xC0000;
	s15 =	spop (v2sf)  }
0x2cb: {  	[tilespmem:s14+$0xA030] =	vst v1;
	v1 =	vmul.f32 s16, v6;
	s16 =	simm.f32 $0.0e+00  }
0x2cc: {  	v6 =	vld [tilespmem:s14+$0xA0A0];
	s16 =	simm.s32 @!p1 $0x3F800000;
	p1 =	seq.s32 s15, $0xC0000;
	s15 =	spop (v2sf)  }
0x2cd: {  	[tilespmem:s14+$0xA040] =	vst v2;
	v2 =	vmul.f32 s16, v7;
	s16 =	simm.f32 $0.0e+00  }
0x2ce: {  	v7 =	vld [tilespmem:s14+$0xA0B0];
	s16 =	simm.s32 @!p1 $0x3F800000;
	p1 =	seq.s32 s15, $0xC0000;
	s15 =	spop (v2sf)  }
0x2cf: {  	[tilespmem:s14+$0xA050] =	vst v1;
	v1 =	vmul.f32 s16, v4;
	s16 =	simm.f32 $0.0e+00  }
0x2d0: {  	v4 =	vld [tilespmem:s14+$0xA0C0];
	s16 =	simm.s32 @!p1 $0x3F800000;
	p1 =	seq.s32 s15, $0xC0000;
	s15 =	spop (v2sf)  }
0x2d1: {  	[tilespmem:s14+$0xA060] =	vst v2;
	v2 =	vmul.f32 s16, v3;
	s16 =	simm.f32 $0.0e+00  }
0x2d2: {  	v3 =	vld [tilespmem:s14+$0xA0D0];
	s16 =	simm.s32 @!p1 $0x3F800000;
	p1 =	seq.s32 s15, $0xC0000;
	s15 =	spop (v2sf)  }
0x2d3: {  	[tilespmem:s14+$0xA070] =	vst v1;
	v1 =	vmul.f32 s16, v5;
	s16 =	simm.f32 $0.0e+00  }
0x2d4: {  	v5 =	vld [tilespmem:s14+$0xA0E0];
	s16 =	simm.s32 @!p1 $0x3F800000;
	p1 =	seq.s32 s15, $0xC0000;
	s15 =	spop (v2sf)  }
0x2d5: {  	[tilespmem:s14+$0xA080] =	vst v2;
	v2 =	vmul.f32 s16, v6;
	s16 =	simm.f32 $0.0e+00  }
0x2d6: {  	v6 =	vld [tilespmem:s14+$0xA0F0];
	s16 =	simm.s32 @!p1 $0x3F800000;
	p1 =	seq.s32 s15, $0xC0000;
	s15 =	spop (v2sf)  }
0x2d7: {  	[tilespmem:s14+$0xA090] =	vst v1;
	v1 =	vmul.f32 s16, v7;
	s16 =	simm.f32 $0.0e+00  }
0x2d8: {  	s16 =	simm.s32 @!p1 $0x3F800000;
	p1 =	seq.s32 s15, $0xC0000;
	s15 =	spop (v2sf)  }
0x2d9: {  	[tilespmem:s14+$0xA0A0] =	vst v2;
	v2 =	vmul.f32 s16, v4;
	s16 =	simm.f32 $0.0e+00  }
0x2da: {  	s16 =	simm.s32 @!p1 $0x3F800000;
	p1 =	seq.s32 s15, $0xC0000;
	s15 =	spop (v2sf)  }
0x2db: {  	[tilespmem:s14+$0xA0B0] =	vst v1;
	v1 =	vmul.f32 s16, v3;
	s16 =	simm.f32 $0.0e+00  }
0x2dc: {  	s16 =	simm.s32 @!p1 $0x3F800000;
	p1 =	seq.s32 s15, $0xC0000;
	s15 =	simm.f32 $0.0e+00  }
.Ltmp9:
0x2dd: {  	[tilespmem:s14+$0xA0C0] =	vst v2;
	v2 =	vmul.f32 s16, v5;
	s15 =	simm.s32 @!p1 $0x3F800000;
	(pc) =	sbr.rel @p0 .LBB2_12-.Ltmp9, $4  }
0x2de: {  	[tilespmem:s14+$0xA0D0] =	vst v1;
	v1 =	vmul.f32 s15, v6  }
0x2df: {  	[tilespmem:s14+$0xA0E0] =	vst v2  }
0x2e0: {  	s12 =	sadd.s32 $0x10, s12;
	[tilespmem:s14+$0xA0F0] =	vst v1  }
0x2e1: {  	s13 =	sadd.s32 $0x400, s13;
	v1 =	vld [tilespmem:s12+$0x0]  }
0x2e2: {  	_ =	sdelay $0x3  }
0x2e3: {  	(v2sf) =	vpush v1, $0x0  }
0x2e4: {  	(v2sf) =	vpush v1, $0x1  }
0x2e5: {  	(v2sf) =	vpush v1, $0x2;
	_ =	sdelay $0x1  }
0x2e6: {  	(v2sf) =	vpush v1, $0x3  }
0x2e7: {  	(v2sf) =	vpush v1, $0x4  }
0x2e8: {  	(v2sf) =	vpush v1, $0x5;
	_ =	sdelay $0x1  }
0x2e9: {  	(v2sf) =	vpush v1, $0x6  }
0x2ea: {  	(v2sf) =	vpush v1, $0x7;
	_ =	sdelay $0x1  }
0x2eb: {  	(v2sf) =	vpush v1, $0x8  }
0x2ec: {  	(v2sf) =	vpush v1, $0x9  }
0x2ed: {  	(v2sf) =	vpush v1, $0xA;
	_ =	sdelay $0x1  }
0x2ee: {  	s13 =	simm.f32 $0.0e+00;
	s10 =	sshra.s32 s10, $0x2;
	s12 =	spop (v2sf);
	(v2sf) =	vpush v1, $0xB  }
0x2ef: {  	p0 =	seq.s32 s12, $0xC0000;
	s17 =	spop (v2sf);
	s12 =	simm.f32 $0.0e+00;
	(v2sf) =	vpush v1, $0xC  }
0x2f0: {  	v2 =	vld [tilespmem:s10+$0xA000];
	s13 =	simm.s32 @!p0 $0x3F800000;
	p0 =	seq.s32 s17, $0xC0000;
	s14 =	spop (v2sf);
	(v2sf) =	vpush v1, $0xD  }
0x2f1: {  	s15 =	simm.f32 $0.0e+00;
	v3 =	vld [tilespmem:s10+$0xA010];
	s17 =	simm.f32 $0.0e+00;
	s12 =	simm.s32 @!p0 $0x3F800000  }
0x2f2: {  	v4 =	vld [tilespmem:s10+$0xA020];
	p0 =	seq.s32 s14, $0xC0000;
	s18 =	spop (v2sf);
	s14 =	simm.f32 $0.0e+00;
	(v2sf) =	vpush v1, $0xE  }
0x2f3: {  	v5 =	vld [tilespmem:s10+$0xA040];
	s15 =	simm.s32 @!p0 $0x3F800000;
	p0 =	seq.s32 s18, $0xC0000;
	s16 =	spop (v2sf);
	(v2sf) =	vpush v1, $0xF  }
0x2f4: {  	v1 =	vld [tilespmem:s10+$0xA030];
	s14 =	simm.s32 @!p0 $0x3F800000;
	p0 =	seq.s32 s16, $0xC0000;
	s20 =	spop (v2sf)  }
0x2f5: {  	v6 =	vld [tilespmem:s10+$0xA050];
	v2 =	vmul.f32 s13, v2;
	s16 =	simm.f32 $0.0e+00;
	s17 =	simm.s32 @!p0 $0x3F800000;
	p0 =	seq.s32 s20, $0xC0000  }
0x2f6: {  	v7 =	vld [tilespmem:s10+$0xA060];
	v3 =	vmul.f32 s12, v3;
	s18 =	spop (v2sf);
	s16 =	simm.s32 @!p0 $0x3F800000  }
0x2f7: {  	v58 =	vld [tilespmem:s10+$0xA070];
	[tilespmem:s10+$0xA000] =	vst v2;
	p0 =	seq.s32 s18, $0xC0000;
	s21 =	spop (v2sf);
	s18 =	simm.f32 $0.0e+00  }
0x2f8: {  	s12 =	simm.f32 $0.0e+00;
	v2 =	vmul.f32 s15, v4;
	[tilespmem:s10+$0xA010] =	vst v3;
	v3 =	vld [tilespmem:s10+$0xA080];
	s18 =	simm.s32 @!p0 $0x3F800000;
	p0 =	seq.s32 s21, $0xC0000  }
0x2f9: {  	s13 =	simm.f32 $0.0e+00;
	s23 =	spop (v2sf);
	s12 =	simm.s32 @!p0 $0x3F800000;
	v1 =	vmul.f32 s14, v1  }
0x2fa: {  	v5 =	vmul.f32 s17, v5;
	[tilespmem:s10+$0xA020] =	vst v2;
	v2 =	vld [tilespmem:s10+$0xA090];
	p0 =	seq.s32 s23, $0xC0000;
	s24 =	spop (v2sf);
	s14 =	simm.f32 $0.0e+00  }
0x2fb: {  	v59 =	vld [tilespmem:s10+$0xA0A0];
	s14 =	simm.s32 @!p0 $0x3F800000;
	p0 =	seq.s32 s24, $0xC0000;
	s25 =	spop (v2sf);
	[tilespmem:s10+$0xA030] =	vst v1;
	v1 =	vmul.f32 s16, v6  }
0x2fc: {  	v61 =	vld [tilespmem:s10+$0xA0B0];
	[tilespmem:s10+$0xA040] =	vst v5;
	v60 =	vmul.f32 s18, v7;
	v4 =	vmul.f32 s12, v58;
	s12 =	simm.f32 $0.0e+00;
	s13 =	simm.s32 @!p0 $0x3F800000;
	p0 =	seq.s32 s25, $0xC0000  }
0x2fd: {  	s16 =	simm.f32 $0.0e+00;
	v3 =	vmul.f32 s14, v3;
	s14 =	simm.f32 $0.0e+00;
	[tilespmem:s10+$0xA050] =	vst v1;
	v1 =	vld [tilespmem:s10+$0xA0C0];
	s26 =	spop (v2sf)  }
0x2fe: {  	v62 =	vld [tilespmem:s10+$0xA0D0];
	[tilespmem:s10+$0xA060] =	vst v60;
	s16 =	simm.s32 @!p0 $0x3F800000;
	p0 =	seq.s32 s26, $0xC0000;
	s28 =	spop (v2sf)  }
0x2ff: {  	v63 =	vld [tilespmem:s10+$0xA0E0];
	[tilespmem:s10+$0xA070] =	vst v4;
	v2 =	vmul.f32 s13, v2;
	s12 =	simm.s32 @!p0 $0x3F800000;
	p0 =	seq.s32 s28, $0xC0000;
	s29 =	spop (v2sf)  }
0x300: {  	s13 =	simm.f32 $0.0e+00;
	v6 =	vmul.f32 s16, v59;
	[tilespmem:s10+$0xA080] =	vst v3;
	v3 =	vld [tilespmem:s10+$0xA0F0];
	s14 =	simm.s32 @!p0 $0x3F800000;
	p0 =	seq.s32 s29, $0xC0000  }
0x301: {  	[tilespmem:s10+$0xA090] =	vst v2;
	v2 =	vmul.f32 s12, v61;
	s30 =	spop (v2sf);
	s12 =	simm.f32 $0.0e+00;
	s13 =	simm.s32 @!p0 $0x3F800000  }
0x302: {  	[tilespmem:s10+$0xA0A0] =	vst v6;
	v1 =	vmul.f32 s14, v1;
	p0 =	seq.s32 s30, $0xC0000;
	s31 =	spop (v2sf);
	s14 =	simm.f32 $0.0e+00  }
.Ltmp10:
0x303: {  	v5 =	vmul.f32 s13, v62;
	[tilespmem:s10+$0xA0B0] =	vst v2;
	s14 =	simm.s32 @!p0 $0x3F800000;
	p0 =	seq.s32 s31, $0xC0000;
	(pc) =	sbr.rel .LBB2_14-.Ltmp10, $4  }
0x304: {  	[tilespmem:s10+$0xA0C0] =	vst v1;
	v1 =	vmul.f32 s14, v63;
	s12 =	simm.s32 @!p0 $0x3F800000  }
0x305: {  	[tilespmem:s10+$0xA0D0] =	vst v5;
	v2 =	vmul.f32 s12, v3  }
0x306: {  	[tilespmem:s10+$0xA0E0] =	vst v1  }
0x307: {  	[tilespmem:s10+$0xA0F0] =	vst v2  }
.LBB2_16:
0x308: {  	_ =	sfence.sel $0x180000  }
0x309: {  	[bflag:$0x0] =	sbarrier.arrive $0xFFFF  }
0x30a: {  	_ =	strace $0x90000047  }
0x30b: {  	s0 =	stileid.u32;
	[bflag:$0x2] =	sbarrier.arrive $0xFFFF  }
0x30c: {  	p0 =	sne.s32 s0, $0x0;
	s0 =	rddreg [dreg:$0x3]  }
0x30d: {  	s0 =	sadd.s32 @!p0 $0x100000, s0  }
0x30e: {  	[sflag:s0] =	ssyncadd.tile.s32 @!p0 $0x1;
	_ =	shalt  }
.Lfunc_end2:
_tile_overlayer_lowered:
.L_overlay_start_2:
0x30f: {  	(tag) =	ssettag $0x2  }
0x310: {  	s0 =	rddreg [dreg:$0x0];
	s2 =	stileid.u32  }
0x311: {  	s1 =	rddreg [dreg:$0x1];
	p0 =	sne.s32 s2, $0x0  }
0x312: {  	s3 =	rddreg [dreg:$0x2];
	[bflag:$0x3] =	sbarrier.arrive $0xFFFF;
	s2 =	simm.s32 @!p0 $0x1C04  }
0x313: {  	[timem:s3], [sflag:s2] =	dma.local @!p0 [hbm:s0], s1  }
0x314: {  	s0 =	simm.s32 @!p0 $0x4  }
0x315: {  	_ =	swait.ge @!p0 [sflag:s0], s1  }
0x316: {  	s1 =	ssub.s32 @!p0 $0x0, s1;
	[sflag:s0] =	ssyncset.done @!p0 $0x0  }
0x317: {  	[sflag:s0] =	ssyncadd.s32 @!p0 s1  }
0x318: {  	[bflag:$0x3] =	sbarrier.arrive $0xFFFF  }
0x319: {  	_ =	shalt  }

// kernel: sparse-core-data-format-call.cloned.1.call-start
scs
called_computation_lowered:
.L_overlay_start_0:
0x0: {  	s2 =	sld [smem:$0x3FD9]  }
0x1: {  	s3 =	sld [smem:$0x3FFE];
	_ =	sdelay $0x1  }
0x2: {  	s1 =	srdreg.scid  }
0x3: {  	s0 =	sand.u32 $0x1, s1  }
0x4: {  	s18 =	sshll.u32 s0, $0xA;
	s2 =	sadd.s32 s3, s2  }
0x5: {  	s2 =	sadd.s32 s2, s18  }
0x6: {  	[smem:$0x3FC6] =	sst s2  }
0x7: {  	_ = 	snop  }
0x8: {  	s2 =	sld [smem:$0x3FD0];
	(tm) =	ssettm $0x1  }
0x9: {  	s19 =	sld [smem:$0x3FFB];
	_ =	sdelay $0x3  }
0xa: {  	_ =	strace s19  }
0xb: {  	s3 =	sld [smem:$0x3FFC];
	_ =	sdelay $0x3  }
0xc: {  	_ =	strace s3  }
0xd: {  	s3 =	sld [smem:$0x3FFD];
	_ =	sdelay $0x3  }
0xe: {  	_ =	strace s3  }
0xf: {  	_ =	strace $0x8FFFFFFF  }
0x10: {  	s20 =	sld [smem:$0x3FDB];
	_ =	sdelay $0x1  }
0x11: {  	s4 =	simm.s32 $_scs_section_size  }
0x12: {  	s5 =	simm.s32 $_size__tile_overlayer_lowered;
	s6 =	simm.s32 $_tile_overlayer_lowered  }
0x13: {  	s23 =	simm.s32 $0x1BFF;
	s22 =	sshll.u32 s6, $0x1;
	s3 =	sadd.s32 s4, s20  }
0x14: {  	s7 =	simm.s32 $0x0;
	s21 =	sshll.u32 s5, $0x1;
	s5 =	sadd.s32 s22, s3  }
0x15: {  	[timem:s7], [sflag:s23] =	dma.local [hbm:s5], s21  }
0x16: {  	_ =	swait.ge [sflag:s23], s21  }
0x17: {  	s4 =	ssub.s32 $0x0, s21;
	[sflag:s23] =	ssyncset.done $0x0  }
0x18: {  	[sflag:s23] =	ssyncadd.s32 s4;
	_ =	sdelay $0x1  }
0x19: {  	s24 =	simm.s32 $0x1B8B  }
0x1a: {  	_ =	swait.ge [sflag:s24], $0x1  }
0x1b: {  	[sflag:s24] =	ssyncset.done $0x0  }
0x1c: {  	s26 =	simm.s32 $0x1B8E;
	s25 =	sld [smem:$0x3FFE];
	[sflag:s24] =	ssyncadd.s32 $0xFFFFFFFF  }
0x1d: {  	s27 =	simm.s32 $execute0_lowered;
	[smem:$0x3FD2] =	sst s26  }
0x1e: {  	s5 =	sshll.u32 s27, $0x1;
	_ =	strace $0x80000049;
	[dreg:$0x1] =	wrdreg $0xFFFFFFFF  }
0x1f: {  	s28 =	simm.s32 $_size_execute0_lowered;
	s3 =	sadd.s32 s3, s5;
	[dreg:$0x0] =	wrdreg $0x0  }
0x20: {  	s5 =	sshll.u32 s28, $0x1;
	[dreg:$0x2] =	wrdreg s3  }
0x21: {  	[dreg:$0x3] =	wrdreg s5  }
0x22: {  	[dreg:$0x4] =	wrdreg $0xC0  }
0x23: {  	_ =	task [dreg:s7], $0x5FFFF  }
0x24: {  	[dreg:$0x1] =	wrdreg $0xFFFFFFFF  }
0x25: {  	[dreg:$0x0] =	wrdreg $0x60  }
0x26: {  	[dreg:$0x2] =	wrdreg s25  }
0x27: {  	[dreg:$0x3] =	wrdreg s2  }
0x28: {  	[dreg:$0x4] =	wrdreg $0x9  }
0x29: {  	_ =	task.clear_ibuf [dreg:s7], $0x5FFFF;
	_ =	strace $0x90000049  }
0x2a: {  	s29 =	simm.s32 $0x9;
	_ =	strace $0x8000004B  }
0x2b: {  	_ =	swait.ge [sflag:s29], $0x1  }
0x2c: {  	[sflag:s29] =	ssyncadd.s32 $0xFFFFFFFF  }
0x2d: {  	_ =	strace $0x9000004B  }
0x2e: {  	_ =	sfence  }
0x2f: {  	s30 =	sld [smem:$0x0];
	_ =	sdelay $0x2  }
0x30: {  	s31 =	sshll.u32 s1, $0xD;
	s1 =	sshrl.u32 s1, $0x2  }
0x31: {  	s3 =	sand.u32 $0x4000, s31;
	s1 =	sadd.s32 s1, s30  }
0x32: {  	s0 =	sor.u32 s3, s0;
	s1 =	sshll.u32 s1, $0x11  }
0x33: {  	s0 =	sor.u32 s1, s0  }
0x34: {  	s0 =	sadd.s32 $0x8F2B, s0  }
0x35: {  	[sflag:s0] =	ssyncadd.remote.s32 $0x1  }
0x36: {  	_ =	sfence.sel $0xFFFF  }
0x37: {  	[dreg:$0x0] =	wrdreg $0xFFFFFFFF;
	(pc) =	sbr.abs _section_cstart, $3  }
0x38: {  	[dreg:$0x1] =	wrdreg $0xFFFFFFFF  }
0x39: {  	_ =	task.clear_ibuf [dreg:s7], $0x2FFFF;
	_ =	strace $0x9FFFFFFF  }
0x3a: {  	(tm) =	ssettm $0x7FFFFFFF  }
0x3b: {  	_ =	shalt  }
tec
execute0_lowered:
.L_overlay_start_1:
0x0: {  	(tag) =	ssettag $0x1  }
0x1: {  	s9 =	rddreg [dreg:$0x0]  }
0x2: {  	s0 =	srdreg.scid;
	s2 =	rddreg [dreg:$0x1];
	s5 =	simm.s32 $0x1  }
0x3: {  	s8 =	simm.s32 $0x2;
	s16 =	simm.s32 $0x0;
	s1 =	sshll.u32 s0, $0x4  }
0x4: {  	s11 =	simm.s32 $0x600000;
	s0 =	stileid.u32;
	s1 =	sand.u32 $0x10, s1  }
0x5: {  	s15 =	simm.s32 $0x0;
	s13 =	simm.s32 $0x0;
	s3 =	sor.u32 s0, s1  }
0x6: {  	s14 =	simm.s32 $0x0;
	s4 =	sadd.s32 $0x600800, s9;
	s3 =	sshll.u32 s3, $0x7  }
0x7: {  	s1 =	rddreg [dreg:$0x2];
	_ =	strace $0x8000004A;
	s6 =	ssub.s32 $0xC0000, s3  }
.Ltmp0:
0x8: {  	[sflag:s5] =	ssyncpa.u1 $0x0;
	s7 =	sand.u32 $0xF80, s6;
	(pc) =	sbr.rel .LBB1_1-.Ltmp0, $4  }
0x9: {  	[sflag:s8] =	ssyncpa.u1 $0x0;
	p0 =	sne.s32 s7, $0x0;
	s7 =	simm.s32 $0x1  }
0xa: {  	s8 =	sadd.s32 $0x1E00800, s9;
	s6 =	sshrl.u32 s6, $0xC;
	s7 =	simm.s32 @!p0 $0x0  }
0xb: {  	s12 =	smov.u32 s3;
	p0 =	por $0x0, $0x0;
	s6 =	sadd.s32 s7, s6  }
0xc: {  	s7 =	sadd.s32 $0x1200800, s9;
	s9 =	sadd.s32 $0x2A00800, s9;
	s10 =	sadd.s32 $0x1, s6  }
.LBB1_7:
0xd: {  	s17 =	sadd.s32 $0x1000, s12  }
0xe: {  	s15 =	sadd.s32 $0x4, s13;
	s19 =	smov.u32 s13;
	p2 =	sgt.s32 s17, $0xBFFFF  }
0xf: {  	s19 =	smov.u32 @p2 s15  }
0x10: {  	s17 =	smov.u32 @p2 s3;
	p2 =	sgt.s32 s19, $0x3  }
0x11: {  	s19 =	simm.s32 @p2 $0x0;
	p2 =	sne.s32 s14, s10  }
.Ltmp1:
0x12: {  	p1 =	slt.u32 s14, $0x2;
	(pc) =	sbr.rel @!p2 .LBB1_8-.Ltmp1, $4  }
0x13: {  	s18 =	simm.s32 @!p1 $0x2  }
0x14: {  	s16 =	smov.u32 s12;
	p0 =	por !p0, !p0;
	_ =	swait.ge @!p1 [sflag:s18], $0x2000  }
0x15: {  	s15 =	smov.u32 s13;
	[sflag:s18] =	ssyncset.done @!p1 $0x0;
	s12 =	smov.u32 s17  }
0x16: {  	s14 =	sadd.s32 $0x1, s14;
	[sflag:s18] =	ssyncadd.s32 @!p1 $0xFFFFE000;
	s13 =	smov.u32 s19  }
.LBB1_1:
0x17: {  	p1 =	sge.u32 s14, s6  }
0x18: {  	s17 =	sand.u32 @!p1 $0x1FFFFFF, s12  }
0x19: {  	s18 =	smulhi.u32 @!p1 $0xAAAAAB, s17;
	_ =	sdelay $0x1  }
0x1a: {  	s18 =	sshrl.u32 @!p1 s18, $0xB  }
0x1b: {  	s18 =	smul.u32 @!p1 $0xC0000, s18  }
0x1c: {  	s19 =	sxor.u32 @!p1 $0xFFFFFFFF, s14;
	s20 =	smul.u32 @!p1 $0xC00000, s13  }
0x1d: {  	s19 =	sshll.u32 @!p1 s19, $0xD;
	s17 =	ssub.s32 @!p1 s17, s18  }
0x1e: {  	s18 =	sand.u32 @!p1 $0x2000, s19;
	s19 =	sadd.s32 @!p1 s4, s20;
	s17 =	sshll.u32 @!p1 s17, $0x4  }
0x1f: {  	s21 =	simm.s32 @!p1 $0x10;
	s22 =	simm.s32 @!p1 $0x80;
	s19 =	sadd.s32 @!p1 s17, s19  }
0x20: {  	[tilespmem:s18], [sflag:$0x1] =	stream.strided.gather @!p1 [hbm4b:s19+s21], $0x800, s22, s21, $0x38;
	[tilespmem:$0x8080] =	vst v63  }
0x21: {  	s19 =	sadd.s32 @!p1 s20, s7  }
0x22: {  	s23 =	sor.u32 @!p1 $0x800, s18;
	s19 =	sadd.s32 @!p1 s17, s19  }
0x23: {  	[tilespmem:s23], [sflag:$0x1] =	stream.strided.gather @!p1 [hbm4b:s19+s21], $0x800, s22, s21, $0x38;
	[tilespmem:$0x8080] =	vst v63  }
0x24: {  	s19 =	sadd.s32 @!p1 s20, s8  }
0x25: {  	s23 =	sor.u32 @!p1 $0x1000, s18;
	s19 =	sadd.s32 @!p1 s17, s19  }
0x26: {  	[tilespmem:s23], [sflag:$0x1] =	stream.strided.gather @!p1 [hbm4b:s19+s21], $0x800, s22, s21, $0x38;
	[tilespmem:$0x8080] =	vst v63  }
0x27: {  	s19 =	sadd.s32 @!p1 s20, s9  }
0x28: {  	s31 =	sadd.s32 $0xFFFFFFFF, s14;
	s18 =	sor.u32 @!p1 $0x1800, s18;
	s17 =	sadd.s32 @!p1 s17, s19  }
0x29: {  	[tilespmem:s18], [sflag:$0x1] =	stream.strided.gather @!p1 [hbm4b:s17+s21], $0x800, s22, s21, $0x38;
	[tilespmem:$0x8080] =	vst v63  }
0x2a: {  	p1 =	sge.u32 s31, s6  }
.Ltmp2:
0x2b: {  	_ = 	snop;
	(pc) =	sbr.rel @p1 .LBB1_7-.Ltmp2, $1  }
0x2c: {  	_ =	sdelay $0x3  }
0x2d: {  	s17 =	simm.s32 $0x1;
	s19 =	sand.u32 $0x1, s14  }
0x2e: {  	_ =	swait.ge [sflag:s5], $0x2000;
	s17 =	simm.s32 @!p0 $0x0;
	s20 =	smul.u32 $0x8100, s19  }
0x2f: {  	[sflag:s5] =	ssyncset.done $0x0;
	s18 =	smul.u32 $0x8100, s17  }
0x30: {  	s17 =	sshll.u32 s17, $0xD;
	[sflag:s5] =	ssyncadd.s32 $0xFFFFE000  }
0x31: {  	s19 =	sor.u32 $0x40, s17;
	s31 =	sshrl.u32 s20, $0x2;
	s18 =	sshrl.u32 s18, $0x2  }
0x32: {  	s20 =	simm.s32 $0x0;
	s17 =	sor.u32 $0x4000, s31;
	s18 =	sor.u32 $0x4007, s18  }
.LBB1_3:
0x33: {  	v3 =	vld [tilespmem:s19+$0x30]  }
0x34: {  	v4 =	vld [tilespmem:s19+$0xFFFFFFD0]  }
0x35: {  	v5 =	vld [tilespmem:s19+$0xFFFFFFE0]  }
0x36: {  	v1 =	vld [tilespmem:s19+$0xFFFFFFF0]  }
0x37: {  	v0 =	vld [tilespmem:s19+$0x0]  }
0x38: {  	v2 =	vld [tilespmem:s19+$0x10];
	[tilespmem:s18+$0x0 ss:$0x81] =	vst.msk $0xffff, v3  }
0x39: {  	[tilespmem:s18+$0xFFFFFFFA ss:$0x81] =	vst.msk $0xffff, v4;
	v4 =	vld [tilespmem:s19+$0x20]  }
0x3a: {  	s22 =	simm.s32 $0x0;
	s23 =	sadd.s32 $0x80, s19;
	s21 =	smov.u32 s18;
	v3 =	vld [tilespmem:s19+$0xFFFFFFC0];
	[tilespmem:s18+$0xFFFFFFFB ss:$0x81] =	vst.msk $0xffff, v5  }
.LBB1_4:
0x3b: {  	v5 =	vld [tilespmem:s23+$0x30];
	s22 =	sadd.s32 $0x8, s22;
	[tilespmem:s21+$0xFFFFFFFC ss:$0x81] =	vst.msk $0xffff, v1  }
0x3c: {  	v6 =	vld [tilespmem:s23+$0xFFFFFFD0];
	p1 =	slt.u32 s22, $0x78;
	[tilespmem:s21+$0xFFFFFFFD ss:$0x81] =	vst.msk $0xffff, v0  }
0x3d: {  	v7 =	vld [tilespmem:s23+$0xFFFFFFE0];
	[tilespmem:s21+$0xFFFFFFFE ss:$0x81] =	vst.msk $0xffff, v2  }
.Ltmp3:
0x3e: {  	v1 =	vld [tilespmem:s23+$0xFFFFFFF0];
	[tilespmem:s21+$0xFFFFFFFF ss:$0x81] =	vst.msk $0xffff, v4;
	(pc) =	sbr.rel @p1 .LBB1_4-.Ltmp3, $4  }
0x3f: {  	v0 =	vld [tilespmem:s23+$0x0];
	[tilespmem:s21+$0xFFFFFFF9 ss:$0x81] =	vst.msk $0xffff, v3;
	s21 =	sadd.s32 $0x8, s21  }
0x40: {  	v2 =	vld [tilespmem:s23+$0x10];
	[tilespmem:s21+$0x0 ss:$0x81] =	vst.msk $0xffff, v5  }
0x41: {  	[tilespmem:s21+$0xFFFFFFFA ss:$0x81] =	vst.msk $0xffff, v6;
	v4 =	vld [tilespmem:s23+$0x20]  }
0x42: {  	v3 =	vld [tilespmem:s23+$0xFFFFFFC0];
	[tilespmem:s21+$0xFFFFFFFB ss:$0x81] =	vst.msk $0xffff, v7;
	s23 =	sadd.s32 $0x80, s23  }
0x43: {  	s20 =	sadd.s32 $0x1, s20  }
0x44: {  	p1 =	sne.s32 s20, $0x4  }
.Ltmp4:
0x45: {  	[tilespmem:s21+$0xFFFFFFFC ss:$0x81] =	vst.msk $0xffff, v1;
	(pc) =	sbr.rel @p1 .LBB1_3-.Ltmp4, $4  }
0x46: {  	[tilespmem:s21+$0xFFFFFFFD ss:$0x81] =	vst.msk $0xffff, v0  }
0x47: {  	[tilespmem:s21+$0xFFFFFFFE ss:$0x81] =	vst.msk $0xffff, v2  }
0x48: {  	[tilespmem:s21+$0xFFFFFFFF ss:$0x81] =	vst.msk $0xffff, v4  }
0x49: {  	s18 =	sadd.s32 $0x810, s18;
	s19 =	sadd.s32 $0x800, s19;
	[tilespmem:s21+$0xFFFFFFF9 ss:$0x81] =	vst.msk $0xffff, v3  }
0x4a: {  	s18 =	sshll.u32 s16, $0x3  }
0x4b: {  	s29 =	sand.u32 $0x7F, s16;
	s19 =	sand.u32 $0xFFFFFC00, s18  }
0x4c: {  	s18 =	smulhi.u32 $0xAAAAAAAB, s18;
	s16 =	sor.u32 s29, s19  }
0x4d: {  	s19 =	smulhi.u32 $0xAAAAAAAB, s16;
	_ =	sdelay $0x1  }
0x4e: {  	s15 =	smul.u32 $0x180000, s15;
	s18 =	sshrl.u32 s18, $0x13;
	s19 =	sshrl.u32 s19, $0x13  }
0x4f: {  	s18 =	sand.u32 $0xF, s18;
	s19 =	smul.u32 $0xC0000, s19  }
0x50: {  	s18 =	smul.u32 $0x18000, s18  }
.Ltmp5:
0x51: {  	s16 =	ssub.s32 s16, s19;
	(pc) =	sbr.rel .LBB1_7-.Ltmp5, $4  }
0x52: {  	s15 =	sadd.s32 s2, s15;
	s19 =	sand.u32 $0x7, s16  }
0x53: {  	s15 =	sadd.s32 s18, s15;
	s16 =	sshrl.u32 s16, $0x3;
	s30 =	sshll.u32 s19, $0x12  }
0x54: {  	s15 =	sadd.s32 s16, s15;
	s31 =	sor.u32 $0x400, s30  }
0x55: {  	[hbm4b:s15+s31] =	stream.strided.scatter [tilespmem:s17], [sflag:$0x2], $0x2000, s11, s31, $0x20;
	[tilespmem:$0x8080] =	vst v63  }
.LBB1_8:
0x56: {  	_ =	sfence.sel $0x180000  }
0x57: {  	s2 =	simm.s32 $0x1;
	[bflag:$0x0] =	sbarrier.arrive $0xFFFF  }
0x58: {  	s31 =	simm.s32 $0x2;
	[sflag:s2] =	ssyncpa.u1 $0x1  }
0x59: {  	[sflag:s31] =	ssyncpa.u1 $0x1  }
0x5a: {  	p0 =	sne.s32 s0, $0x0;
	_ =	strace $0x9000004A  }
0x5b: {  	s0 =	sadd.s32 @!p0 $0x100000, s1;
	[bflag:$0x2] =	sbarrier.arrive $0xFFFF  }
0x5c: {  	[sflag:s0] =	ssyncadd.tile.s32 @!p0 $0x1;
	_ =	shalt  }
.Lfunc_end1:
_tile_overlayer_lowered:
.L_overlay_start_2:
0x5d: {  	(tag) =	ssettag $0x2  }
0x5e: {  	s0 =	rddreg [dreg:$0x0];
	s2 =	stileid.u32  }
0x5f: {  	s1 =	rddreg [dreg:$0x1];
	p0 =	sne.s32 s2, $0x0  }
0x60: {  	s3 =	rddreg [dreg:$0x2];
	[bflag:$0x3] =	sbarrier.arrive $0xFFFF;
	s2 =	simm.s32 @!p0 $0x1C01  }
0x61: {  	[timem:s3], [sflag:s2] =	dma.local @!p0 [hbm:s0], s1  }
0x62: {  	s0 =	simm.s32 @!p0 $0x1  }
0x63: {  	_ =	swait.ge @!p0 [sflag:s0], s1  }
0x64: {  	s1 =	ssub.s32 @!p0 $0x0, s1;
	[sflag:s0] =	ssyncset.done @!p0 $0x0  }
0x65: {  	[sflag:s0] =	ssyncadd.s32 @!p0 s1  }
0x66: {  	[bflag:$0x3] =	sbarrier.arrive $0xFFFF  }
0x67: {  	_ =	shalt  }

</sc_bundles>
